<compile_context>
chip_gen: v7x
topology: tpu7x:2x2x1
jax: 0.10.2.dev20260603
libtpu: 0.0.44.dev20260713+nightly
codegen_flags: <defaults>
</compile_context>

<pallas_src>
import functools
import math

import jax
import jax.numpy as jnp
from jax import lax
from jax.experimental import pallas as pl
from jax.experimental.pallas import tpu as pltpu
from jax.experimental.pallas import tpu_sc as plsc

MODEL_DIM = 64
SCALE = math.sqrt(MODEL_DIM)
LANES = 16
NUM_WORKERS = 32
BB = 128
NG = 4
NS = 2


def _emb_kernel_body(seq, idxt_hbm, w_hbm, out_hbm, idx_v, rg0, rg1, rg2, rg3,
                     ov0, ov1, gs0, gs1, gs2, gs3, ss0, ss1):
    rgs = (rg0, rg1, rg2, rg3)
    ovs = (ov0, ov1)
    gsems = (gs0, gs1, gs2, gs3)
    ssems = (ss0, ss1)
    cid = lax.axis_index("c")
    sid = lax.axis_index("s")
    wid = sid * 2 + cid
    pltpu.sync_copy(idxt_hbm.at[:, pl.ds(wid * BB, BB)], idx_v)

    lane = jnp.arange(LANES, dtype=jnp.int32)

    def gather_cp(t, buf):
        return pltpu.make_async_copy(
            w_hbm.at[idx_v.at[t]], rgs[buf], gsems[buf])

    def store_cps(t, sb):
        cps = []
        for ct in range(MODEL_DIM // 8):
            dst = out_hbm.at[t, ct, wid]
            src = ovs[sb].at[pl.ds(ct * 8, 8), pl.ds(0, BB)]
            cps.append(pltpu.make_async_copy(src, dst, ssems[sb]))
        return cps

    for buf in range(NG):
        gather_cp(buf, buf).start()

    def group_body(g, carry):
        for buf in range(NG):
            t = g * NG + buf
            sb = buf % NS
            if buf < NS:
                @pl.when(g > 0)
                def _wait_stores():
                    for cp in store_cps(0, sb):
                        cp.wait()
            else:
                for cp in store_cps(0, sb):
                    cp.wait()
            gather_cp(t, buf).wait()

            rg = rgs[buf]
            ov = ovs[sb]

            @plsc.parallel_loop(0, BB, unroll=2)
            def _tr_body(r):
                rows = jnp.full((LANES,), r, dtype=jnp.int32)
                for cb in range(MODEL_DIM // LANES):
                    v = rg[r, pl.ds(cb * LANES, LANES)]
                    plsc.store_scatter(ov, [lane + cb * LANES, rows],
                                       v * SCALE)

            for cp in store_cps(t, sb):
                cp.start()
            @pl.when(t + NG < seq)
            def _refill():
                gather_cp(t + NG, buf).start()
        return carry

    lax.fori_loop(0, seq // NG, group_body, 0)
    for k in range(NS):
        sb = (seq - NS + k) % NS
        for cp in store_cps(0, sb):
            cp.wait()


def kernel(input_ids, weight):
    n_rows, seq = input_ids.shape
    assert n_rows == NUM_WORKERS * BB
    assert seq % NG == 0
    n_ct = MODEL_DIM // 8
    n_bt = n_rows // 128

    idxt = jnp.transpose(input_ids.astype(jnp.int32))
    w_flat = lax.optimization_barrier(weight.reshape(-1))
    w_lin = w_flat.reshape(weight.shape)

    mesh = plsc.VectorSubcoreMesh(core_axis_name="c", subcore_axis_name="s")
    emb = functools.partial(
        pl.kernel,
        mesh=mesh,
        out_type=jax.ShapeDtypeStruct((seq, n_ct, n_bt, 8, 128), jnp.float32),
        scratch_types=[
            pltpu.VMEM((seq, BB), jnp.int32),
        ] + [pltpu.VMEM((BB, MODEL_DIM), jnp.float32)] * NG
          + [pltpu.VMEM((MODEL_DIM, BB + 1), jnp.float32)] * NS
          + [pltpu.SemaphoreType.DMA] * (NG + NS),
        compiler_params=pltpu.CompilerParams(
            use_tc_tiling_on_sc=False, needs_layout_passes=False),
    )(functools.partial(_emb_kernel_body, seq))

    out5 = emb(idxt, w_lin)
    return out5.transpose(2, 4, 0, 1, 3).reshape(n_rows, seq, MODEL_DIM)

# --- scband reference (transcript-rebuilt; emitter-appended) ---
"""Pipeline reference for scband-embedding-57088705299044 (READ-ONLY COPY).

The authoritative reference and input builder live on the scoring server;
editing this copy changes nothing except your own understanding.
"""

import math
import jax, jax.numpy as jnp
import numpy as np

TOKEN_COUNT = 1000000
MODEL_DIM = 64
PAD_ID = 0

def setup_inputs(seed: int = 0) -> dict:
    key = jax.random.key(seed)
    k_idx, k_w = jax.random.split(key)
    input_ids = jax.random.randint(k_idx, (4096, 200), 0, TOKEN_COUNT, dtype=jnp.int64 if jax.config.read('jax_enable_x64') else jnp.int32)
    weight = jax.random.normal(k_w, (TOKEN_COUNT, MODEL_DIM), dtype=jnp.float32) * 0.02
    return {"input_ids": input_ids, "weight": weight}

def reference(input_ids, weight):
    # nn.Embedding lookup (padding_idx only affects gradients, not forward)
    emb = jnp.take(weight, input_ids, axis=0)
    return emb * math.sqrt(MODEL_DIM)

if __name__ == "__main__":
    import jax
    _d = setup_inputs()
    print(jax.jit(kernel)(*tuple(_d.values())))

</pallas_src>

<mosaic_0001>
#map = affine_map<(d0, d1) -> (0, 0)>
#map1 = affine_map<(d0, d1) -> (0, 0, 0, 0, 0)>
module attributes {stable_mosaic.version = 14 : i64} {
  func.func @_emb_kernel_body(%arg0: i32, %arg1: i32, %arg2: memref<200x4096xi32, #tpu.memory_space<hbm>>, %arg3: memref<1000000x64xf32, #tpu.memory_space<hbm>>, %arg4: memref<200x8x32x8x128xf32, #tpu.memory_space<hbm>>, %arg5: memref<200x128xi32, #tpu.memory_space<vmem>>, %arg6: memref<128x64xf32, #tpu.memory_space<vmem>>, %arg7: memref<128x64xf32, #tpu.memory_space<vmem>>, %arg8: memref<128x64xf32, #tpu.memory_space<vmem>>, %arg9: memref<128x64xf32, #tpu.memory_space<vmem>>, %arg10: memref<64x129xf32, #tpu.memory_space<vmem>>, %arg11: memref<64x129xf32, #tpu.memory_space<vmem>>, %arg12: memref<!tpu.dma_semaphore, #tpu.memory_space<semaphore_mem>>, %arg13: memref<!tpu.dma_semaphore, #tpu.memory_space<semaphore_mem>>, %arg14: memref<!tpu.dma_semaphore, #tpu.memory_space<semaphore_mem>>, %arg15: memref<!tpu.dma_semaphore, #tpu.memory_space<semaphore_mem>>, %arg16: memref<!tpu.dma_semaphore, #tpu.memory_space<semaphore_mem>>, %arg17: memref<!tpu.dma_semaphore, #tpu.memory_space<semaphore_mem>>) attributes {dimension_semantics = [#tpu.dimension_semantics<core_parallel>, #tpu.dimension_semantics<subcore_parallel>], iteration_bounds = array<i64: 2, 16>, scalar_prefetch = 0 : i64, scratch_operands = 13 : i64, tpu.core_type = #tpu.core_type<sc_vector_subcore>, window_params = [{transform_indices = #map}, {transform_indices = #map}, {transform_indices = #map1}]} {
    %mul3A = arith.constant 2 : i32
    %mul3A_0 = arith.muli %arg1, %mul3A : i32
    %add3A = arith.addi %mul3A_0, %arg0 : i32
    %mul3A_1 = arith.constant 128 : i32
    %mul3A_2 = arith.muli %add3A, %mul3A_1 : i32
    "tpu.region"() ({
      %run_scoped3A = tpu.sem_alloc : memref<!tpu.dma_semaphore, #tpu.memory_space<semaphore_mem>>
      %dma_start3A_290 = arith.constant 0 : i32
      %dma_start3A_291 = tpu.memref_slice %arg2[%dma_start3A_290, %mul3A_2] : memref<200x4096xi32, #tpu.memory_space<hbm>> -> memref<200x128xi32, #tpu.memory_space<hbm>>
      %dma_start3A_292 = arith.constant 0 : i32
      %dma_start3A_293 = tpu.memref_slice %arg2[%dma_start3A_292, %mul3A_2] : memref<200x4096xi32, #tpu.memory_space<hbm>> -> memref<200x128xi32, #tpu.memory_space<hbm>>
      tpu.enqueue_dma source(%dma_start3A_293 : memref<200x128xi32, #tpu.memory_space<hbm>>) target(%arg5 : memref<200x128xi32, #tpu.memory_space<vmem>>) target_semaphore(%run_scoped3A : memref<!tpu.dma_semaphore, #tpu.memory_space<semaphore_mem>>)
      %dma_wait3A_294 = arith.constant 0 : i32
      %dma_wait3A_295 = tpu.memref_slice %arg2[%dma_wait3A_294, %mul3A_2] : memref<200x4096xi32, #tpu.memory_space<hbm>> -> memref<200x128xi32, #tpu.memory_space<hbm>>
      %dma_wait3A_296 = arith.constant 0 : i32
      %dma_wait3A_297 = tpu.memref_slice %arg2[%dma_wait3A_296, %mul3A_2] : memref<200x4096xi32, #tpu.memory_space<hbm>> -> memref<200x128xi32, #tpu.memory_space<hbm>>
      tpu.wait_dma2 semaphore(%run_scoped3A : memref<!tpu.dma_semaphore, #tpu.memory_space<semaphore_mem>>) src(%dma_wait3A_297 : memref<200x128xi32, #tpu.memory_space<hbm>>) dst(%arg5 : memref<200x128xi32, #tpu.memory_space<vmem>>)
      tpu.yield
    }) : () -> ()
    %iota3A = tpu.iota {dimensions = array<i32: 0>} : vector<16xi32>
    %dma_start3A = arith.constant 0 : i32
    %dma_start3A_3 = arith.constant 0 : i32
    %dma_start3A_4 = tpu.memref_slice %arg5[%dma_start3A, %dma_start3A_3] : memref<200x128xi32, #tpu.memory_space<vmem>> -> memref<1x128xi32, #tpu.memory_space<vmem>>
    %dma_start3A_5 = tpu.memref_squeeze %dma_start3A_4 : memref<1x128xi32, #tpu.memory_space<vmem>> -> memref<128xi32, #tpu.memory_space<vmem>>
    %dma_start3A_6 = arith.constant 0 : i32
    %dma_start3A_7 = arith.constant 0 : i32
    %dma_start3A_8 = tpu.memref_slice %arg3[%dma_start3A_6, %dma_start3A_7] : memref<1000000x64xf32, #tpu.memory_space<hbm>> -> memref<1000000x64xf32, #tpu.memory_space<hbm>>
    tpu.enqueue_indirect_dma source(%dma_start3A_8 : memref<1000000x64xf32, #tpu.memory_space<hbm>>) target(%arg6 : memref<128x64xf32, #tpu.memory_space<vmem>>) offsets(%dma_start3A_5 : memref<128xi32, #tpu.memory_space<vmem>>) semaphore(%arg12 : memref<!tpu.dma_semaphore, #tpu.memory_space<semaphore_mem>>)
    %dma_start3A_9 = arith.constant 1 : i32
    %dma_start3A_10 = arith.constant 0 : i32
    %dma_start3A_11 = tpu.memref_slice %arg5[%dma_start3A_9, %dma_start3A_10] : memref<200x128xi32, #tpu.memory_space<vmem>> -> memref<1x128xi32, #tpu.memory_space<vmem>>
    %dma_start3A_12 = tpu.memref_squeeze %dma_start3A_11 : memref<1x128xi32, #tpu.memory_space<vmem>> -> memref<128xi32, #tpu.memory_space<vmem>>
    %dma_start3A_13 = arith.constant 0 : i32
    %dma_start3A_14 = arith.constant 0 : i32
    %dma_start3A_15 = tpu.memref_slice %arg3[%dma_start3A_13, %dma_start3A_14] : memref<1000000x64xf32, #tpu.memory_space<hbm>> -> memref<1000000x64xf32, #tpu.memory_space<hbm>>
    tpu.enqueue_indirect_dma source(%dma_start3A_15 : memref<1000000x64xf32, #tpu.memory_space<hbm>>) target(%arg7 : memref<128x64xf32, #tpu.memory_space<vmem>>) offsets(%dma_start3A_12 : memref<128xi32, #tpu.memory_space<vmem>>) semaphore(%arg13 : memref<!tpu.dma_semaphore, #tpu.memory_space<semaphore_mem>>)
    %dma_start3A_16 = arith.constant 2 : i32
    %dma_start3A_17 = arith.constant 0 : i32
    %dma_start3A_18 = tpu.memref_slice %arg5[%dma_start3A_16, %dma_start3A_17] : memref<200x128xi32, #tpu.memory_space<vmem>> -> memref<1x128xi32, #tpu.memory_space<vmem>>
    %dma_start3A_19 = tpu.memref_squeeze %dma_start3A_18 : memref<1x128xi32, #tpu.memory_space<vmem>> -> memref<128xi32, #tpu.memory_space<vmem>>
    %dma_start3A_20 = arith.constant 0 : i32
    %dma_start3A_21 = arith.constant 0 : i32
    %dma_start3A_22 = tpu.memref_slice %arg3[%dma_start3A_20, %dma_start3A_21] : memref<1000000x64xf32, #tpu.memory_space<hbm>> -> memref<1000000x64xf32, #tpu.memory_space<hbm>>
    tpu.enqueue_indirect_dma source(%dma_start3A_22 : memref<1000000x64xf32, #tpu.memory_space<hbm>>) target(%arg8 : memref<128x64xf32, #tpu.memory_space<vmem>>) offsets(%dma_start3A_19 : memref<128xi32, #tpu.memory_space<vmem>>) semaphore(%arg14 : memref<!tpu.dma_semaphore, #tpu.memory_space<semaphore_mem>>)
    %dma_start3A_23 = arith.constant 3 : i32
    %dma_start3A_24 = arith.constant 0 : i32
    %dma_start3A_25 = tpu.memref_slice %arg5[%dma_start3A_23, %dma_start3A_24] : memref<200x128xi32, #tpu.memory_space<vmem>> -> memref<1x128xi32, #tpu.memory_space<vmem>>
    %dma_start3A_26 = tpu.memref_squeeze %dma_start3A_25 : memref<1x128xi32, #tpu.memory_space<vmem>> -> memref<128xi32, #tpu.memory_space<vmem>>
    %dma_start3A_27 = arith.constant 0 : i32
    %dma_start3A_28 = arith.constant 0 : i32
    %dma_start3A_29 = tpu.memref_slice %arg3[%dma_start3A_27, %dma_start3A_28] : memref<1000000x64xf32, #tpu.memory_space<hbm>> -> memref<1000000x64xf32, #tpu.memory_space<hbm>>
    tpu.enqueue_indirect_dma source(%dma_start3A_29 : memref<1000000x64xf32, #tpu.memory_space<hbm>>) target(%arg9 : memref<128x64xf32, #tpu.memory_space<vmem>>) offsets(%dma_start3A_26 : memref<128xi32, #tpu.memory_space<vmem>>) semaphore(%arg15 : memref<!tpu.dma_semaphore, #tpu.memory_space<semaphore_mem>>)
    %scan3A = arith.constant 0 : i32
    %scan3A_30 = arith.constant 0 : i32
    %scan3A_31 = arith.constant 50 : i32
    %scan3A_32 = arith.addi %scan3A_30, %scan3A_31 : i32
    %scan3A_33 = arith.constant 1 : i32
    scf.for %scan3A_290 = %scan3A_30 to %scan3A_32 step %scan3A_33  : i32 {
      %mul3A_291 = arith.constant 4 : i32
      %mul3A_292 = arith.muli %scan3A_290, %mul3A_291 : i32
      %add3A_293 = arith.constant 0 : i32
      %add3A_294 = arith.addi %mul3A_292, %add3A_293 : i32
      %gt3A = arith.constant 0 : i32
      %gt3A_295 = arith.cmpi sgt, %scan3A_290, %gt3A : i32
      %convert_element_type3A = arith.extui %gt3A_295 : i1 to i32
      %cond3A = arith.constant 0 : i32
      %cond3A_296 = arith.cmpi ne, %convert_element_type3A, %cond3A : i32
      scf.if %cond3A_296 {
        %dma_wait3A_1112 = arith.constant 0 : i32
        %dma_wait3A_1113 = arith.constant 0 : i32
        %dma_wait3A_1114 = arith.constant 0 : i32
        %dma_wait3A_1115 = arith.constant 0 : i32
        %dma_wait3A_1116 = tpu.memref_slice %arg10[%dma_wait3A_1114, %dma_wait3A_1115] : memref<64x129xf32, #tpu.memory_space<vmem>> -> memref<8x128xf32, #tpu.memory_space<vmem>>
        %dma_wait3A_1117 = arith.constant 0 : i32
        %dma_wait3A_1118 = arith.constant 0 : i32
        %dma_wait3A_1119 = tpu.memref_slice %arg4[%dma_wait3A_1112, %dma_wait3A_1113, %add3A, %dma_wait3A_1117, %dma_wait3A_1118] : memref<200x8x32x8x128xf32, #tpu.memory_space<hbm>> -> memref<1x1x1x8x128xf32, #tpu.memory_space<hbm>>
        %dma_wait3A_1120 = tpu.memref_squeeze %dma_wait3A_1119 : memref<1x1x1x8x128xf32, #tpu.memory_space<hbm>> -> memref<8x128xf32, #tpu.memory_space<hbm>>
        %dma_wait3A_1121 = arith.constant 0 : i32
        %dma_wait3A_1122 = arith.constant 0 : i32
        %dma_wait3A_1123 = tpu.memref_slice %arg4[%dma_wait3A_1112, %dma_wait3A_1113, %add3A, %dma_wait3A_1121, %dma_wait3A_1122] : memref<200x8x32x8x128xf32, #tpu.memory_space<hbm>> -> memref<1x1x1x8x128xf32, #tpu.memory_space<hbm>>
        %dma_wait3A_1124 = tpu.memref_squeeze %dma_wait3A_1123 : memref<1x1x1x8x128xf32, #tpu.memory_space<hbm>> -> memref<8x128xf32, #tpu.memory_space<hbm>>
        %dma_wait3A_1125 = arith.constant 0 : i32
        %dma_wait3A_1126 = arith.constant 0 : i32
        %dma_wait3A_1127 = tpu.memref_slice %arg10[%dma_wait3A_1125, %dma_wait3A_1126] : memref<64x129xf32, #tpu.memory_space<vmem>> -> memref<8x128xf32, #tpu.memory_space<vmem>>
        tpu.wait_dma2 semaphore(%arg16 : memref<!tpu.dma_semaphore, #tpu.memory_space<semaphore_mem>>) src(%dma_wait3A_1127 : memref<8x128xf32, #tpu.memory_space<vmem>>) dst(%dma_wait3A_1124 : memref<8x128xf32, #tpu.memory_space<hbm>>)
        %dma_wait3A_1128 = arith.constant 0 : i32
        %dma_wait3A_1129 = arith.constant 1 : i32
        %dma_wait3A_1130 = arith.constant 8 : i32
        %dma_wait3A_1131 = arith.constant 0 : i32
        %dma_wait3A_1132 = tpu.memref_slice %arg10[%dma_wait3A_1130, %dma_wait3A_1131] : memref<64x129xf32, #tpu.memory_space<vmem>> -> memref<8x128xf32, #tpu.memory_space<vmem>>
        %dma_wait3A_1133 = arith.constant 0 : i32
        %dma_wait3A_1134 = arith.constant 0 : i32
        %dma_wait3A_1135 = tpu.memref_slice %arg4[%dma_wait3A_1128, %dma_wait3A_1129, %add3A, %dma_wait3A_1133, %dma_wait3A_1134] : memref<200x8x32x8x128xf32, #tpu.memory_space<hbm>> -> memref<1x1x1x8x128xf32, #tpu.memory_space<hbm>>
        %dma_wait3A_1136 = tpu.memref_squeeze %dma_wait3A_1135 : memref<1x1x1x8x128xf32, #tpu.memory_space<hbm>> -> memref<8x128xf32, #tpu.memory_space<hbm>>
        %dma_wait3A_1137 = arith.constant 0 : i32
        %dma_wait3A_1138 = arith.constant 0 : i32
        %dma_wait3A_1139 = tpu.memref_slice %arg4[%dma_wait3A_1128, %dma_wait3A_1129, %add3A, %dma_wait3A_1137, %dma_wait3A_1138] : memref<200x8x32x8x128xf32, #tpu.memory_space<hbm>> -> memref<1x1x1x8x128xf32, #tpu.memory_space<hbm>>
        %dma_wait3A_1140 = tpu.memref_squeeze %dma_wait3A_1139 : memref<1x1x1x8x128xf32, #tpu.memory_space<hbm>> -> memref<8x128xf32, #tpu.memory_space<hbm>>
        %dma_wait3A_1141 = arith.constant 8 : i32
        %dma_wait3A_1142 = arith.constant 0 : i32
        %dma_wait3A_1143 = tpu.memref_slice %arg10[%dma_wait3A_1141, %dma_wait3A_1142] : memref<64x129xf32, #tpu.memory_space<vmem>> -> memref<8x128xf32, #tpu.memory_space<vmem>>
        tpu.wait_dma2 semaphore(%arg16 : memref<!tpu.dma_semaphore, #tpu.memory_space<semaphore_mem>>) src(%dma_wait3A_1143 : memref<8x128xf32, #tpu.memory_space<vmem>>) dst(%dma_wait3A_1140 : memref<8x128xf32, #tpu.memory_space<hbm>>)
        %dma_wait3A_1144 = arith.constant 0 : i32
        %dma_wait3A_1145 = arith.constant 2 : i32
        %dma_wait3A_1146 = arith.constant 16 : i32
        %dma_wait3A_1147 = arith.constant 0 : i32
        %dma_wait3A_1148 = tpu.memref_slice %arg10[%dma_wait3A_1146, %dma_wait3A_1147] : memref<64x129xf32, #tpu.memory_space<vmem>> -> memref<8x128xf32, #tpu.memory_space<vmem>>
        %dma_wait3A_1149 = arith.constant 0 : i32
        %dma_wait3A_1150 = arith.constant 0 : i32
        %dma_wait3A_1151 = tpu.memref_slice %arg4[%dma_wait3A_1144, %dma_wait3A_1145, %add3A, %dma_wait3A_1149, %dma_wait3A_1150] : memref<200x8x32x8x128xf32, #tpu.memory_space<hbm>> -> memref<1x1x1x8x128xf32, #tpu.memory_space<hbm>>
        %dma_wait3A_1152 = tpu.memref_squeeze %dma_wait3A_1151 : memref<1x1x1x8x128xf32, #tpu.memory_space<hbm>> -> memref<8x128xf32, #tpu.memory_space<hbm>>
        %dma_wait3A_1153 = arith.constant 0 : i32
        %dma_wait3A_1154 = arith.constant 0 : i32
        %dma_wait3A_1155 = tpu.memref_slice %arg4[%dma_wait3A_1144, %dma_wait3A_1145, %add3A, %dma_wait3A_1153, %dma_wait3A_1154] : memref<200x8x32x8x128xf32, #tpu.memory_space<hbm>> -> memref<1x1x1x8x128xf32, #tpu.memory_space<hbm>>
        %dma_wait3A_1156 = tpu.memref_squeeze %dma_wait3A_1155 : memref<1x1x1x8x128xf32, #tpu.memory_space<hbm>> -> memref<8x128xf32, #tpu.memory_space<hbm>>
        %dma_wait3A_1157 = arith.constant 16 : i32
        %dma_wait3A_1158 = arith.constant 0 : i32
        %dma_wait3A_1159 = tpu.memref_slice %arg10[%dma_wait3A_1157, %dma_wait3A_1158] : memref<64x129xf32, #tpu.memory_space<vmem>> -> memref<8x128xf32, #tpu.memory_space<vmem>>
        tpu.wait_dma2 semaphore(%arg16 : memref<!tpu.dma_semaphore, #tpu.memory_space<semaphore_mem>>) src(%dma_wait3A_1159 : memref<8x128xf32, #tpu.memory_space<vmem>>) dst(%dma_wait3A_1156 : memref<8x128xf32, #tpu.memory_space<hbm>>)
        %dma_wait3A_1160 = arith.constant 0 : i32
        %dma_wait3A_1161 = arith.constant 3 : i32
        %dma_wait3A_1162 = arith.constant 24 : i32
        %dma_wait3A_1163 = arith.constant 0 : i32
        %dma_wait3A_1164 = tpu.memref_slice %arg10[%dma_wait3A_1162, %dma_wait3A_1163] : memref<64x129xf32, #tpu.memory_space<vmem>> -> memref<8x128xf32, #tpu.memory_space<vmem>>
        %dma_wait3A_1165 = arith.constant 0 : i32
        %dma_wait3A_1166 = arith.constant 0 : i32
        %dma_wait3A_1167 = tpu.memref_slice %arg4[%dma_wait3A_1160, %dma_wait3A_1161, %add3A, %dma_wait3A_1165, %dma_wait3A_1166] : memref<200x8x32x8x128xf32, #tpu.memory_space<hbm>> -> memref<1x1x1x8x128xf32, #tpu.memory_space<hbm>>
        %dma_wait3A_1168 = tpu.memref_squeeze %dma_wait3A_1167 : memref<1x1x1x8x128xf32, #tpu.memory_space<hbm>> -> memref<8x128xf32, #tpu.memory_space<hbm>>
        %dma_wait3A_1169 = arith.constant 0 : i32
        %dma_wait3A_1170 = arith.constant 0 : i32
        %dma_wait3A_1171 = tpu.memref_slice %arg4[%dma_wait3A_1160, %dma_wait3A_1161, %add3A, %dma_wait3A_1169, %dma_wait3A_1170] : memref<200x8x32x8x128xf32, #tpu.memory_space<hbm>> -> memref<1x1x1x8x128xf32, #tpu.memory_space<hbm>>
        %dma_wait3A_1172 = tpu.memref_squeeze %dma_wait3A_1171 : memref<1x1x1x8x128xf32, #tpu.memory_space<hbm>> -> memref<8x128xf32, #tpu.memory_space<hbm>>
        %dma_wait3A_1173 = arith.constant 24 : i32
        %dma_wait3A_1174 = arith.constant 0 : i32
        %dma_wait3A_1175 = tpu.memref_slice %arg10[%dma_wait3A_1173, %dma_wait3A_1174] : memref<64x129xf32, #tpu.memory_space<vmem>> -> memref<8x128xf32, #tpu.memory_space<vmem>>
        tpu.wait_dma2 semaphore(%arg16 : memref<!tpu.dma_semaphore, #tpu.memory_space<semaphore_mem>>) src(%dma_wait3A_1175 : memref<8x128xf32, #tpu.memory_space<vmem>>) dst(%dma_wait3A_1172 : memref<8x128xf32, #tpu.memory_space<hbm>>)
        %dma_wait3A_1176 = arith.constant 0 : i32
        %dma_wait3A_1177 = arith.constant 4 : i32
        %dma_wait3A_1178 = arith.constant 32 : i32
        %dma_wait3A_1179 = arith.constant 0 : i32
        %dma_wait3A_1180 = tpu.memref_slice %arg10[%dma_wait3A_1178, %dma_wait3A_1179] : memref<64x129xf32, #tpu.memory_space<vmem>> -> memref<8x128xf32, #tpu.memory_space<vmem>>
        %dma_wait3A_1181 = arith.constant 0 : i32
        %dma_wait3A_1182 = arith.constant 0 : i32
        %dma_wait3A_1183 = tpu.memref_slice %arg4[%dma_wait3A_1176, %dma_wait3A_1177, %add3A, %dma_wait3A_1181, %dma_wait3A_1182] : memref<200x8x32x8x128xf32, #tpu.memory_space<hbm>> -> memref<1x1x1x8x128xf32, #tpu.memory_space<hbm>>
        %dma_wait3A_1184 = tpu.memref_squeeze %dma_wait3A_1183 : memref<1x1x1x8x128xf32, #tpu.memory_space<hbm>> -> memref<8x128xf32, #tpu.memory_space<hbm>>
        %dma_wait3A_1185 = arith.constant 0 : i32
        %dma_wait3A_1186 = arith.constant 0 : i32
        %dma_wait3A_1187 = tpu.memref_slice %arg4[%dma_wait3A_1176, %dma_wait3A_1177, %add3A, %dma_wait3A_1185, %dma_wait3A_1186] : memref<200x8x32x8x128xf32, #tpu.memory_space<hbm>> -> memref<1x1x1x8x128xf32, #tpu.memory_space<hbm>>
        %dma_wait3A_1188 = tpu.memref_squeeze %dma_wait3A_1187 : memref<1x1x1x8x128xf32, #tpu.memory_space<hbm>> -> memref<8x128xf32, #tpu.memory_space<hbm>>
        %dma_wait3A_1189 = arith.constant 32 : i32
        %dma_wait3A_1190 = arith.constant 0 : i32
        %dma_wait3A_1191 = tpu.memref_slice %arg10[%dma_wait3A_1189, %dma_wait3A_1190] : memref<64x129xf32, #tpu.memory_space<vmem>> -> memref<8x128xf32, #tpu.memory_space<vmem>>
        tpu.wait_dma2 semaphore(%arg16 : memref<!tpu.dma_semaphore, #tpu.memory_space<semaphore_mem>>) src(%dma_wait3A_1191 : memref<8x128xf32, #tpu.memory_space<vmem>>) dst(%dma_wait3A_1188 : memref<8x128xf32, #tpu.memory_space<hbm>>)
        %dma_wait3A_1192 = arith.constant 0 : i32
        %dma_wait3A_1193 = arith.constant 5 : i32
        %dma_wait3A_1194 = arith.constant 40 : i32
        %dma_wait3A_1195 = arith.constant 0 : i32
        %dma_wait3A_1196 = tpu.memref_slice %arg10[%dma_wait3A_1194, %dma_wait3A_1195] : memref<64x129xf32, #tpu.memory_space<vmem>> -> memref<8x128xf32, #tpu.memory_space<vmem>>
        %dma_wait3A_1197 = arith.constant 0 : i32
        %dma_wait3A_1198 = arith.constant 0 : i32
        %dma_wait3A_1199 = tpu.memref_slice %arg4[%dma_wait3A_1192, %dma_wait3A_1193, %add3A, %dma_wait3A_1197, %dma_wait3A_1198] : memref<200x8x32x8x128xf32, #tpu.memory_space<hbm>> -> memref<1x1x1x8x128xf32, #tpu.memory_space<hbm>>
        %dma_wait3A_1200 = tpu.memref_squeeze %dma_wait3A_1199 : memref<1x1x1x8x128xf32, #tpu.memory_space<hbm>> -> memref<8x128xf32, #tpu.memory_space<hbm>>
        %dma_wait3A_1201 = arith.constant 0 : i32
        %dma_wait3A_1202 = arith.constant 0 : i32
        %dma_wait3A_1203 = tpu.memref_slice %arg4[%dma_wait3A_1192, %dma_wait3A_1193, %add3A, %dma_wait3A_1201, %dma_wait3A_1202] : memref<200x8x32x8x128xf32, #tpu.memory_space<hbm>> -> memref<1x1x1x8x128xf32, #tpu.memory_space<hbm>>
        %dma_wait3A_1204 = tpu.memref_squeeze %dma_wait3A_1203 : memref<1x1x1x8x128xf32, #tpu.memory_space<hbm>> -> memref<8x128xf32, #tpu.memory_space<hbm>>
        %dma_wait3A_1205 = arith.constant 40 : i32
        %dma_wait3A_1206 = arith.constant 0 : i32
        %dma_wait3A_1207 = tpu.memref_slice %arg10[%dma_wait3A_1205, %dma_wait3A_1206] : memref<64x129xf32, #tpu.memory_space<vmem>> -> memref<8x128xf32, #tpu.memory_space<vmem>>
        tpu.wait_dma2 semaphore(%arg16 : memref<!tpu.dma_semaphore, #tpu.memory_space<semaphore_mem>>) src(%dma_wait3A_1207 : memref<8x128xf32, #tpu.memory_space<vmem>>) dst(%dma_wait3A_1204 : memref<8x128xf32, #tpu.memory_space<hbm>>)
        %dma_wait3A_1208 = arith.constant 0 : i32
        %dma_wait3A_1209 = arith.constant 6 : i32
        %dma_wait3A_1210 = arith.constant 48 : i32
        %dma_wait3A_1211 = arith.constant 0 : i32
        %dma_wait3A_1212 = tpu.memref_slice %arg10[%dma_wait3A_1210, %dma_wait3A_1211] : memref<64x129xf32, #tpu.memory_space<vmem>> -> memref<8x128xf32, #tpu.memory_space<vmem>>
        %dma_wait3A_1213 = arith.constant 0 : i32
        %dma_wait3A_1214 = arith.constant 0 : i32
        %dma_wait3A_1215 = tpu.memref_slice %arg4[%dma_wait3A_1208, %dma_wait3A_1209, %add3A, %dma_wait3A_1213, %dma_wait3A_1214] : memref<200x8x32x8x128xf32, #tpu.memory_space<hbm>> -> memref<1x1x1x8x128xf32, #tpu.memory_space<hbm>>
        %dma_wait3A_1216 = tpu.memref_squeeze %dma_wait3A_1215 : memref<1x1x1x8x128xf32, #tpu.memory_space<hbm>> -> memref<8x128xf32, #tpu.memory_space<hbm>>
        %dma_wait3A_1217 = arith.constant 0 : i32
        %dma_wait3A_1218 = arith.constant 0 : i32
        %dma_wait3A_1219 = tpu.memref_slice %arg4[%dma_wait3A_1208, %dma_wait3A_1209, %add3A, %dma_wait3A_1217, %dma_wait3A_1218] : memref<200x8x32x8x128xf32, #tpu.memory_space<hbm>> -> memref<1x1x1x8x128xf32, #tpu.memory_space<hbm>>
        %dma_wait3A_1220 = tpu.memref_squeeze %dma_wait3A_1219 : memref<1x1x1x8x128xf32, #tpu.memory_space<hbm>> -> memref<8x128xf32, #tpu.memory_space<hbm>>
        %dma_wait3A_1221 = arith.constant 48 : i32
        %dma_wait3A_1222 = arith.constant 0 : i32
        %dma_wait3A_1223 = tpu.memref_slice %arg10[%dma_wait3A_1221, %dma_wait3A_1222] : memref<64x129xf32, #tpu.memory_space<vmem>> -> memref<8x128xf32, #tpu.memory_space<vmem>>
        tpu.wait_dma2 semaphore(%arg16 : memref<!tpu.dma_semaphore, #tpu.memory_space<semaphore_mem>>) src(%dma_wait3A_1223 : memref<8x128xf32, #tpu.memory_space<vmem>>) dst(%dma_wait3A_1220 : memref<8x128xf32, #tpu.memory_space<hbm>>)
        %dma_wait3A_1224 = arith.constant 0 : i32
        %dma_wait3A_1225 = arith.constant 7 : i32
        %dma_wait3A_1226 = arith.constant 56 : i32
        %dma_wait3A_1227 = arith.constant 0 : i32
        %dma_wait3A_1228 = tpu.memref_slice %arg10[%dma_wait3A_1226, %dma_wait3A_1227] : memref<64x129xf32, #tpu.memory_space<vmem>> -> memref<8x128xf32, #tpu.memory_space<vmem>>
        %dma_wait3A_1229 = arith.constant 0 : i32
        %dma_wait3A_1230 = arith.constant 0 : i32
        %dma_wait3A_1231 = tpu.memref_slice %arg4[%dma_wait3A_1224, %dma_wait3A_1225, %add3A, %dma_wait3A_1229, %dma_wait3A_1230] : memref<200x8x32x8x128xf32, #tpu.memory_space<hbm>> -> memref<1x1x1x8x128xf32, #tpu.memory_space<hbm>>
        %dma_wait3A_1232 = tpu.memref_squeeze %dma_wait3A_1231 : memref<1x1x1x8x128xf32, #tpu.memory_space<hbm>> -> memref<8x128xf32, #tpu.memory_space<hbm>>
        %dma_wait3A_1233 = arith.constant 0 : i32
        %dma_wait3A_1234 = arith.constant 0 : i32
        %dma_wait3A_1235 = tpu.memref_slice %arg4[%dma_wait3A_1224, %dma_wait3A_1225, %add3A, %dma_wait3A_1233, %dma_wait3A_1234] : memref<200x8x32x8x128xf32, #tpu.memory_space<hbm>> -> memref<1x1x1x8x128xf32, #tpu.memory_space<hbm>>
        %dma_wait3A_1236 = tpu.memref_squeeze %dma_wait3A_1235 : memref<1x1x1x8x128xf32, #tpu.memory_space<hbm>> -> memref<8x128xf32, #tpu.memory_space<hbm>>
        %dma_wait3A_1237 = arith.constant 56 : i32
        %dma_wait3A_1238 = arith.constant 0 : i32
        %dma_wait3A_1239 = tpu.memref_slice %arg10[%dma_wait3A_1237, %dma_wait3A_1238] : memref<64x129xf32, #tpu.memory_space<vmem>> -> memref<8x128xf32, #tpu.memory_space<vmem>>
        tpu.wait_dma2 semaphore(%arg16 : memref<!tpu.dma_semaphore, #tpu.memory_space<semaphore_mem>>) src(%dma_wait3A_1239 : memref<8x128xf32, #tpu.memory_space<vmem>>) dst(%dma_wait3A_1236 : memref<8x128xf32, #tpu.memory_space<hbm>>)
      } else {
      }
      %dma_wait3A_297 = arith.constant 0 : i32
      %dma_wait3A_298 = tpu.memref_slice %arg5[%add3A_294, %dma_wait3A_297] : memref<200x128xi32, #tpu.memory_space<vmem>> -> memref<1x128xi32, #tpu.memory_space<vmem>>
      %dma_wait3A_299 = tpu.memref_squeeze %dma_wait3A_298 : memref<1x128xi32, #tpu.memory_space<vmem>> -> memref<128xi32, #tpu.memory_space<vmem>>
      %dma_wait3A_300 = arith.constant 0 : i32
      %dma_wait3A_301 = arith.constant 0 : i32
      %dma_wait3A_302 = tpu.memref_slice %arg3[%dma_wait3A_300, %dma_wait3A_301] : memref<1000000x64xf32, #tpu.memory_space<hbm>> -> memref<1000000x64xf32, #tpu.memory_space<hbm>>
      tpu.wait_indirect_dma semaphore(%arg12 : memref<!tpu.dma_semaphore, #tpu.memory_space<semaphore_mem>>) src(%dma_wait3A_302 : memref<1000000x64xf32, #tpu.memory_space<hbm>>) dst(%arg6 : memref<128x64xf32, #tpu.memory_space<vmem>>)
      %parallel_loop3A = arith.constant 0 : i32
      %parallel_loop3A_303 = arith.constant 128 : i32
      %parallel_loop3A_304 = arith.constant 1 : i32
      scf.for %parallel_loop3A_1112 = %parallel_loop3A to %parallel_loop3A_303 step %parallel_loop3A_304  : i32 {
        %parallel_loop3A_1113 = vector.broadcast %parallel_loop3A_1112 : i32 to vector<16xi32>
        %parallel_loop3A_1114 = arith.index_cast %parallel_loop3A_1112 : i32 to index
        %parallel_loop3A_1115 = arith.constant 0 : index
        %parallel_loop3A_1116 = tpu.vector_load %arg6[%parallel_loop3A_1114, %parallel_loop3A_1115] {strides = array<i32>} : memref<128x64xf32, #tpu.memory_space<vmem>>, vector<16xf32>,
        %parallel_loop3A_1117 = arith.constant 0 : i32
        %parallel_loop3A_1118 = vector.broadcast %parallel_loop3A_1117 : i32 to vector<16xi32>
        %parallel_loop3A_1119 = arith.addi %iota3A, %parallel_loop3A_1118 : vector<16xi32>
        %parallel_loop3A_1120 = arith.constant 8.000000e+00 : f32
        %parallel_loop3A_1121 = vector.broadcast %parallel_loop3A_1120 : f32 to vector<16xf32>
        %parallel_loop3A_1122 = arith.mulf %parallel_loop3A_1116, %parallel_loop3A_1121 : vector<16xf32>
        tpu.vector_store_idx %arg10[%parallel_loop3A_1119, %parallel_loop3A_1113], %parallel_loop3A_1122 : memref<64x129xf32, #tpu.memory_space<vmem>>[vector<16xi32>, vector<16xi32>], vector<16xf32>,
        %parallel_loop3A_1123 = arith.index_cast %parallel_loop3A_1112 : i32 to index
        %parallel_loop3A_1124 = arith.constant 16 : index
        %parallel_loop3A_1125 = tpu.vector_load %arg6[%parallel_loop3A_1123, %parallel_loop3A_1124] {strides = array<i32>} : memref<128x64xf32, #tpu.memory_space<vmem>>, vector<16xf32>,
        %parallel_loop3A_1126 = arith.constant 16 : i32
        %parallel_loop3A_1127 = vector.broadcast %parallel_loop3A_1126 : i32 to vector<16xi32>
        %parallel_loop3A_1128 = arith.addi %iota3A, %parallel_loop3A_1127 : vector<16xi32>
        %parallel_loop3A_1129 = arith.constant 8.000000e+00 : f32
        %parallel_loop3A_1130 = vector.broadcast %parallel_loop3A_1129 : f32 to vector<16xf32>
        %parallel_loop3A_1131 = arith.mulf %parallel_loop3A_1125, %parallel_loop3A_1130 : vector<16xf32>
        tpu.vector_store_idx %arg10[%parallel_loop3A_1128, %parallel_loop3A_1113], %parallel_loop3A_1131 : memref<64x129xf32, #tpu.memory_space<vmem>>[vector<16xi32>, vector<16xi32>], vector<16xf32>,
        %parallel_loop3A_1132 = arith.index_cast %parallel_loop3A_1112 : i32 to index
        %parallel_loop3A_1133 = arith.constant 32 : index
        %parallel_loop3A_1134 = tpu.vector_load %arg6[%parallel_loop3A_1132, %parallel_loop3A_1133] {strides = array<i32>} : memref<128x64xf32, #tpu.memory_space<vmem>>, vector<16xf32>,
        %parallel_loop3A_1135 = arith.constant 32 : i32
        %parallel_loop3A_1136 = vector.broadcast %parallel_loop3A_1135 : i32 to vector<16xi32>
        %parallel_loop3A_1137 = arith.addi %iota3A, %parallel_loop3A_1136 : vector<16xi32>
        %parallel_loop3A_1138 = arith.constant 8.000000e+00 : f32
        %parallel_loop3A_1139 = vector.broadcast %parallel_loop3A_1138 : f32 to vector<16xf32>
        %parallel_loop3A_1140 = arith.mulf %parallel_loop3A_1134, %parallel_loop3A_1139 : vector<16xf32>
        tpu.vector_store_idx %arg10[%parallel_loop3A_1137, %parallel_loop3A_1113], %parallel_loop3A_1140 : memref<64x129xf32, #tpu.memory_space<vmem>>[vector<16xi32>, vector<16xi32>], vector<16xf32>,
        %parallel_loop3A_1141 = arith.index_cast %parallel_loop3A_1112 : i32 to index
        %parallel_loop3A_1142 = arith.constant 48 : index
        %parallel_loop3A_1143 = tpu.vector_load %arg6[%parallel_loop3A_1141, %parallel_loop3A_1142] {strides = array<i32>} : memref<128x64xf32, #tpu.memory_space<vmem>>, vector<16xf32>,
        %parallel_loop3A_1144 = arith.constant 48 : i32
        %parallel_loop3A_1145 = vector.broadcast %parallel_loop3A_1144 : i32 to vector<16xi32>
        %parallel_loop3A_1146 = arith.addi %iota3A, %parallel_loop3A_1145 : vector<16xi32>
        %parallel_loop3A_1147 = arith.constant 8.000000e+00 : f32
        %parallel_loop3A_1148 = vector.broadcast %parallel_loop3A_1147 : f32 to vector<16xf32>
        %parallel_loop3A_1149 = arith.mulf %parallel_loop3A_1143, %parallel_loop3A_1148 : vector<16xf32>
        tpu.vector_store_idx %arg10[%parallel_loop3A_1146, %parallel_loop3A_1113], %parallel_loop3A_1149 : memref<64x129xf32, #tpu.memory_space<vmem>>[vector<16xi32>, vector<16xi32>], vector<16xf32>,
      } {sc.loop_unroll_factor = 2 : i64, sc.parallel_access}
      %dma_start3A_305 = arith.constant 0 : i32
      %dma_start3A_306 = arith.constant 0 : i32
      %dma_start3A_307 = arith.constant 0 : i32
      %dma_start3A_308 = tpu.memref_slice %arg10[%dma_start3A_306, %dma_start3A_307] : memref<64x129xf32, #tpu.memory_space<vmem>> -> memref<8x128xf32, #tpu.memory_space<vmem>>
      %dma_start3A_309 = arith.constant 0 : i32
      %dma_start3A_310 = arith.constant 0 : i32
      %dma_start3A_311 = tpu.memref_slice %arg4[%add3A_294, %dma_start3A_305, %add3A, %dma_start3A_309, %dma_start3A_310] : memref<200x8x32x8x128xf32, #tpu.memory_space<hbm>> -> memref<1x1x1x8x128xf32, #tpu.memory_space<hbm>>
      %dma_start3A_312 = tpu.memref_squeeze %dma_start3A_311 : memref<1x1x1x8x128xf32, #tpu.memory_space<hbm>> -> memref<8x128xf32, #tpu.memory_space<hbm>>
      %dma_start3A_313 = arith.constant 0 : i32
      %dma_start3A_314 = arith.constant 0 : i32
      %dma_start3A_315 = tpu.memref_slice %arg4[%add3A_294, %dma_start3A_305, %add3A, %dma_start3A_313, %dma_start3A_314] : memref<200x8x32x8x128xf32, #tpu.memory_space<hbm>> -> memref<1x1x1x8x128xf32, #tpu.memory_space<hbm>>
      %dma_start3A_316 = tpu.memref_squeeze %dma_start3A_315 : memref<1x1x1x8x128xf32, #tpu.memory_space<hbm>> -> memref<8x128xf32, #tpu.memory_space<hbm>>
      %dma_start3A_317 = arith.constant 0 : i32
      %dma_start3A_318 = arith.constant 0 : i32
      %dma_start3A_319 = tpu.memref_slice %arg10[%dma_start3A_317, %dma_start3A_318] : memref<64x129xf32, #tpu.memory_space<vmem>> -> memref<8x128xf32, #tpu.memory_space<vmem>>
      tpu.enqueue_dma source(%dma_start3A_319 : memref<8x128xf32, #tpu.memory_space<vmem>>) target(%dma_start3A_316 : memref<8x128xf32, #tpu.memory_space<hbm>>) target_semaphore(%arg16 : memref<!tpu.dma_semaphore, #tpu.memory_space<semaphore_mem>>)
      %dma_start3A_320 = arith.constant 1 : i32
      %dma_start3A_321 = arith.constant 8 : i32
      %dma_start3A_322 = arith.constant 0 : i32
      %dma_start3A_323 = tpu.memref_slice %arg10[%dma_start3A_321, %dma_start3A_322] : memref<64x129xf32, #tpu.memory_space<vmem>> -> memref<8x128xf32, #tpu.memory_space<vmem>>
      %dma_start3A_324 = arith.constant 0 : i32
      %dma_start3A_325 = arith.constant 0 : i32
      %dma_start3A_326 = tpu.memref_slice %arg4[%add3A_294, %dma_start3A_320, %add3A, %dma_start3A_324, %dma_start3A_325] : memref<200x8x32x8x128xf32, #tpu.memory_space<hbm>> -> memref<1x1x1x8x128xf32, #tpu.memory_space<hbm>>
      %dma_start3A_327 = tpu.memref_squeeze %dma_start3A_326 : memref<1x1x1x8x128xf32, #tpu.memory_space<hbm>> -> memref<8x128xf32, #tpu.memory_space<hbm>>
      %dma_start3A_328 = arith.constant 0 : i32
      %dma_start3A_329 = arith.constant 0 : i32
      %dma_start3A_330 = tpu.memref_slice %arg4[%add3A_294, %dma_start3A_320, %add3A, %dma_start3A_328, %dma_start3A_329] : memref<200x8x32x8x128xf32, #tpu.memory_space<hbm>> -> memref<1x1x1x8x128xf32, #tpu.memory_space<hbm>>
      %dma_start3A_331 = tpu.memref_squeeze %dma_start3A_330 : memref<1x1x1x8x128xf32, #tpu.memory_space<hbm>> -> memref<8x128xf32, #tpu.memory_space<hbm>>
      %dma_start3A_332 = arith.constant 8 : i32
      %dma_start3A_333 = arith.constant 0 : i32
      %dma_start3A_334 = tpu.memref_slice %arg10[%dma_start3A_332, %dma_start3A_333] : memref<64x129xf32, #tpu.memory_space<vmem>> -> memref<8x128xf32, #tpu.memory_space<vmem>>
      tpu.enqueue_dma source(%dma_start3A_334 : memref<8x128xf32, #tpu.memory_space<vmem>>) target(%dma_start3A_331 : memref<8x128xf32, #tpu.memory_space<hbm>>) target_semaphore(%arg16 : memref<!tpu.dma_semaphore, #tpu.memory_space<semaphore_mem>>)
      %dma_start3A_335 = arith.constant 2 : i32
      %dma_start3A_336 = arith.constant 16 : i32
      %dma_start3A_337 = arith.constant 0 : i32
      %dma_start3A_338 = tpu.memref_slice %arg10[%dma_start3A_336, %dma_start3A_337] : memref<64x129xf32, #tpu.memory_space<vmem>> -> memref<8x128xf32, #tpu.memory_space<vmem>>
      %dma_start3A_339 = arith.constant 0 : i32
      %dma_start3A_340 = arith.constant 0 : i32
      %dma_start3A_341 = tpu.memref_slice %arg4[%add3A_294, %dma_start3A_335, %add3A, %dma_start3A_339, %dma_start3A_340] : memref<200x8x32x8x128xf32, #tpu.memory_space<hbm>> -> memref<1x1x1x8x128xf32, #tpu.memory_space<hbm>>
      %dma_start3A_342 = tpu.memref_squeeze %dma_start3A_341 : memref<1x1x1x8x128xf32, #tpu.memory_space<hbm>> -> memref<8x128xf32, #tpu.memory_space<hbm>>
      %dma_start3A_343 = arith.constant 0 : i32
      %dma_start3A_344 = arith.constant 0 : i32
      %dma_start3A_345 = tpu.memref_slice %arg4[%add3A_294, %dma_start3A_335, %add3A, %dma_start3A_343, %dma_start3A_344] : memref<200x8x32x8x128xf32, #tpu.memory_space<hbm>> -> memref<1x1x1x8x128xf32, #tpu.memory_space<hbm>>
      %dma_start3A_346 = tpu.memref_squeeze %dma_start3A_345 : memref<1x1x1x8x128xf32, #tpu.memory_space<hbm>> -> memref<8x128xf32, #tpu.memory_space<hbm>>
      %dma_start3A_347 = arith.constant 16 : i32
      %dma_start3A_348 = arith.constant 0 : i32
      %dma_start3A_349 = tpu.memref_slice %arg10[%dma_start3A_347, %dma_start3A_348] : memref<64x129xf32, #tpu.memory_space<vmem>> -> memref<8x128xf32, #tpu.memory_space<vmem>>
      tpu.enqueue_dma source(%dma_start3A_349 : memref<8x128xf32, #tpu.memory_space<vmem>>) target(%dma_start3A_346 : memref<8x128xf32, #tpu.memory_space<hbm>>) target_semaphore(%arg16 : memref<!tpu.dma_semaphore, #tpu.memory_space<semaphore_mem>>)
      %dma_start3A_350 = arith.constant 3 : i32
      %dma_start3A_351 = arith.constant 24 : i32
      %dma_start3A_352 = arith.constant 0 : i32
      %dma_start3A_353 = tpu.memref_slice %arg10[%dma_start3A_351, %dma_start3A_352] : memref<64x129xf32, #tpu.memory_space<vmem>> -> memref<8x128xf32, #tpu.memory_space<vmem>>
      %dma_start3A_354 = arith.constant 0 : i32
      %dma_start3A_355 = arith.constant 0 : i32
      %dma_start3A_356 = tpu.memref_slice %arg4[%add3A_294, %dma_start3A_350, %add3A, %dma_start3A_354, %dma_start3A_355] : memref<200x8x32x8x128xf32, #tpu.memory_space<hbm>> -> memref<1x1x1x8x128xf32, #tpu.memory_space<hbm>>
      %dma_start3A_357 = tpu.memref_squeeze %dma_start3A_356 : memref<1x1x1x8x128xf32, #tpu.memory_space<hbm>> -> memref<8x128xf32, #tpu.memory_space<hbm>>
      %dma_start3A_358 = arith.constant 0 : i32
      %dma_start3A_359 = arith.constant 0 : i32
      %dma_start3A_360 = tpu.memref_slice %arg4[%add3A_294, %dma_start3A_350, %add3A, %dma_start3A_358, %dma_start3A_359] : memref<200x8x32x8x128xf32, #tpu.memory_space<hbm>> -> memref<1x1x1x8x128xf32, #tpu.memory_space<hbm>>
      %dma_start3A_361 = tpu.memref_squeeze %dma_start3A_360 : memref<1x1x1x8x128xf32, #tpu.memory_space<hbm>> -> memref<8x128xf32, #tpu.memory_space<hbm>>
      %dma_start3A_362 = arith.constant 24 : i32
      %dma_start3A_363 = arith.constant 0 : i32
      %dma_start3A_364 = tpu.memref_slice %arg10[%dma_start3A_362, %dma_start3A_363] : memref<64x129xf32, #tpu.memory_space<vmem>> -> memref<8x128xf32, #tpu.memory_space<vmem>>
      tpu.enqueue_dma source(%dma_start3A_364 : memref<8x128xf32, #tpu.memory_space<vmem>>) target(%dma_start3A_361 : memref<8x128xf32, #tpu.memory_space<hbm>>) target_semaphore(%arg16 : memref<!tpu.dma_semaphore, #tpu.memory_space<semaphore_mem>>)
      %dma_start3A_365 = arith.constant 4 : i32
      %dma_start3A_366 = arith.constant 32 : i32
      %dma_start3A_367 = arith.constant 0 : i32
      %dma_start3A_368 = tpu.memref_slice %arg10[%dma_start3A_366, %dma_start3A_367] : memref<64x129xf32, #tpu.memory_space<vmem>> -> memref<8x128xf32, #tpu.memory_space<vmem>>
      %dma_start3A_369 = arith.constant 0 : i32
      %dma_start3A_370 = arith.constant 0 : i32
      %dma_start3A_371 = tpu.memref_slice %arg4[%add3A_294, %dma_start3A_365, %add3A, %dma_start3A_369, %dma_start3A_370] : memref<200x8x32x8x128xf32, #tpu.memory_space<hbm>> -> memref<1x1x1x8x128xf32, #tpu.memory_space<hbm>>
      %dma_start3A_372 = tpu.memref_squeeze %dma_start3A_371 : memref<1x1x1x8x128xf32, #tpu.memory_space<hbm>> -> memref<8x128xf32, #tpu.memory_space<hbm>>
      %dma_start3A_373 = arith.constant 0 : i32
      %dma_start3A_374 = arith.constant 0 : i32
      %dma_start3A_375 = tpu.memref_slice %arg4[%add3A_294, %dma_start3A_365, %add3A, %dma_start3A_373, %dma_start3A_374] : memref<200x8x32x8x128xf32, #tpu.memory_space<hbm>> -> memref<1x1x1x8x128xf32, #tpu.memory_space<hbm>>
      %dma_start3A_376 = tpu.memref_squeeze %dma_start3A_375 : memref<1x1x1x8x128xf32, #tpu.memory_space<hbm>> -> memref<8x128xf32, #tpu.memory_space<hbm>>
      %dma_start3A_377 = arith.constant 32 : i32
      %dma_start3A_378 = arith.constant 0 : i32
      %dma_start3A_379 = tpu.memref_slice %arg10[%dma_start3A_377, %dma_start3A_378] : memref<64x129xf32, #tpu.memory_space<vmem>> -> memref<8x128xf32, #tpu.memory_space<vmem>>
      tpu.enqueue_dma source(%dma_start3A_379 : memref<8x128xf32, #tpu.memory_space<vmem>>) target(%dma_start3A_376 : memref<8x128xf32, #tpu.memory_space<hbm>>) target_semaphore(%arg16 : memref<!tpu.dma_semaphore, #tpu.memory_space<semaphore_mem>>)
      %dma_start3A_380 = arith.constant 5 : i32
      %dma_start3A_381 = arith.constant 40 : i32
      %dma_start3A_382 = arith.constant 0 : i32
      %dma_start3A_383 = tpu.memref_slice %arg10[%dma_start3A_381, %dma_start3A_382] : memref<64x129xf32, #tpu.memory_space<vmem>> -> memref<8x128xf32, #tpu.memory_space<vmem>>
      %dma_start3A_384 = arith.constant 0 : i32
      %dma_start3A_385 = arith.constant 0 : i32
      %dma_start3A_386 = tpu.memref_slice %arg4[%add3A_294, %dma_start3A_380, %add3A, %dma_start3A_384, %dma_start3A_385] : memref<200x8x32x8x128xf32, #tpu.memory_space<hbm>> -> memref<1x1x1x8x128xf32, #tpu.memory_space<hbm>>
      %dma_start3A_387 = tpu.memref_squeeze %dma_start3A_386 : memref<1x1x1x8x128xf32, #tpu.memory_space<hbm>> -> memref<8x128xf32, #tpu.memory_space<hbm>>
      %dma_start3A_388 = arith.constant 0 : i32
      %dma_start3A_389 = arith.constant 0 : i32
      %dma_start3A_390 = tpu.memref_slice %arg4[%add3A_294, %dma_start3A_380, %add3A, %dma_start3A_388, %dma_start3A_389] : memref<200x8x32x8x128xf32, #tpu.memory_space<hbm>> -> memref<1x1x1x8x128xf32, #tpu.memory_space<hbm>>
      %dma_start3A_391 = tpu.memref_squeeze %dma_start3A_390 : memref<1x1x1x8x128xf32, #tpu.memory_space<hbm>> -> memref<8x128xf32, #tpu.memory_space<hbm>>
      %dma_start3A_392 = arith.constant 40 : i32
      %dma_start3A_393 = arith.constant 0 : i32
      %dma_start3A_394 = tpu.memref_slice %arg10[%dma_start3A_392, %dma_start3A_393] : memref<64x129xf32, #tpu.memory_space<vmem>> -> memref<8x128xf32, #tpu.memory_space<vmem>>
      tpu.enqueue_dma source(%dma_start3A_394 : memref<8x128xf32, #tpu.memory_space<vmem>>) target(%dma_start3A_391 : memref<8x128xf32, #tpu.memory_space<hbm>>) target_semaphore(%arg16 : memref<!tpu.dma_semaphore, #tpu.memory_space<semaphore_mem>>)
      %dma_start3A_395 = arith.constant 6 : i32
      %dma_start3A_396 = arith.constant 48 : i32
      %dma_start3A_397 = arith.constant 0 : i32
      %dma_start3A_398 = tpu.memref_slice %arg10[%dma_start3A_396, %dma_start3A_397] : memref<64x129xf32, #tpu.memory_space<vmem>> -> memref<8x128xf32, #tpu.memory_space<vmem>>
      %dma_start3A_399 = arith.constant 0 : i32
      %dma_start3A_400 = arith.constant 0 : i32
      %dma_start3A_401 = tpu.memref_slice %arg4[%add3A_294, %dma_start3A_395, %add3A, %dma_start3A_399, %dma_start3A_400] : memref<200x8x32x8x128xf32, #tpu.memory_space<hbm>> -> memref<1x1x1x8x128xf32, #tpu.memory_space<hbm>>
      %dma_start3A_402 = tpu.memref_squeeze %dma_start3A_401 : memref<1x1x1x8x128xf32, #tpu.memory_space<hbm>> -> memref<8x128xf32, #tpu.memory_space<hbm>>
      %dma_start3A_403 = arith.constant 0 : i32
      %dma_start3A_404 = arith.constant 0 : i32
      %dma_start3A_405 = tpu.memref_slice %arg4[%add3A_294, %dma_start3A_395, %add3A, %dma_start3A_403, %dma_start3A_404] : memref<200x8x32x8x128xf32, #tpu.memory_space<hbm>> -> memref<1x1x1x8x128xf32, #tpu.memory_space<hbm>>
      %dma_start3A_406 = tpu.memref_squeeze %dma_start3A_405 : memref<1x1x1x8x128xf32, #tpu.memory_space<hbm>> -> memref<8x128xf32, #tpu.memory_space<hbm>>
      %dma_start3A_407 = arith.constant 48 : i32
      %dma_start3A_408 = arith.constant 0 : i32
      %dma_start3A_409 = tpu.memref_slice %arg10[%dma_start3A_407, %dma_start3A_408] : memref<64x129xf32, #tpu.memory_space<vmem>> -> memref<8x128xf32, #tpu.memory_space<vmem>>
      tpu.enqueue_dma source(%dma_start3A_409 : memref<8x128xf32, #tpu.memory_space<vmem>>) target(%dma_start3A_406 : memref<8x128xf32, #tpu.memory_space<hbm>>) target_semaphore(%arg16 : memref<!tpu.dma_semaphore, #tpu.memory_space<semaphore_mem>>)
      %dma_start3A_410 = arith.constant 7 : i32
      %dma_start3A_411 = arith.constant 56 : i32
      %dma_start3A_412 = arith.constant 0 : i32
      %dma_start3A_413 = tpu.memref_slice %arg10[%dma_start3A_411, %dma_start3A_412] : memref<64x129xf32, #tpu.memory_space<vmem>> -> memref<8x128xf32, #tpu.memory_space<vmem>>
      %dma_start3A_414 = arith.constant 0 : i32
      %dma_start3A_415 = arith.constant 0 : i32
      %dma_start3A_416 = tpu.memref_slice %arg4[%add3A_294, %dma_start3A_410, %add3A, %dma_start3A_414, %dma_start3A_415] : memref<200x8x32x8x128xf32, #tpu.memory_space<hbm>> -> memref<1x1x1x8x128xf32, #tpu.memory_space<hbm>>
      %dma_start3A_417 = tpu.memref_squeeze %dma_start3A_416 : memref<1x1x1x8x128xf32, #tpu.memory_space<hbm>> -> memref<8x128xf32, #tpu.memory_space<hbm>>
      %dma_start3A_418 = arith.constant 0 : i32
      %dma_start3A_419 = arith.constant 0 : i32
      %dma_start3A_420 = tpu.memref_slice %arg4[%add3A_294, %dma_start3A_410, %add3A, %dma_start3A_418, %dma_start3A_419] : memref<200x8x32x8x128xf32, #tpu.memory_space<hbm>> -> memref<1x1x1x8x128xf32, #tpu.memory_space<hbm>>
      %dma_start3A_421 = tpu.memref_squeeze %dma_start3A_420 : memref<1x1x1x8x128xf32, #tpu.memory_space<hbm>> -> memref<8x128xf32, #tpu.memory_space<hbm>>
      %dma_start3A_422 = arith.constant 56 : i32
      %dma_start3A_423 = arith.constant 0 : i32
      %dma_start3A_424 = tpu.memref_slice %arg10[%dma_start3A_422, %dma_start3A_423] : memref<64x129xf32, #tpu.memory_space<vmem>> -> memref<8x128xf32, #tpu.memory_space<vmem>>
      tpu.enqueue_dma source(%dma_start3A_424 : memref<8x128xf32, #tpu.memory_space<vmem>>) target(%dma_start3A_421 : memref<8x128xf32, #tpu.memory_space<hbm>>) target_semaphore(%arg16 : memref<!tpu.dma_semaphore, #tpu.memory_space<semaphore_mem>>)
      %add3A_425 = arith.constant 4 : i32
      %add3A_426 = arith.addi %add3A_294, %add3A_425 : i32
      %lt3A = arith.constant 200 : i32
      %lt3A_427 = arith.cmpi slt, %add3A_426, %lt3A : i32
      %convert_element_type3A_428 = arith.extui %lt3A_427 : i1 to i32
      %cond3A_429 = arith.constant 0 : i32
      %cond3A_430 = arith.cmpi ne, %convert_element_type3A_428, %cond3A_429 : i32
      scf.if %cond3A_430 {
        %add3A_1112 = arith.constant 4 : i32
        %add3A_1113 = arith.addi %add3A_294, %add3A_1112 : i32
        %dma_start3A_1114 = arith.constant 0 : i32
        %dma_start3A_1115 = tpu.memref_slice %arg5[%add3A_1113, %dma_start3A_1114] : memref<200x128xi32, #tpu.memory_space<vmem>> -> memref<1x128xi32, #tpu.memory_space<vmem>>
        %dma_start3A_1116 = tpu.memref_squeeze %dma_start3A_1115 : memref<1x128xi32, #tpu.memory_space<vmem>> -> memref<128xi32, #tpu.memory_space<vmem>>
        %dma_start3A_1117 = arith.constant 0 : i32
        %dma_start3A_1118 = arith.constant 0 : i32
        %dma_start3A_1119 = tpu.memref_slice %arg3[%dma_start3A_1117, %dma_start3A_1118] : memref<1000000x64xf32, #tpu.memory_space<hbm>> -> memref<1000000x64xf32, #tpu.memory_space<hbm>>
        tpu.enqueue_indirect_dma source(%dma_start3A_1119 : memref<1000000x64xf32, #tpu.memory_space<hbm>>) target(%arg6 : memref<128x64xf32, #tpu.memory_space<vmem>>) offsets(%dma_start3A_1116 : memref<128xi32, #tpu.memory_space<vmem>>) semaphore(%arg12 : memref<!tpu.dma_semaphore, #tpu.memory_space<semaphore_mem>>)
      } else {
      }
      %mul3A_431 = arith.constant 4 : i32
      %mul3A_432 = arith.muli %scan3A_290, %mul3A_431 : i32
      %add3A_433 = arith.constant 1 : i32
      %add3A_434 = arith.addi %mul3A_432, %add3A_433 : i32
      %gt3A_435 = arith.constant 0 : i32
      %gt3A_436 = arith.cmpi sgt, %scan3A_290, %gt3A_435 : i32
      %convert_element_type3A_437 = arith.extui %gt3A_436 : i1 to i32
      %cond3A_438 = arith.constant 0 : i32
      %cond3A_439 = arith.cmpi ne, %convert_element_type3A_437, %cond3A_438 : i32
      scf.if %cond3A_439 {
        %dma_wait3A_1112 = arith.constant 0 : i32
        %dma_wait3A_1113 = arith.constant 0 : i32
        %dma_wait3A_1114 = arith.constant 0 : i32
        %dma_wait3A_1115 = arith.constant 0 : i32
        %dma_wait3A_1116 = tpu.memref_slice %arg11[%dma_wait3A_1114, %dma_wait3A_1115] : memref<64x129xf32, #tpu.memory_space<vmem>> -> memref<8x128xf32, #tpu.memory_space<vmem>>
        %dma_wait3A_1117 = arith.constant 0 : i32
        %dma_wait3A_1118 = arith.constant 0 : i32
        %dma_wait3A_1119 = tpu.memref_slice %arg4[%dma_wait3A_1112, %dma_wait3A_1113, %add3A, %dma_wait3A_1117, %dma_wait3A_1118] : memref<200x8x32x8x128xf32, #tpu.memory_space<hbm>> -> memref<1x1x1x8x128xf32, #tpu.memory_space<hbm>>
        %dma_wait3A_1120 = tpu.memref_squeeze %dma_wait3A_1119 : memref<1x1x1x8x128xf32, #tpu.memory_space<hbm>> -> memref<8x128xf32, #tpu.memory_space<hbm>>
        %dma_wait3A_1121 = arith.constant 0 : i32
        %dma_wait3A_1122 = arith.constant 0 : i32
        %dma_wait3A_1123 = tpu.memref_slice %arg4[%dma_wait3A_1112, %dma_wait3A_1113, %add3A, %dma_wait3A_1121, %dma_wait3A_1122] : memref<200x8x32x8x128xf32, #tpu.memory_space<hbm>> -> memref<1x1x1x8x128xf32, #tpu.memory_space<hbm>>
        %dma_wait3A_1124 = tpu.memref_squeeze %dma_wait3A_1123 : memref<1x1x1x8x128xf32, #tpu.memory_space<hbm>> -> memref<8x128xf32, #tpu.memory_space<hbm>>
        %dma_wait3A_1125 = arith.constant 0 : i32
        %dma_wait3A_1126 = arith.constant 0 : i32
        %dma_wait3A_1127 = tpu.memref_slice %arg11[%dma_wait3A_1125, %dma_wait3A_1126] : memref<64x129xf32, #tpu.memory_space<vmem>> -> memref<8x128xf32, #tpu.memory_space<vmem>>
        tpu.wait_dma2 semaphore(%arg17 : memref<!tpu.dma_semaphore, #tpu.memory_space<semaphore_mem>>) src(%dma_wait3A_1127 : memref<8x128xf32, #tpu.memory_space<vmem>>) dst(%dma_wait3A_1124 : memref<8x128xf32, #tpu.memory_space<hbm>>)
        %dma_wait3A_1128 = arith.constant 0 : i32
        %dma_wait3A_1129 = arith.constant 1 : i32
        %dma_wait3A_1130 = arith.constant 8 : i32
        %dma_wait3A_1131 = arith.constant 0 : i32
        %dma_wait3A_1132 = tpu.memref_slice %arg11[%dma_wait3A_1130, %dma_wait3A_1131] : memref<64x129xf32, #tpu.memory_space<vmem>> -> memref<8x128xf32, #tpu.memory_space<vmem>>
        %dma_wait3A_1133 = arith.constant 0 : i32
        %dma_wait3A_1134 = arith.constant 0 : i32
        %dma_wait3A_1135 = tpu.memref_slice %arg4[%dma_wait3A_1128, %dma_wait3A_1129, %add3A, %dma_wait3A_1133, %dma_wait3A_1134] : memref<200x8x32x8x128xf32, #tpu.memory_space<hbm>> -> memref<1x1x1x8x128xf32, #tpu.memory_space<hbm>>
        %dma_wait3A_1136 = tpu.memref_squeeze %dma_wait3A_1135 : memref<1x1x1x8x128xf32, #tpu.memory_space<hbm>> -> memref<8x128xf32, #tpu.memory_space<hbm>>
        %dma_wait3A_1137 = arith.constant 0 : i32
        %dma_wait3A_1138 = arith.constant 0 : i32
        %dma_wait3A_1139 = tpu.memref_slice %arg4[%dma_wait3A_1128, %dma_wait3A_1129, %add3A, %dma_wait3A_1137, %dma_wait3A_1138] : memref<200x8x32x8x128xf32, #tpu.memory_space<hbm>> -> memref<1x1x1x8x128xf32, #tpu.memory_space<hbm>>
        %dma_wait3A_1140 = tpu.memref_squeeze %dma_wait3A_1139 : memref<1x1x1x8x128xf32, #tpu.memory_space<hbm>> -> memref<8x128xf32, #tpu.memory_space<hbm>>
        %dma_wait3A_1141 = arith.constant 8 : i32
        %dma_wait3A_1142 = arith.constant 0 : i32
        %dma_wait3A_1143 = tpu.memref_slice %arg11[%dma_wait3A_1141, %dma_wait3A_1142] : memref<64x129xf32, #tpu.memory_space<vmem>> -> memref<8x128xf32, #tpu.memory_space<vmem>>
        tpu.wait_dma2 semaphore(%arg17 : memref<!tpu.dma_semaphore, #tpu.memory_space<semaphore_mem>>) src(%dma_wait3A_1143 : memref<8x128xf32, #tpu.memory_space<vmem>>) dst(%dma_wait3A_1140 : memref<8x128xf32, #tpu.memory_space<hbm>>)
        %dma_wait3A_1144 = arith.constant 0 : i32
        %dma_wait3A_1145 = arith.constant 2 : i32
        %dma_wait3A_1146 = arith.constant 16 : i32
        %dma_wait3A_1147 = arith.constant 0 : i32
        %dma_wait3A_1148 = tpu.memref_slice %arg11[%dma_wait3A_1146, %dma_wait3A_1147] : memref<64x129xf32, #tpu.memory_space<vmem>> -> memref<8x128xf32, #tpu.memory_space<vmem>>
        %dma_wait3A_1149 = arith.constant 0 : i32
        %dma_wait3A_1150 = arith.constant 0 : i32
        %dma_wait3A_1151 = tpu.memref_slice %arg4[%dma_wait3A_1144, %dma_wait3A_1145, %add3A, %dma_wait3A_1149, %dma_wait3A_1150] : memref<200x8x32x8x128xf32, #tpu.memory_space<hbm>> -> memref<1x1x1x8x128xf32, #tpu.memory_space<hbm>>
        %dma_wait3A_1152 = tpu.memref_squeeze %dma_wait3A_1151 : memref<1x1x1x8x128xf32, #tpu.memory_space<hbm>> -> memref<8x128xf32, #tpu.memory_space<hbm>>
        %dma_wait3A_1153 = arith.constant 0 : i32
        %dma_wait3A_1154 = arith.constant 0 : i32
        %dma_wait3A_1155 = tpu.memref_slice %arg4[%dma_wait3A_1144, %dma_wait3A_1145, %add3A, %dma_wait3A_1153, %dma_wait3A_1154] : memref<200x8x32x8x128xf32, #tpu.memory_space<hbm>> -> memref<1x1x1x8x128xf32, #tpu.memory_space<hbm>>
        %dma_wait3A_1156 = tpu.memref_squeeze %dma_wait3A_1155 : memref<1x1x1x8x128xf32, #tpu.memory_space<hbm>> -> memref<8x128xf32, #tpu.memory_space<hbm>>
        %dma_wait3A_1157 = arith.constant 16 : i32
        %dma_wait3A_1158 = arith.constant 0 : i32
        %dma_wait3A_1159 = tpu.memref_slice %arg11[%dma_wait3A_1157, %dma_wait3A_1158] : memref<64x129xf32, #tpu.memory_space<vmem>> -> memref<8x128xf32, #tpu.memory_space<vmem>>
        tpu.wait_dma2 semaphore(%arg17 : memref<!tpu.dma_semaphore, #tpu.memory_space<semaphore_mem>>) src(%dma_wait3A_1159 : memref<8x128xf32, #tpu.memory_space<vmem>>) dst(%dma_wait3A_1156 : memref<8x128xf32, #tpu.memory_space<hbm>>)
        %dma_wait3A_1160 = arith.constant 0 : i32
        %dma_wait3A_1161 = arith.constant 3 : i32
        %dma_wait3A_1162 = arith.constant 24 : i32
        %dma_wait3A_1163 = arith.constant 0 : i32
        %dma_wait3A_1164 = tpu.memref_slice %arg11[%dma_wait3A_1162, %dma_wait3A_1163] : memref<64x129xf32, #tpu.memory_space<vmem>> -> memref<8x128xf32, #tpu.memory_space<vmem>>
        %dma_wait3A_1165 = arith.constant 0 : i32
        %dma_wait3A_1166 = arith.constant 0 : i32
        %dma_wait3A_1167 = tpu.memref_slice %arg4[%dma_wait3A_1160, %dma_wait3A_1161, %add3A, %dma_wait3A_1165, %dma_wait3A_1166] : memref<200x8x32x8x128xf32, #tpu.memory_space<hbm>> -> memref<1x1x1x8x128xf32, #tpu.memory_space<hbm>>
        %dma_wait3A_1168 = tpu.memref_squeeze %dma_wait3A_1167 : memref<1x1x1x8x128xf32, #tpu.memory_space<hbm>> -> memref<8x128xf32, #tpu.memory_space<hbm>>
        %dma_wait3A_1169 = arith.constant 0 : i32
        %dma_wait3A_1170 = arith.constant 0 : i32
        %dma_wait3A_1171 = tpu.memref_slice %arg4[%dma_wait3A_1160, %dma_wait3A_1161, %add3A, %dma_wait3A_1169, %dma_wait3A_1170] : memref<200x8x32x8x128xf32, #tpu.memory_space<hbm>> -> memref<1x1x1x8x128xf32, #tpu.memory_space<hbm>>
        %dma_wait3A_1172 = tpu.memref_squeeze %dma_wait3A_1171 : memref<1x1x1x8x128xf32, #tpu.memory_space<hbm>> -> memref<8x128xf32, #tpu.memory_space<hbm>>
        %dma_wait3A_1173 = arith.constant 24 : i32
        %dma_wait3A_1174 = arith.constant 0 : i32
        %dma_wait3A_1175 = tpu.memref_slice %arg11[%dma_wait3A_1173, %dma_wait3A_1174] : memref<64x129xf32, #tpu.memory_space<vmem>> -> memref<8x128xf32, #tpu.memory_space<vmem>>
        tpu.wait_dma2 semaphore(%arg17 : memref<!tpu.dma_semaphore, #tpu.memory_space<semaphore_mem>>) src(%dma_wait3A_1175 : memref<8x128xf32, #tpu.memory_space<vmem>>) dst(%dma_wait3A_1172 : memref<8x128xf32, #tpu.memory_space<hbm>>)
        %dma_wait3A_1176 = arith.constant 0 : i32
        %dma_wait3A_1177 = arith.constant 4 : i32
        %dma_wait3A_1178 = arith.constant 32 : i32
        %dma_wait3A_1179 = arith.constant 0 : i32
        %dma_wait3A_1180 = tpu.memref_slice %arg11[%dma_wait3A_1178, %dma_wait3A_1179] : memref<64x129xf32, #tpu.memory_space<vmem>> -> memref<8x128xf32, #tpu.memory_space<vmem>>
        %dma_wait3A_1181 = arith.constant 0 : i32
        %dma_wait3A_1182 = arith.constant 0 : i32
        %dma_wait3A_1183 = tpu.memref_slice %arg4[%dma_wait3A_1176, %dma_wait3A_1177, %add3A, %dma_wait3A_1181, %dma_wait3A_1182] : memref<200x8x32x8x128xf32, #tpu.memory_space<hbm>> -> memref<1x1x1x8x128xf32, #tpu.memory_space<hbm>>
        %dma_wait3A_1184 = tpu.memref_squeeze %dma_wait3A_1183 : memref<1x1x1x8x128xf32, #tpu.memory_space<hbm>> -> memref<8x128xf32, #tpu.memory_space<hbm>>
        %dma_wait3A_1185 = arith.constant 0 : i32
        %dma_wait3A_1186 = arith.constant 0 : i32
        %dma_wait3A_1187 = tpu.memref_slice %arg4[%dma_wait3A_1176, %dma_wait3A_1177, %add3A, %dma_wait3A_1185, %dma_wait3A_1186] : memref<200x8x32x8x128xf32, #tpu.memory_space<hbm>> -> memref<1x1x1x8x128xf32, #tpu.memory_space<hbm>>
        %dma_wait3A_1188 = tpu.memref_squeeze %dma_wait3A_1187 : memref<1x1x1x8x128xf32, #tpu.memory_space<hbm>> -> memref<8x128xf32, #tpu.memory_space<hbm>>
        %dma_wait3A_1189 = arith.constant 32 : i32
        %dma_wait3A_1190 = arith.constant 0 : i32
        %dma_wait3A_1191 = tpu.memref_slice %arg11[%dma_wait3A_1189, %dma_wait3A_1190] : memref<64x129xf32, #tpu.memory_space<vmem>> -> memref<8x128xf32, #tpu.memory_space<vmem>>
        tpu.wait_dma2 semaphore(%arg17 : memref<!tpu.dma_semaphore, #tpu.memory_space<semaphore_mem>>) src(%dma_wait3A_1191 : memref<8x128xf32, #tpu.memory_space<vmem>>) dst(%dma_wait3A_1188 : memref<8x128xf32, #tpu.memory_space<hbm>>)
        %dma_wait3A_1192 = arith.constant 0 : i32
        %dma_wait3A_1193 = arith.constant 5 : i32
        %dma_wait3A_1194 = arith.constant 40 : i32
        %dma_wait3A_1195 = arith.constant 0 : i32
        %dma_wait3A_1196 = tpu.memref_slice %arg11[%dma_wait3A_1194, %dma_wait3A_1195] : memref<64x129xf32, #tpu.memory_space<vmem>> -> memref<8x128xf32, #tpu.memory_space<vmem>>
        %dma_wait3A_1197 = arith.constant 0 : i32
        %dma_wait3A_1198 = arith.constant 0 : i32
        %dma_wait3A_1199 = tpu.memref_slice %arg4[%dma_wait3A_1192, %dma_wait3A_1193, %add3A, %dma_wait3A_1197, %dma_wait3A_1198] : memref<200x8x32x8x128xf32, #tpu.memory_space<hbm>> -> memref<1x1x1x8x128xf32, #tpu.memory_space<hbm>>
        %dma_wait3A_1200 = tpu.memref_squeeze %dma_wait3A_1199 : memref<1x1x1x8x128xf32, #tpu.memory_space<hbm>> -> memref<8x128xf32, #tpu.memory_space<hbm>>
        %dma_wait3A_1201 = arith.constant 0 : i32
        %dma_wait3A_1202 = arith.constant 0 : i32
        %dma_wait3A_1203 = tpu.memref_slice %arg4[%dma_wait3A_1192, %dma_wait3A_1193, %add3A, %dma_wait3A_1201, %dma_wait3A_1202] : memref<200x8x32x8x128xf32, #tpu.memory_space<hbm>> -> memref<1x1x1x8x128xf32, #tpu.memory_space<hbm>>
        %dma_wait3A_1204 = tpu.memref_squeeze %dma_wait3A_1203 : memref<1x1x1x8x128xf32, #tpu.memory_space<hbm>> -> memref<8x128xf32, #tpu.memory_space<hbm>>
        %dma_wait3A_1205 = arith.constant 40 : i32
        %dma_wait3A_1206 = arith.constant 0 : i32
        %dma_wait3A_1207 = tpu.memref_slice %arg11[%dma_wait3A_1205, %dma_wait3A_1206] : memref<64x129xf32, #tpu.memory_space<vmem>> -> memref<8x128xf32, #tpu.memory_space<vmem>>
        tpu.wait_dma2 semaphore(%arg17 : memref<!tpu.dma_semaphore, #tpu.memory_space<semaphore_mem>>) src(%dma_wait3A_1207 : memref<8x128xf32, #tpu.memory_space<vmem>>) dst(%dma_wait3A_1204 : memref<8x128xf32, #tpu.memory_space<hbm>>)
        %dma_wait3A_1208 = arith.constant 0 : i32
        %dma_wait3A_1209 = arith.constant 6 : i32
        %dma_wait3A_1210 = arith.constant 48 : i32
        %dma_wait3A_1211 = arith.constant 0 : i32
        %dma_wait3A_1212 = tpu.memref_slice %arg11[%dma_wait3A_1210, %dma_wait3A_1211] : memref<64x129xf32, #tpu.memory_space<vmem>> -> memref<8x128xf32, #tpu.memory_space<vmem>>
        %dma_wait3A_1213 = arith.constant 0 : i32
        %dma_wait3A_1214 = arith.constant 0 : i32
        %dma_wait3A_1215 = tpu.memref_slice %arg4[%dma_wait3A_1208, %dma_wait3A_1209, %add3A, %dma_wait3A_1213, %dma_wait3A_1214] : memref<200x8x32x8x128xf32, #tpu.memory_space<hbm>> -> memref<1x1x1x8x128xf32, #tpu.memory_space<hbm>>
        %dma_wait3A_1216 = tpu.memref_squeeze %dma_wait3A_1215 : memref<1x1x1x8x128xf32, #tpu.memory_space<hbm>> -> memref<8x128xf32, #tpu.memory_space<hbm>>
        %dma_wait3A_1217 = arith.constant 0 : i32
        %dma_wait3A_1218 = arith.constant 0 : i32
        %dma_wait3A_1219 = tpu.memref_slice %arg4[%dma_wait3A_1208, %dma_wait3A_1209, %add3A, %dma_wait3A_1217, %dma_wait3A_1218] : memref<200x8x32x8x128xf32, #tpu.memory_space<hbm>> -> memref<1x1x1x8x128xf32, #tpu.memory_space<hbm>>
        %dma_wait3A_1220 = tpu.memref_squeeze %dma_wait3A_1219 : memref<1x1x1x8x128xf32, #tpu.memory_space<hbm>> -> memref<8x128xf32, #tpu.memory_space<hbm>>
        %dma_wait3A_1221 = arith.constant 48 : i32
        %dma_wait3A_1222 = arith.constant 0 : i32
        %dma_wait3A_1223 = tpu.memref_slice %arg11[%dma_wait3A_1221, %dma_wait3A_1222] : memref<64x129xf32, #tpu.memory_space<vmem>> -> memref<8x128xf32, #tpu.memory_space<vmem>>
        tpu.wait_dma2 semaphore(%arg17 : memref<!tpu.dma_semaphore, #tpu.memory_space<semaphore_mem>>) src(%dma_wait3A_1223 : memref<8x128xf32, #tpu.memory_space<vmem>>) dst(%dma_wait3A_1220 : memref<8x128xf32, #tpu.memory_space<hbm>>)
        %dma_wait3A_1224 = arith.constant 0 : i32
        %dma_wait3A_1225 = arith.constant 7 : i32
        %dma_wait3A_1226 = arith.constant 56 : i32
        %dma_wait3A_1227 = arith.constant 0 : i32
        %dma_wait3A_1228 = tpu.memref_slice %arg11[%dma_wait3A_1226, %dma_wait3A_1227] : memref<64x129xf32, #tpu.memory_space<vmem>> -> memref<8x128xf32, #tpu.memory_space<vmem>>
        %dma_wait3A_1229 = arith.constant 0 : i32
        %dma_wait3A_1230 = arith.constant 0 : i32
        %dma_wait3A_1231 = tpu.memref_slice %arg4[%dma_wait3A_1224, %dma_wait3A_1225, %add3A, %dma_wait3A_1229, %dma_wait3A_1230] : memref<200x8x32x8x128xf32, #tpu.memory_space<hbm>> -> memref<1x1x1x8x128xf32, #tpu.memory_space<hbm>>
        %dma_wait3A_1232 = tpu.memref_squeeze %dma_wait3A_1231 : memref<1x1x1x8x128xf32, #tpu.memory_space<hbm>> -> memref<8x128xf32, #tpu.memory_space<hbm>>
        %dma_wait3A_1233 = arith.constant 0 : i32
        %dma_wait3A_1234 = arith.constant 0 : i32
        %dma_wait3A_1235 = tpu.memref_slice %arg4[%dma_wait3A_1224, %dma_wait3A_1225, %add3A, %dma_wait3A_1233, %dma_wait3A_1234] : memref<200x8x32x8x128xf32, #tpu.memory_space<hbm>> -> memref<1x1x1x8x128xf32, #tpu.memory_space<hbm>>
        %dma_wait3A_1236 = tpu.memref_squeeze %dma_wait3A_1235 : memref<1x1x1x8x128xf32, #tpu.memory_space<hbm>> -> memref<8x128xf32, #tpu.memory_space<hbm>>
        %dma_wait3A_1237 = arith.constant 56 : i32
        %dma_wait3A_1238 = arith.constant 0 : i32
        %dma_wait3A_1239 = tpu.memref_slice %arg11[%dma_wait3A_1237, %dma_wait3A_1238] : memref<64x129xf32, #tpu.memory_space<vmem>> -> memref<8x128xf32, #tpu.memory_space<vmem>>
        tpu.wait_dma2 semaphore(%arg17 : memref<!tpu.dma_semaphore, #tpu.memory_space<semaphore_mem>>) src(%dma_wait3A_1239 : memref<8x128xf32, #tpu.memory_space<vmem>>) dst(%dma_wait3A_1236 : memref<8x128xf32, #tpu.memory_space<hbm>>)
      } else {
      }
      %dma_wait3A_440 = arith.constant 0 : i32
      %dma_wait3A_441 = tpu.memref_slice %arg5[%add3A_434, %dma_wait3A_440] : memref<200x128xi32, #tpu.memory_space<vmem>> -> memref<1x128xi32, #tpu.memory_space<vmem>>
      %dma_wait3A_442 = tpu.memref_squeeze %dma_wait3A_441 : memref<1x128xi32, #tpu.memory_space<vmem>> -> memref<128xi32, #tpu.memory_space<vmem>>
      %dma_wait3A_443 = arith.constant 0 : i32
      %dma_wait3A_444 = arith.constant 0 : i32
      %dma_wait3A_445 = tpu.memref_slice %arg3[%dma_wait3A_443, %dma_wait3A_444] : memref<1000000x64xf32, #tpu.memory_space<hbm>> -> memref<1000000x64xf32, #tpu.memory_space<hbm>>
      tpu.wait_indirect_dma semaphore(%arg13 : memref<!tpu.dma_semaphore, #tpu.memory_space<semaphore_mem>>) src(%dma_wait3A_445 : memref<1000000x64xf32, #tpu.memory_space<hbm>>) dst(%arg7 : memref<128x64xf32, #tpu.memory_space<vmem>>)
      %parallel_loop3A_446 = arith.constant 0 : i32
      %parallel_loop3A_447 = arith.constant 128 : i32
      %parallel_loop3A_448 = arith.constant 1 : i32
      scf.for %parallel_loop3A_1112 = %parallel_loop3A_446 to %parallel_loop3A_447 step %parallel_loop3A_448  : i32 {
        %parallel_loop3A_1113 = vector.broadcast %parallel_loop3A_1112 : i32 to vector<16xi32>
        %parallel_loop3A_1114 = arith.index_cast %parallel_loop3A_1112 : i32 to index
        %parallel_loop3A_1115 = arith.constant 0 : index
        %parallel_loop3A_1116 = tpu.vector_load %arg7[%parallel_loop3A_1114, %parallel_loop3A_1115] {strides = array<i32>} : memref<128x64xf32, #tpu.memory_space<vmem>>, vector<16xf32>,
        %parallel_loop3A_1117 = arith.constant 0 : i32
        %parallel_loop3A_1118 = vector.broadcast %parallel_loop3A_1117 : i32 to vector<16xi32>
        %parallel_loop3A_1119 = arith.addi %iota3A, %parallel_loop3A_1118 : vector<16xi32>
        %parallel_loop3A_1120 = arith.constant 8.000000e+00 : f32
        %parallel_loop3A_1121 = vector.broadcast %parallel_loop3A_1120 : f32 to vector<16xf32>
        %parallel_loop3A_1122 = arith.mulf %parallel_loop3A_1116, %parallel_loop3A_1121 : vector<16xf32>
        tpu.vector_store_idx %arg11[%parallel_loop3A_1119, %parallel_loop3A_1113], %parallel_loop3A_1122 : memref<64x129xf32, #tpu.memory_space<vmem>>[vector<16xi32>, vector<16xi32>], vector<16xf32>,
        %parallel_loop3A_1123 = arith.index_cast %parallel_loop3A_1112 : i32 to index
        %parallel_loop3A_1124 = arith.constant 16 : index
        %parallel_loop3A_1125 = tpu.vector_load %arg7[%parallel_loop3A_1123, %parallel_loop3A_1124] {strides = array<i32>} : memref<128x64xf32, #tpu.memory_space<vmem>>, vector<16xf32>,
        %parallel_loop3A_1126 = arith.constant 16 : i32
        %parallel_loop3A_1127 = vector.broadcast %parallel_loop3A_1126 : i32 to vector<16xi32>
        %parallel_loop3A_1128 = arith.addi %iota3A, %parallel_loop3A_1127 : vector<16xi32>
        %parallel_loop3A_1129 = arith.constant 8.000000e+00 : f32
        %parallel_loop3A_1130 = vector.broadcast %parallel_loop3A_1129 : f32 to vector<16xf32>
        %parallel_loop3A_1131 = arith.mulf %parallel_loop3A_1125, %parallel_loop3A_1130 : vector<16xf32>
        tpu.vector_store_idx %arg11[%parallel_loop3A_1128, %parallel_loop3A_1113], %parallel_loop3A_1131 : memref<64x129xf32, #tpu.memory_space<vmem>>[vector<16xi32>, vector<16xi32>], vector<16xf32>,
        %parallel_loop3A_1132 = arith.index_cast %parallel_loop3A_1112 : i32 to index
        %parallel_loop3A_1133 = arith.constant 32 : index
        %parallel_loop3A_1134 = tpu.vector_load %arg7[%parallel_loop3A_1132, %parallel_loop3A_1133] {strides = array<i32>} : memref<128x64xf32, #tpu.memory_space<vmem>>, vector<16xf32>,
        %parallel_loop3A_1135 = arith.constant 32 : i32
        %parallel_loop3A_1136 = vector.broadcast %parallel_loop3A_1135 : i32 to vector<16xi32>
        %parallel_loop3A_1137 = arith.addi %iota3A, %parallel_loop3A_1136 : vector<16xi32>
        %parallel_loop3A_1138 = arith.constant 8.000000e+00 : f32
        %parallel_loop3A_1139 = vector.broadcast %parallel_loop3A_1138 : f32 to vector<16xf32>
        %parallel_loop3A_1140 = arith.mulf %parallel_loop3A_1134, %parallel_loop3A_1139 : vector<16xf32>
        tpu.vector_store_idx %arg11[%parallel_loop3A_1137, %parallel_loop3A_1113], %parallel_loop3A_1140 : memref<64x129xf32, #tpu.memory_space<vmem>>[vector<16xi32>, vector<16xi32>], vector<16xf32>,
        %parallel_loop3A_1141 = arith.index_cast %parallel_loop3A_1112 : i32 to index
        %parallel_loop3A_1142 = arith.constant 48 : index
        %parallel_loop3A_1143 = tpu.vector_load %arg7[%parallel_loop3A_1141, %parallel_loop3A_1142] {strides = array<i32>} : memref<128x64xf32, #tpu.memory_space<vmem>>, vector<16xf32>,
        %parallel_loop3A_1144 = arith.constant 48 : i32
        %parallel_loop3A_1145 = vector.broadcast %parallel_loop3A_1144 : i32 to vector<16xi32>
        %parallel_loop3A_1146 = arith.addi %iota3A, %parallel_loop3A_1145 : vector<16xi32>
        %parallel_loop3A_1147 = arith.constant 8.000000e+00 : f32
        %parallel_loop3A_1148 = vector.broadcast %parallel_loop3A_1147 : f32 to vector<16xf32>
        %parallel_loop3A_1149 = arith.mulf %parallel_loop3A_1143, %parallel_loop3A_1148 : vector<16xf32>
        tpu.vector_store_idx %arg11[%parallel_loop3A_1146, %parallel_loop3A_1113], %parallel_loop3A_1149 : memref<64x129xf32, #tpu.memory_space<vmem>>[vector<16xi32>, vector<16xi32>], vector<16xf32>,
      } {sc.loop_unroll_factor = 2 : i64, sc.parallel_access}
      %dma_start3A_449 = arith.constant 0 : i32
      %dma_start3A_450 = arith.constant 0 : i32
      %dma_start3A_451 = arith.constant 0 : i32
      %dma_start3A_452 = tpu.memref_slice %arg11[%dma_start3A_450, %dma_start3A_451] : memref<64x129xf32, #tpu.memory_space<vmem>> -> memref<8x128xf32, #tpu.memory_space<vmem>>
      %dma_start3A_453 = arith.constant 0 : i32
      %dma_start3A_454 = arith.constant 0 : i32
      %dma_start3A_455 = tpu.memref_slice %arg4[%add3A_434, %dma_start3A_449, %add3A, %dma_start3A_453, %dma_start3A_454] : memref<200x8x32x8x128xf32, #tpu.memory_space<hbm>> -> memref<1x1x1x8x128xf32, #tpu.memory_space<hbm>>
      %dma_start3A_456 = tpu.memref_squeeze %dma_start3A_455 : memref<1x1x1x8x128xf32, #tpu.memory_space<hbm>> -> memref<8x128xf32, #tpu.memory_space<hbm>>
      %dma_start3A_457 = arith.constant 0 : i32
      %dma_start3A_458 = arith.constant 0 : i32
      %dma_start3A_459 = tpu.memref_slice %arg4[%add3A_434, %dma_start3A_449, %add3A, %dma_start3A_457, %dma_start3A_458] : memref<200x8x32x8x128xf32, #tpu.memory_space<hbm>> -> memref<1x1x1x8x128xf32, #tpu.memory_space<hbm>>
      %dma_start3A_460 = tpu.memref_squeeze %dma_start3A_459 : memref<1x1x1x8x128xf32, #tpu.memory_space<hbm>> -> memref<8x128xf32, #tpu.memory_space<hbm>>
      %dma_start3A_461 = arith.constant 0 : i32
      %dma_start3A_462 = arith.constant 0 : i32
      %dma_start3A_463 = tpu.memref_slice %arg11[%dma_start3A_461, %dma_start3A_462] : memref<64x129xf32, #tpu.memory_space<vmem>> -> memref<8x128xf32, #tpu.memory_space<vmem>>
      tpu.enqueue_dma source(%dma_start3A_463 : memref<8x128xf32, #tpu.memory_space<vmem>>) target(%dma_start3A_460 : memref<8x128xf32, #tpu.memory_space<hbm>>) target_semaphore(%arg17 : memref<!tpu.dma_semaphore, #tpu.memory_space<semaphore_mem>>)
      %dma_start3A_464 = arith.constant 1 : i32
      %dma_start3A_465 = arith.constant 8 : i32
      %dma_start3A_466 = arith.constant 0 : i32
      %dma_start3A_467 = tpu.memref_slice %arg11[%dma_start3A_465, %dma_start3A_466] : memref<64x129xf32, #tpu.memory_space<vmem>> -> memref<8x128xf32, #tpu.memory_space<vmem>>
      %dma_start3A_468 = arith.constant 0 : i32
      %dma_start3A_469 = arith.constant 0 : i32
      %dma_start3A_470 = tpu.memref_slice %arg4[%add3A_434, %dma_start3A_464, %add3A, %dma_start3A_468, %dma_start3A_469] : memref<200x8x32x8x128xf32, #tpu.memory_space<hbm>> -> memref<1x1x1x8x128xf32, #tpu.memory_space<hbm>>
      %dma_start3A_471 = tpu.memref_squeeze %dma_start3A_470 : memref<1x1x1x8x128xf32, #tpu.memory_space<hbm>> -> memref<8x128xf32, #tpu.memory_space<hbm>>
      %dma_start3A_472 = arith.constant 0 : i32
      %dma_start3A_473 = arith.constant 0 : i32
      %dma_start3A_474 = tpu.memref_slice %arg4[%add3A_434, %dma_start3A_464, %add3A, %dma_start3A_472, %dma_start3A_473] : memref<200x8x32x8x128xf32, #tpu.memory_space<hbm>> -> memref<1x1x1x8x128xf32, #tpu.memory_space<hbm>>
      %dma_start3A_475 = tpu.memref_squeeze %dma_start3A_474 : memref<1x1x1x8x128xf32, #tpu.memory_space<hbm>> -> memref<8x128xf32, #tpu.memory_space<hbm>>
      %dma_start3A_476 = arith.constant 8 : i32
      %dma_start3A_477 = arith.constant 0 : i32
      %dma_start3A_478 = tpu.memref_slice %arg11[%dma_start3A_476, %dma_start3A_477] : memref<64x129xf32, #tpu.memory_space<vmem>> -> memref<8x128xf32, #tpu.memory_space<vmem>>
      tpu.enqueue_dma source(%dma_start3A_478 : memref<8x128xf32, #tpu.memory_space<vmem>>) target(%dma_start3A_475 : memref<8x128xf32, #tpu.memory_space<hbm>>) target_semaphore(%arg17 : memref<!tpu.dma_semaphore, #tpu.memory_space<semaphore_mem>>)
      %dma_start3A_479 = arith.constant 2 : i32
      %dma_start3A_480 = arith.constant 16 : i32
      %dma_start3A_481 = arith.constant 0 : i32
      %dma_start3A_482 = tpu.memref_slice %arg11[%dma_start3A_480, %dma_start3A_481] : memref<64x129xf32, #tpu.memory_space<vmem>> -> memref<8x128xf32, #tpu.memory_space<vmem>>
      %dma_start3A_483 = arith.constant 0 : i32
      %dma_start3A_484 = arith.constant 0 : i32
      %dma_start3A_485 = tpu.memref_slice %arg4[%add3A_434, %dma_start3A_479, %add3A, %dma_start3A_483, %dma_start3A_484] : memref<200x8x32x8x128xf32, #tpu.memory_space<hbm>> -> memref<1x1x1x8x128xf32, #tpu.memory_space<hbm>>
      %dma_start3A_486 = tpu.memref_squeeze %dma_start3A_485 : memref<1x1x1x8x128xf32, #tpu.memory_space<hbm>> -> memref<8x128xf32, #tpu.memory_space<hbm>>
      %dma_start3A_487 = arith.constant 0 : i32
      %dma_start3A_488 = arith.constant 0 : i32
      %dma_start3A_489 = tpu.memref_slice %arg4[%add3A_434, %dma_start3A_479, %add3A, %dma_start3A_487, %dma_start3A_488] : memref<200x8x32x8x128xf32, #tpu.memory_space<hbm>> -> memref<1x1x1x8x128xf32, #tpu.memory_space<hbm>>
      %dma_start3A_490 = tpu.memref_squeeze %dma_start3A_489 : memref<1x1x1x8x128xf32, #tpu.memory_space<hbm>> -> memref<8x128xf32, #tpu.memory_space<hbm>>
      %dma_start3A_491 = arith.constant 16 : i32
      %dma_start3A_492 = arith.constant 0 : i32
      %dma_start3A_493 = tpu.memref_slice %arg11[%dma_start3A_491, %dma_start3A_492] : memref<64x129xf32, #tpu.memory_space<vmem>> -> memref<8x128xf32, #tpu.memory_space<vmem>>
      tpu.enqueue_dma source(%dma_start3A_493 : memref<8x128xf32, #tpu.memory_space<vmem>>) target(%dma_start3A_490 : memref<8x128xf32, #tpu.memory_space<hbm>>) target_semaphore(%arg17 : memref<!tpu.dma_semaphore, #tpu.memory_space<semaphore_mem>>)
      %dma_start3A_494 = arith.constant 3 : i32
      %dma_start3A_495 = arith.constant 24 : i32
      %dma_start3A_496 = arith.constant 0 : i32
      %dma_start3A_497 = tpu.memref_slice %arg11[%dma_start3A_495, %dma_start3A_496] : memref<64x129xf32, #tpu.memory_space<vmem>> -> memref<8x128xf32, #tpu.memory_space<vmem>>
      %dma_start3A_498 = arith.constant 0 : i32
      %dma_start3A_499 = arith.constant 0 : i32
      %dma_start3A_500 = tpu.memref_slice %arg4[%add3A_434, %dma_start3A_494, %add3A, %dma_start3A_498, %dma_start3A_499] : memref<200x8x32x8x128xf32, #tpu.memory_space<hbm>> -> memref<1x1x1x8x128xf32, #tpu.memory_space<hbm>>
      %dma_start3A_501 = tpu.memref_squeeze %dma_start3A_500 : memref<1x1x1x8x128xf32, #tpu.memory_space<hbm>> -> memref<8x128xf32, #tpu.memory_space<hbm>>
      %dma_start3A_502 = arith.constant 0 : i32
      %dma_start3A_503 = arith.constant 0 : i32
      %dma_start3A_504 = tpu.memref_slice %arg4[%add3A_434, %dma_start3A_494, %add3A, %dma_start3A_502, %dma_start3A_503] : memref<200x8x32x8x128xf32, #tpu.memory_space<hbm>> -> memref<1x1x1x8x128xf32, #tpu.memory_space<hbm>>
      %dma_start3A_505 = tpu.memref_squeeze %dma_start3A_504 : memref<1x1x1x8x128xf32, #tpu.memory_space<hbm>> -> memref<8x128xf32, #tpu.memory_space<hbm>>
      %dma_start3A_506 = arith.constant 24 : i32
      %dma_start3A_507 = arith.constant 0 : i32
      %dma_start3A_508 = tpu.memref_slice %arg11[%dma_start3A_506, %dma_start3A_507] : memref<64x129xf32, #tpu.memory_space<vmem>> -> memref<8x128xf32, #tpu.memory_space<vmem>>
      tpu.enqueue_dma source(%dma_start3A_508 : memref<8x128xf32, #tpu.memory_space<vmem>>) target(%dma_start3A_505 : memref<8x128xf32, #tpu.memory_space<hbm>>) target_semaphore(%arg17 : memref<!tpu.dma_semaphore, #tpu.memory_space<semaphore_mem>>)
      %dma_start3A_509 = arith.constant 4 : i32
      %dma_start3A_510 = arith.constant 32 : i32
      %dma_start3A_511 = arith.constant 0 : i32
      %dma_start3A_512 = tpu.memref_slice %arg11[%dma_start3A_510, %dma_start3A_511] : memref<64x129xf32, #tpu.memory_space<vmem>> -> memref<8x128xf32, #tpu.memory_space<vmem>>
      %dma_start3A_513 = arith.constant 0 : i32
      %dma_start3A_514 = arith.constant 0 : i32
      %dma_start3A_515 = tpu.memref_slice %arg4[%add3A_434, %dma_start3A_509, %add3A, %dma_start3A_513, %dma_start3A_514] : memref<200x8x32x8x128xf32, #tpu.memory_space<hbm>> -> memref<1x1x1x8x128xf32, #tpu.memory_space<hbm>>
      %dma_start3A_516 = tpu.memref_squeeze %dma_start3A_515 : memref<1x1x1x8x128xf32, #tpu.memory_space<hbm>> -> memref<8x128xf32, #tpu.memory_space<hbm>>
      %dma_start3A_517 = arith.constant 0 : i32
      %dma_start3A_518 = arith.constant 0 : i32
      %dma_start3A_519 = tpu.memref_slice %arg4[%add3A_434, %dma_start3A_509, %add3A, %dma_start3A_517, %dma_start3A_518] : memref<200x8x32x8x128xf32, #tpu.memory_space<hbm>> -> memref<1x1x1x8x128xf32, #tpu.memory_space<hbm>>
      %dma_start3A_520 = tpu.memref_squeeze %dma_start3A_519 : memref<1x1x1x8x128xf32, #tpu.memory_space<hbm>> -> memref<8x128xf32, #tpu.memory_space<hbm>>
      %dma_start3A_521 = arith.constant 32 : i32
      %dma_start3A_522 = arith.constant 0 : i32
      %dma_start3A_523 = tpu.memref_slice %arg11[%dma_start3A_521, %dma_start3A_522] : memref<64x129xf32, #tpu.memory_space<vmem>> -> memref<8x128xf32, #tpu.memory_space<vmem>>
      tpu.enqueue_dma source(%dma_start3A_523 : memref<8x128xf32, #tpu.memory_space<vmem>>) target(%dma_start3A_520 : memref<8x128xf32, #tpu.memory_space<hbm>>) target_semaphore(%arg17 : memref<!tpu.dma_semaphore, #tpu.memory_space<semaphore_mem>>)
      %dma_start3A_524 = arith.constant 5 : i32
      %dma_start3A_525 = arith.constant 40 : i32
      %dma_start3A_526 = arith.constant 0 : i32
      %dma_start3A_527 = tpu.memref_slice %arg11[%dma_start3A_525, %dma_start3A_526] : memref<64x129xf32, #tpu.memory_space<vmem>> -> memref<8x128xf32, #tpu.memory_space<vmem>>
      %dma_start3A_528 = arith.constant 0 : i32
      %dma_start3A_529 = arith.constant 0 : i32
      %dma_start3A_530 = tpu.memref_slice %arg4[%add3A_434, %dma_start3A_524, %add3A, %dma_start3A_528, %dma_start3A_529] : memref<200x8x32x8x128xf32, #tpu.memory_space<hbm>> -> memref<1x1x1x8x128xf32, #tpu.memory_space<hbm>>
      %dma_start3A_531 = tpu.memref_squeeze %dma_start3A_530 : memref<1x1x1x8x128xf32, #tpu.memory_space<hbm>> -> memref<8x128xf32, #tpu.memory_space<hbm>>
      %dma_start3A_532 = arith.constant 0 : i32
      %dma_start3A_533 = arith.constant 0 : i32
      %dma_start3A_534 = tpu.memref_slice %arg4[%add3A_434, %dma_start3A_524, %add3A, %dma_start3A_532, %dma_start3A_533] : memref<200x8x32x8x128xf32, #tpu.memory_space<hbm>> -> memref<1x1x1x8x128xf32, #tpu.memory_space<hbm>>
      %dma_start3A_535 = tpu.memref_squeeze %dma_start3A_534 : memref<1x1x1x8x128xf32, #tpu.memory_space<hbm>> -> memref<8x128xf32, #tpu.memory_space<hbm>>
      %dma_start3A_536 = arith.constant 40 : i32
      %dma_start3A_537 = arith.constant 0 : i32
      %dma_start3A_538 = tpu.memref_slice %arg11[%dma_start3A_536, %dma_start3A_537] : memref<64x129xf32, #tpu.memory_space<vmem>> -> memref<8x128xf32, #tpu.memory_space<vmem>>
      tpu.enqueue_dma source(%dma_start3A_538 : memref<8x128xf32, #tpu.memory_space<vmem>>) target(%dma_start3A_535 : memref<8x128xf32, #tpu.memory_space<hbm>>) target_semaphore(%arg17 : memref<!tpu.dma_semaphore, #tpu.memory_space<semaphore_mem>>)
      %dma_start3A_539 = arith.constant 6 : i32
      %dma_start3A_540 = arith.constant 48 : i32
      %dma_start3A_541 = arith.constant 0 : i32
      %dma_start3A_542 = tpu.memref_slice %arg11[%dma_start3A_540, %dma_start3A_541] : memref<64x129xf32, #tpu.memory_space<vmem>> -> memref<8x128xf32, #tpu.memory_space<vmem>>
      %dma_start3A_543 = arith.constant 0 : i32
      %dma_start3A_544 = arith.constant 0 : i32
      %dma_start3A_545 = tpu.memref_slice %arg4[%add3A_434, %dma_start3A_539, %add3A, %dma_start3A_543, %dma_start3A_544] : memref<200x8x32x8x128xf32, #tpu.memory_space<hbm>> -> memref<1x1x1x8x128xf32, #tpu.memory_space<hbm>>
      %dma_start3A_546 = tpu.memref_squeeze %dma_start3A_545 : memref<1x1x1x8x128xf32, #tpu.memory_space<hbm>> -> memref<8x128xf32, #tpu.memory_space<hbm>>
      %dma_start3A_547 = arith.constant 0 : i32
      %dma_start3A_548 = arith.constant 0 : i32
      %dma_start3A_549 = tpu.memref_slice %arg4[%add3A_434, %dma_start3A_539, %add3A, %dma_start3A_547, %dma_start3A_548] : memref<200x8x32x8x128xf32, #tpu.memory_space<hbm>> -> memref<1x1x1x8x128xf32, #tpu.memory_space<hbm>>
      %dma_start3A_550 = tpu.memref_squeeze %dma_start3A_549 : memref<1x1x1x8x128xf32, #tpu.memory_space<hbm>> -> memref<8x128xf32, #tpu.memory_space<hbm>>
      %dma_start3A_551 = arith.constant 48 : i32
      %dma_start3A_552 = arith.constant 0 : i32
      %dma_start3A_553 = tpu.memref_slice %arg11[%dma_start3A_551, %dma_start3A_552] : memref<64x129xf32, #tpu.memory_space<vmem>> -> memref<8x128xf32, #tpu.memory_space<vmem>>
      tpu.enqueue_dma source(%dma_start3A_553 : memref<8x128xf32, #tpu.memory_space<vmem>>) target(%dma_start3A_550 : memref<8x128xf32, #tpu.memory_space<hbm>>) target_semaphore(%arg17 : memref<!tpu.dma_semaphore, #tpu.memory_space<semaphore_mem>>)
      %dma_start3A_554 = arith.constant 7 : i32
      %dma_start3A_555 = arith.constant 56 : i32
      %dma_start3A_556 = arith.constant 0 : i32
      %dma_start3A_557 = tpu.memref_slice %arg11[%dma_start3A_555, %dma_start3A_556] : memref<64x129xf32, #tpu.memory_space<vmem>> -> memref<8x128xf32, #tpu.memory_space<vmem>>
      %dma_start3A_558 = arith.constant 0 : i32
      %dma_start3A_559 = arith.constant 0 : i32
      %dma_start3A_560 = tpu.memref_slice %arg4[%add3A_434, %dma_start3A_554, %add3A, %dma_start3A_558, %dma_start3A_559] : memref<200x8x32x8x128xf32, #tpu.memory_space<hbm>> -> memref<1x1x1x8x128xf32, #tpu.memory_space<hbm>>
      %dma_start3A_561 = tpu.memref_squeeze %dma_start3A_560 : memref<1x1x1x8x128xf32, #tpu.memory_space<hbm>> -> memref<8x128xf32, #tpu.memory_space<hbm>>
      %dma_start3A_562 = arith.constant 0 : i32
      %dma_start3A_563 = arith.constant 0 : i32
      %dma_start3A_564 = tpu.memref_slice %arg4[%add3A_434, %dma_start3A_554, %add3A, %dma_start3A_562, %dma_start3A_563] : memref<200x8x32x8x128xf32, #tpu.memory_space<hbm>> -> memref<1x1x1x8x128xf32, #tpu.memory_space<hbm>>
      %dma_start3A_565 = tpu.memref_squeeze %dma_start3A_564 : memref<1x1x1x8x128xf32, #tpu.memory_space<hbm>> -> memref<8x128xf32, #tpu.memory_space<hbm>>
      %dma_start3A_566 = arith.constant 56 : i32
      %dma_start3A_567 = arith.constant 0 : i32
      %dma_start3A_568 = tpu.memref_slice %arg11[%dma_start3A_566, %dma_start3A_567] : memref<64x129xf32, #tpu.memory_space<vmem>> -> memref<8x128xf32, #tpu.memory_space<vmem>>
      tpu.enqueue_dma source(%dma_start3A_568 : memref<8x128xf32, #tpu.memory_space<vmem>>) target(%dma_start3A_565 : memref<8x128xf32, #tpu.memory_space<hbm>>) target_semaphore(%arg17 : memref<!tpu.dma_semaphore, #tpu.memory_space<semaphore_mem>>)
      %add3A_569 = arith.constant 4 : i32
      %add3A_570 = arith.addi %add3A_434, %add3A_569 : i32
      %lt3A_571 = arith.constant 200 : i32
      %lt3A_572 = arith.cmpi slt, %add3A_570, %lt3A_571 : i32
      %convert_element_type3A_573 = arith.extui %lt3A_572 : i1 to i32
      %cond3A_574 = arith.constant 0 : i32
      %cond3A_575 = arith.cmpi ne, %convert_element_type3A_573, %cond3A_574 : i32
      scf.if %cond3A_575 {
        %add3A_1112 = arith.constant 4 : i32
        %add3A_1113 = arith.addi %add3A_434, %add3A_1112 : i32
        %dma_start3A_1114 = arith.constant 0 : i32
        %dma_start3A_1115 = tpu.memref_slice %arg5[%add3A_1113, %dma_start3A_1114] : memref<200x128xi32, #tpu.memory_space<vmem>> -> memref<1x128xi32, #tpu.memory_space<vmem>>
        %dma_start3A_1116 = tpu.memref_squeeze %dma_start3A_1115 : memref<1x128xi32, #tpu.memory_space<vmem>> -> memref<128xi32, #tpu.memory_space<vmem>>
        %dma_start3A_1117 = arith.constant 0 : i32
        %dma_start3A_1118 = arith.constant 0 : i32
        %dma_start3A_1119 = tpu.memref_slice %arg3[%dma_start3A_1117, %dma_start3A_1118] : memref<1000000x64xf32, #tpu.memory_space<hbm>> -> memref<1000000x64xf32, #tpu.memory_space<hbm>>
        tpu.enqueue_indirect_dma source(%dma_start3A_1119 : memref<1000000x64xf32, #tpu.memory_space<hbm>>) target(%arg7 : memref<128x64xf32, #tpu.memory_space<vmem>>) offsets(%dma_start3A_1116 : memref<128xi32, #tpu.memory_space<vmem>>) semaphore(%arg13 : memref<!tpu.dma_semaphore, #tpu.memory_space<semaphore_mem>>)
      } else {
      }
      %mul3A_576 = arith.constant 4 : i32
      %mul3A_577 = arith.muli %scan3A_290, %mul3A_576 : i32
      %add3A_578 = arith.constant 2 : i32
      %add3A_579 = arith.addi %mul3A_577, %add3A_578 : i32
      %dma_wait3A_580 = arith.constant 0 : i32
      %dma_wait3A_581 = arith.constant 0 : i32
      %dma_wait3A_582 = arith.constant 0 : i32
      %dma_wait3A_583 = arith.constant 0 : i32
      %dma_wait3A_584 = tpu.memref_slice %arg10[%dma_wait3A_582, %dma_wait3A_583] : memref<64x129xf32, #tpu.memory_space<vmem>> -> memref<8x128xf32, #tpu.memory_space<vmem>>
      %dma_wait3A_585 = arith.constant 0 : i32
      %dma_wait3A_586 = arith.constant 0 : i32
      %dma_wait3A_587 = tpu.memref_slice %arg4[%dma_wait3A_580, %dma_wait3A_581, %add3A, %dma_wait3A_585, %dma_wait3A_586] : memref<200x8x32x8x128xf32, #tpu.memory_space<hbm>> -> memref<1x1x1x8x128xf32, #tpu.memory_space<hbm>>
      %dma_wait3A_588 = tpu.memref_squeeze %dma_wait3A_587 : memref<1x1x1x8x128xf32, #tpu.memory_space<hbm>> -> memref<8x128xf32, #tpu.memory_space<hbm>>
      %dma_wait3A_589 = arith.constant 0 : i32
      %dma_wait3A_590 = arith.constant 0 : i32
      %dma_wait3A_591 = tpu.memref_slice %arg4[%dma_wait3A_580, %dma_wait3A_581, %add3A, %dma_wait3A_589, %dma_wait3A_590] : memref<200x8x32x8x128xf32, #tpu.memory_space<hbm>> -> memref<1x1x1x8x128xf32, #tpu.memory_space<hbm>>
      %dma_wait3A_592 = tpu.memref_squeeze %dma_wait3A_591 : memref<1x1x1x8x128xf32, #tpu.memory_space<hbm>> -> memref<8x128xf32, #tpu.memory_space<hbm>>
      %dma_wait3A_593 = arith.constant 0 : i32
      %dma_wait3A_594 = arith.constant 0 : i32
      %dma_wait3A_595 = tpu.memref_slice %arg10[%dma_wait3A_593, %dma_wait3A_594] : memref<64x129xf32, #tpu.memory_space<vmem>> -> memref<8x128xf32, #tpu.memory_space<vmem>>
      tpu.wait_dma2 semaphore(%arg16 : memref<!tpu.dma_semaphore, #tpu.memory_space<semaphore_mem>>) src(%dma_wait3A_595 : memref<8x128xf32, #tpu.memory_space<vmem>>) dst(%dma_wait3A_592 : memref<8x128xf32, #tpu.memory_space<hbm>>)
      %dma_wait3A_596 = arith.constant 0 : i32
      %dma_wait3A_597 = arith.constant 1 : i32
      %dma_wait3A_598 = arith.constant 8 : i32
      %dma_wait3A_599 = arith.constant 0 : i32
      %dma_wait3A_600 = tpu.memref_slice %arg10[%dma_wait3A_598, %dma_wait3A_599] : memref<64x129xf32, #tpu.memory_space<vmem>> -> memref<8x128xf32, #tpu.memory_space<vmem>>
      %dma_wait3A_601 = arith.constant 0 : i32
      %dma_wait3A_602 = arith.constant 0 : i32
      %dma_wait3A_603 = tpu.memref_slice %arg4[%dma_wait3A_596, %dma_wait3A_597, %add3A, %dma_wait3A_601, %dma_wait3A_602] : memref<200x8x32x8x128xf32, #tpu.memory_space<hbm>> -> memref<1x1x1x8x128xf32, #tpu.memory_space<hbm>>
      %dma_wait3A_604 = tpu.memref_squeeze %dma_wait3A_603 : memref<1x1x1x8x128xf32, #tpu.memory_space<hbm>> -> memref<8x128xf32, #tpu.memory_space<hbm>>
      %dma_wait3A_605 = arith.constant 0 : i32
      %dma_wait3A_606 = arith.constant 0 : i32
      %dma_wait3A_607 = tpu.memref_slice %arg4[%dma_wait3A_596, %dma_wait3A_597, %add3A, %dma_wait3A_605, %dma_wait3A_606] : memref<200x8x32x8x128xf32, #tpu.memory_space<hbm>> -> memref<1x1x1x8x128xf32, #tpu.memory_space<hbm>>
      %dma_wait3A_608 = tpu.memref_squeeze %dma_wait3A_607 : memref<1x1x1x8x128xf32, #tpu.memory_space<hbm>> -> memref<8x128xf32, #tpu.memory_space<hbm>>
      %dma_wait3A_609 = arith.constant 8 : i32
      %dma_wait3A_610 = arith.constant 0 : i32
      %dma_wait3A_611 = tpu.memref_slice %arg10[%dma_wait3A_609, %dma_wait3A_610] : memref<64x129xf32, #tpu.memory_space<vmem>> -> memref<8x128xf32, #tpu.memory_space<vmem>>
      tpu.wait_dma2 semaphore(%arg16 : memref<!tpu.dma_semaphore, #tpu.memory_space<semaphore_mem>>) src(%dma_wait3A_611 : memref<8x128xf32, #tpu.memory_space<vmem>>) dst(%dma_wait3A_608 : memref<8x128xf32, #tpu.memory_space<hbm>>)
      %dma_wait3A_612 = arith.constant 0 : i32
      %dma_wait3A_613 = arith.constant 2 : i32
      %dma_wait3A_614 = arith.constant 16 : i32
      %dma_wait3A_615 = arith.constant 0 : i32
      %dma_wait3A_616 = tpu.memref_slice %arg10[%dma_wait3A_614, %dma_wait3A_615] : memref<64x129xf32, #tpu.memory_space<vmem>> -> memref<8x128xf32, #tpu.memory_space<vmem>>
      %dma_wait3A_617 = arith.constant 0 : i32
      %dma_wait3A_618 = arith.constant 0 : i32
      %dma_wait3A_619 = tpu.memref_slice %arg4[%dma_wait3A_612, %dma_wait3A_613, %add3A, %dma_wait3A_617, %dma_wait3A_618] : memref<200x8x32x8x128xf32, #tpu.memory_space<hbm>> -> memref<1x1x1x8x128xf32, #tpu.memory_space<hbm>>
      %dma_wait3A_620 = tpu.memref_squeeze %dma_wait3A_619 : memref<1x1x1x8x128xf32, #tpu.memory_space<hbm>> -> memref<8x128xf32, #tpu.memory_space<hbm>>
      %dma_wait3A_621 = arith.constant 0 : i32
      %dma_wait3A_622 = arith.constant 0 : i32
      %dma_wait3A_623 = tpu.memref_slice %arg4[%dma_wait3A_612, %dma_wait3A_613, %add3A, %dma_wait3A_621, %dma_wait3A_622] : memref<200x8x32x8x128xf32, #tpu.memory_space<hbm>> -> memref<1x1x1x8x128xf32, #tpu.memory_space<hbm>>
      %dma_wait3A_624 = tpu.memref_squeeze %dma_wait3A_623 : memref<1x1x1x8x128xf32, #tpu.memory_space<hbm>> -> memref<8x128xf32, #tpu.memory_space<hbm>>
      %dma_wait3A_625 = arith.constant 16 : i32
      %dma_wait3A_626 = arith.constant 0 : i32
      %dma_wait3A_627 = tpu.memref_slice %arg10[%dma_wait3A_625, %dma_wait3A_626] : memref<64x129xf32, #tpu.memory_space<vmem>> -> memref<8x128xf32, #tpu.memory_space<vmem>>
      tpu.wait_dma2 semaphore(%arg16 : memref<!tpu.dma_semaphore, #tpu.memory_space<semaphore_mem>>) src(%dma_wait3A_627 : memref<8x128xf32, #tpu.memory_space<vmem>>) dst(%dma_wait3A_624 : memref<8x128xf32, #tpu.memory_space<hbm>>)
      %dma_wait3A_628 = arith.constant 0 : i32
      %dma_wait3A_629 = arith.constant 3 : i32
      %dma_wait3A_630 = arith.constant 24 : i32
      %dma_wait3A_631 = arith.constant 0 : i32
      %dma_wait3A_632 = tpu.memref_slice %arg10[%dma_wait3A_630, %dma_wait3A_631] : memref<64x129xf32, #tpu.memory_space<vmem>> -> memref<8x128xf32, #tpu.memory_space<vmem>>
      %dma_wait3A_633 = arith.constant 0 : i32
      %dma_wait3A_634 = arith.constant 0 : i32
      %dma_wait3A_635 = tpu.memref_slice %arg4[%dma_wait3A_628, %dma_wait3A_629, %add3A, %dma_wait3A_633, %dma_wait3A_634] : memref<200x8x32x8x128xf32, #tpu.memory_space<hbm>> -> memref<1x1x1x8x128xf32, #tpu.memory_space<hbm>>
      %dma_wait3A_636 = tpu.memref_squeeze %dma_wait3A_635 : memref<1x1x1x8x128xf32, #tpu.memory_space<hbm>> -> memref<8x128xf32, #tpu.memory_space<hbm>>
      %dma_wait3A_637 = arith.constant 0 : i32
      %dma_wait3A_638 = arith.constant 0 : i32
      %dma_wait3A_639 = tpu.memref_slice %arg4[%dma_wait3A_628, %dma_wait3A_629, %add3A, %dma_wait3A_637, %dma_wait3A_638] : memref<200x8x32x8x128xf32, #tpu.memory_space<hbm>> -> memref<1x1x1x8x128xf32, #tpu.memory_space<hbm>>
      %dma_wait3A_640 = tpu.memref_squeeze %dma_wait3A_639 : memref<1x1x1x8x128xf32, #tpu.memory_space<hbm>> -> memref<8x128xf32, #tpu.memory_space<hbm>>
      %dma_wait3A_641 = arith.constant 24 : i32
      %dma_wait3A_642 = arith.constant 0 : i32
      %dma_wait3A_643 = tpu.memref_slice %arg10[%dma_wait3A_641, %dma_wait3A_642] : memref<64x129xf32, #tpu.memory_space<vmem>> -> memref<8x128xf32, #tpu.memory_space<vmem>>
      tpu.wait_dma2 semaphore(%arg16 : memref<!tpu.dma_semaphore, #tpu.memory_space<semaphore_mem>>) src(%dma_wait3A_643 : memref<8x128xf32, #tpu.memory_space<vmem>>) dst(%dma_wait3A_640 : memref<8x128xf32, #tpu.memory_space<hbm>>)
      %dma_wait3A_644 = arith.constant 0 : i32
      %dma_wait3A_645 = arith.constant 4 : i32
      %dma_wait3A_646 = arith.constant 32 : i32
      %dma_wait3A_647 = arith.constant 0 : i32
      %dma_wait3A_648 = tpu.memref_slice %arg10[%dma_wait3A_646, %dma_wait3A_647] : memref<64x129xf32, #tpu.memory_space<vmem>> -> memref<8x128xf32, #tpu.memory_space<vmem>>
      %dma_wait3A_649 = arith.constant 0 : i32
      %dma_wait3A_650 = arith.constant 0 : i32
      %dma_wait3A_651 = tpu.memref_slice %arg4[%dma_wait3A_644, %dma_wait3A_645, %add3A, %dma_wait3A_649, %dma_wait3A_650] : memref<200x8x32x8x128xf32, #tpu.memory_space<hbm>> -> memref<1x1x1x8x128xf32, #tpu.memory_space<hbm>>
      %dma_wait3A_652 = tpu.memref_squeeze %dma_wait3A_651 : memref<1x1x1x8x128xf32, #tpu.memory_space<hbm>> -> memref<8x128xf32, #tpu.memory_space<hbm>>
      %dma_wait3A_653 = arith.constant 0 : i32
      %dma_wait3A_654 = arith.constant 0 : i32
      %dma_wait3A_655 = tpu.memref_slice %arg4[%dma_wait3A_644, %dma_wait3A_645, %add3A, %dma_wait3A_653, %dma_wait3A_654] : memref<200x8x32x8x128xf32, #tpu.memory_space<hbm>> -> memref<1x1x1x8x128xf32, #tpu.memory_space<hbm>>
      %dma_wait3A_656 = tpu.memref_squeeze %dma_wait3A_655 : memref<1x1x1x8x128xf32, #tpu.memory_space<hbm>> -> memref<8x128xf32, #tpu.memory_space<hbm>>
      %dma_wait3A_657 = arith.constant 32 : i32
      %dma_wait3A_658 = arith.constant 0 : i32
      %dma_wait3A_659 = tpu.memref_slice %arg10[%dma_wait3A_657, %dma_wait3A_658] : memref<64x129xf32, #tpu.memory_space<vmem>> -> memref<8x128xf32, #tpu.memory_space<vmem>>
      tpu.wait_dma2 semaphore(%arg16 : memref<!tpu.dma_semaphore, #tpu.memory_space<semaphore_mem>>) src(%dma_wait3A_659 : memref<8x128xf32, #tpu.memory_space<vmem>>) dst(%dma_wait3A_656 : memref<8x128xf32, #tpu.memory_space<hbm>>)
      %dma_wait3A_660 = arith.constant 0 : i32
      %dma_wait3A_661 = arith.constant 5 : i32
      %dma_wait3A_662 = arith.constant 40 : i32
      %dma_wait3A_663 = arith.constant 0 : i32
      %dma_wait3A_664 = tpu.memref_slice %arg10[%dma_wait3A_662, %dma_wait3A_663] : memref<64x129xf32, #tpu.memory_space<vmem>> -> memref<8x128xf32, #tpu.memory_space<vmem>>
      %dma_wait3A_665 = arith.constant 0 : i32
      %dma_wait3A_666 = arith.constant 0 : i32
      %dma_wait3A_667 = tpu.memref_slice %arg4[%dma_wait3A_660, %dma_wait3A_661, %add3A, %dma_wait3A_665, %dma_wait3A_666] : memref<200x8x32x8x128xf32, #tpu.memory_space<hbm>> -> memref<1x1x1x8x128xf32, #tpu.memory_space<hbm>>
      %dma_wait3A_668 = tpu.memref_squeeze %dma_wait3A_667 : memref<1x1x1x8x128xf32, #tpu.memory_space<hbm>> -> memref<8x128xf32, #tpu.memory_space<hbm>>
      %dma_wait3A_669 = arith.constant 0 : i32
      %dma_wait3A_670 = arith.constant 0 : i32
      %dma_wait3A_671 = tpu.memref_slice %arg4[%dma_wait3A_660, %dma_wait3A_661, %add3A, %dma_wait3A_669, %dma_wait3A_670] : memref<200x8x32x8x128xf32, #tpu.memory_space<hbm>> -> memref<1x1x1x8x128xf32, #tpu.memory_space<hbm>>
      %dma_wait3A_672 = tpu.memref_squeeze %dma_wait3A_671 : memref<1x1x1x8x128xf32, #tpu.memory_space<hbm>> -> memref<8x128xf32, #tpu.memory_space<hbm>>
      %dma_wait3A_673 = arith.constant 40 : i32
      %dma_wait3A_674 = arith.constant 0 : i32
      %dma_wait3A_675 = tpu.memref_slice %arg10[%dma_wait3A_673, %dma_wait3A_674] : memref<64x129xf32, #tpu.memory_space<vmem>> -> memref<8x128xf32, #tpu.memory_space<vmem>>
      tpu.wait_dma2 semaphore(%arg16 : memref<!tpu.dma_semaphore, #tpu.memory_space<semaphore_mem>>) src(%dma_wait3A_675 : memref<8x128xf32, #tpu.memory_space<vmem>>) dst(%dma_wait3A_672 : memref<8x128xf32, #tpu.memory_space<hbm>>)
      %dma_wait3A_676 = arith.constant 0 : i32
      %dma_wait3A_677 = arith.constant 6 : i32
      %dma_wait3A_678 = arith.constant 48 : i32
      %dma_wait3A_679 = arith.constant 0 : i32
      %dma_wait3A_680 = tpu.memref_slice %arg10[%dma_wait3A_678, %dma_wait3A_679] : memref<64x129xf32, #tpu.memory_space<vmem>> -> memref<8x128xf32, #tpu.memory_space<vmem>>
      %dma_wait3A_681 = arith.constant 0 : i32
      %dma_wait3A_682 = arith.constant 0 : i32
      %dma_wait3A_683 = tpu.memref_slice %arg4[%dma_wait3A_676, %dma_wait3A_677, %add3A, %dma_wait3A_681, %dma_wait3A_682] : memref<200x8x32x8x128xf32, #tpu.memory_space<hbm>> -> memref<1x1x1x8x128xf32, #tpu.memory_space<hbm>>
      %dma_wait3A_684 = tpu.memref_squeeze %dma_wait3A_683 : memref<1x1x1x8x128xf32, #tpu.memory_space<hbm>> -> memref<8x128xf32, #tpu.memory_space<hbm>>
      %dma_wait3A_685 = arith.constant 0 : i32
      %dma_wait3A_686 = arith.constant 0 : i32
      %dma_wait3A_687 = tpu.memref_slice %arg4[%dma_wait3A_676, %dma_wait3A_677, %add3A, %dma_wait3A_685, %dma_wait3A_686] : memref<200x8x32x8x128xf32, #tpu.memory_space<hbm>> -> memref<1x1x1x8x128xf32, #tpu.memory_space<hbm>>
      %dma_wait3A_688 = tpu.memref_squeeze %dma_wait3A_687 : memref<1x1x1x8x128xf32, #tpu.memory_space<hbm>> -> memref<8x128xf32, #tpu.memory_space<hbm>>
      %dma_wait3A_689 = arith.constant 48 : i32
      %dma_wait3A_690 = arith.constant 0 : i32
      %dma_wait3A_691 = tpu.memref_slice %arg10[%dma_wait3A_689, %dma_wait3A_690] : memref<64x129xf32, #tpu.memory_space<vmem>> -> memref<8x128xf32, #tpu.memory_space<vmem>>
      tpu.wait_dma2 semaphore(%arg16 : memref<!tpu.dma_semaphore, #tpu.memory_space<semaphore_mem>>) src(%dma_wait3A_691 : memref<8x128xf32, #tpu.memory_space<vmem>>) dst(%dma_wait3A_688 : memref<8x128xf32, #tpu.memory_space<hbm>>)
      %dma_wait3A_692 = arith.constant 0 : i32
      %dma_wait3A_693 = arith.constant 7 : i32
      %dma_wait3A_694 = arith.constant 56 : i32
      %dma_wait3A_695 = arith.constant 0 : i32
      %dma_wait3A_696 = tpu.memref_slice %arg10[%dma_wait3A_694, %dma_wait3A_695] : memref<64x129xf32, #tpu.memory_space<vmem>> -> memref<8x128xf32, #tpu.memory_space<vmem>>
      %dma_wait3A_697 = arith.constant 0 : i32
      %dma_wait3A_698 = arith.constant 0 : i32
      %dma_wait3A_699 = tpu.memref_slice %arg4[%dma_wait3A_692, %dma_wait3A_693, %add3A, %dma_wait3A_697, %dma_wait3A_698] : memref<200x8x32x8x128xf32, #tpu.memory_space<hbm>> -> memref<1x1x1x8x128xf32, #tpu.memory_space<hbm>>
      %dma_wait3A_700 = tpu.memref_squeeze %dma_wait3A_699 : memref<1x1x1x8x128xf32, #tpu.memory_space<hbm>> -> memref<8x128xf32, #tpu.memory_space<hbm>>
      %dma_wait3A_701 = arith.constant 0 : i32
      %dma_wait3A_702 = arith.constant 0 : i32
      %dma_wait3A_703 = tpu.memref_slice %arg4[%dma_wait3A_692, %dma_wait3A_693, %add3A, %dma_wait3A_701, %dma_wait3A_702] : memref<200x8x32x8x128xf32, #tpu.memory_space<hbm>> -> memref<1x1x1x8x128xf32, #tpu.memory_space<hbm>>
      %dma_wait3A_704 = tpu.memref_squeeze %dma_wait3A_703 : memref<1x1x1x8x128xf32, #tpu.memory_space<hbm>> -> memref<8x128xf32, #tpu.memory_space<hbm>>
      %dma_wait3A_705 = arith.constant 56 : i32
      %dma_wait3A_706 = arith.constant 0 : i32
      %dma_wait3A_707 = tpu.memref_slice %arg10[%dma_wait3A_705, %dma_wait3A_706] : memref<64x129xf32, #tpu.memory_space<vmem>> -> memref<8x128xf32, #tpu.memory_space<vmem>>
      tpu.wait_dma2 semaphore(%arg16 : memref<!tpu.dma_semaphore, #tpu.memory_space<semaphore_mem>>) src(%dma_wait3A_707 : memref<8x128xf32, #tpu.memory_space<vmem>>) dst(%dma_wait3A_704 : memref<8x128xf32, #tpu.memory_space<hbm>>)
      %dma_wait3A_708 = arith.constant 0 : i32
      %dma_wait3A_709 = tpu.memref_slice %arg5[%add3A_579, %dma_wait3A_708] : memref<200x128xi32, #tpu.memory_space<vmem>> -> memref<1x128xi32, #tpu.memory_space<vmem>>
      %dma_wait3A_710 = tpu.memref_squeeze %dma_wait3A_709 : memref<1x128xi32, #tpu.memory_space<vmem>> -> memref<128xi32, #tpu.memory_space<vmem>>
      %dma_wait3A_711 = arith.constant 0 : i32
      %dma_wait3A_712 = arith.constant 0 : i32
      %dma_wait3A_713 = tpu.memref_slice %arg3[%dma_wait3A_711, %dma_wait3A_712] : memref<1000000x64xf32, #tpu.memory_space<hbm>> -> memref<1000000x64xf32, #tpu.memory_space<hbm>>
      tpu.wait_indirect_dma semaphore(%arg14 : memref<!tpu.dma_semaphore, #tpu.memory_space<semaphore_mem>>) src(%dma_wait3A_713 : memref<1000000x64xf32, #tpu.memory_space<hbm>>) dst(%arg8 : memref<128x64xf32, #tpu.memory_space<vmem>>)
      %parallel_loop3A_714 = arith.constant 0 : i32
      %parallel_loop3A_715 = arith.constant 128 : i32
      %parallel_loop3A_716 = arith.constant 1 : i32
      scf.for %parallel_loop3A_1112 = %parallel_loop3A_714 to %parallel_loop3A_715 step %parallel_loop3A_716  : i32 {
        %parallel_loop3A_1113 = vector.broadcast %parallel_loop3A_1112 : i32 to vector<16xi32>
        %parallel_loop3A_1114 = arith.index_cast %parallel_loop3A_1112 : i32 to index
        %parallel_loop3A_1115 = arith.constant 0 : index
        %parallel_loop3A_1116 = tpu.vector_load %arg8[%parallel_loop3A_1114, %parallel_loop3A_1115] {strides = array<i32>} : memref<128x64xf32, #tpu.memory_space<vmem>>, vector<16xf32>,
        %parallel_loop3A_1117 = arith.constant 0 : i32
        %parallel_loop3A_1118 = vector.broadcast %parallel_loop3A_1117 : i32 to vector<16xi32>
        %parallel_loop3A_1119 = arith.addi %iota3A, %parallel_loop3A_1118 : vector<16xi32>
        %parallel_loop3A_1120 = arith.constant 8.000000e+00 : f32
        %parallel_loop3A_1121 = vector.broadcast %parallel_loop3A_1120 : f32 to vector<16xf32>
        %parallel_loop3A_1122 = arith.mulf %parallel_loop3A_1116, %parallel_loop3A_1121 : vector<16xf32>
        tpu.vector_store_idx %arg10[%parallel_loop3A_1119, %parallel_loop3A_1113], %parallel_loop3A_1122 : memref<64x129xf32, #tpu.memory_space<vmem>>[vector<16xi32>, vector<16xi32>], vector<16xf32>,
        %parallel_loop3A_1123 = arith.index_cast %parallel_loop3A_1112 : i32 to index
        %parallel_loop3A_1124 = arith.constant 16 : index
        %parallel_loop3A_1125 = tpu.vector_load %arg8[%parallel_loop3A_1123, %parallel_loop3A_1124] {strides = array<i32>} : memref<128x64xf32, #tpu.memory_space<vmem>>, vector<16xf32>,
        %parallel_loop3A_1126 = arith.constant 16 : i32
        %parallel_loop3A_1127 = vector.broadcast %parallel_loop3A_1126 : i32 to vector<16xi32>
        %parallel_loop3A_1128 = arith.addi %iota3A, %parallel_loop3A_1127 : vector<16xi32>
        %parallel_loop3A_1129 = arith.constant 8.000000e+00 : f32
        %parallel_loop3A_1130 = vector.broadcast %parallel_loop3A_1129 : f32 to vector<16xf32>
        %parallel_loop3A_1131 = arith.mulf %parallel_loop3A_1125, %parallel_loop3A_1130 : vector<16xf32>
        tpu.vector_store_idx %arg10[%parallel_loop3A_1128, %parallel_loop3A_1113], %parallel_loop3A_1131 : memref<64x129xf32, #tpu.memory_space<vmem>>[vector<16xi32>, vector<16xi32>], vector<16xf32>,
        %parallel_loop3A_1132 = arith.index_cast %parallel_loop3A_1112 : i32 to index
        %parallel_loop3A_1133 = arith.constant 32 : index
        %parallel_loop3A_1134 = tpu.vector_load %arg8[%parallel_loop3A_1132, %parallel_loop3A_1133] {strides = array<i32>} : memref<128x64xf32, #tpu.memory_space<vmem>>, vector<16xf32>,
        %parallel_loop3A_1135 = arith.constant 32 : i32
        %parallel_loop3A_1136 = vector.broadcast %parallel_loop3A_1135 : i32 to vector<16xi32>
        %parallel_loop3A_1137 = arith.addi %iota3A, %parallel_loop3A_1136 : vector<16xi32>
        %parallel_loop3A_1138 = arith.constant 8.000000e+00 : f32
        %parallel_loop3A_1139 = vector.broadcast %parallel_loop3A_1138 : f32 to vector<16xf32>
        %parallel_loop3A_1140 = arith.mulf %parallel_loop3A_1134, %parallel_loop3A_1139 : vector<16xf32>
        tpu.vector_store_idx %arg10[%parallel_loop3A_1137, %parallel_loop3A_1113], %parallel_loop3A_1140 : memref<64x129xf32, #tpu.memory_space<vmem>>[vector<16xi32>, vector<16xi32>], vector<16xf32>,
        %parallel_loop3A_1141 = arith.index_cast %parallel_loop3A_1112 : i32 to index
        %parallel_loop3A_1142 = arith.constant 48 : index
        %parallel_loop3A_1143 = tpu.vector_load %arg8[%parallel_loop3A_1141, %parallel_loop3A_1142] {strides = array<i32>} : memref<128x64xf32, #tpu.memory_space<vmem>>, vector<16xf32>,
        %parallel_loop3A_1144 = arith.constant 48 : i32
        %parallel_loop3A_1145 = vector.broadcast %parallel_loop3A_1144 : i32 to vector<16xi32>
        %parallel_loop3A_1146 = arith.addi %iota3A, %parallel_loop3A_1145 : vector<16xi32>
        %parallel_loop3A_1147 = arith.constant 8.000000e+00 : f32
        %parallel_loop3A_1148 = vector.broadcast %parallel_loop3A_1147 : f32 to vector<16xf32>
        %parallel_loop3A_1149 = arith.mulf %parallel_loop3A_1143, %parallel_loop3A_1148 : vector<16xf32>
        tpu.vector_store_idx %arg10[%parallel_loop3A_1146, %parallel_loop3A_1113], %parallel_loop3A_1149 : memref<64x129xf32, #tpu.memory_space<vmem>>[vector<16xi32>, vector<16xi32>], vector<16xf32>,
      } {sc.loop_unroll_factor = 2 : i64, sc.parallel_access}
      %dma_start3A_717 = arith.constant 0 : i32
      %dma_start3A_718 = arith.constant 0 : i32
      %dma_start3A_719 = arith.constant 0 : i32
      %dma_start3A_720 = tpu.memref_slice %arg10[%dma_start3A_718, %dma_start3A_719] : memref<64x129xf32, #tpu.memory_space<vmem>> -> memref<8x128xf32, #tpu.memory_space<vmem>>
      %dma_start3A_721 = arith.constant 0 : i32
      %dma_start3A_722 = arith.constant 0 : i32
      %dma_start3A_723 = tpu.memref_slice %arg4[%add3A_579, %dma_start3A_717, %add3A, %dma_start3A_721, %dma_start3A_722] : memref<200x8x32x8x128xf32, #tpu.memory_space<hbm>> -> memref<1x1x1x8x128xf32, #tpu.memory_space<hbm>>
      %dma_start3A_724 = tpu.memref_squeeze %dma_start3A_723 : memref<1x1x1x8x128xf32, #tpu.memory_space<hbm>> -> memref<8x128xf32, #tpu.memory_space<hbm>>
      %dma_start3A_725 = arith.constant 0 : i32
      %dma_start3A_726 = arith.constant 0 : i32
      %dma_start3A_727 = tpu.memref_slice %arg4[%add3A_579, %dma_start3A_717, %add3A, %dma_start3A_725, %dma_start3A_726] : memref<200x8x32x8x128xf32, #tpu.memory_space<hbm>> -> memref<1x1x1x8x128xf32, #tpu.memory_space<hbm>>
      %dma_start3A_728 = tpu.memref_squeeze %dma_start3A_727 : memref<1x1x1x8x128xf32, #tpu.memory_space<hbm>> -> memref<8x128xf32, #tpu.memory_space<hbm>>
      %dma_start3A_729 = arith.constant 0 : i32
      %dma_start3A_730 = arith.constant 0 : i32
      %dma_start3A_731 = tpu.memref_slice %arg10[%dma_start3A_729, %dma_start3A_730] : memref<64x129xf32, #tpu.memory_space<vmem>> -> memref<8x128xf32, #tpu.memory_space<vmem>>
      tpu.enqueue_dma source(%dma_start3A_731 : memref<8x128xf32, #tpu.memory_space<vmem>>) target(%dma_start3A_728 : memref<8x128xf32, #tpu.memory_space<hbm>>) target_semaphore(%arg16 : memref<!tpu.dma_semaphore, #tpu.memory_space<semaphore_mem>>)
      %dma_start3A_732 = arith.constant 1 : i32
      %dma_start3A_733 = arith.constant 8 : i32
      %dma_start3A_734 = arith.constant 0 : i32
      %dma_start3A_735 = tpu.memref_slice %arg10[%dma_start3A_733, %dma_start3A_734] : memref<64x129xf32, #tpu.memory_space<vmem>> -> memref<8x128xf32, #tpu.memory_space<vmem>>
      %dma_start3A_736 = arith.constant 0 : i32
      %dma_start3A_737 = arith.constant 0 : i32
      %dma_start3A_738 = tpu.memref_slice %arg4[%add3A_579, %dma_start3A_732, %add3A, %dma_start3A_736, %dma_start3A_737] : memref<200x8x32x8x128xf32, #tpu.memory_space<hbm>> -> memref<1x1x1x8x128xf32, #tpu.memory_space<hbm>>
      %dma_start3A_739 = tpu.memref_squeeze %dma_start3A_738 : memref<1x1x1x8x128xf32, #tpu.memory_space<hbm>> -> memref<8x128xf32, #tpu.memory_space<hbm>>
      %dma_start3A_740 = arith.constant 0 : i32
      %dma_start3A_741 = arith.constant 0 : i32
      %dma_start3A_742 = tpu.memref_slice %arg4[%add3A_579, %dma_start3A_732, %add3A, %dma_start3A_740, %dma_start3A_741] : memref<200x8x32x8x128xf32, #tpu.memory_space<hbm>> -> memref<1x1x1x8x128xf32, #tpu.memory_space<hbm>>
      %dma_start3A_743 = tpu.memref_squeeze %dma_start3A_742 : memref<1x1x1x8x128xf32, #tpu.memory_space<hbm>> -> memref<8x128xf32, #tpu.memory_space<hbm>>
      %dma_start3A_744 = arith.constant 8 : i32
      %dma_start3A_745 = arith.constant 0 : i32
      %dma_start3A_746 = tpu.memref_slice %arg10[%dma_start3A_744, %dma_start3A_745] : memref<64x129xf32, #tpu.memory_space<vmem>> -> memref<8x128xf32, #tpu.memory_space<vmem>>
      tpu.enqueue_dma source(%dma_start3A_746 : memref<8x128xf32, #tpu.memory_space<vmem>>) target(%dma_start3A_743 : memref<8x128xf32, #tpu.memory_space<hbm>>) target_semaphore(%arg16 : memref<!tpu.dma_semaphore, #tpu.memory_space<semaphore_mem>>)
      %dma_start3A_747 = arith.constant 2 : i32
      %dma_start3A_748 = arith.constant 16 : i32
      %dma_start3A_749 = arith.constant 0 : i32
      %dma_start3A_750 = tpu.memref_slice %arg10[%dma_start3A_748, %dma_start3A_749] : memref<64x129xf32, #tpu.memory_space<vmem>> -> memref<8x128xf32, #tpu.memory_space<vmem>>
      %dma_start3A_751 = arith.constant 0 : i32
      %dma_start3A_752 = arith.constant 0 : i32
      %dma_start3A_753 = tpu.memref_slice %arg4[%add3A_579, %dma_start3A_747, %add3A, %dma_start3A_751, %dma_start3A_752] : memref<200x8x32x8x128xf32, #tpu.memory_space<hbm>> -> memref<1x1x1x8x128xf32, #tpu.memory_space<hbm>>
      %dma_start3A_754 = tpu.memref_squeeze %dma_start3A_753 : memref<1x1x1x8x128xf32, #tpu.memory_space<hbm>> -> memref<8x128xf32, #tpu.memory_space<hbm>>
      %dma_start3A_755 = arith.constant 0 : i32
      %dma_start3A_756 = arith.constant 0 : i32
      %dma_start3A_757 = tpu.memref_slice %arg4[%add3A_579, %dma_start3A_747, %add3A, %dma_start3A_755, %dma_start3A_756] : memref<200x8x32x8x128xf32, #tpu.memory_space<hbm>> -> memref<1x1x1x8x128xf32, #tpu.memory_space<hbm>>
      %dma_start3A_758 = tpu.memref_squeeze %dma_start3A_757 : memref<1x1x1x8x128xf32, #tpu.memory_space<hbm>> -> memref<8x128xf32, #tpu.memory_space<hbm>>
      %dma_start3A_759 = arith.constant 16 : i32
      %dma_start3A_760 = arith.constant 0 : i32
      %dma_start3A_761 = tpu.memref_slice %arg10[%dma_start3A_759, %dma_start3A_760] : memref<64x129xf32, #tpu.memory_space<vmem>> -> memref<8x128xf32, #tpu.memory_space<vmem>>
      tpu.enqueue_dma source(%dma_start3A_761 : memref<8x128xf32, #tpu.memory_space<vmem>>) target(%dma_start3A_758 : memref<8x128xf32, #tpu.memory_space<hbm>>) target_semaphore(%arg16 : memref<!tpu.dma_semaphore, #tpu.memory_space<semaphore_mem>>)
      %dma_start3A_762 = arith.constant 3 : i32
      %dma_start3A_763 = arith.constant 24 : i32
      %dma_start3A_764 = arith.constant 0 : i32
      %dma_start3A_765 = tpu.memref_slice %arg10[%dma_start3A_763, %dma_start3A_764] : memref<64x129xf32, #tpu.memory_space<vmem>> -> memref<8x128xf32, #tpu.memory_space<vmem>>
      %dma_start3A_766 = arith.constant 0 : i32
      %dma_start3A_767 = arith.constant 0 : i32
      %dma_start3A_768 = tpu.memref_slice %arg4[%add3A_579, %dma_start3A_762, %add3A, %dma_start3A_766, %dma_start3A_767] : memref<200x8x32x8x128xf32, #tpu.memory_space<hbm>> -> memref<1x1x1x8x128xf32, #tpu.memory_space<hbm>>
      %dma_start3A_769 = tpu.memref_squeeze %dma_start3A_768 : memref<1x1x1x8x128xf32, #tpu.memory_space<hbm>> -> memref<8x128xf32, #tpu.memory_space<hbm>>
      %dma_start3A_770 = arith.constant 0 : i32
      %dma_start3A_771 = arith.constant 0 : i32
      %dma_start3A_772 = tpu.memref_slice %arg4[%add3A_579, %dma_start3A_762, %add3A, %dma_start3A_770, %dma_start3A_771] : memref<200x8x32x8x128xf32, #tpu.memory_space<hbm>> -> memref<1x1x1x8x128xf32, #tpu.memory_space<hbm>>
      %dma_start3A_773 = tpu.memref_squeeze %dma_start3A_772 : memref<1x1x1x8x128xf32, #tpu.memory_space<hbm>> -> memref<8x128xf32, #tpu.memory_space<hbm>>
      %dma_start3A_774 = arith.constant 24 : i32
      %dma_start3A_775 = arith.constant 0 : i32
      %dma_start3A_776 = tpu.memref_slice %arg10[%dma_start3A_774, %dma_start3A_775] : memref<64x129xf32, #tpu.memory_space<vmem>> -> memref<8x128xf32, #tpu.memory_space<vmem>>
      tpu.enqueue_dma source(%dma_start3A_776 : memref<8x128xf32, #tpu.memory_space<vmem>>) target(%dma_start3A_773 : memref<8x128xf32, #tpu.memory_space<hbm>>) target_semaphore(%arg16 : memref<!tpu.dma_semaphore, #tpu.memory_space<semaphore_mem>>)
      %dma_start3A_777 = arith.constant 4 : i32
      %dma_start3A_778 = arith.constant 32 : i32
      %dma_start3A_779 = arith.constant 0 : i32
      %dma_start3A_780 = tpu.memref_slice %arg10[%dma_start3A_778, %dma_start3A_779] : memref<64x129xf32, #tpu.memory_space<vmem>> -> memref<8x128xf32, #tpu.memory_space<vmem>>
      %dma_start3A_781 = arith.constant 0 : i32
      %dma_start3A_782 = arith.constant 0 : i32
      %dma_start3A_783 = tpu.memref_slice %arg4[%add3A_579, %dma_start3A_777, %add3A, %dma_start3A_781, %dma_start3A_782] : memref<200x8x32x8x128xf32, #tpu.memory_space<hbm>> -> memref<1x1x1x8x128xf32, #tpu.memory_space<hbm>>
      %dma_start3A_784 = tpu.memref_squeeze %dma_start3A_783 : memref<1x1x1x8x128xf32, #tpu.memory_space<hbm>> -> memref<8x128xf32, #tpu.memory_space<hbm>>
      %dma_start3A_785 = arith.constant 0 : i32
      %dma_start3A_786 = arith.constant 0 : i32
      %dma_start3A_787 = tpu.memref_slice %arg4[%add3A_579, %dma_start3A_777, %add3A, %dma_start3A_785, %dma_start3A_786] : memref<200x8x32x8x128xf32, #tpu.memory_space<hbm>> -> memref<1x1x1x8x128xf32, #tpu.memory_space<hbm>>
      %dma_start3A_788 = tpu.memref_squeeze %dma_start3A_787 : memref<1x1x1x8x128xf32, #tpu.memory_space<hbm>> -> memref<8x128xf32, #tpu.memory_space<hbm>>
      %dma_start3A_789 = arith.constant 32 : i32
      %dma_start3A_790 = arith.constant 0 : i32
      %dma_start3A_791 = tpu.memref_slice %arg10[%dma_start3A_789, %dma_start3A_790] : memref<64x129xf32, #tpu.memory_space<vmem>> -> memref<8x128xf32, #tpu.memory_space<vmem>>
      tpu.enqueue_dma source(%dma_start3A_791 : memref<8x128xf32, #tpu.memory_space<vmem>>) target(%dma_start3A_788 : memref<8x128xf32, #tpu.memory_space<hbm>>) target_semaphore(%arg16 : memref<!tpu.dma_semaphore, #tpu.memory_space<semaphore_mem>>)
      %dma_start3A_792 = arith.constant 5 : i32
      %dma_start3A_793 = arith.constant 40 : i32
      %dma_start3A_794 = arith.constant 0 : i32
      %dma_start3A_795 = tpu.memref_slice %arg10[%dma_start3A_793, %dma_start3A_794] : memref<64x129xf32, #tpu.memory_space<vmem>> -> memref<8x128xf32, #tpu.memory_space<vmem>>
      %dma_start3A_796 = arith.constant 0 : i32
      %dma_start3A_797 = arith.constant 0 : i32
      %dma_start3A_798 = tpu.memref_slice %arg4[%add3A_579, %dma_start3A_792, %add3A, %dma_start3A_796, %dma_start3A_797] : memref<200x8x32x8x128xf32, #tpu.memory_space<hbm>> -> memref<1x1x1x8x128xf32, #tpu.memory_space<hbm>>
      %dma_start3A_799 = tpu.memref_squeeze %dma_start3A_798 : memref<1x1x1x8x128xf32, #tpu.memory_space<hbm>> -> memref<8x128xf32, #tpu.memory_space<hbm>>
      %dma_start3A_800 = arith.constant 0 : i32
      %dma_start3A_801 = arith.constant 0 : i32
      %dma_start3A_802 = tpu.memref_slice %arg4[%add3A_579, %dma_start3A_792, %add3A, %dma_start3A_800, %dma_start3A_801] : memref<200x8x32x8x128xf32, #tpu.memory_space<hbm>> -> memref<1x1x1x8x128xf32, #tpu.memory_space<hbm>>
      %dma_start3A_803 = tpu.memref_squeeze %dma_start3A_802 : memref<1x1x1x8x128xf32, #tpu.memory_space<hbm>> -> memref<8x128xf32, #tpu.memory_space<hbm>>
      %dma_start3A_804 = arith.constant 40 : i32
      %dma_start3A_805 = arith.constant 0 : i32
      %dma_start3A_806 = tpu.memref_slice %arg10[%dma_start3A_804, %dma_start3A_805] : memref<64x129xf32, #tpu.memory_space<vmem>> -> memref<8x128xf32, #tpu.memory_space<vmem>>
      tpu.enqueue_dma source(%dma_start3A_806 : memref<8x128xf32, #tpu.memory_space<vmem>>) target(%dma_start3A_803 : memref<8x128xf32, #tpu.memory_space<hbm>>) target_semaphore(%arg16 : memref<!tpu.dma_semaphore, #tpu.memory_space<semaphore_mem>>)
      %dma_start3A_807 = arith.constant 6 : i32
      %dma_start3A_808 = arith.constant 48 : i32
      %dma_start3A_809 = arith.constant 0 : i32
      %dma_start3A_810 = tpu.memref_slice %arg10[%dma_start3A_808, %dma_start3A_809] : memref<64x129xf32, #tpu.memory_space<vmem>> -> memref<8x128xf32, #tpu.memory_space<vmem>>
      %dma_start3A_811 = arith.constant 0 : i32
      %dma_start3A_812 = arith.constant 0 : i32
      %dma_start3A_813 = tpu.memref_slice %arg4[%add3A_579, %dma_start3A_807, %add3A, %dma_start3A_811, %dma_start3A_812] : memref<200x8x32x8x128xf32, #tpu.memory_space<hbm>> -> memref<1x1x1x8x128xf32, #tpu.memory_space<hbm>>
      %dma_start3A_814 = tpu.memref_squeeze %dma_start3A_813 : memref<1x1x1x8x128xf32, #tpu.memory_space<hbm>> -> memref<8x128xf32, #tpu.memory_space<hbm>>
      %dma_start3A_815 = arith.constant 0 : i32
      %dma_start3A_816 = arith.constant 0 : i32
      %dma_start3A_817 = tpu.memref_slice %arg4[%add3A_579, %dma_start3A_807, %add3A, %dma_start3A_815, %dma_start3A_816] : memref<200x8x32x8x128xf32, #tpu.memory_space<hbm>> -> memref<1x1x1x8x128xf32, #tpu.memory_space<hbm>>
      %dma_start3A_818 = tpu.memref_squeeze %dma_start3A_817 : memref<1x1x1x8x128xf32, #tpu.memory_space<hbm>> -> memref<8x128xf32, #tpu.memory_space<hbm>>
      %dma_start3A_819 = arith.constant 48 : i32
      %dma_start3A_820 = arith.constant 0 : i32
      %dma_start3A_821 = tpu.memref_slice %arg10[%dma_start3A_819, %dma_start3A_820] : memref<64x129xf32, #tpu.memory_space<vmem>> -> memref<8x128xf32, #tpu.memory_space<vmem>>
      tpu.enqueue_dma source(%dma_start3A_821 : memref<8x128xf32, #tpu.memory_space<vmem>>) target(%dma_start3A_818 : memref<8x128xf32, #tpu.memory_space<hbm>>) target_semaphore(%arg16 : memref<!tpu.dma_semaphore, #tpu.memory_space<semaphore_mem>>)
      %dma_start3A_822 = arith.constant 7 : i32
      %dma_start3A_823 = arith.constant 56 : i32
      %dma_start3A_824 = arith.constant 0 : i32
      %dma_start3A_825 = tpu.memref_slice %arg10[%dma_start3A_823, %dma_start3A_824] : memref<64x129xf32, #tpu.memory_space<vmem>> -> memref<8x128xf32, #tpu.memory_space<vmem>>
      %dma_start3A_826 = arith.constant 0 : i32
      %dma_start3A_827 = arith.constant 0 : i32
      %dma_start3A_828 = tpu.memref_slice %arg4[%add3A_579, %dma_start3A_822, %add3A, %dma_start3A_826, %dma_start3A_827] : memref<200x8x32x8x128xf32, #tpu.memory_space<hbm>> -> memref<1x1x1x8x128xf32, #tpu.memory_space<hbm>>
      %dma_start3A_829 = tpu.memref_squeeze %dma_start3A_828 : memref<1x1x1x8x128xf32, #tpu.memory_space<hbm>> -> memref<8x128xf32, #tpu.memory_space<hbm>>
      %dma_start3A_830 = arith.constant 0 : i32
      %dma_start3A_831 = arith.constant 0 : i32
      %dma_start3A_832 = tpu.memref_slice %arg4[%add3A_579, %dma_start3A_822, %add3A, %dma_start3A_830, %dma_start3A_831] : memref<200x8x32x8x128xf32, #tpu.memory_space<hbm>> -> memref<1x1x1x8x128xf32, #tpu.memory_space<hbm>>
      %dma_start3A_833 = tpu.memref_squeeze %dma_start3A_832 : memref<1x1x1x8x128xf32, #tpu.memory_space<hbm>> -> memref<8x128xf32, #tpu.memory_space<hbm>>
      %dma_start3A_834 = arith.constant 56 : i32
      %dma_start3A_835 = arith.constant 0 : i32
      %dma_start3A_836 = tpu.memref_slice %arg10[%dma_start3A_834, %dma_start3A_835] : memref<64x129xf32, #tpu.memory_space<vmem>> -> memref<8x128xf32, #tpu.memory_space<vmem>>
      tpu.enqueue_dma source(%dma_start3A_836 : memref<8x128xf32, #tpu.memory_space<vmem>>) target(%dma_start3A_833 : memref<8x128xf32, #tpu.memory_space<hbm>>) target_semaphore(%arg16 : memref<!tpu.dma_semaphore, #tpu.memory_space<semaphore_mem>>)
      %add3A_837 = arith.constant 4 : i32
      %add3A_838 = arith.addi %add3A_579, %add3A_837 : i32
      %lt3A_839 = arith.constant 200 : i32
      %lt3A_840 = arith.cmpi slt, %add3A_838, %lt3A_839 : i32
      %convert_element_type3A_841 = arith.extui %lt3A_840 : i1 to i32
      %cond3A_842 = arith.constant 0 : i32
      %cond3A_843 = arith.cmpi ne, %convert_element_type3A_841, %cond3A_842 : i32
      scf.if %cond3A_843 {
        %add3A_1112 = arith.constant 4 : i32
        %add3A_1113 = arith.addi %add3A_579, %add3A_1112 : i32
        %dma_start3A_1114 = arith.constant 0 : i32
        %dma_start3A_1115 = tpu.memref_slice %arg5[%add3A_1113, %dma_start3A_1114] : memref<200x128xi32, #tpu.memory_space<vmem>> -> memref<1x128xi32, #tpu.memory_space<vmem>>
        %dma_start3A_1116 = tpu.memref_squeeze %dma_start3A_1115 : memref<1x128xi32, #tpu.memory_space<vmem>> -> memref<128xi32, #tpu.memory_space<vmem>>
        %dma_start3A_1117 = arith.constant 0 : i32
        %dma_start3A_1118 = arith.constant 0 : i32
        %dma_start3A_1119 = tpu.memref_slice %arg3[%dma_start3A_1117, %dma_start3A_1118] : memref<1000000x64xf32, #tpu.memory_space<hbm>> -> memref<1000000x64xf32, #tpu.memory_space<hbm>>
        tpu.enqueue_indirect_dma source(%dma_start3A_1119 : memref<1000000x64xf32, #tpu.memory_space<hbm>>) target(%arg8 : memref<128x64xf32, #tpu.memory_space<vmem>>) offsets(%dma_start3A_1116 : memref<128xi32, #tpu.memory_space<vmem>>) semaphore(%arg14 : memref<!tpu.dma_semaphore, #tpu.memory_space<semaphore_mem>>)
      } else {
      }
      %mul3A_844 = arith.constant 4 : i32
      %mul3A_845 = arith.muli %scan3A_290, %mul3A_844 : i32
      %add3A_846 = arith.constant 3 : i32
      %add3A_847 = arith.addi %mul3A_845, %add3A_846 : i32
      %dma_wait3A_848 = arith.constant 0 : i32
      %dma_wait3A_849 = arith.constant 0 : i32
      %dma_wait3A_850 = arith.constant 0 : i32
      %dma_wait3A_851 = arith.constant 0 : i32
      %dma_wait3A_852 = tpu.memref_slice %arg11[%dma_wait3A_850, %dma_wait3A_851] : memref<64x129xf32, #tpu.memory_space<vmem>> -> memref<8x128xf32, #tpu.memory_space<vmem>>
      %dma_wait3A_853 = arith.constant 0 : i32
      %dma_wait3A_854 = arith.constant 0 : i32
      %dma_wait3A_855 = tpu.memref_slice %arg4[%dma_wait3A_848, %dma_wait3A_849, %add3A, %dma_wait3A_853, %dma_wait3A_854] : memref<200x8x32x8x128xf32, #tpu.memory_space<hbm>> -> memref<1x1x1x8x128xf32, #tpu.memory_space<hbm>>
      %dma_wait3A_856 = tpu.memref_squeeze %dma_wait3A_855 : memref<1x1x1x8x128xf32, #tpu.memory_space<hbm>> -> memref<8x128xf32, #tpu.memory_space<hbm>>
      %dma_wait3A_857 = arith.constant 0 : i32
      %dma_wait3A_858 = arith.constant 0 : i32
      %dma_wait3A_859 = tpu.memref_slice %arg4[%dma_wait3A_848, %dma_wait3A_849, %add3A, %dma_wait3A_857, %dma_wait3A_858] : memref<200x8x32x8x128xf32, #tpu.memory_space<hbm>> -> memref<1x1x1x8x128xf32, #tpu.memory_space<hbm>>
      %dma_wait3A_860 = tpu.memref_squeeze %dma_wait3A_859 : memref<1x1x1x8x128xf32, #tpu.memory_space<hbm>> -> memref<8x128xf32, #tpu.memory_space<hbm>>
      %dma_wait3A_861 = arith.constant 0 : i32
      %dma_wait3A_862 = arith.constant 0 : i32
      %dma_wait3A_863 = tpu.memref_slice %arg11[%dma_wait3A_861, %dma_wait3A_862] : memref<64x129xf32, #tpu.memory_space<vmem>> -> memref<8x128xf32, #tpu.memory_space<vmem>>
      tpu.wait_dma2 semaphore(%arg17 : memref<!tpu.dma_semaphore, #tpu.memory_space<semaphore_mem>>) src(%dma_wait3A_863 : memref<8x128xf32, #tpu.memory_space<vmem>>) dst(%dma_wait3A_860 : memref<8x128xf32, #tpu.memory_space<hbm>>)
      %dma_wait3A_864 = arith.constant 0 : i32
      %dma_wait3A_865 = arith.constant 1 : i32
      %dma_wait3A_866 = arith.constant 8 : i32
      %dma_wait3A_867 = arith.constant 0 : i32
      %dma_wait3A_868 = tpu.memref_slice %arg11[%dma_wait3A_866, %dma_wait3A_867] : memref<64x129xf32, #tpu.memory_space<vmem>> -> memref<8x128xf32, #tpu.memory_space<vmem>>
      %dma_wait3A_869 = arith.constant 0 : i32
      %dma_wait3A_870 = arith.constant 0 : i32
      %dma_wait3A_871 = tpu.memref_slice %arg4[%dma_wait3A_864, %dma_wait3A_865, %add3A, %dma_wait3A_869, %dma_wait3A_870] : memref<200x8x32x8x128xf32, #tpu.memory_space<hbm>> -> memref<1x1x1x8x128xf32, #tpu.memory_space<hbm>>
      %dma_wait3A_872 = tpu.memref_squeeze %dma_wait3A_871 : memref<1x1x1x8x128xf32, #tpu.memory_space<hbm>> -> memref<8x128xf32, #tpu.memory_space<hbm>>
      %dma_wait3A_873 = arith.constant 0 : i32
      %dma_wait3A_874 = arith.constant 0 : i32
      %dma_wait3A_875 = tpu.memref_slice %arg4[%dma_wait3A_864, %dma_wait3A_865, %add3A, %dma_wait3A_873, %dma_wait3A_874] : memref<200x8x32x8x128xf32, #tpu.memory_space<hbm>> -> memref<1x1x1x8x128xf32, #tpu.memory_space<hbm>>
      %dma_wait3A_876 = tpu.memref_squeeze %dma_wait3A_875 : memref<1x1x1x8x128xf32, #tpu.memory_space<hbm>> -> memref<8x128xf32, #tpu.memory_space<hbm>>
      %dma_wait3A_877 = arith.constant 8 : i32
      %dma_wait3A_878 = arith.constant 0 : i32
      %dma_wait3A_879 = tpu.memref_slice %arg11[%dma_wait3A_877, %dma_wait3A_878] : memref<64x129xf32, #tpu.memory_space<vmem>> -> memref<8x128xf32, #tpu.memory_space<vmem>>
      tpu.wait_dma2 semaphore(%arg17 : memref<!tpu.dma_semaphore, #tpu.memory_space<semaphore_mem>>) src(%dma_wait3A_879 : memref<8x128xf32, #tpu.memory_space<vmem>>) dst(%dma_wait3A_876 : memref<8x128xf32, #tpu.memory_space<hbm>>)
      %dma_wait3A_880 = arith.constant 0 : i32
      %dma_wait3A_881 = arith.constant 2 : i32
      %dma_wait3A_882 = arith.constant 16 : i32
      %dma_wait3A_883 = arith.constant 0 : i32
      %dma_wait3A_884 = tpu.memref_slice %arg11[%dma_wait3A_882, %dma_wait3A_883] : memref<64x129xf32, #tpu.memory_space<vmem>> -> memref<8x128xf32, #tpu.memory_space<vmem>>
      %dma_wait3A_885 = arith.constant 0 : i32
      %dma_wait3A_886 = arith.constant 0 : i32
      %dma_wait3A_887 = tpu.memref_slice %arg4[%dma_wait3A_880, %dma_wait3A_881, %add3A, %dma_wait3A_885, %dma_wait3A_886] : memref<200x8x32x8x128xf32, #tpu.memory_space<hbm>> -> memref<1x1x1x8x128xf32, #tpu.memory_space<hbm>>
      %dma_wait3A_888 = tpu.memref_squeeze %dma_wait3A_887 : memref<1x1x1x8x128xf32, #tpu.memory_space<hbm>> -> memref<8x128xf32, #tpu.memory_space<hbm>>
      %dma_wait3A_889 = arith.constant 0 : i32
      %dma_wait3A_890 = arith.constant 0 : i32
      %dma_wait3A_891 = tpu.memref_slice %arg4[%dma_wait3A_880, %dma_wait3A_881, %add3A, %dma_wait3A_889, %dma_wait3A_890] : memref<200x8x32x8x128xf32, #tpu.memory_space<hbm>> -> memref<1x1x1x8x128xf32, #tpu.memory_space<hbm>>
      %dma_wait3A_892 = tpu.memref_squeeze %dma_wait3A_891 : memref<1x1x1x8x128xf32, #tpu.memory_space<hbm>> -> memref<8x128xf32, #tpu.memory_space<hbm>>
      %dma_wait3A_893 = arith.constant 16 : i32
      %dma_wait3A_894 = arith.constant 0 : i32
      %dma_wait3A_895 = tpu.memref_slice %arg11[%dma_wait3A_893, %dma_wait3A_894] : memref<64x129xf32, #tpu.memory_space<vmem>> -> memref<8x128xf32, #tpu.memory_space<vmem>>
      tpu.wait_dma2 semaphore(%arg17 : memref<!tpu.dma_semaphore, #tpu.memory_space<semaphore_mem>>) src(%dma_wait3A_895 : memref<8x128xf32, #tpu.memory_space<vmem>>) dst(%dma_wait3A_892 : memref<8x128xf32, #tpu.memory_space<hbm>>)
      %dma_wait3A_896 = arith.constant 0 : i32
      %dma_wait3A_897 = arith.constant 3 : i32
      %dma_wait3A_898 = arith.constant 24 : i32
      %dma_wait3A_899 = arith.constant 0 : i32
      %dma_wait3A_900 = tpu.memref_slice %arg11[%dma_wait3A_898, %dma_wait3A_899] : memref<64x129xf32, #tpu.memory_space<vmem>> -> memref<8x128xf32, #tpu.memory_space<vmem>>
      %dma_wait3A_901 = arith.constant 0 : i32
      %dma_wait3A_902 = arith.constant 0 : i32
      %dma_wait3A_903 = tpu.memref_slice %arg4[%dma_wait3A_896, %dma_wait3A_897, %add3A, %dma_wait3A_901, %dma_wait3A_902] : memref<200x8x32x8x128xf32, #tpu.memory_space<hbm>> -> memref<1x1x1x8x128xf32, #tpu.memory_space<hbm>>
      %dma_wait3A_904 = tpu.memref_squeeze %dma_wait3A_903 : memref<1x1x1x8x128xf32, #tpu.memory_space<hbm>> -> memref<8x128xf32, #tpu.memory_space<hbm>>
      %dma_wait3A_905 = arith.constant 0 : i32
      %dma_wait3A_906 = arith.constant 0 : i32
      %dma_wait3A_907 = tpu.memref_slice %arg4[%dma_wait3A_896, %dma_wait3A_897, %add3A, %dma_wait3A_905, %dma_wait3A_906] : memref<200x8x32x8x128xf32, #tpu.memory_space<hbm>> -> memref<1x1x1x8x128xf32, #tpu.memory_space<hbm>>
      %dma_wait3A_908 = tpu.memref_squeeze %dma_wait3A_907 : memref<1x1x1x8x128xf32, #tpu.memory_space<hbm>> -> memref<8x128xf32, #tpu.memory_space<hbm>>
      %dma_wait3A_909 = arith.constant 24 : i32
      %dma_wait3A_910 = arith.constant 0 : i32
      %dma_wait3A_911 = tpu.memref_slice %arg11[%dma_wait3A_909, %dma_wait3A_910] : memref<64x129xf32, #tpu.memory_space<vmem>> -> memref<8x128xf32, #tpu.memory_space<vmem>>
      tpu.wait_dma2 semaphore(%arg17 : memref<!tpu.dma_semaphore, #tpu.memory_space<semaphore_mem>>) src(%dma_wait3A_911 : memref<8x128xf32, #tpu.memory_space<vmem>>) dst(%dma_wait3A_908 : memref<8x128xf32, #tpu.memory_space<hbm>>)
      %dma_wait3A_912 = arith.constant 0 : i32
      %dma_wait3A_913 = arith.constant 4 : i32
      %dma_wait3A_914 = arith.constant 32 : i32
      %dma_wait3A_915 = arith.constant 0 : i32
      %dma_wait3A_916 = tpu.memref_slice %arg11[%dma_wait3A_914, %dma_wait3A_915] : memref<64x129xf32, #tpu.memory_space<vmem>> -> memref<8x128xf32, #tpu.memory_space<vmem>>
      %dma_wait3A_917 = arith.constant 0 : i32
      %dma_wait3A_918 = arith.constant 0 : i32
      %dma_wait3A_919 = tpu.memref_slice %arg4[%dma_wait3A_912, %dma_wait3A_913, %add3A, %dma_wait3A_917, %dma_wait3A_918] : memref<200x8x32x8x128xf32, #tpu.memory_space<hbm>> -> memref<1x1x1x8x128xf32, #tpu.memory_space<hbm>>
      %dma_wait3A_920 = tpu.memref_squeeze %dma_wait3A_919 : memref<1x1x1x8x128xf32, #tpu.memory_space<hbm>> -> memref<8x128xf32, #tpu.memory_space<hbm>>
      %dma_wait3A_921 = arith.constant 0 : i32
      %dma_wait3A_922 = arith.constant 0 : i32
      %dma_wait3A_923 = tpu.memref_slice %arg4[%dma_wait3A_912, %dma_wait3A_913, %add3A, %dma_wait3A_921, %dma_wait3A_922] : memref<200x8x32x8x128xf32, #tpu.memory_space<hbm>> -> memref<1x1x1x8x128xf32, #tpu.memory_space<hbm>>
      %dma_wait3A_924 = tpu.memref_squeeze %dma_wait3A_923 : memref<1x1x1x8x128xf32, #tpu.memory_space<hbm>> -> memref<8x128xf32, #tpu.memory_space<hbm>>
      %dma_wait3A_925 = arith.constant 32 : i32
      %dma_wait3A_926 = arith.constant 0 : i32
      %dma_wait3A_927 = tpu.memref_slice %arg11[%dma_wait3A_925, %dma_wait3A_926] : memref<64x129xf32, #tpu.memory_space<vmem>> -> memref<8x128xf32, #tpu.memory_space<vmem>>
      tpu.wait_dma2 semaphore(%arg17 : memref<!tpu.dma_semaphore, #tpu.memory_space<semaphore_mem>>) src(%dma_wait3A_927 : memref<8x128xf32, #tpu.memory_space<vmem>>) dst(%dma_wait3A_924 : memref<8x128xf32, #tpu.memory_space<hbm>>)
      %dma_wait3A_928 = arith.constant 0 : i32
      %dma_wait3A_929 = arith.constant 5 : i32
      %dma_wait3A_930 = arith.constant 40 : i32
      %dma_wait3A_931 = arith.constant 0 : i32
      %dma_wait3A_932 = tpu.memref_slice %arg11[%dma_wait3A_930, %dma_wait3A_931] : memref<64x129xf32, #tpu.memory_space<vmem>> -> memref<8x128xf32, #tpu.memory_space<vmem>>
      %dma_wait3A_933 = arith.constant 0 : i32
      %dma_wait3A_934 = arith.constant 0 : i32
      %dma_wait3A_935 = tpu.memref_slice %arg4[%dma_wait3A_928, %dma_wait3A_929, %add3A, %dma_wait3A_933, %dma_wait3A_934] : memref<200x8x32x8x128xf32, #tpu.memory_space<hbm>> -> memref<1x1x1x8x128xf32, #tpu.memory_space<hbm>>
      %dma_wait3A_936 = tpu.memref_squeeze %dma_wait3A_935 : memref<1x1x1x8x128xf32, #tpu.memory_space<hbm>> -> memref<8x128xf32, #tpu.memory_space<hbm>>
      %dma_wait3A_937 = arith.constant 0 : i32
      %dma_wait3A_938 = arith.constant 0 : i32
      %dma_wait3A_939 = tpu.memref_slice %arg4[%dma_wait3A_928, %dma_wait3A_929, %add3A, %dma_wait3A_937, %dma_wait3A_938] : memref<200x8x32x8x128xf32, #tpu.memory_space<hbm>> -> memref<1x1x1x8x128xf32, #tpu.memory_space<hbm>>
      %dma_wait3A_940 = tpu.memref_squeeze %dma_wait3A_939 : memref<1x1x1x8x128xf32, #tpu.memory_space<hbm>> -> memref<8x128xf32, #tpu.memory_space<hbm>>
      %dma_wait3A_941 = arith.constant 40 : i32
      %dma_wait3A_942 = arith.constant 0 : i32
      %dma_wait3A_943 = tpu.memref_slice %arg11[%dma_wait3A_941, %dma_wait3A_942] : memref<64x129xf32, #tpu.memory_space<vmem>> -> memref<8x128xf32, #tpu.memory_space<vmem>>
      tpu.wait_dma2 semaphore(%arg17 : memref<!tpu.dma_semaphore, #tpu.memory_space<semaphore_mem>>) src(%dma_wait3A_943 : memref<8x128xf32, #tpu.memory_space<vmem>>) dst(%dma_wait3A_940 : memref<8x128xf32, #tpu.memory_space<hbm>>)
      %dma_wait3A_944 = arith.constant 0 : i32
      %dma_wait3A_945 = arith.constant 6 : i32
      %dma_wait3A_946 = arith.constant 48 : i32
      %dma_wait3A_947 = arith.constant 0 : i32
      %dma_wait3A_948 = tpu.memref_slice %arg11[%dma_wait3A_946, %dma_wait3A_947] : memref<64x129xf32, #tpu.memory_space<vmem>> -> memref<8x128xf32, #tpu.memory_space<vmem>>
      %dma_wait3A_949 = arith.constant 0 : i32
      %dma_wait3A_950 = arith.constant 0 : i32
      %dma_wait3A_951 = tpu.memref_slice %arg4[%dma_wait3A_944, %dma_wait3A_945, %add3A, %dma_wait3A_949, %dma_wait3A_950] : memref<200x8x32x8x128xf32, #tpu.memory_space<hbm>> -> memref<1x1x1x8x128xf32, #tpu.memory_space<hbm>>
      %dma_wait3A_952 = tpu.memref_squeeze %dma_wait3A_951 : memref<1x1x1x8x128xf32, #tpu.memory_space<hbm>> -> memref<8x128xf32, #tpu.memory_space<hbm>>
      %dma_wait3A_953 = arith.constant 0 : i32
      %dma_wait3A_954 = arith.constant 0 : i32
      %dma_wait3A_955 = tpu.memref_slice %arg4[%dma_wait3A_944, %dma_wait3A_945, %add3A, %dma_wait3A_953, %dma_wait3A_954] : memref<200x8x32x8x128xf32, #tpu.memory_space<hbm>> -> memref<1x1x1x8x128xf32, #tpu.memory_space<hbm>>
      %dma_wait3A_956 = tpu.memref_squeeze %dma_wait3A_955 : memref<1x1x1x8x128xf32, #tpu.memory_space<hbm>> -> memref<8x128xf32, #tpu.memory_space<hbm>>
      %dma_wait3A_957 = arith.constant 48 : i32
      %dma_wait3A_958 = arith.constant 0 : i32
      %dma_wait3A_959 = tpu.memref_slice %arg11[%dma_wait3A_957, %dma_wait3A_958] : memref<64x129xf32, #tpu.memory_space<vmem>> -> memref<8x128xf32, #tpu.memory_space<vmem>>
      tpu.wait_dma2 semaphore(%arg17 : memref<!tpu.dma_semaphore, #tpu.memory_space<semaphore_mem>>) src(%dma_wait3A_959 : memref<8x128xf32, #tpu.memory_space<vmem>>) dst(%dma_wait3A_956 : memref<8x128xf32, #tpu.memory_space<hbm>>)
      %dma_wait3A_960 = arith.constant 0 : i32
      %dma_wait3A_961 = arith.constant 7 : i32
      %dma_wait3A_962 = arith.constant 56 : i32
      %dma_wait3A_963 = arith.constant 0 : i32
      %dma_wait3A_964 = tpu.memref_slice %arg11[%dma_wait3A_962, %dma_wait3A_963] : memref<64x129xf32, #tpu.memory_space<vmem>> -> memref<8x128xf32, #tpu.memory_space<vmem>>
      %dma_wait3A_965 = arith.constant 0 : i32
      %dma_wait3A_966 = arith.constant 0 : i32
      %dma_wait3A_967 = tpu.memref_slice %arg4[%dma_wait3A_960, %dma_wait3A_961, %add3A, %dma_wait3A_965, %dma_wait3A_966] : memref<200x8x32x8x128xf32, #tpu.memory_space<hbm>> -> memref<1x1x1x8x128xf32, #tpu.memory_space<hbm>>
      %dma_wait3A_968 = tpu.memref_squeeze %dma_wait3A_967 : memref<1x1x1x8x128xf32, #tpu.memory_space<hbm>> -> memref<8x128xf32, #tpu.memory_space<hbm>>
      %dma_wait3A_969 = arith.constant 0 : i32
      %dma_wait3A_970 = arith.constant 0 : i32
      %dma_wait3A_971 = tpu.memref_slice %arg4[%dma_wait3A_960, %dma_wait3A_961, %add3A, %dma_wait3A_969, %dma_wait3A_970] : memref<200x8x32x8x128xf32, #tpu.memory_space<hbm>> -> memref<1x1x1x8x128xf32, #tpu.memory_space<hbm>>
      %dma_wait3A_972 = tpu.memref_squeeze %dma_wait3A_971 : memref<1x1x1x8x128xf32, #tpu.memory_space<hbm>> -> memref<8x128xf32, #tpu.memory_space<hbm>>
      %dma_wait3A_973 = arith.constant 56 : i32
      %dma_wait3A_974 = arith.constant 0 : i32
      %dma_wait3A_975 = tpu.memref_slice %arg11[%dma_wait3A_973, %dma_wait3A_974] : memref<64x129xf32, #tpu.memory_space<vmem>> -> memref<8x128xf32, #tpu.memory_space<vmem>>
      tpu.wait_dma2 semaphore(%arg17 : memref<!tpu.dma_semaphore, #tpu.memory_space<semaphore_mem>>) src(%dma_wait3A_975 : memref<8x128xf32, #tpu.memory_space<vmem>>) dst(%dma_wait3A_972 : memref<8x128xf32, #tpu.memory_space<hbm>>)
      %dma_wait3A_976 = arith.constant 0 : i32
      %dma_wait3A_977 = tpu.memref_slice %arg5[%add3A_847, %dma_wait3A_976] : memref<200x128xi32, #tpu.memory_space<vmem>> -> memref<1x128xi32, #tpu.memory_space<vmem>>
      %dma_wait3A_978 = tpu.memref_squeeze %dma_wait3A_977 : memref<1x128xi32, #tpu.memory_space<vmem>> -> memref<128xi32, #tpu.memory_space<vmem>>
      %dma_wait3A_979 = arith.constant 0 : i32
      %dma_wait3A_980 = arith.constant 0 : i32
      %dma_wait3A_981 = tpu.memref_slice %arg3[%dma_wait3A_979, %dma_wait3A_980] : memref<1000000x64xf32, #tpu.memory_space<hbm>> -> memref<1000000x64xf32, #tpu.memory_space<hbm>>
      tpu.wait_indirect_dma semaphore(%arg15 : memref<!tpu.dma_semaphore, #tpu.memory_space<semaphore_mem>>) src(%dma_wait3A_981 : memref<1000000x64xf32, #tpu.memory_space<hbm>>) dst(%arg9 : memref<128x64xf32, #tpu.memory_space<vmem>>)
      %parallel_loop3A_982 = arith.constant 0 : i32
      %parallel_loop3A_983 = arith.constant 128 : i32
      %parallel_loop3A_984 = arith.constant 1 : i32
      scf.for %parallel_loop3A_1112 = %parallel_loop3A_982 to %parallel_loop3A_983 step %parallel_loop3A_984  : i32 {
        %parallel_loop3A_1113 = vector.broadcast %parallel_loop3A_1112 : i32 to vector<16xi32>
        %parallel_loop3A_1114 = arith.index_cast %parallel_loop3A_1112 : i32 to index
        %parallel_loop3A_1115 = arith.constant 0 : index
        %parallel_loop3A_1116 = tpu.vector_load %arg9[%parallel_loop3A_1114, %parallel_loop3A_1115] {strides = array<i32>} : memref<128x64xf32, #tpu.memory_space<vmem>>, vector<16xf32>,
        %parallel_loop3A_1117 = arith.constant 0 : i32
        %parallel_loop3A_1118 = vector.broadcast %parallel_loop3A_1117 : i32 to vector<16xi32>
        %parallel_loop3A_1119 = arith.addi %iota3A, %parallel_loop3A_1118 : vector<16xi32>
        %parallel_loop3A_1120 = arith.constant 8.000000e+00 : f32
        %parallel_loop3A_1121 = vector.broadcast %parallel_loop3A_1120 : f32 to vector<16xf32>
        %parallel_loop3A_1122 = arith.mulf %parallel_loop3A_1116, %parallel_loop3A_1121 : vector<16xf32>
        tpu.vector_store_idx %arg11[%parallel_loop3A_1119, %parallel_loop3A_1113], %parallel_loop3A_1122 : memref<64x129xf32, #tpu.memory_space<vmem>>[vector<16xi32>, vector<16xi32>], vector<16xf32>,
        %parallel_loop3A_1123 = arith.index_cast %parallel_loop3A_1112 : i32 to index
        %parallel_loop3A_1124 = arith.constant 16 : index
        %parallel_loop3A_1125 = tpu.vector_load %arg9[%parallel_loop3A_1123, %parallel_loop3A_1124] {strides = array<i32>} : memref<128x64xf32, #tpu.memory_space<vmem>>, vector<16xf32>,
        %parallel_loop3A_1126 = arith.constant 16 : i32
        %parallel_loop3A_1127 = vector.broadcast %parallel_loop3A_1126 : i32 to vector<16xi32>
        %parallel_loop3A_1128 = arith.addi %iota3A, %parallel_loop3A_1127 : vector<16xi32>
        %parallel_loop3A_1129 = arith.constant 8.000000e+00 : f32
        %parallel_loop3A_1130 = vector.broadcast %parallel_loop3A_1129 : f32 to vector<16xf32>
        %parallel_loop3A_1131 = arith.mulf %parallel_loop3A_1125, %parallel_loop3A_1130 : vector<16xf32>
        tpu.vector_store_idx %arg11[%parallel_loop3A_1128, %parallel_loop3A_1113], %parallel_loop3A_1131 : memref<64x129xf32, #tpu.memory_space<vmem>>[vector<16xi32>, vector<16xi32>], vector<16xf32>,
        %parallel_loop3A_1132 = arith.index_cast %parallel_loop3A_1112 : i32 to index
        %parallel_loop3A_1133 = arith.constant 32 : index
        %parallel_loop3A_1134 = tpu.vector_load %arg9[%parallel_loop3A_1132, %parallel_loop3A_1133] {strides = array<i32>} : memref<128x64xf32, #tpu.memory_space<vmem>>, vector<16xf32>,
        %parallel_loop3A_1135 = arith.constant 32 : i32
        %parallel_loop3A_1136 = vector.broadcast %parallel_loop3A_1135 : i32 to vector<16xi32>
        %parallel_loop3A_1137 = arith.addi %iota3A, %parallel_loop3A_1136 : vector<16xi32>
        %parallel_loop3A_1138 = arith.constant 8.000000e+00 : f32
        %parallel_loop3A_1139 = vector.broadcast %parallel_loop3A_1138 : f32 to vector<16xf32>
        %parallel_loop3A_1140 = arith.mulf %parallel_loop3A_1134, %parallel_loop3A_1139 : vector<16xf32>
        tpu.vector_store_idx %arg11[%parallel_loop3A_1137, %parallel_loop3A_1113], %parallel_loop3A_1140 : memref<64x129xf32, #tpu.memory_space<vmem>>[vector<16xi32>, vector<16xi32>], vector<16xf32>,
        %parallel_loop3A_1141 = arith.index_cast %parallel_loop3A_1112 : i32 to index
        %parallel_loop3A_1142 = arith.constant 48 : index
        %parallel_loop3A_1143 = tpu.vector_load %arg9[%parallel_loop3A_1141, %parallel_loop3A_1142] {strides = array<i32>} : memref<128x64xf32, #tpu.memory_space<vmem>>, vector<16xf32>,
        %parallel_loop3A_1144 = arith.constant 48 : i32
        %parallel_loop3A_1145 = vector.broadcast %parallel_loop3A_1144 : i32 to vector<16xi32>
        %parallel_loop3A_1146 = arith.addi %iota3A, %parallel_loop3A_1145 : vector<16xi32>
        %parallel_loop3A_1147 = arith.constant 8.000000e+00 : f32
        %parallel_loop3A_1148 = vector.broadcast %parallel_loop3A_1147 : f32 to vector<16xf32>
        %parallel_loop3A_1149 = arith.mulf %parallel_loop3A_1143, %parallel_loop3A_1148 : vector<16xf32>
        tpu.vector_store_idx %arg11[%parallel_loop3A_1146, %parallel_loop3A_1113], %parallel_loop3A_1149 : memref<64x129xf32, #tpu.memory_space<vmem>>[vector<16xi32>, vector<16xi32>], vector<16xf32>,
      } {sc.loop_unroll_factor = 2 : i64, sc.parallel_access}
      %dma_start3A_985 = arith.constant 0 : i32
      %dma_start3A_986 = arith.constant 0 : i32
      %dma_start3A_987 = arith.constant 0 : i32
      %dma_start3A_988 = tpu.memref_slice %arg11[%dma_start3A_986, %dma_start3A_987] : memref<64x129xf32, #tpu.memory_space<vmem>> -> memref<8x128xf32, #tpu.memory_space<vmem>>
      %dma_start3A_989 = arith.constant 0 : i32
      %dma_start3A_990 = arith.constant 0 : i32
      %dma_start3A_991 = tpu.memref_slice %arg4[%add3A_847, %dma_start3A_985, %add3A, %dma_start3A_989, %dma_start3A_990] : memref<200x8x32x8x128xf32, #tpu.memory_space<hbm>> -> memref<1x1x1x8x128xf32, #tpu.memory_space<hbm>>
      %dma_start3A_992 = tpu.memref_squeeze %dma_start3A_991 : memref<1x1x1x8x128xf32, #tpu.memory_space<hbm>> -> memref<8x128xf32, #tpu.memory_space<hbm>>
      %dma_start3A_993 = arith.constant 0 : i32
      %dma_start3A_994 = arith.constant 0 : i32
      %dma_start3A_995 = tpu.memref_slice %arg4[%add3A_847, %dma_start3A_985, %add3A, %dma_start3A_993, %dma_start3A_994] : memref<200x8x32x8x128xf32, #tpu.memory_space<hbm>> -> memref<1x1x1x8x128xf32, #tpu.memory_space<hbm>>
      %dma_start3A_996 = tpu.memref_squeeze %dma_start3A_995 : memref<1x1x1x8x128xf32, #tpu.memory_space<hbm>> -> memref<8x128xf32, #tpu.memory_space<hbm>>
      %dma_start3A_997 = arith.constant 0 : i32
      %dma_start3A_998 = arith.constant 0 : i32
      %dma_start3A_999 = tpu.memref_slice %arg11[%dma_start3A_997, %dma_start3A_998] : memref<64x129xf32, #tpu.memory_space<vmem>> -> memref<8x128xf32, #tpu.memory_space<vmem>>
      tpu.enqueue_dma source(%dma_start3A_999 : memref<8x128xf32, #tpu.memory_space<vmem>>) target(%dma_start3A_996 : memref<8x128xf32, #tpu.memory_space<hbm>>) target_semaphore(%arg17 : memref<!tpu.dma_semaphore, #tpu.memory_space<semaphore_mem>>)
      %dma_start3A_1000 = arith.constant 1 : i32
      %dma_start3A_1001 = arith.constant 8 : i32
      %dma_start3A_1002 = arith.constant 0 : i32
      %dma_start3A_1003 = tpu.memref_slice %arg11[%dma_start3A_1001, %dma_start3A_1002] : memref<64x129xf32, #tpu.memory_space<vmem>> -> memref<8x128xf32, #tpu.memory_space<vmem>>
      %dma_start3A_1004 = arith.constant 0 : i32
      %dma_start3A_1005 = arith.constant 0 : i32
      %dma_start3A_1006 = tpu.memref_slice %arg4[%add3A_847, %dma_start3A_1000, %add3A, %dma_start3A_1004, %dma_start3A_1005] : memref<200x8x32x8x128xf32, #tpu.memory_space<hbm>> -> memref<1x1x1x8x128xf32, #tpu.memory_space<hbm>>
      %dma_start3A_1007 = tpu.memref_squeeze %dma_start3A_1006 : memref<1x1x1x8x128xf32, #tpu.memory_space<hbm>> -> memref<8x128xf32, #tpu.memory_space<hbm>>
      %dma_start3A_1008 = arith.constant 0 : i32
      %dma_start3A_1009 = arith.constant 0 : i32
      %dma_start3A_1010 = tpu.memref_slice %arg4[%add3A_847, %dma_start3A_1000, %add3A, %dma_start3A_1008, %dma_start3A_1009] : memref<200x8x32x8x128xf32, #tpu.memory_space<hbm>> -> memref<1x1x1x8x128xf32, #tpu.memory_space<hbm>>
      %dma_start3A_1011 = tpu.memref_squeeze %dma_start3A_1010 : memref<1x1x1x8x128xf32, #tpu.memory_space<hbm>> -> memref<8x128xf32, #tpu.memory_space<hbm>>
      %dma_start3A_1012 = arith.constant 8 : i32
      %dma_start3A_1013 = arith.constant 0 : i32
      %dma_start3A_1014 = tpu.memref_slice %arg11[%dma_start3A_1012, %dma_start3A_1013] : memref<64x129xf32, #tpu.memory_space<vmem>> -> memref<8x128xf32, #tpu.memory_space<vmem>>
      tpu.enqueue_dma source(%dma_start3A_1014 : memref<8x128xf32, #tpu.memory_space<vmem>>) target(%dma_start3A_1011 : memref<8x128xf32, #tpu.memory_space<hbm>>) target_semaphore(%arg17 : memref<!tpu.dma_semaphore, #tpu.memory_space<semaphore_mem>>)
      %dma_start3A_1015 = arith.constant 2 : i32
      %dma_start3A_1016 = arith.constant 16 : i32
      %dma_start3A_1017 = arith.constant 0 : i32
      %dma_start3A_1018 = tpu.memref_slice %arg11[%dma_start3A_1016, %dma_start3A_1017] : memref<64x129xf32, #tpu.memory_space<vmem>> -> memref<8x128xf32, #tpu.memory_space<vmem>>
      %dma_start3A_1019 = arith.constant 0 : i32
      %dma_start3A_1020 = arith.constant 0 : i32
      %dma_start3A_1021 = tpu.memref_slice %arg4[%add3A_847, %dma_start3A_1015, %add3A, %dma_start3A_1019, %dma_start3A_1020] : memref<200x8x32x8x128xf32, #tpu.memory_space<hbm>> -> memref<1x1x1x8x128xf32, #tpu.memory_space<hbm>>
      %dma_start3A_1022 = tpu.memref_squeeze %dma_start3A_1021 : memref<1x1x1x8x128xf32, #tpu.memory_space<hbm>> -> memref<8x128xf32, #tpu.memory_space<hbm>>
      %dma_start3A_1023 = arith.constant 0 : i32
      %dma_start3A_1024 = arith.constant 0 : i32
      %dma_start3A_1025 = tpu.memref_slice %arg4[%add3A_847, %dma_start3A_1015, %add3A, %dma_start3A_1023, %dma_start3A_1024] : memref<200x8x32x8x128xf32, #tpu.memory_space<hbm>> -> memref<1x1x1x8x128xf32, #tpu.memory_space<hbm>>
      %dma_start3A_1026 = tpu.memref_squeeze %dma_start3A_1025 : memref<1x1x1x8x128xf32, #tpu.memory_space<hbm>> -> memref<8x128xf32, #tpu.memory_space<hbm>>
      %dma_start3A_1027 = arith.constant 16 : i32
      %dma_start3A_1028 = arith.constant 0 : i32
      %dma_start3A_1029 = tpu.memref_slice %arg11[%dma_start3A_1027, %dma_start3A_1028] : memref<64x129xf32, #tpu.memory_space<vmem>> -> memref<8x128xf32, #tpu.memory_space<vmem>>
      tpu.enqueue_dma source(%dma_start3A_1029 : memref<8x128xf32, #tpu.memory_space<vmem>>) target(%dma_start3A_1026 : memref<8x128xf32, #tpu.memory_space<hbm>>) target_semaphore(%arg17 : memref<!tpu.dma_semaphore, #tpu.memory_space<semaphore_mem>>)
      %dma_start3A_1030 = arith.constant 3 : i32
      %dma_start3A_1031 = arith.constant 24 : i32
      %dma_start3A_1032 = arith.constant 0 : i32
      %dma_start3A_1033 = tpu.memref_slice %arg11[%dma_start3A_1031, %dma_start3A_1032] : memref<64x129xf32, #tpu.memory_space<vmem>> -> memref<8x128xf32, #tpu.memory_space<vmem>>
      %dma_start3A_1034 = arith.constant 0 : i32
      %dma_start3A_1035 = arith.constant 0 : i32
      %dma_start3A_1036 = tpu.memref_slice %arg4[%add3A_847, %dma_start3A_1030, %add3A, %dma_start3A_1034, %dma_start3A_1035] : memref<200x8x32x8x128xf32, #tpu.memory_space<hbm>> -> memref<1x1x1x8x128xf32, #tpu.memory_space<hbm>>
      %dma_start3A_1037 = tpu.memref_squeeze %dma_start3A_1036 : memref<1x1x1x8x128xf32, #tpu.memory_space<hbm>> -> memref<8x128xf32, #tpu.memory_space<hbm>>
      %dma_start3A_1038 = arith.constant 0 : i32
      %dma_start3A_1039 = arith.constant 0 : i32
      %dma_start3A_1040 = tpu.memref_slice %arg4[%add3A_847, %dma_start3A_1030, %add3A, %dma_start3A_1038, %dma_start3A_1039] : memref<200x8x32x8x128xf32, #tpu.memory_space<hbm>> -> memref<1x1x1x8x128xf32, #tpu.memory_space<hbm>>
      %dma_start3A_1041 = tpu.memref_squeeze %dma_start3A_1040 : memref<1x1x1x8x128xf32, #tpu.memory_space<hbm>> -> memref<8x128xf32, #tpu.memory_space<hbm>>
      %dma_start3A_1042 = arith.constant 24 : i32
      %dma_start3A_1043 = arith.constant 0 : i32
      %dma_start3A_1044 = tpu.memref_slice %arg11[%dma_start3A_1042, %dma_start3A_1043] : memref<64x129xf32, #tpu.memory_space<vmem>> -> memref<8x128xf32, #tpu.memory_space<vmem>>
      tpu.enqueue_dma source(%dma_start3A_1044 : memref<8x128xf32, #tpu.memory_space<vmem>>) target(%dma_start3A_1041 : memref<8x128xf32, #tpu.memory_space<hbm>>) target_semaphore(%arg17 : memref<!tpu.dma_semaphore, #tpu.memory_space<semaphore_mem>>)
      %dma_start3A_1045 = arith.constant 4 : i32
      %dma_start3A_1046 = arith.constant 32 : i32
      %dma_start3A_1047 = arith.constant 0 : i32
      %dma_start3A_1048 = tpu.memref_slice %arg11[%dma_start3A_1046, %dma_start3A_1047] : memref<64x129xf32, #tpu.memory_space<vmem>> -> memref<8x128xf32, #tpu.memory_space<vmem>>
      %dma_start3A_1049 = arith.constant 0 : i32
      %dma_start3A_1050 = arith.constant 0 : i32
      %dma_start3A_1051 = tpu.memref_slice %arg4[%add3A_847, %dma_start3A_1045, %add3A, %dma_start3A_1049, %dma_start3A_1050] : memref<200x8x32x8x128xf32, #tpu.memory_space<hbm>> -> memref<1x1x1x8x128xf32, #tpu.memory_space<hbm>>
      %dma_start3A_1052 = tpu.memref_squeeze %dma_start3A_1051 : memref<1x1x1x8x128xf32, #tpu.memory_space<hbm>> -> memref<8x128xf32, #tpu.memory_space<hbm>>
      %dma_start3A_1053 = arith.constant 0 : i32
      %dma_start3A_1054 = arith.constant 0 : i32
      %dma_start3A_1055 = tpu.memref_slice %arg4[%add3A_847, %dma_start3A_1045, %add3A, %dma_start3A_1053, %dma_start3A_1054] : memref<200x8x32x8x128xf32, #tpu.memory_space<hbm>> -> memref<1x1x1x8x128xf32, #tpu.memory_space<hbm>>
      %dma_start3A_1056 = tpu.memref_squeeze %dma_start3A_1055 : memref<1x1x1x8x128xf32, #tpu.memory_space<hbm>> -> memref<8x128xf32, #tpu.memory_space<hbm>>
      %dma_start3A_1057 = arith.constant 32 : i32
      %dma_start3A_1058 = arith.constant 0 : i32
      %dma_start3A_1059 = tpu.memref_slice %arg11[%dma_start3A_1057, %dma_start3A_1058] : memref<64x129xf32, #tpu.memory_space<vmem>> -> memref<8x128xf32, #tpu.memory_space<vmem>>
      tpu.enqueue_dma source(%dma_start3A_1059 : memref<8x128xf32, #tpu.memory_space<vmem>>) target(%dma_start3A_1056 : memref<8x128xf32, #tpu.memory_space<hbm>>) target_semaphore(%arg17 : memref<!tpu.dma_semaphore, #tpu.memory_space<semaphore_mem>>)
      %dma_start3A_1060 = arith.constant 5 : i32
      %dma_start3A_1061 = arith.constant 40 : i32
      %dma_start3A_1062 = arith.constant 0 : i32
      %dma_start3A_1063 = tpu.memref_slice %arg11[%dma_start3A_1061, %dma_start3A_1062] : memref<64x129xf32, #tpu.memory_space<vmem>> -> memref<8x128xf32, #tpu.memory_space<vmem>>
      %dma_start3A_1064 = arith.constant 0 : i32
      %dma_start3A_1065 = arith.constant 0 : i32
      %dma_start3A_1066 = tpu.memref_slice %arg4[%add3A_847, %dma_start3A_1060, %add3A, %dma_start3A_1064, %dma_start3A_1065] : memref<200x8x32x8x128xf32, #tpu.memory_space<hbm>> -> memref<1x1x1x8x128xf32, #tpu.memory_space<hbm>>
      %dma_start3A_1067 = tpu.memref_squeeze %dma_start3A_1066 : memref<1x1x1x8x128xf32, #tpu.memory_space<hbm>> -> memref<8x128xf32, #tpu.memory_space<hbm>>
      %dma_start3A_1068 = arith.constant 0 : i32
      %dma_start3A_1069 = arith.constant 0 : i32
      %dma_start3A_1070 = tpu.memref_slice %arg4[%add3A_847, %dma_start3A_1060, %add3A, %dma_start3A_1068, %dma_start3A_1069] : memref<200x8x32x8x128xf32, #tpu.memory_space<hbm>> -> memref<1x1x1x8x128xf32, #tpu.memory_space<hbm>>
      %dma_start3A_1071 = tpu.memref_squeeze %dma_start3A_1070 : memref<1x1x1x8x128xf32, #tpu.memory_space<hbm>> -> memref<8x128xf32, #tpu.memory_space<hbm>>
      %dma_start3A_1072 = arith.constant 40 : i32
      %dma_start3A_1073 = arith.constant 0 : i32
      %dma_start3A_1074 = tpu.memref_slice %arg11[%dma_start3A_1072, %dma_start3A_1073] : memref<64x129xf32, #tpu.memory_space<vmem>> -> memref<8x128xf32, #tpu.memory_space<vmem>>
      tpu.enqueue_dma source(%dma_start3A_1074 : memref<8x128xf32, #tpu.memory_space<vmem>>) target(%dma_start3A_1071 : memref<8x128xf32, #tpu.memory_space<hbm>>) target_semaphore(%arg17 : memref<!tpu.dma_semaphore, #tpu.memory_space<semaphore_mem>>)
      %dma_start3A_1075 = arith.constant 6 : i32
      %dma_start3A_1076 = arith.constant 48 : i32
      %dma_start3A_1077 = arith.constant 0 : i32
      %dma_start3A_1078 = tpu.memref_slice %arg11[%dma_start3A_1076, %dma_start3A_1077] : memref<64x129xf32, #tpu.memory_space<vmem>> -> memref<8x128xf32, #tpu.memory_space<vmem>>
      %dma_start3A_1079 = arith.constant 0 : i32
      %dma_start3A_1080 = arith.constant 0 : i32
      %dma_start3A_1081 = tpu.memref_slice %arg4[%add3A_847, %dma_start3A_1075, %add3A, %dma_start3A_1079, %dma_start3A_1080] : memref<200x8x32x8x128xf32, #tpu.memory_space<hbm>> -> memref<1x1x1x8x128xf32, #tpu.memory_space<hbm>>
      %dma_start3A_1082 = tpu.memref_squeeze %dma_start3A_1081 : memref<1x1x1x8x128xf32, #tpu.memory_space<hbm>> -> memref<8x128xf32, #tpu.memory_space<hbm>>
      %dma_start3A_1083 = arith.constant 0 : i32
      %dma_start3A_1084 = arith.constant 0 : i32
      %dma_start3A_1085 = tpu.memref_slice %arg4[%add3A_847, %dma_start3A_1075, %add3A, %dma_start3A_1083, %dma_start3A_1084] : memref<200x8x32x8x128xf32, #tpu.memory_space<hbm>> -> memref<1x1x1x8x128xf32, #tpu.memory_space<hbm>>
      %dma_start3A_1086 = tpu.memref_squeeze %dma_start3A_1085 : memref<1x1x1x8x128xf32, #tpu.memory_space<hbm>> -> memref<8x128xf32, #tpu.memory_space<hbm>>
      %dma_start3A_1087 = arith.constant 48 : i32
      %dma_start3A_1088 = arith.constant 0 : i32
      %dma_start3A_1089 = tpu.memref_slice %arg11[%dma_start3A_1087, %dma_start3A_1088] : memref<64x129xf32, #tpu.memory_space<vmem>> -> memref<8x128xf32, #tpu.memory_space<vmem>>
      tpu.enqueue_dma source(%dma_start3A_1089 : memref<8x128xf32, #tpu.memory_space<vmem>>) target(%dma_start3A_1086 : memref<8x128xf32, #tpu.memory_space<hbm>>) target_semaphore(%arg17 : memref<!tpu.dma_semaphore, #tpu.memory_space<semaphore_mem>>)
      %dma_start3A_1090 = arith.constant 7 : i32
      %dma_start3A_1091 = arith.constant 56 : i32
      %dma_start3A_1092 = arith.constant 0 : i32
      %dma_start3A_1093 = tpu.memref_slice %arg11[%dma_start3A_1091, %dma_start3A_1092] : memref<64x129xf32, #tpu.memory_space<vmem>> -> memref<8x128xf32, #tpu.memory_space<vmem>>
      %dma_start3A_1094 = arith.constant 0 : i32
      %dma_start3A_1095 = arith.constant 0 : i32
      %dma_start3A_1096 = tpu.memref_slice %arg4[%add3A_847, %dma_start3A_1090, %add3A, %dma_start3A_1094, %dma_start3A_1095] : memref<200x8x32x8x128xf32, #tpu.memory_space<hbm>> -> memref<1x1x1x8x128xf32, #tpu.memory_space<hbm>>
      %dma_start3A_1097 = tpu.memref_squeeze %dma_start3A_1096 : memref<1x1x1x8x128xf32, #tpu.memory_space<hbm>> -> memref<8x128xf32, #tpu.memory_space<hbm>>
      %dma_start3A_1098 = arith.constant 0 : i32
      %dma_start3A_1099 = arith.constant 0 : i32
      %dma_start3A_1100 = tpu.memref_slice %arg4[%add3A_847, %dma_start3A_1090, %add3A, %dma_start3A_1098, %dma_start3A_1099] : memref<200x8x32x8x128xf32, #tpu.memory_space<hbm>> -> memref<1x1x1x8x128xf32, #tpu.memory_space<hbm>>
      %dma_start3A_1101 = tpu.memref_squeeze %dma_start3A_1100 : memref<1x1x1x8x128xf32, #tpu.memory_space<hbm>> -> memref<8x128xf32, #tpu.memory_space<hbm>>
      %dma_start3A_1102 = arith.constant 56 : i32
      %dma_start3A_1103 = arith.constant 0 : i32
      %dma_start3A_1104 = tpu.memref_slice %arg11[%dma_start3A_1102, %dma_start3A_1103] : memref<64x129xf32, #tpu.memory_space<vmem>> -> memref<8x128xf32, #tpu.memory_space<vmem>>
      tpu.enqueue_dma source(%dma_start3A_1104 : memref<8x128xf32, #tpu.memory_space<vmem>>) target(%dma_start3A_1101 : memref<8x128xf32, #tpu.memory_space<hbm>>) target_semaphore(%arg17 : memref<!tpu.dma_semaphore, #tpu.memory_space<semaphore_mem>>)
      %add3A_1105 = arith.constant 4 : i32
      %add3A_1106 = arith.addi %add3A_847, %add3A_1105 : i32
      %lt3A_1107 = arith.constant 200 : i32
      %lt3A_1108 = arith.cmpi slt, %add3A_1106, %lt3A_1107 : i32
      %convert_element_type3A_1109 = arith.extui %lt3A_1108 : i1 to i32
      %cond3A_1110 = arith.constant 0 : i32
      %cond3A_1111 = arith.cmpi ne, %convert_element_type3A_1109, %cond3A_1110 : i32
      scf.if %cond3A_1111 {
        %add3A_1112 = arith.constant 4 : i32
        %add3A_1113 = arith.addi %add3A_847, %add3A_1112 : i32
        %dma_start3A_1114 = arith.constant 0 : i32
        %dma_start3A_1115 = tpu.memref_slice %arg5[%add3A_1113, %dma_start3A_1114] : memref<200x128xi32, #tpu.memory_space<vmem>> -> memref<1x128xi32, #tpu.memory_space<vmem>>
        %dma_start3A_1116 = tpu.memref_squeeze %dma_start3A_1115 : memref<1x128xi32, #tpu.memory_space<vmem>> -> memref<128xi32, #tpu.memory_space<vmem>>
        %dma_start3A_1117 = arith.constant 0 : i32
        %dma_start3A_1118 = arith.constant 0 : i32
        %dma_start3A_1119 = tpu.memref_slice %arg3[%dma_start3A_1117, %dma_start3A_1118] : memref<1000000x64xf32, #tpu.memory_space<hbm>> -> memref<1000000x64xf32, #tpu.memory_space<hbm>>
        tpu.enqueue_indirect_dma source(%dma_start3A_1119 : memref<1000000x64xf32, #tpu.memory_space<hbm>>) target(%arg9 : memref<128x64xf32, #tpu.memory_space<vmem>>) offsets(%dma_start3A_1116 : memref<128xi32, #tpu.memory_space<vmem>>) semaphore(%arg15 : memref<!tpu.dma_semaphore, #tpu.memory_space<semaphore_mem>>)
      } else {
      }
    }
    %scan3A_34 = arith.constant 50 : i32
    %dma_wait3A = arith.constant 0 : i32
    %dma_wait3A_35 = arith.constant 0 : i32
    %dma_wait3A_36 = arith.constant 0 : i32
    %dma_wait3A_37 = arith.constant 0 : i32
    %dma_wait3A_38 = tpu.memref_slice %arg10[%dma_wait3A_36, %dma_wait3A_37] : memref<64x129xf32, #tpu.memory_space<vmem>> -> memref<8x128xf32, #tpu.memory_space<vmem>>
    %dma_wait3A_39 = arith.constant 0 : i32
    %dma_wait3A_40 = arith.constant 0 : i32
    %dma_wait3A_41 = tpu.memref_slice %arg4[%dma_wait3A, %dma_wait3A_35, %add3A, %dma_wait3A_39, %dma_wait3A_40] : memref<200x8x32x8x128xf32, #tpu.memory_space<hbm>> -> memref<1x1x1x8x128xf32, #tpu.memory_space<hbm>>
    %dma_wait3A_42 = tpu.memref_squeeze %dma_wait3A_41 : memref<1x1x1x8x128xf32, #tpu.memory_space<hbm>> -> memref<8x128xf32, #tpu.memory_space<hbm>>
    %dma_wait3A_43 = arith.constant 0 : i32
    %dma_wait3A_44 = arith.constant 0 : i32
    %dma_wait3A_45 = tpu.memref_slice %arg4[%dma_wait3A, %dma_wait3A_35, %add3A, %dma_wait3A_43, %dma_wait3A_44] : memref<200x8x32x8x128xf32, #tpu.memory_space<hbm>> -> memref<1x1x1x8x128xf32, #tpu.memory_space<hbm>>
    %dma_wait3A_46 = tpu.memref_squeeze %dma_wait3A_45 : memref<1x1x1x8x128xf32, #tpu.memory_space<hbm>> -> memref<8x128xf32, #tpu.memory_space<hbm>>
    %dma_wait3A_47 = arith.constant 0 : i32
    %dma_wait3A_48 = arith.constant 0 : i32
    %dma_wait3A_49 = tpu.memref_slice %arg10[%dma_wait3A_47, %dma_wait3A_48] : memref<64x129xf32, #tpu.memory_space<vmem>> -> memref<8x128xf32, #tpu.memory_space<vmem>>
    tpu.wait_dma2 semaphore(%arg16 : memref<!tpu.dma_semaphore, #tpu.memory_space<semaphore_mem>>) src(%dma_wait3A_49 : memref<8x128xf32, #tpu.memory_space<vmem>>) dst(%dma_wait3A_46 : memref<8x128xf32, #tpu.memory_space<hbm>>)
    %dma_wait3A_50 = arith.constant 0 : i32
    %dma_wait3A_51 = arith.constant 1 : i32
    %dma_wait3A_52 = arith.constant 8 : i32
    %dma_wait3A_53 = arith.constant 0 : i32
    %dma_wait3A_54 = tpu.memref_slice %arg10[%dma_wait3A_52, %dma_wait3A_53] : memref<64x129xf32, #tpu.memory_space<vmem>> -> memref<8x128xf32, #tpu.memory_space<vmem>>
    %dma_wait3A_55 = arith.constant 0 : i32
    %dma_wait3A_56 = arith.constant 0 : i32
    %dma_wait3A_57 = tpu.memref_slice %arg4[%dma_wait3A_50, %dma_wait3A_51, %add3A, %dma_wait3A_55, %dma_wait3A_56] : memref<200x8x32x8x128xf32, #tpu.memory_space<hbm>> -> memref<1x1x1x8x128xf32, #tpu.memory_space<hbm>>
    %dma_wait3A_58 = tpu.memref_squeeze %dma_wait3A_57 : memref<1x1x1x8x128xf32, #tpu.memory_space<hbm>> -> memref<8x128xf32, #tpu.memory_space<hbm>>
    %dma_wait3A_59 = arith.constant 0 : i32
    %dma_wait3A_60 = arith.constant 0 : i32
    %dma_wait3A_61 = tpu.memref_slice %arg4[%dma_wait3A_50, %dma_wait3A_51, %add3A, %dma_wait3A_59, %dma_wait3A_60] : memref<200x8x32x8x128xf32, #tpu.memory_space<hbm>> -> memref<1x1x1x8x128xf32, #tpu.memory_space<hbm>>
    %dma_wait3A_62 = tpu.memref_squeeze %dma_wait3A_61 : memref<1x1x1x8x128xf32, #tpu.memory_space<hbm>> -> memref<8x128xf32, #tpu.memory_space<hbm>>
    %dma_wait3A_63 = arith.constant 8 : i32
    %dma_wait3A_64 = arith.constant 0 : i32
    %dma_wait3A_65 = tpu.memref_slice %arg10[%dma_wait3A_63, %dma_wait3A_64] : memref<64x129xf32, #tpu.memory_space<vmem>> -> memref<8x128xf32, #tpu.memory_space<vmem>>
    tpu.wait_dma2 semaphore(%arg16 : memref<!tpu.dma_semaphore, #tpu.memory_space<semaphore_mem>>) src(%dma_wait3A_65 : memref<8x128xf32, #tpu.memory_space<vmem>>) dst(%dma_wait3A_62 : memref<8x128xf32, #tpu.memory_space<hbm>>)
    %dma_wait3A_66 = arith.constant 0 : i32
    %dma_wait3A_67 = arith.constant 2 : i32
    %dma_wait3A_68 = arith.constant 16 : i32
    %dma_wait3A_69 = arith.constant 0 : i32
    %dma_wait3A_70 = tpu.memref_slice %arg10[%dma_wait3A_68, %dma_wait3A_69] : memref<64x129xf32, #tpu.memory_space<vmem>> -> memref<8x128xf32, #tpu.memory_space<vmem>>
    %dma_wait3A_71 = arith.constant 0 : i32
    %dma_wait3A_72 = arith.constant 0 : i32
    %dma_wait3A_73 = tpu.memref_slice %arg4[%dma_wait3A_66, %dma_wait3A_67, %add3A, %dma_wait3A_71, %dma_wait3A_72] : memref<200x8x32x8x128xf32, #tpu.memory_space<hbm>> -> memref<1x1x1x8x128xf32, #tpu.memory_space<hbm>>
    %dma_wait3A_74 = tpu.memref_squeeze %dma_wait3A_73 : memref<1x1x1x8x128xf32, #tpu.memory_space<hbm>> -> memref<8x128xf32, #tpu.memory_space<hbm>>
    %dma_wait3A_75 = arith.constant 0 : i32
    %dma_wait3A_76 = arith.constant 0 : i32
    %dma_wait3A_77 = tpu.memref_slice %arg4[%dma_wait3A_66, %dma_wait3A_67, %add3A, %dma_wait3A_75, %dma_wait3A_76] : memref<200x8x32x8x128xf32, #tpu.memory_space<hbm>> -> memref<1x1x1x8x128xf32, #tpu.memory_space<hbm>>
    %dma_wait3A_78 = tpu.memref_squeeze %dma_wait3A_77 : memref<1x1x1x8x128xf32, #tpu.memory_space<hbm>> -> memref<8x128xf32, #tpu.memory_space<hbm>>
    %dma_wait3A_79 = arith.constant 16 : i32
    %dma_wait3A_80 = arith.constant 0 : i32
    %dma_wait3A_81 = tpu.memref_slice %arg10[%dma_wait3A_79, %dma_wait3A_80] : memref<64x129xf32, #tpu.memory_space<vmem>> -> memref<8x128xf32, #tpu.memory_space<vmem>>
    tpu.wait_dma2 semaphore(%arg16 : memref<!tpu.dma_semaphore, #tpu.memory_space<semaphore_mem>>) src(%dma_wait3A_81 : memref<8x128xf32, #tpu.memory_space<vmem>>) dst(%dma_wait3A_78 : memref<8x128xf32, #tpu.memory_space<hbm>>)
    %dma_wait3A_82 = arith.constant 0 : i32
    %dma_wait3A_83 = arith.constant 3 : i32
    %dma_wait3A_84 = arith.constant 24 : i32
    %dma_wait3A_85 = arith.constant 0 : i32
    %dma_wait3A_86 = tpu.memref_slice %arg10[%dma_wait3A_84, %dma_wait3A_85] : memref<64x129xf32, #tpu.memory_space<vmem>> -> memref<8x128xf32, #tpu.memory_space<vmem>>
    %dma_wait3A_87 = arith.constant 0 : i32
    %dma_wait3A_88 = arith.constant 0 : i32
    %dma_wait3A_89 = tpu.memref_slice %arg4[%dma_wait3A_82, %dma_wait3A_83, %add3A, %dma_wait3A_87, %dma_wait3A_88] : memref<200x8x32x8x128xf32, #tpu.memory_space<hbm>> -> memref<1x1x1x8x128xf32, #tpu.memory_space<hbm>>
    %dma_wait3A_90 = tpu.memref_squeeze %dma_wait3A_89 : memref<1x1x1x8x128xf32, #tpu.memory_space<hbm>> -> memref<8x128xf32, #tpu.memory_space<hbm>>
    %dma_wait3A_91 = arith.constant 0 : i32
    %dma_wait3A_92 = arith.constant 0 : i32
    %dma_wait3A_93 = tpu.memref_slice %arg4[%dma_wait3A_82, %dma_wait3A_83, %add3A, %dma_wait3A_91, %dma_wait3A_92] : memref<200x8x32x8x128xf32, #tpu.memory_space<hbm>> -> memref<1x1x1x8x128xf32, #tpu.memory_space<hbm>>
    %dma_wait3A_94 = tpu.memref_squeeze %dma_wait3A_93 : memref<1x1x1x8x128xf32, #tpu.memory_space<hbm>> -> memref<8x128xf32, #tpu.memory_space<hbm>>
    %dma_wait3A_95 = arith.constant 24 : i32
    %dma_wait3A_96 = arith.constant 0 : i32
    %dma_wait3A_97 = tpu.memref_slice %arg10[%dma_wait3A_95, %dma_wait3A_96] : memref<64x129xf32, #tpu.memory_space<vmem>> -> memref<8x128xf32, #tpu.memory_space<vmem>>
    tpu.wait_dma2 semaphore(%arg16 : memref<!tpu.dma_semaphore, #tpu.memory_space<semaphore_mem>>) src(%dma_wait3A_97 : memref<8x128xf32, #tpu.memory_space<vmem>>) dst(%dma_wait3A_94 : memref<8x128xf32, #tpu.memory_space<hbm>>)
    %dma_wait3A_98 = arith.constant 0 : i32
    %dma_wait3A_99 = arith.constant 4 : i32
    %dma_wait3A_100 = arith.constant 32 : i32
    %dma_wait3A_101 = arith.constant 0 : i32
    %dma_wait3A_102 = tpu.memref_slice %arg10[%dma_wait3A_100, %dma_wait3A_101] : memref<64x129xf32, #tpu.memory_space<vmem>> -> memref<8x128xf32, #tpu.memory_space<vmem>>
    %dma_wait3A_103 = arith.constant 0 : i32
    %dma_wait3A_104 = arith.constant 0 : i32
    %dma_wait3A_105 = tpu.memref_slice %arg4[%dma_wait3A_98, %dma_wait3A_99, %add3A, %dma_wait3A_103, %dma_wait3A_104] : memref<200x8x32x8x128xf32, #tpu.memory_space<hbm>> -> memref<1x1x1x8x128xf32, #tpu.memory_space<hbm>>
    %dma_wait3A_106 = tpu.memref_squeeze %dma_wait3A_105 : memref<1x1x1x8x128xf32, #tpu.memory_space<hbm>> -> memref<8x128xf32, #tpu.memory_space<hbm>>
    %dma_wait3A_107 = arith.constant 0 : i32
    %dma_wait3A_108 = arith.constant 0 : i32
    %dma_wait3A_109 = tpu.memref_slice %arg4[%dma_wait3A_98, %dma_wait3A_99, %add3A, %dma_wait3A_107, %dma_wait3A_108] : memref<200x8x32x8x128xf32, #tpu.memory_space<hbm>> -> memref<1x1x1x8x128xf32, #tpu.memory_space<hbm>>
    %dma_wait3A_110 = tpu.memref_squeeze %dma_wait3A_109 : memref<1x1x1x8x128xf32, #tpu.memory_space<hbm>> -> memref<8x128xf32, #tpu.memory_space<hbm>>
    %dma_wait3A_111 = arith.constant 32 : i32
    %dma_wait3A_112 = arith.constant 0 : i32
    %dma_wait3A_113 = tpu.memref_slice %arg10[%dma_wait3A_111, %dma_wait3A_112] : memref<64x129xf32, #tpu.memory_space<vmem>> -> memref<8x128xf32, #tpu.memory_space<vmem>>
    tpu.wait_dma2 semaphore(%arg16 : memref<!tpu.dma_semaphore, #tpu.memory_space<semaphore_mem>>) src(%dma_wait3A_113 : memref<8x128xf32, #tpu.memory_space<vmem>>) dst(%dma_wait3A_110 : memref<8x128xf32, #tpu.memory_space<hbm>>)
    %dma_wait3A_114 = arith.constant 0 : i32
    %dma_wait3A_115 = arith.constant 5 : i32
    %dma_wait3A_116 = arith.constant 40 : i32
    %dma_wait3A_117 = arith.constant 0 : i32
    %dma_wait3A_118 = tpu.memref_slice %arg10[%dma_wait3A_116, %dma_wait3A_117] : memref<64x129xf32, #tpu.memory_space<vmem>> -> memref<8x128xf32, #tpu.memory_space<vmem>>
    %dma_wait3A_119 = arith.constant 0 : i32
    %dma_wait3A_120 = arith.constant 0 : i32
    %dma_wait3A_121 = tpu.memref_slice %arg4[%dma_wait3A_114, %dma_wait3A_115, %add3A, %dma_wait3A_119, %dma_wait3A_120] : memref<200x8x32x8x128xf32, #tpu.memory_space<hbm>> -> memref<1x1x1x8x128xf32, #tpu.memory_space<hbm>>
    %dma_wait3A_122 = tpu.memref_squeeze %dma_wait3A_121 : memref<1x1x1x8x128xf32, #tpu.memory_space<hbm>> -> memref<8x128xf32, #tpu.memory_space<hbm>>
    %dma_wait3A_123 = arith.constant 0 : i32
    %dma_wait3A_124 = arith.constant 0 : i32
    %dma_wait3A_125 = tpu.memref_slice %arg4[%dma_wait3A_114, %dma_wait3A_115, %add3A, %dma_wait3A_123, %dma_wait3A_124] : memref<200x8x32x8x128xf32, #tpu.memory_space<hbm>> -> memref<1x1x1x8x128xf32, #tpu.memory_space<hbm>>
    %dma_wait3A_126 = tpu.memref_squeeze %dma_wait3A_125 : memref<1x1x1x8x128xf32, #tpu.memory_space<hbm>> -> memref<8x128xf32, #tpu.memory_space<hbm>>
    %dma_wait3A_127 = arith.constant 40 : i32
    %dma_wait3A_128 = arith.constant 0 : i32
    %dma_wait3A_129 = tpu.memref_slice %arg10[%dma_wait3A_127, %dma_wait3A_128] : memref<64x129xf32, #tpu.memory_space<vmem>> -> memref<8x128xf32, #tpu.memory_space<vmem>>
    tpu.wait_dma2 semaphore(%arg16 : memref<!tpu.dma_semaphore, #tpu.memory_space<semaphore_mem>>) src(%dma_wait3A_129 : memref<8x128xf32, #tpu.memory_space<vmem>>) dst(%dma_wait3A_126 : memref<8x128xf32, #tpu.memory_space<hbm>>)
    %dma_wait3A_130 = arith.constant 0 : i32
    %dma_wait3A_131 = arith.constant 6 : i32
    %dma_wait3A_132 = arith.constant 48 : i32
    %dma_wait3A_133 = arith.constant 0 : i32
    %dma_wait3A_134 = tpu.memref_slice %arg10[%dma_wait3A_132, %dma_wait3A_133] : memref<64x129xf32, #tpu.memory_space<vmem>> -> memref<8x128xf32, #tpu.memory_space<vmem>>
    %dma_wait3A_135 = arith.constant 0 : i32
    %dma_wait3A_136 = arith.constant 0 : i32
    %dma_wait3A_137 = tpu.memref_slice %arg4[%dma_wait3A_130, %dma_wait3A_131, %add3A, %dma_wait3A_135, %dma_wait3A_136] : memref<200x8x32x8x128xf32, #tpu.memory_space<hbm>> -> memref<1x1x1x8x128xf32, #tpu.memory_space<hbm>>
    %dma_wait3A_138 = tpu.memref_squeeze %dma_wait3A_137 : memref<1x1x1x8x128xf32, #tpu.memory_space<hbm>> -> memref<8x128xf32, #tpu.memory_space<hbm>>
    %dma_wait3A_139 = arith.constant 0 : i32
    %dma_wait3A_140 = arith.constant 0 : i32
    %dma_wait3A_141 = tpu.memref_slice %arg4[%dma_wait3A_130, %dma_wait3A_131, %add3A, %dma_wait3A_139, %dma_wait3A_140] : memref<200x8x32x8x128xf32, #tpu.memory_space<hbm>> -> memref<1x1x1x8x128xf32, #tpu.memory_space<hbm>>
    %dma_wait3A_142 = tpu.memref_squeeze %dma_wait3A_141 : memref<1x1x1x8x128xf32, #tpu.memory_space<hbm>> -> memref<8x128xf32, #tpu.memory_space<hbm>>
    %dma_wait3A_143 = arith.constant 48 : i32
    %dma_wait3A_144 = arith.constant 0 : i32
    %dma_wait3A_145 = tpu.memref_slice %arg10[%dma_wait3A_143, %dma_wait3A_144] : memref<64x129xf32, #tpu.memory_space<vmem>> -> memref<8x128xf32, #tpu.memory_space<vmem>>
    tpu.wait_dma2 semaphore(%arg16 : memref<!tpu.dma_semaphore, #tpu.memory_space<semaphore_mem>>) src(%dma_wait3A_145 : memref<8x128xf32, #tpu.memory_space<vmem>>) dst(%dma_wait3A_142 : memref<8x128xf32, #tpu.memory_space<hbm>>)
    %dma_wait3A_146 = arith.constant 0 : i32
    %dma_wait3A_147 = arith.constant 7 : i32
    %dma_wait3A_148 = arith.constant 56 : i32
    %dma_wait3A_149 = arith.constant 0 : i32
    %dma_wait3A_150 = tpu.memref_slice %arg10[%dma_wait3A_148, %dma_wait3A_149] : memref<64x129xf32, #tpu.memory_space<vmem>> -> memref<8x128xf32, #tpu.memory_space<vmem>>
    %dma_wait3A_151 = arith.constant 0 : i32
    %dma_wait3A_152 = arith.constant 0 : i32
    %dma_wait3A_153 = tpu.memref_slice %arg4[%dma_wait3A_146, %dma_wait3A_147, %add3A, %dma_wait3A_151, %dma_wait3A_152] : memref<200x8x32x8x128xf32, #tpu.memory_space<hbm>> -> memref<1x1x1x8x128xf32, #tpu.memory_space<hbm>>
    %dma_wait3A_154 = tpu.memref_squeeze %dma_wait3A_153 : memref<1x1x1x8x128xf32, #tpu.memory_space<hbm>> -> memref<8x128xf32, #tpu.memory_space<hbm>>
    %dma_wait3A_155 = arith.constant 0 : i32
    %dma_wait3A_156 = arith.constant 0 : i32
    %dma_wait3A_157 = tpu.memref_slice %arg4[%dma_wait3A_146, %dma_wait3A_147, %add3A, %dma_wait3A_155, %dma_wait3A_156] : memref<200x8x32x8x128xf32, #tpu.memory_space<hbm>> -> memref<1x1x1x8x128xf32, #tpu.memory_space<hbm>>
    %dma_wait3A_158 = tpu.memref_squeeze %dma_wait3A_157 : memref<1x1x1x8x128xf32, #tpu.memory_space<hbm>> -> memref<8x128xf32, #tpu.memory_space<hbm>>
    %dma_wait3A_159 = arith.constant 56 : i32
    %dma_wait3A_160 = arith.constant 0 : i32
    %dma_wait3A_161 = tpu.memref_slice %arg10[%dma_wait3A_159, %dma_wait3A_160] : memref<64x129xf32, #tpu.memory_space<vmem>> -> memref<8x128xf32, #tpu.memory_space<vmem>>
    tpu.wait_dma2 semaphore(%arg16 : memref<!tpu.dma_semaphore, #tpu.memory_space<semaphore_mem>>) src(%dma_wait3A_161 : memref<8x128xf32, #tpu.memory_space<vmem>>) dst(%dma_wait3A_158 : memref<8x128xf32, #tpu.memory_space<hbm>>)
    %dma_wait3A_162 = arith.constant 0 : i32
    %dma_wait3A_163 = arith.constant 0 : i32
    %dma_wait3A_164 = arith.constant 0 : i32
    %dma_wait3A_165 = arith.constant 0 : i32
    %dma_wait3A_166 = tpu.memref_slice %arg11[%dma_wait3A_164, %dma_wait3A_165] : memref<64x129xf32, #tpu.memory_space<vmem>> -> memref<8x128xf32, #tpu.memory_space<vmem>>
    %dma_wait3A_167 = arith.constant 0 : i32
    %dma_wait3A_168 = arith.constant 0 : i32
    %dma_wait3A_169 = tpu.memref_slice %arg4[%dma_wait3A_162, %dma_wait3A_163, %add3A, %dma_wait3A_167, %dma_wait3A_168] : memref<200x8x32x8x128xf32, #tpu.memory_space<hbm>> -> memref<1x1x1x8x128xf32, #tpu.memory_space<hbm>>
    %dma_wait3A_170 = tpu.memref_squeeze %dma_wait3A_169 : memref<1x1x1x8x128xf32, #tpu.memory_space<hbm>> -> memref<8x128xf32, #tpu.memory_space<hbm>>
    %dma_wait3A_171 = arith.constant 0 : i32
    %dma_wait3A_172 = arith.constant 0 : i32
    %dma_wait3A_173 = tpu.memref_slice %arg4[%dma_wait3A_162, %dma_wait3A_163, %add3A, %dma_wait3A_171, %dma_wait3A_172] : memref<200x8x32x8x128xf32, #tpu.memory_space<hbm>> -> memref<1x1x1x8x128xf32, #tpu.memory_space<hbm>>
    %dma_wait3A_174 = tpu.memref_squeeze %dma_wait3A_173 : memref<1x1x1x8x128xf32, #tpu.memory_space<hbm>> -> memref<8x128xf32, #tpu.memory_space<hbm>>
    %dma_wait3A_175 = arith.constant 0 : i32
    %dma_wait3A_176 = arith.constant 0 : i32
    %dma_wait3A_177 = tpu.memref_slice %arg11[%dma_wait3A_175, %dma_wait3A_176] : memref<64x129xf32, #tpu.memory_space<vmem>> -> memref<8x128xf32, #tpu.memory_space<vmem>>
    tpu.wait_dma2 semaphore(%arg17 : memref<!tpu.dma_semaphore, #tpu.memory_space<semaphore_mem>>) src(%dma_wait3A_177 : memref<8x128xf32, #tpu.memory_space<vmem>>) dst(%dma_wait3A_174 : memref<8x128xf32, #tpu.memory_space<hbm>>)
    %dma_wait3A_178 = arith.constant 0 : i32
    %dma_wait3A_179 = arith.constant 1 : i32
    %dma_wait3A_180 = arith.constant 8 : i32
    %dma_wait3A_181 = arith.constant 0 : i32
    %dma_wait3A_182 = tpu.memref_slice %arg11[%dma_wait3A_180, %dma_wait3A_181] : memref<64x129xf32, #tpu.memory_space<vmem>> -> memref<8x128xf32, #tpu.memory_space<vmem>>
    %dma_wait3A_183 = arith.constant 0 : i32
    %dma_wait3A_184 = arith.constant 0 : i32
    %dma_wait3A_185 = tpu.memref_slice %arg4[%dma_wait3A_178, %dma_wait3A_179, %add3A, %dma_wait3A_183, %dma_wait3A_184] : memref<200x8x32x8x128xf32, #tpu.memory_space<hbm>> -> memref<1x1x1x8x128xf32, #tpu.memory_space<hbm>>
    %dma_wait3A_186 = tpu.memref_squeeze %dma_wait3A_185 : memref<1x1x1x8x128xf32, #tpu.memory_space<hbm>> -> memref<8x128xf32, #tpu.memory_space<hbm>>
    %dma_wait3A_187 = arith.constant 0 : i32
    %dma_wait3A_188 = arith.constant 0 : i32
    %dma_wait3A_189 = tpu.memref_slice %arg4[%dma_wait3A_178, %dma_wait3A_179, %add3A, %dma_wait3A_187, %dma_wait3A_188] : memref<200x8x32x8x128xf32, #tpu.memory_space<hbm>> -> memref<1x1x1x8x128xf32, #tpu.memory_space<hbm>>
    %dma_wait3A_190 = tpu.memref_squeeze %dma_wait3A_189 : memref<1x1x1x8x128xf32, #tpu.memory_space<hbm>> -> memref<8x128xf32, #tpu.memory_space<hbm>>
    %dma_wait3A_191 = arith.constant 8 : i32
    %dma_wait3A_192 = arith.constant 0 : i32
    %dma_wait3A_193 = tpu.memref_slice %arg11[%dma_wait3A_191, %dma_wait3A_192] : memref<64x129xf32, #tpu.memory_space<vmem>> -> memref<8x128xf32, #tpu.memory_space<vmem>>
    tpu.wait_dma2 semaphore(%arg17 : memref<!tpu.dma_semaphore, #tpu.memory_space<semaphore_mem>>) src(%dma_wait3A_193 : memref<8x128xf32, #tpu.memory_space<vmem>>) dst(%dma_wait3A_190 : memref<8x128xf32, #tpu.memory_space<hbm>>)
    %dma_wait3A_194 = arith.constant 0 : i32
    %dma_wait3A_195 = arith.constant 2 : i32
    %dma_wait3A_196 = arith.constant 16 : i32
    %dma_wait3A_197 = arith.constant 0 : i32
    %dma_wait3A_198 = tpu.memref_slice %arg11[%dma_wait3A_196, %dma_wait3A_197] : memref<64x129xf32, #tpu.memory_space<vmem>> -> memref<8x128xf32, #tpu.memory_space<vmem>>
    %dma_wait3A_199 = arith.constant 0 : i32
    %dma_wait3A_200 = arith.constant 0 : i32
    %dma_wait3A_201 = tpu.memref_slice %arg4[%dma_wait3A_194, %dma_wait3A_195, %add3A, %dma_wait3A_199, %dma_wait3A_200] : memref<200x8x32x8x128xf32, #tpu.memory_space<hbm>> -> memref<1x1x1x8x128xf32, #tpu.memory_space<hbm>>
    %dma_wait3A_202 = tpu.memref_squeeze %dma_wait3A_201 : memref<1x1x1x8x128xf32, #tpu.memory_space<hbm>> -> memref<8x128xf32, #tpu.memory_space<hbm>>
    %dma_wait3A_203 = arith.constant 0 : i32
    %dma_wait3A_204 = arith.constant 0 : i32
    %dma_wait3A_205 = tpu.memref_slice %arg4[%dma_wait3A_194, %dma_wait3A_195, %add3A, %dma_wait3A_203, %dma_wait3A_204] : memref<200x8x32x8x128xf32, #tpu.memory_space<hbm>> -> memref<1x1x1x8x128xf32, #tpu.memory_space<hbm>>
    %dma_wait3A_206 = tpu.memref_squeeze %dma_wait3A_205 : memref<1x1x1x8x128xf32, #tpu.memory_space<hbm>> -> memref<8x128xf32, #tpu.memory_space<hbm>>
    %dma_wait3A_207 = arith.constant 16 : i32
    %dma_wait3A_208 = arith.constant 0 : i32
    %dma_wait3A_209 = tpu.memref_slice %arg11[%dma_wait3A_207, %dma_wait3A_208] : memref<64x129xf32, #tpu.memory_space<vmem>> -> memref<8x128xf32, #tpu.memory_space<vmem>>
    tpu.wait_dma2 semaphore(%arg17 : memref<!tpu.dma_semaphore, #tpu.memory_space<semaphore_mem>>) src(%dma_wait3A_209 : memref<8x128xf32, #tpu.memory_space<vmem>>) dst(%dma_wait3A_206 : memref<8x128xf32, #tpu.memory_space<hbm>>)
    %dma_wait3A_210 = arith.constant 0 : i32
    %dma_wait3A_211 = arith.constant 3 : i32
    %dma_wait3A_212 = arith.constant 24 : i32
    %dma_wait3A_213 = arith.constant 0 : i32
    %dma_wait3A_214 = tpu.memref_slice %arg11[%dma_wait3A_212, %dma_wait3A_213] : memref<64x129xf32, #tpu.memory_space<vmem>> -> memref<8x128xf32, #tpu.memory_space<vmem>>
    %dma_wait3A_215 = arith.constant 0 : i32
    %dma_wait3A_216 = arith.constant 0 : i32
    %dma_wait3A_217 = tpu.memref_slice %arg4[%dma_wait3A_210, %dma_wait3A_211, %add3A, %dma_wait3A_215, %dma_wait3A_216] : memref<200x8x32x8x128xf32, #tpu.memory_space<hbm>> -> memref<1x1x1x8x128xf32, #tpu.memory_space<hbm>>
    %dma_wait3A_218 = tpu.memref_squeeze %dma_wait3A_217 : memref<1x1x1x8x128xf32, #tpu.memory_space<hbm>> -> memref<8x128xf32, #tpu.memory_space<hbm>>
    %dma_wait3A_219 = arith.constant 0 : i32
    %dma_wait3A_220 = arith.constant 0 : i32
    %dma_wait3A_221 = tpu.memref_slice %arg4[%dma_wait3A_210, %dma_wait3A_211, %add3A, %dma_wait3A_219, %dma_wait3A_220] : memref<200x8x32x8x128xf32, #tpu.memory_space<hbm>> -> memref<1x1x1x8x128xf32, #tpu.memory_space<hbm>>
    %dma_wait3A_222 = tpu.memref_squeeze %dma_wait3A_221 : memref<1x1x1x8x128xf32, #tpu.memory_space<hbm>> -> memref<8x128xf32, #tpu.memory_space<hbm>>
    %dma_wait3A_223 = arith.constant 24 : i32
    %dma_wait3A_224 = arith.constant 0 : i32
    %dma_wait3A_225 = tpu.memref_slice %arg11[%dma_wait3A_223, %dma_wait3A_224] : memref<64x129xf32, #tpu.memory_space<vmem>> -> memref<8x128xf32, #tpu.memory_space<vmem>>
    tpu.wait_dma2 semaphore(%arg17 : memref<!tpu.dma_semaphore, #tpu.memory_space<semaphore_mem>>) src(%dma_wait3A_225 : memref<8x128xf32, #tpu.memory_space<vmem>>) dst(%dma_wait3A_222 : memref<8x128xf32, #tpu.memory_space<hbm>>)
    %dma_wait3A_226 = arith.constant 0 : i32
    %dma_wait3A_227 = arith.constant 4 : i32
    %dma_wait3A_228 = arith.constant 32 : i32
    %dma_wait3A_229 = arith.constant 0 : i32
    %dma_wait3A_230 = tpu.memref_slice %arg11[%dma_wait3A_228, %dma_wait3A_229] : memref<64x129xf32, #tpu.memory_space<vmem>> -> memref<8x128xf32, #tpu.memory_space<vmem>>
    %dma_wait3A_231 = arith.constant 0 : i32
    %dma_wait3A_232 = arith.constant 0 : i32
    %dma_wait3A_233 = tpu.memref_slice %arg4[%dma_wait3A_226, %dma_wait3A_227, %add3A, %dma_wait3A_231, %dma_wait3A_232] : memref<200x8x32x8x128xf32, #tpu.memory_space<hbm>> -> memref<1x1x1x8x128xf32, #tpu.memory_space<hbm>>
    %dma_wait3A_234 = tpu.memref_squeeze %dma_wait3A_233 : memref<1x1x1x8x128xf32, #tpu.memory_space<hbm>> -> memref<8x128xf32, #tpu.memory_space<hbm>>
    %dma_wait3A_235 = arith.constant 0 : i32
    %dma_wait3A_236 = arith.constant 0 : i32
    %dma_wait3A_237 = tpu.memref_slice %arg4[%dma_wait3A_226, %dma_wait3A_227, %add3A, %dma_wait3A_235, %dma_wait3A_236] : memref<200x8x32x8x128xf32, #tpu.memory_space<hbm>> -> memref<1x1x1x8x128xf32, #tpu.memory_space<hbm>>
    %dma_wait3A_238 = tpu.memref_squeeze %dma_wait3A_237 : memref<1x1x1x8x128xf32, #tpu.memory_space<hbm>> -> memref<8x128xf32, #tpu.memory_space<hbm>>
    %dma_wait3A_239 = arith.constant 32 : i32
    %dma_wait3A_240 = arith.constant 0 : i32
    %dma_wait3A_241 = tpu.memref_slice %arg11[%dma_wait3A_239, %dma_wait3A_240] : memref<64x129xf32, #tpu.memory_space<vmem>> -> memref<8x128xf32, #tpu.memory_space<vmem>>
    tpu.wait_dma2 semaphore(%arg17 : memref<!tpu.dma_semaphore, #tpu.memory_space<semaphore_mem>>) src(%dma_wait3A_241 : memref<8x128xf32, #tpu.memory_space<vmem>>) dst(%dma_wait3A_238 : memref<8x128xf32, #tpu.memory_space<hbm>>)
    %dma_wait3A_242 = arith.constant 0 : i32
    %dma_wait3A_243 = arith.constant 5 : i32
    %dma_wait3A_244 = arith.constant 40 : i32
    %dma_wait3A_245 = arith.constant 0 : i32
    %dma_wait3A_246 = tpu.memref_slice %arg11[%dma_wait3A_244, %dma_wait3A_245] : memref<64x129xf32, #tpu.memory_space<vmem>> -> memref<8x128xf32, #tpu.memory_space<vmem>>
    %dma_wait3A_247 = arith.constant 0 : i32
    %dma_wait3A_248 = arith.constant 0 : i32
    %dma_wait3A_249 = tpu.memref_slice %arg4[%dma_wait3A_242, %dma_wait3A_243, %add3A, %dma_wait3A_247, %dma_wait3A_248] : memref<200x8x32x8x128xf32, #tpu.memory_space<hbm>> -> memref<1x1x1x8x128xf32, #tpu.memory_space<hbm>>
    %dma_wait3A_250 = tpu.memref_squeeze %dma_wait3A_249 : memref<1x1x1x8x128xf32, #tpu.memory_space<hbm>> -> memref<8x128xf32, #tpu.memory_space<hbm>>
    %dma_wait3A_251 = arith.constant 0 : i32
    %dma_wait3A_252 = arith.constant 0 : i32
    %dma_wait3A_253 = tpu.memref_slice %arg4[%dma_wait3A_242, %dma_wait3A_243, %add3A, %dma_wait3A_251, %dma_wait3A_252] : memref<200x8x32x8x128xf32, #tpu.memory_space<hbm>> -> memref<1x1x1x8x128xf32, #tpu.memory_space<hbm>>
    %dma_wait3A_254 = tpu.memref_squeeze %dma_wait3A_253 : memref<1x1x1x8x128xf32, #tpu.memory_space<hbm>> -> memref<8x128xf32, #tpu.memory_space<hbm>>
    %dma_wait3A_255 = arith.constant 40 : i32
    %dma_wait3A_256 = arith.constant 0 : i32
    %dma_wait3A_257 = tpu.memref_slice %arg11[%dma_wait3A_255, %dma_wait3A_256] : memref<64x129xf32, #tpu.memory_space<vmem>> -> memref<8x128xf32, #tpu.memory_space<vmem>>
    tpu.wait_dma2 semaphore(%arg17 : memref<!tpu.dma_semaphore, #tpu.memory_space<semaphore_mem>>) src(%dma_wait3A_257 : memref<8x128xf32, #tpu.memory_space<vmem>>) dst(%dma_wait3A_254 : memref<8x128xf32, #tpu.memory_space<hbm>>)
    %dma_wait3A_258 = arith.constant 0 : i32
    %dma_wait3A_259 = arith.constant 6 : i32
    %dma_wait3A_260 = arith.constant 48 : i32
    %dma_wait3A_261 = arith.constant 0 : i32
    %dma_wait3A_262 = tpu.memref_slice %arg11[%dma_wait3A_260, %dma_wait3A_261] : memref<64x129xf32, #tpu.memory_space<vmem>> -> memref<8x128xf32, #tpu.memory_space<vmem>>
    %dma_wait3A_263 = arith.constant 0 : i32
    %dma_wait3A_264 = arith.constant 0 : i32
    %dma_wait3A_265 = tpu.memref_slice %arg4[%dma_wait3A_258, %dma_wait3A_259, %add3A, %dma_wait3A_263, %dma_wait3A_264] : memref<200x8x32x8x128xf32, #tpu.memory_space<hbm>> -> memref<1x1x1x8x128xf32, #tpu.memory_space<hbm>>
    %dma_wait3A_266 = tpu.memref_squeeze %dma_wait3A_265 : memref<1x1x1x8x128xf32, #tpu.memory_space<hbm>> -> memref<8x128xf32, #tpu.memory_space<hbm>>
    %dma_wait3A_267 = arith.constant 0 : i32
    %dma_wait3A_268 = arith.constant 0 : i32
    %dma_wait3A_269 = tpu.memref_slice %arg4[%dma_wait3A_258, %dma_wait3A_259, %add3A, %dma_wait3A_267, %dma_wait3A_268] : memref<200x8x32x8x128xf32, #tpu.memory_space<hbm>> -> memref<1x1x1x8x128xf32, #tpu.memory_space<hbm>>
    %dma_wait3A_270 = tpu.memref_squeeze %dma_wait3A_269 : memref<1x1x1x8x128xf32, #tpu.memory_space<hbm>> -> memref<8x128xf32, #tpu.memory_space<hbm>>
    %dma_wait3A_271 = arith.constant 48 : i32
    %dma_wait3A_272 = arith.constant 0 : i32
    %dma_wait3A_273 = tpu.memref_slice %arg11[%dma_wait3A_271, %dma_wait3A_272] : memref<64x129xf32, #tpu.memory_space<vmem>> -> memref<8x128xf32, #tpu.memory_space<vmem>>
    tpu.wait_dma2 semaphore(%arg17 : memref<!tpu.dma_semaphore, #tpu.memory_space<semaphore_mem>>) src(%dma_wait3A_273 : memref<8x128xf32, #tpu.memory_space<vmem>>) dst(%dma_wait3A_270 : memref<8x128xf32, #tpu.memory_space<hbm>>)
    %dma_wait3A_274 = arith.constant 0 : i32
    %dma_wait3A_275 = arith.constant 7 : i32
    %dma_wait3A_276 = arith.constant 56 : i32
    %dma_wait3A_277 = arith.constant 0 : i32
    %dma_wait3A_278 = tpu.memref_slice %arg11[%dma_wait3A_276, %dma_wait3A_277] : memref<64x129xf32, #tpu.memory_space<vmem>> -> memref<8x128xf32, #tpu.memory_space<vmem>>
    %dma_wait3A_279 = arith.constant 0 : i32
    %dma_wait3A_280 = arith.constant 0 : i32
    %dma_wait3A_281 = tpu.memref_slice %arg4[%dma_wait3A_274, %dma_wait3A_275, %add3A, %dma_wait3A_279, %dma_wait3A_280] : memref<200x8x32x8x128xf32, #tpu.memory_space<hbm>> -> memref<1x1x1x8x128xf32, #tpu.memory_space<hbm>>
    %dma_wait3A_282 = tpu.memref_squeeze %dma_wait3A_281 : memref<1x1x1x8x128xf32, #tpu.memory_space<hbm>> -> memref<8x128xf32, #tpu.memory_space<hbm>>
    %dma_wait3A_283 = arith.constant 0 : i32
    %dma_wait3A_284 = arith.constant 0 : i32
    %dma_wait3A_285 = tpu.memref_slice %arg4[%dma_wait3A_274, %dma_wait3A_275, %add3A, %dma_wait3A_283, %dma_wait3A_284] : memref<200x8x32x8x128xf32, #tpu.memory_space<hbm>> -> memref<1x1x1x8x128xf32, #tpu.memory_space<hbm>>
    %dma_wait3A_286 = tpu.memref_squeeze %dma_wait3A_285 : memref<1x1x1x8x128xf32, #tpu.memory_space<hbm>> -> memref<8x128xf32, #tpu.memory_space<hbm>>
    %dma_wait3A_287 = arith.constant 56 : i32
    %dma_wait3A_288 = arith.constant 0 : i32
    %dma_wait3A_289 = tpu.memref_slice %arg11[%dma_wait3A_287, %dma_wait3A_288] : memref<64x129xf32, #tpu.memory_space<vmem>> -> memref<8x128xf32, #tpu.memory_space<vmem>>
    tpu.wait_dma2 semaphore(%arg17 : memref<!tpu.dma_semaphore, #tpu.memory_space<semaphore_mem>>) src(%dma_wait3A_289 : memref<8x128xf32, #tpu.memory_space<vmem>>) dst(%dma_wait3A_286 : memref<8x128xf32, #tpu.memory_space<hbm>>)
    return
  }
}

</mosaic_0001>

<sc_bundles>
// kernel: kernel.3.cloned.1.call-start
scs
__scs_entry_jumppad:
0x0: {  	(pc) =	sbr.rel $0x88, $3  }
0x1: {  	(tag) =	ssettag $0x0;
	lr =	simm.s32 $0x1  }
0x2: {  	[smem:$0x3F9F] =	sst lr;
	_ =	strace $0xD0000000  }
0x3: {  	_ = 	snop  }
0x4: {  	_ = 	snop  }
0x5: {  	_ = 	snop  }
0x6: {  	_ = 	snop  }
0x7: {  	_ = 	snop  }
__scs_overlays_trampoline_lowered:
0x8: {  	[smem:$0x3FAE] =	sst s0  }
0x9: {  	[smem:$0x3FAF] =	sst s1  }
0xa: {  	[smem:$0x3FB0] =	sst s2  }
0xb: {  	[smem:$0x3FB1] =	sst s3  }
0xc: {  	[smem:$0x3FB2] =	sst s4  }
0xd: {  	[smem:$0x3FB3] =	sst s5  }
0xe: {  	[smem:$0x3FB4] =	sst s6  }
0xf: {  	[smem:$0x3FB5] =	sst s7  }
0x10: {  	[smem:$0x3FB6] =	sst s8  }
0x11: {  	[smem:$0x3FB7] =	sst s9;
	s0 =	simm.s32 @!p0 $0x0  }
0x12: {  	s1 =	sld [smem:$0x3F9D];
	s0 =	simm.s32 @p0 $0x1  }
0x13: {  	[smem:$0x3FB8] =	sst s0;
	s0 =	simm.s32 @!p1 $0x0  }
0x14: {  	s2 =	sld [smem:$0x3F9C];
	s0 =	simm.s32 @p1 $0x1  }
0x15: {  	[smem:$0x3FB9] =	sst s0;
	s0 =	simm.s32 @!p2 $0x0  }
0x16: {  	s3 =	sld [smem:$0x3FDB];
	s0 =	simm.s32 @p2 $0x1  }
0x17: {  	s4 =	simm.s32 $0x1BF5;
	[smem:$0x3FBB] =	sst s0  }
0x18: {  	s0 =	sld [smem:$0x3F9E];
	_ =	swait.ge [sflag:s4], $0x0  }
0x19: {  	s7 =	sld [smem:$0x3F9F]  }
0x1a: {  	s8 =	sadd.s32 $0xFFFFE003, lr  }
0x1b: {  	s9 =	sadd.s32 $0xFFFFFEF7, lr;
	s5 =	simm.s32 $0xFFFFFFFF;
	p2 =	slt.u32 s8, $0xFFFFF086  }
0x1c: {  	p1 =	slt.u32 s9, $0xF7A;
	s5 =	simm.s32 @!p2 $0x0  }
0x1d: {  	s5 =	simm.s32 @p1 $0x1;
	p0 =	seq.s32 s7, s2  }
0x1e: {  	s7 =	smul.u32 @!p0 $0xF7A, s2;
	p2 =	seq.s32 @!p0 s5, $0x0  }
0x1f: {  	s9 =	smul.u32 $0xF7A, s1;
	s8 =	simm.s32 @!p0 $0x1BF5;
	p2 =	por !p2, p0  }
0x20: {  	[sflag:s8] =	ssyncset.s32 @!p0 $0xFFFFF086;
	s6 =	sadd.s32 @!p0 s3, s7;
	s7 =	simm.s32 @!p0 $0x108  }
0x21: {  	s3 =	sadd.s32 s3, s9;
	s6 =	sadd.s32 @!p0 $0x88, s6;
	s7 =	simm.s32 @p2 $0x1082  }
0x22: {  	[simem:s7], [sflag:s8] =	dma.local @!p0 [hbm:s6], $0xF7A  }
0x23: {  	s9 =	sor.u32 $0xD0000000, s2;
	s6 =	simm.s32 $0x108;
	_ =	swait.ge @!p0 [sflag:s8], $0x0  }
0x24: {  	s3 =	sadd.s32 $0x88, s3;
	s6 =	simm.s32 @!p1 $0x1082;
	[sflag:s4] =	ssyncset.s32 $0xFFFFF086  }
0x25: {  	[simem:s6], [sflag:s4] =	dma.local [hbm:s3], $0xF7A  }
0x26: {  	[smem:$0x3F9F] =	sst s1;
	(tag) =	ssettag s2;
	_ =	strace s9  }
0x27: {  	s1 =	sld [smem:$0x3FAF]  }
0x28: {  	s2 =	sld [smem:$0x3FB0]  }
0x29: {  	s4 =	sld [smem:$0x3FB2]  }
0x2a: {  	p0 =	seq.s32 s5, $0x0;
	s5 =	sld [smem:$0x3FB3]  }
0x2b: {  	s6 =	sld [smem:$0x3FB4]  }
0x2c: {  	s7 =	sld [smem:$0x3FB5]  }
0x2d: {  	s3 =	simm.s32 $0x108;
	s8 =	sld [smem:$0x3FB6]  }
0x2e: {  	s3 =	simm.s32 @!p0 $0x1082;
	s9 =	sld [smem:$0x3FB7]  }
0x2f: {  	lr =	sadd.s32 s0, s3;
	s0 =	sld [smem:$0x3FAE]  }
0x30: {  	s3 =	sld [smem:$0x3FB1]  }
0x31: {  	[smem:$0x3FBA] =	sst s10  }
0x32: {  	s10 =	sld [smem:$0x3FB8];
	_ =	sdelay $0x3  }
0x33: {  	p0 =	seq.s32 s10, $0x1;
	s10 =	sld [smem:$0x3FBA];
	_ =	sdelay $0x3  }
0x34: {  	[smem:$0x3FBA] =	sst s10  }
0x35: {  	s10 =	sld [smem:$0x3FB9];
	_ =	sdelay $0x3  }
0x36: {  	p1 =	seq.s32 s10, $0x1;
	s10 =	sld [smem:$0x3FBA];
	_ =	sdelay $0x3  }
0x37: {  	[smem:$0x3FBA] =	sst s10  }
0x38: {  	s10 =	sld [smem:$0x3FBB]  }
0x39: {  	_ = 	snop;
	(pc) =	sbr.ind lr, $3  }
0x3a: {  	_ = 	snop  }
0x3b: {  	_ = 	snop  }
0x3c: {  	p2 =	seq.s32 s10, $0x1;
	s10 =	sld [smem:$0x3FBA]  }
0x3d: {  	_ =	shalt  }
0x3e: {  	_ =	shalt  }
0x3f: {  	_ =	shalt  }
0x40: {  	_ =	shalt  }
0x41: {  	_ =	shalt  }
0x42: {  	_ =	shalt  }
0x43: {  	_ =	shalt  }
0x44: {  	_ =	shalt  }
0x45: {  	_ =	shalt  }
0x46: {  	_ =	shalt  }
0x47: {  	_ =	shalt  }
0x48: {  	_ =	shalt  }
0x49: {  	_ =	shalt  }
0x4a: {  	_ =	shalt  }
0x4b: {  	_ =	shalt  }
0x4c: {  	_ =	shalt  }
0x4d: {  	_ =	shalt  }
0x4e: {  	_ =	shalt  }
0x4f: {  	_ =	shalt  }
0x50: {  	_ =	shalt  }
0x51: {  	_ =	shalt  }
0x52: {  	_ =	shalt  }
0x53: {  	_ =	shalt  }
0x54: {  	_ =	shalt  }
0x55: {  	_ =	shalt  }
0x56: {  	_ =	shalt  }
0x57: {  	_ =	shalt  }
0x58: {  	_ =	shalt  }
0x59: {  	_ =	shalt  }
0x5a: {  	_ =	shalt  }
0x5b: {  	_ =	shalt  }
0x5c: {  	_ =	shalt  }
0x5d: {  	_ =	shalt  }
0x5e: {  	_ =	shalt  }
0x5f: {  	_ =	shalt  }
0x60: {  	_ =	shalt  }
0x61: {  	_ =	shalt  }
0x62: {  	_ =	shalt  }
0x63: {  	_ =	shalt  }
0x64: {  	_ =	shalt  }
0x65: {  	_ =	shalt  }
0x66: {  	_ =	shalt  }
0x67: {  	_ =	shalt  }
0x68: {  	_ =	shalt  }
0x69: {  	_ =	shalt  }
0x6a: {  	_ =	shalt  }
0x6b: {  	_ =	shalt  }
0x6c: {  	_ =	shalt  }
0x6d: {  	_ =	shalt  }
0x6e: {  	_ =	shalt  }
0x6f: {  	_ =	shalt  }
0x70: {  	_ =	shalt  }
0x71: {  	_ =	shalt  }
0x72: {  	_ =	shalt  }
0x73: {  	_ =	shalt  }
0x74: {  	_ =	shalt  }
0x75: {  	_ =	shalt  }
0x76: {  	_ =	shalt  }
0x77: {  	_ =	shalt  }
0x78: {  	_ =	shalt  }
0x79: {  	_ =	shalt  }
0x7a: {  	_ =	shalt  }
0x7b: {  	_ =	shalt  }
0x7c: {  	_ =	shalt  }
0x7d: {  	_ =	shalt  }
0x7e: {  	_ =	shalt  }
0x7f: {  	_ =	shalt  }
0x80: {  	_ =	shalt  }
0x81: {  	_ =	shalt  }
0x82: {  	_ =	shalt  }
0x83: {  	_ =	shalt  }
0x84: {  	_ =	shalt  }
0x85: {  	_ =	shalt  }
0x86: {  	_ =	shalt  }
0x87: {  	_ =	shalt  }
.Lfunc_end0:
.L_simem_size_0:
called_computation_lowered:
.L_overlay_start_0:
0x88: {  	s2 =	sld [smem:$0x3FD9]  }
0x89: {  	s3 =	sld [smem:$0x3FFE];
	_ =	sdelay $0x1  }
0x8a: {  	s1 =	srdreg.scid  }
0x8b: {  	s0 =	sand.u32 $0x1, s1  }
0x8c: {  	s17 =	sshll.u32 s0, $0xA;
	s2 =	sadd.s32 s3, s2  }
0x8d: {  	s2 =	sadd.s32 s2, s17  }
0x8e: {  	[smem:$0x3FC6] =	sst s2  }
0x8f: {  	_ = 	snop  }
0x90: {  	s2 =	sld [smem:$0x3FD0];
	(tm) =	ssettm $0x1  }
0x91: {  	s18 =	sld [smem:$0x3FFB];
	_ =	sdelay $0x3  }
0x92: {  	_ =	strace s18  }
0x93: {  	s3 =	sld [smem:$0x3FFC];
	_ =	sdelay $0x3  }
0x94: {  	_ =	strace s3  }
0x95: {  	s3 =	sld [smem:$0x3FFD];
	_ =	sdelay $0x3  }
0x96: {  	_ =	strace s3  }
0x97: {  	_ =	strace $0x8FFFFFFF  }
0x98: {  	s19 =	sld [smem:$0x3FDB];
	_ =	sdelay $0x1  }
0x99: {  	s4 =	simm.s32 $_scs_section_size  }
0x9a: {  	s5 =	simm.s32 $_size__tile_overlayer_lowered;
	s6 =	simm.s32 $_tile_overlayer_lowered  }
0x9b: {  	s22 =	simm.s32 $0x1BFF;
	s21 =	sshll.u32 s6, $0x1;
	s3 =	sadd.s32 s4, s19  }
0x9c: {  	s7 =	simm.s32 $0x0;
	s20 =	sshll.u32 s5, $0x1;
	s5 =	sadd.s32 s21, s3  }
0x9d: {  	[timem:s7], [sflag:s22] =	dma.local [hbm:s5], s20  }
0x9e: {  	_ =	swait.ge [sflag:s22], s20  }
0x9f: {  	s4 =	ssub.s32 $0x0, s20;
	[sflag:s22] =	ssyncset.done $0x0  }
0xa0: {  	[sflag:s22] =	ssyncadd.s32 s4;
	_ =	sdelay $0x1  }
0xa1: {  	s23 =	simm.s32 $0x1B8B  }
0xa2: {  	_ =	swait.ge [sflag:s23], $0x1  }
0xa3: {  	[sflag:s23] =	ssyncset.done $0x0  }
0xa4: {  	s25 =	simm.s32 $0x1B8E;
	s24 =	sld [smem:$0x3FFE];
	[sflag:s23] =	ssyncadd.s32 $0xFFFFFFFF  }
0xa5: {  	s26 =	simm.s32 $execute0_lowered;
	[smem:$0x3FD2] =	sst s25  }
0xa6: {  	s5 =	sshll.u32 s26, $0x1;
	_ =	strace $0x80000046;
	[dreg:$0x1] =	wrdreg $0xFFFFFFFF  }
0xa7: {  	s28 =	simm.s32 $_size_execute0_lowered;
	s3 =	sadd.s32 s3, s5;
	[dreg:$0x0] =	wrdreg $0x0  }
0xa8: {  	s5 =	sshll.u32 s28, $0x1;
	[dreg:$0x2] =	wrdreg s3  }
0xa9: {  	[dreg:$0x3] =	wrdreg s5  }
0xaa: {  	[dreg:$0x4] =	wrdreg $0xC0  }
0xab: {  	_ =	task [dreg:s7], $0x5FFFF  }
0xac: {  	[dreg:$0x1] =	wrdreg $0xFFFFFFFF  }
0xad: {  	[dreg:$0x0] =	wrdreg $0x60  }
0xae: {  	[dreg:$0x2] =	wrdreg s24  }
0xaf: {  	[dreg:$0x3] =	wrdreg s2  }
0xb0: {  	[dreg:$0x4] =	wrdreg $0x9  }
0xb1: {  	_ =	task.clear_ibuf [dreg:s7], $0x5FFFF;
	_ =	strace $0x90000046  }
0xb2: {  	s29 =	simm.s32 $0x9;
	_ =	strace $0x80000048  }
0xb3: {  	_ =	swait.ge [sflag:s29], $0x1  }
0xb4: {  	[sflag:s29] =	ssyncadd.s32 $0xFFFFFFFF  }
0xb5: {  	_ =	strace $0x90000048  }
0xb6: {  	_ =	sfence  }
0xb7: {  	s30 =	sld [smem:$0x0];
	_ =	sdelay $0x2  }
0xb8: {  	s31 =	sshll.u32 s1, $0xD;
	s1 =	sshrl.u32 s1, $0x2  }
0xb9: {  	s3 =	sand.u32 $0x4000, s31;
	s1 =	sadd.s32 s1, s30  }
0xba: {  	s0 =	sor.u32 s3, s0;
	s1 =	sshll.u32 s1, $0x11  }
0xbb: {  	s0 =	sor.u32 s1, s0  }
0xbc: {  	s0 =	sadd.s32 $0x8F2B, s0  }
0xbd: {  	[sflag:s0] =	ssyncadd.remote.s32 $0x1  }
0xbe: {  	_ =	sfence.sel $0xFFFF  }
0xbf: {  	[dreg:$0x0] =	wrdreg $0xFFFFFFFF;
	(pc) =	sbr.abs _section_cstart, $3  }
0xc0: {  	[dreg:$0x1] =	wrdreg $0xFFFFFFFF  }
0xc1: {  	_ =	task.clear_ibuf [dreg:s7], $0x2FFFF;
	_ =	strace $0x9FFFFFFF  }
0xc2: {  	(tm) =	ssettm $0x7FFFFFFF  }
0xc3: {  	_ =	shalt  }
tec
execute0_lowered:
.L_overlay_start_1:
0x0: {  	(tag) =	ssettag $0x1  }
0x1: {  	s0 =	rddreg [dreg:$0x0]  }
0x2: {  	s7 =	rddreg [dreg:$0x1];
	s3 =	simm.s32 $0x0  }
0x3: {  	[smem:$0x7FF] =	sst s3;
	s18 =	sadd.s32 $0x1000, s7  }
0x4: {  	s19 =	sadd.s32 $0x2000, s7;
	_ =	strace $0x80000047;
	[dreg:$0x5] =	wrdreg s18  }
0x5: {  	s20 =	sadd.s32 $0x3000, s7;
	[dreg:$0x6] =	wrdreg s19  }
0x6: {  	s21 =	sadd.s32 $0x4000, s7;
	[dreg:$0x7] =	wrdreg s20  }
0x7: {  	s22 =	sadd.s32 $0x5000, s7;
	[dreg:$0x8] =	wrdreg s21  }
0x8: {  	s23 =	sadd.s32 $0x6000, s7;
	[dreg:$0x9] =	wrdreg s22  }
0x9: {  	s24 =	sadd.s32 $0x7000, s7;
	[dreg:$0xa] =	wrdreg s23  }
0xa: {  	s25 =	sadd.s32 $0x8000, s7;
	[dreg:$0xb] =	wrdreg s24  }
0xb: {  	s1 =	srdreg.scid;
	s26 =	sadd.s32 $0x9000, s7;
	[dreg:$0xc] =	wrdreg s25  }
0xc: {  	s2 =	stileid.u32;
	s8 =	sadd.s32 $0xD000, s7;
	[dreg:$0xd] =	wrdreg s26  }
0xd: {  	s28 =	simm.s32 $0x12338;
	s9 =	sadd.s32 $0xE000, s7;
	[dreg:$0x11] =	wrdreg s8  }
0xe: {  	s29 =	simm.s32 $0x123C0;
	s10 =	sadd.s32 $0xF000, s7;
	[dreg:$0x12] =	wrdreg s9  }
0xf: {  	s30 =	simm.s32 $0x12448;
	s11 =	sadd.s32 $0x10000, s7;
	[dreg:$0x13] =	wrdreg s10  }
0x10: {  	s31 =	simm.s32 $0x124D0;
	s12 =	sadd.s32 $0x11000, s7;
	[dreg:$0x14] =	wrdreg s11  }
0x11: {  	s1 =	sand.u32 $0x1, s1;
	s13 =	sadd.s32 $0x12000, s7;
	[dreg:$0x15] =	wrdreg s12  }
0x12: {  	s2 =	sshll.u32 s2, $0x1;
	s14 =	sadd.s32 $0x13000, s7;
	[dreg:$0x16] =	wrdreg s13  }
0x13: {  	s2 =	sor.u32 s1, s2;
	[dreg:$0x18] =	wrdreg s14;
	s18 =	sadd.s32 $0x17000, s7  }
0x14: {  	s1 =	ssub.s32 $0x2, s1;
	s19 =	sadd.s32 $0x18000, s7;
	[dreg:$0x1c] =	wrdreg s18  }
0x15: {  	s20 =	sadd.s32 $0x19000, s7;
	s21 =	sadd.s32 $0x1A000, s7;
	[dreg:$0x1d] =	wrdreg s19  }
0x16: {  	s22 =	sadd.s32 $0x1B000, s7;
	s23 =	sadd.s32 $0x1C000, s7;
	[dreg:$0x1e] =	wrdreg s20  }
0x17: {  	s24 =	sadd.s32 $0x1D000, s7;
	s25 =	sadd.s32 $0x1E000, s7;
	[dreg:$0x1f] =	wrdreg s21  }
0x18: {  	s26 =	sadd.s32 $0x1F000, s7;
	s9 =	simm.s32 $0x1;
	[smem:$0x7F9] =	sst s22  }
0x19: {  	s10 =	simm.s32 $0xE400;
	s8 =	simm.s32 $0x6;
	[smem:$0x7FA] =	sst s23  }
0x1a: {  	s11 =	simm.s32 $0x4;
	s13 =	simm.s32 $0x0;
	[smem:$0x7FB] =	sst s24  }
0x1b: {  	s4 =	sshll.u32 s2, $0x4;
	s6 =	sshrl.u32 s1, $0x1;
	[smem:$0x7FC] =	sst s25  }
0x1c: {  	s17 =	sshll.u32 s2, $0x7;
	s2 =	sadd.s32 $0xA000, s7;
	[smem:$0x7FD] =	sst s26  }
0x1d: {  	s26 =	simm.s32 $0xE488;
	s20 =	simm.s32 $0x2;
	s21 =	simm.s32 $0x10600  }
0x1e: {  	s25 =	simm.s32 $0x126F0;
	s5 =	sadd.s32 s4, s0;
	[dreg:$0x4] =	wrdreg s17  }
0x1f: {  	s15 =	ssub.s32 s1, s6;
	[dreg:$0xe] =	wrdreg s2;
	s6 =	sadd.s32 $0xC000, s7  }
0x20: {  	s4 =	sadd.s32 $0xF42A00, s0;
	s17 =	sadd.s32 $0x16000, s7;
	[dreg:$0x10] =	wrdreg s6  }
0x21: {  	s1 =	simm.s32 $0x12558;
	s16 =	sadd.s32 $0x600, s5;
	[dreg:$0x1b] =	wrdreg s17  }
.Ltmp0:
0x22: {  	s5 =	sadd.s32 $0xB000, s7;
	[dreg:$0x3] =	wrdreg s16;
	(pc) =	sbr.rel .LBB2_1-.Ltmp0, $4  }
0x23: {  	v0 =	vlaneseq.u32;
	s2 =	simm.s32 $0x12778;
	s0 =	smax.u32 s15, $0x1;
	[dreg:$0xf] =	wrdreg s5  }
0x24: {  	v0 =	vmul.u32 $0x88, v0;
	s15 =	sadd.s32 $0x14000, s7;
	s6 =	simm.s32 $0x5;
	[dreg:$0x17] =	wrdreg s0  }
0x25: {  	[dreg:$0x19] =	wrdreg s15;
	s16 =	sadd.s32 $0x15000, s7;
	s0 =	simm.s32 $0x125E0  }
0x26: {  	v1 =	vadd.s32 $0x880, v0;
	v2 =	vadd.s32 $0x1100, v0;
	v3 =	vadd.s32 $0x1980, v0;
	s5 =	simm.s32 $0x12668;
	s7 =	simm.s32 $0x3;
	[dreg:$0x1a] =	wrdreg s16  }
.LBB2_12:
0x27: {  	_ =	swait.ge [sflag:s6], $0x400  }
0x28: {  	[sflag:s6] =	ssyncset.done $0x0  }
0x29: {  	[sflag:s6] =	ssyncadd.s32 $0xFFFFFC00  }
0x2a: {  	_ =	swait.ge [sflag:s6], $0x400  }
0x2b: {  	[sflag:s6] =	ssyncset.done $0x0  }
0x2c: {  	[sflag:s6] =	ssyncadd.s32 $0xFFFFFC00  }
0x2d: {  	_ =	swait.ge [sflag:s6], $0x400  }
0x2e: {  	[sflag:s6] =	ssyncset.done $0x0  }
0x2f: {  	[sflag:s6] =	ssyncadd.s32 $0xFFFFFC00  }
0x30: {  	_ =	swait.ge [sflag:s6], $0x400  }
0x31: {  	[sflag:s6] =	ssyncset.done $0x0  }
0x32: {  	[sflag:s6] =	ssyncadd.s32 $0xFFFFFC00  }
0x33: {  	_ =	swait.ge [sflag:s6], $0x400  }
0x34: {  	[sflag:s6] =	ssyncset.done $0x0  }
0x35: {  	[sflag:s6] =	ssyncadd.s32 $0xFFFFFC00  }
0x36: {  	_ =	swait.ge [sflag:s6], $0x400  }
0x37: {  	[sflag:s6] =	ssyncset.done $0x0  }
0x38: {  	[sflag:s6] =	ssyncadd.s32 $0xFFFFFC00  }
0x39: {  	_ =	swait.ge [sflag:s6], $0x400  }
0x3a: {  	[sflag:s6] =	ssyncset.done $0x0  }
0x3b: {  	[sflag:s6] =	ssyncadd.s32 $0xFFFFFC00  }
0x3c: {  	_ =	swait.ge [sflag:s6], $0x400  }
0x3d: {  	[sflag:s6] =	ssyncset.done $0x0  }
0x3e: {  	[sflag:s6] =	ssyncadd.s32 $0xFFFFFC00  }
0x3f: {  	_ =	swait.ge [sflag:s8], $0x400  }
0x40: {  	[sflag:s8] =	ssyncset.done $0x0  }
0x41: {  	[sflag:s8] =	ssyncadd.s32 $0xFFFFFC00  }
0x42: {  	_ =	swait.ge [sflag:s8], $0x400  }
0x43: {  	[sflag:s8] =	ssyncset.done $0x0  }
0x44: {  	[sflag:s8] =	ssyncadd.s32 $0xFFFFFC00  }
0x45: {  	_ =	swait.ge [sflag:s8], $0x400  }
0x46: {  	[sflag:s8] =	ssyncset.done $0x0  }
0x47: {  	[sflag:s8] =	ssyncadd.s32 $0xFFFFFC00  }
0x48: {  	_ =	swait.ge [sflag:s8], $0x400  }
0x49: {  	[sflag:s8] =	ssyncset.done $0x0  }
0x4a: {  	[sflag:s8] =	ssyncadd.s32 $0xFFFFFC00  }
0x4b: {  	_ =	swait.ge [sflag:s8], $0x400  }
0x4c: {  	[sflag:s8] =	ssyncset.done $0x0  }
0x4d: {  	[sflag:s8] =	ssyncadd.s32 $0xFFFFFC00  }
0x4e: {  	_ =	swait.ge [sflag:s8], $0x400  }
0x4f: {  	[sflag:s8] =	ssyncset.done $0x0  }
0x50: {  	[sflag:s8] =	ssyncadd.s32 $0xFFFFFC00  }
0x51: {  	_ =	swait.ge [sflag:s8], $0x400  }
0x52: {  	[sflag:s8] =	ssyncset.done $0x0  }
0x53: {  	[sflag:s8] =	ssyncadd.s32 $0xFFFFFC00  }
0x54: {  	_ =	swait.ge [sflag:s8], $0x400  }
0x55: {  	s13 =	sld [smem:$0x7F8];
	_ =	sdelay $0x2  }
0x56: {  	s12 =	rddreg [dreg:$0x17];
	s13 =	sadd.s32 $0x1, s13  }
0x57: {  	p0 =	sne.s32 s13, s12  }
.Ltmp1:
0x58: {  	_ = 	snop;
	(pc) =	sbr.rel @!p0 .LBB2_13-.Ltmp1, $3  }
0x59: {  	_ =	sdelay $0x1  }
0x5a: {  	[sflag:s8] =	ssyncset.done $0x0  }
0x5b: {  	[sflag:s8] =	ssyncadd.s32 $0xFFFFFC00  }
.LBB2_1:
0x5c: {  	[smem:$0x7F8] =	sst s13  }
0x5d: {  	s12 =	rddreg [dreg:$0x3]  }
0x5e: {  	s15 =	simm.s32 $0x80;
	s14 =	simm.s32 $0x1000;
	s16 =	simm.s32 $0x7  }
0x5f: {  	[tilespmem:s3], [sflag:$0x7] =	stream.strided.gather [hbm4b:s12+s15], $0x6400, s14, s15, $0x38;
	[tilespmem:$0x12800] =	vst v63  }
0x60: {  	_ =	swait.ge [sflag:s16], $0x6400  }
0x61: {  	[sflag:s16] =	ssyncset.done $0x0  }
0x62: {  	s17 =	simm.s32 $0x6400;
	[sflag:s16] =	ssyncadd.s32 $0xFFFF9C00  }
0x63: {  	[tilespmem:s17], [sflag:$0x1] =	stream.indirect.gather [hbm4b:s4+s15], $0x40, s3, s15, $0xb8;
	[tilespmem:$0x12800] =	vst v63  }
0x64: {  	s18 =	simm.s32 $0x8400  }
0x65: {  	[tilespmem:s18], [sflag:$0x2] =	stream.indirect.gather [hbm4b:s4+s15], $0x40, s15, s15, $0xb8;
	[tilespmem:$0x12800] =	vst v63  }
0x66: {  	s19 =	simm.s32 $0x100;
	s22 =	simm.s32 $0xA400  }
0x67: {  	[tilespmem:s22], [sflag:$0x3] =	stream.indirect.gather [hbm4b:s4+s15], $0x40, s19, s15, $0xb8;
	[tilespmem:$0x12800] =	vst v63  }
0x68: {  	s23 =	simm.s32 $0x180;
	s24 =	simm.s32 $0xC400;
	s12 =	simm.s32 $0x0  }
0x69: {  	[tilespmem:s24], [sflag:$0x4] =	stream.indirect.gather [hbm4b:s4+s15], $0x40, s23, s15, $0xb8;
	[tilespmem:$0x12800] =	vst v63  }
.LBB2_2:
0x6a: {  	p0 =	seq.s32 s12, $0x0  }
0x6b: {  	s13 =	simm.s32 @!p0 $0x5  }
0x6c: {  	_ =	swait.ge @!p0 [sflag:s13], $0x400  }
0x6d: {  	[sflag:s13] =	ssyncset.done @!p0 $0x0  }
0x6e: {  	[sflag:s13] =	ssyncadd.s32 @!p0 $0xFFFFFC00  }
0x6f: {  	_ =	swait.ge @!p0 [sflag:s13], $0x400  }
0x70: {  	[sflag:s13] =	ssyncset.done @!p0 $0x0  }
0x71: {  	[sflag:s13] =	ssyncadd.s32 @!p0 $0xFFFFFC00  }
0x72: {  	_ =	swait.ge @!p0 [sflag:s13], $0x400  }
0x73: {  	[sflag:s13] =	ssyncset.done @!p0 $0x0  }
0x74: {  	[sflag:s13] =	ssyncadd.s32 @!p0 $0xFFFFFC00  }
0x75: {  	_ =	swait.ge @!p0 [sflag:s13], $0x400  }
0x76: {  	[sflag:s13] =	ssyncset.done @!p0 $0x0  }
0x77: {  	[sflag:s13] =	ssyncadd.s32 @!p0 $0xFFFFFC00  }
0x78: {  	_ =	swait.ge @!p0 [sflag:s13], $0x400  }
0x79: {  	[sflag:s13] =	ssyncset.done @!p0 $0x0  }
0x7a: {  	[sflag:s13] =	ssyncadd.s32 @!p0 $0xFFFFFC00  }
0x7b: {  	_ =	swait.ge @!p0 [sflag:s13], $0x400  }
0x7c: {  	[sflag:s13] =	ssyncset.done @!p0 $0x0  }
0x7d: {  	[sflag:s13] =	ssyncadd.s32 @!p0 $0xFFFFFC00  }
0x7e: {  	_ =	swait.ge @!p0 [sflag:s13], $0x400  }
0x7f: {  	[sflag:s13] =	ssyncset.done @!p0 $0x0  }
0x80: {  	[sflag:s13] =	ssyncadd.s32 @!p0 $0xFFFFFC00  }
0x81: {  	_ =	swait.ge @!p0 [sflag:s13], $0x400  }
0x82: {  	[sflag:s13] =	ssyncset.done @!p0 $0x0  }
0x83: {  	[sflag:s13] =	ssyncadd.s32 @!p0 $0xFFFFFC00  }
0x84: {  	_ =	swait.ge [sflag:s9], $0x2000  }
0x85: {  	[sflag:s9] =	ssyncset.done $0x0  }
0x86: {  	s14 =	simm.s32 $0x1;
	s13 =	simm.s32 $0x6440;
	[sflag:s9] =	ssyncadd.s32 $0xFFFFE000  }
0x87: {  	v4 =	vmov s14;
	v5 =	vld [tilespmem:s13+$0x0]  }
0x88: {  	v9 =	vand.u32 $0x7F, v4  }
0x89: {  	v4 =	vadd.s32 v0, v9  }
0x8a: {  	s18 =	simm.s32 $0x0  }
0x8b: {  	v6 =	vmov s18;
	v7 =	vld [tilespmem:s13+$0xFFFFFFC0]  }
0x8c: {  	v14 =	vand.u32 $0x7E, v6;
	v5 =	vmul.f32 $8.000000000e+00, v5  }
0x8d: {  	s15 =	simm.s32 $0x3;
	s14 =	simm.s32 $0x64C0;
	v6 =	vadd.s32 v0, v14  }
0x8e: {  	v8 =	vld [tilespmem:s14+$0x0];
	[tilespmem:v4+s10+$0x0] =	vst.idx.msk $0xffff, v5;
	v4 =	vmov s15  }
0x8f: {  	v4 =	vand.u32 $0x7F, v4;
	v10 =	vld [tilespmem:s13+$0x10]  }
0x90: {  	v5 =	vmul.f32 $8.000000000e+00, v7;
	v7 =	vadd.s32 v0, v4  }
0x91: {  	s19 =	simm.s32 $0x2;
	v11 =	vadd.s32 v1, v9  }
0x92: {  	v12 =	vld [tilespmem:s14+$0xFFFFFFC0];
	[tilespmem:v6+s10+$0x0] =	vst.idx.msk $0xffff, v5;
	v5 =	vmov s19  }
0x93: {  	v6 =	vmul.f32 $8.000000000e+00, v8;
	v5 =	vand.u32 $0x7E, v5;
	v8 =	vld [tilespmem:s13+$0xFFFFFFD0]  }
0x94: {  	s16 =	simm.s32 $0x5;
	s15 =	simm.s32 $0x6540;
	v13 =	vadd.s32 v0, v5;
	v10 =	vmul.f32 $8.000000000e+00, v10  }
0x95: {  	v15 =	vld [tilespmem:s15+$0x0];
	[tilespmem:v7+s10+$0x0] =	vst.idx.msk $0xffff, v6;
	v7 =	vadd.s32 v1, v14;
	v6 =	vmov s16  }
0x96: {  	[tilespmem:v11+s10+$0x0] =	vst.idx.msk $0xffff, v10;
	v6 =	vand.u32 $0x7F, v6;
	v10 =	vld [tilespmem:s14+$0x10]  }
0x97: {  	v11 =	vmul.f32 $8.000000000e+00, v12;
	v12 =	vadd.s32 v0, v6;
	v16 =	vld [tilespmem:s13+$0x20]  }
0x98: {  	s22 =	simm.s32 $0x4;
	v17 =	vadd.s32 v1, v4;
	v8 =	vmul.f32 $8.000000000e+00, v8  }
0x99: {  	v18 =	vadd.s32 v2, v9;
	[tilespmem:v13+s10+$0x0] =	vst.idx.msk $0xffff, v11;
	v11 =	vmov s22;
	v13 =	vld [tilespmem:s15+$0xFFFFFFC0]  }
0x9a: {  	[tilespmem:v7+s10+$0x0] =	vst.idx.msk $0xffff, v8;
	v7 =	vand.u32 $0x7E, v11;
	v8 =	vmul.f32 $8.000000000e+00, v15;
	v11 =	vld [tilespmem:s14+$0xFFFFFFD0]  }
0x9b: {  	s17 =	simm.s32 $0x7;
	s16 =	simm.s32 $0x65C0;
	v15 =	vadd.s32 v0, v7;
	v10 =	vmul.f32 $8.000000000e+00, v10;
	v19 =	vld [tilespmem:s13+$0xFFFFFFE0]  }
0x9c: {  	v20 =	vld [tilespmem:s16+$0x0];
	[tilespmem:v12+s10+$0x0] =	vst.idx.msk $0xffff, v8;
	v12 =	vadd.s32 v1, v5;
	v16 =	vmul.f32 $8.000000000e+00, v16;
	v8 =	vmov s17  }
0x9d: {  	[tilespmem:v17+s10+$0x0] =	vst.idx.msk $0xffff, v10;
	v10 =	vadd.s32 v2, v14;
	v8 =	vand.u32 $0x7F, v8;
	v17 =	vld [tilespmem:s15+$0x10]  }
0x9e: {  	v13 =	vmul.f32 $8.000000000e+00, v13;
	[tilespmem:v18+s10+$0x0] =	vst.idx.msk $0xffff, v16;
	v16 =	vadd.s32 v0, v8;
	v18 =	vld [tilespmem:s14+$0x20]  }
0x9f: {  	s23 =	simm.s32 $0x6;
	v21 =	vadd.s32 v1, v6;
	v11 =	vmul.f32 $8.000000000e+00, v11;
	v22 =	vld [tilespmem:s13+$0x30]  }
0xa0: {  	v23 =	vadd.s32 v2, v4;
	[tilespmem:v15+s10+$0x0] =	vst.idx.msk $0xffff, v13;
	v13 =	vmul.f32 $8.000000000e+00, v19;
	v15 =	vld [tilespmem:s16+$0xFFFFFFC0];
	v19 =	vmov s23  }
0xa1: {  	v25 =	vadd.s32 v3, v9;
	[tilespmem:v12+s10+$0x0] =	vst.idx.msk $0xffff, v11;
	v12 =	vmul.f32 $8.000000000e+00, v20;
	v24 =	vld [tilespmem:s15+$0xFFFFFFD0];
	v9 =	vand.u32 $0x7E, v19  }
0xa2: {  	[tilespmem:v10+s10+$0x0] =	vst.idx.msk $0xffff, v13;
	v10 =	vmul.f32 $8.000000000e+00, v17;
	v11 =	vld [tilespmem:s14+$0xFFFFFFE0];
	v17 =	vadd.s32 v0, v9  }
0xa3: {  	s24 =	simm.s32 $0x9;
	s18 =	simm.s32 $0x6640;
	[tilespmem:v16+s10+$0x0] =	vst.idx.msk $0xffff, v12;
	v20 =	vmul.f32 $8.000000000e+00, v18;
	v12 =	vld [tilespmem:s13+$0xFFFFFFF0];
	v16 =	vadd.s32 v1, v7  }
0xa4: {  	v19 =	vld [tilespmem:s18+$0x0];
	v13 =	vadd.s32 v2, v5;
	v18 =	vmov s24;
	[tilespmem:v21+s10+$0x0] =	vst.idx.msk $0xffff, v10;
	v26 =	vmul.f32 $8.000000000e+00, v22  }
0xa5: {  	s19 =	simm.s32 $0xA;
	v14 =	vadd.s32 v3, v14;
	v10 =	vand.u32 $0x7F, v18;
	v18 =	vld [tilespmem:s16+$0x10];
	v22 =	vmul.f32 $8.000000000e+00, v15;
	[tilespmem:v23+s10+$0x0] =	vst.idx.msk $0xffff, v20  }
0xa6: {  	s22 =	simm.s32 $0x8;
	s17 =	simm.s32 $0x6640;
	s13 =	sshll.u32 s12, $0xB;
	v20 =	vadd.s32 v0, v10;
	v15 =	vld [tilespmem:s15+$0x20];
	v21 =	vmul.f32 $8.000000000e+00, v24;
	[tilespmem:v25+s10+$0x0] =	vst.idx.msk $0xffff, v26  }
.LBB2_3:
0xa7: {  	p0 =	slt.u32 s19, $0x7E;
	[tilespmem:v17+s10+$0x0] =	vst.idx.msk $0xffff, v22;
	v22 =	vadd.s32 v1, v8;
	v11 =	vmul.f32 $8.000000000e+00, v11;
	v23 =	vld [tilespmem:s14+$0x30]  }
0xa8: {  	v17 =	vmov s22;
	s22 =	smov.u32 s19;
	v24 =	vld [tilespmem:s18+$0xFFFFFFC0];
	[tilespmem:v16+s10+$0x0] =	vst.idx.msk $0xffff, v21;
	v21 =	vadd.s32 v2, v6;
	v12 =	vmul.f32 $8.000000000e+00, v12  }
0xa9: {  	v27 =	vadd.s32 v3, v4;
	v4 =	vmovc v6;
	v25 =	vand.u32 $0x7E, v17;
	v16 =	vmul.f32 $8.000000000e+00, v19;
	v26 =	vld [tilespmem:s16+$0xFFFFFFD0];
	[tilespmem:v13+s10+$0x0] =	vst.idx.msk $0xffff, v11  }
.Ltmp2:
0xaa: {  	v6 =	vmovc v8;
	v8 =	vmov v10;
	v17 =	vadd.s32 v0, v25;
	v13 =	vmul.f32 $8.000000000e+00, v18;
	v11 =	vld [tilespmem:s15+$0xFFFFFFE0];
	[tilespmem:v14+s10+$0x0] =	vst.idx.msk $0xffff, v12;
	(pc) =	sbr.rel @p0 .LBB2_3-.Ltmp2, $4  }
0xab: {  	s23 =	sadd.s32 $0x1, s19;
	s18 =	sadd.s32 $0x80, s18;
	[tilespmem:v20+s10+$0x0] =	vst.idx.msk $0xffff, v16;
	v16 =	vadd.s32 v1, v9;
	v14 =	vmul.f32 $8.000000000e+00, v15;
	v12 =	vld [tilespmem:s14+$0xFFFFFFF0];
	s14 =	smov.u32 s15  }
0xac: {  	v10 =	vmov s23;
	s15 =	smov.u32 s16;
	s16 =	smov.u32 s17;
	s17 =	smov.u32 s18;
	v19 =	vld [tilespmem:s18+$0x0];
	[tilespmem:v22+s10+$0x0] =	vst.idx.msk $0xffff, v13;
	v13 =	vadd.s32 v2, v7;
	v23 =	vmul.f32 $8.000000000e+00, v23  }
0xad: {  	v10 =	vand.u32 $0x7F, v10;
	v22 =	vmul.f32 $8.000000000e+00, v24;
	v18 =	vld [tilespmem:s16+$0x10];
	[tilespmem:v21+s10+$0x0] =	vst.idx.msk $0xffff, v14;
	v14 =	vadd.s32 v3, v5;
	v5 =	vmovc v7  }
0xae: {  	s19 =	sadd.s32 $0x2, s19;
	v20 =	vadd.s32 v0, v10;
	v7 =	vmovc v9;
	v9 =	vmov v25;
	v21 =	vmul.f32 $8.000000000e+00, v26;
	v15 =	vld [tilespmem:s15+$0x20];
	[tilespmem:v27+s10+$0x0] =	vst.idx.msk $0xffff, v23  }
0xaf: {  	v23 =	vmov s22;
	v24 =	vld [tilespmem:s18+$0xFFFFFFC0]  }
0xb0: {  	v23 =	vand.u32 $0x7E, v23  }
0xb1: {  	v25 =	vadd.s32 v0, v23;
	_ =	sdelay $0x1  }
0xb2: {  	v19 =	vmul.f32 $8.000000000e+00, v19  }
0xb3: {  	[tilespmem:v17+s10+$0x0] =	vst.idx.msk $0xffff, v22;
	v17 =	vmul.f32 $8.000000000e+00, v24  }
0xb4: {  	v22 =	vld [tilespmem:s16+$0xFFFFFFD0];
	[tilespmem:v20+s10+$0x0] =	vst.idx.msk $0xffff, v19  }
0xb5: {  	v19 =	vadd.s32 v1, v8;
	v20 =	vld [tilespmem:s17+$0x10];
	[tilespmem:v25+s10+$0x0] =	vst.idx.msk $0xffff, v17  }
0xb6: {  	v17 =	vadd.s32 v1, v9;
	v58 =	vld [tilespmem:s17+$0xFFFFFFD0]  }
0xb7: {  	v59 =	vadd.s32 v1, v10  }
0xb8: {  	v26 =	vadd.s32 v1, v23;
	v18 =	vmul.f32 $8.000000000e+00, v18  }
0xb9: {  	[tilespmem:v16+s10+$0x0] =	vst.idx.msk $0xffff, v21;
	v16 =	vmul.f32 $8.000000000e+00, v22  }
0xba: {  	[tilespmem:v19+s10+$0x0] =	vst.idx.msk $0xffff, v18;
	v18 =	vld [tilespmem:s15+$0xFFFFFFE0];
	v19 =	vmul.f32 $8.000000000e+00, v20  }
0xbb: {  	v20 =	vadd.s32 v2, v6;
	[tilespmem:v17+s10+$0x0] =	vst.idx.msk $0xffff, v16;
	v16 =	vld [tilespmem:s16+$0x20];
	v17 =	vmul.f32 $8.000000000e+00, v58  }
0xbc: {  	v11 =	vmul.f32 $8.000000000e+00, v11;
	v21 =	vadd.s32 v2, v7;
	[tilespmem:v59+s10+$0x0] =	vst.idx.msk $0xffff, v19;
	v19 =	vld [tilespmem:s16+$0xFFFFFFE0]  }
0xbd: {  	v12 =	vmul.f32 $8.000000000e+00, v12;
	v22 =	vadd.s32 v2, v8;
	[tilespmem:v26+s10+$0x0] =	vst.idx.msk $0xffff, v17;
	v17 =	vld [tilespmem:s17+$0x20]  }
0xbe: {  	v60 =	vld [tilespmem:s14+$0x30];
	[tilespmem:v13+s10+$0x0] =	vst.idx.msk $0xffff, v11;
	v13 =	vadd.s32 v2, v9;
	v11 =	vmul.f32 $8.000000000e+00, v15  }
0xbf: {  	[tilespmem:v14+s10+$0x0] =	vst.idx.msk $0xffff, v12;
	v14 =	vadd.s32 v2, v10;
	v12 =	vmul.f32 $8.000000000e+00, v18;
	v15 =	vld [tilespmem:s17+$0xFFFFFFE0]  }
0xc0: {  	v4 =	vadd.s32 v3, v4;
	v18 =	vld [tilespmem:s14+$0xFFFFFFF0];
	[tilespmem:v20+s10+$0x0] =	vst.idx.msk $0xffff, v11;
	v11 =	vmul.f32 $8.000000000e+00, v16  }
0xc1: {  	v20 =	vld [tilespmem:s15+$0x30];
	[tilespmem:v21+s10+$0x0] =	vst.idx.msk $0xffff, v12;
	v16 =	vadd.s32 v2, v23;
	v12 =	vmul.f32 $8.000000000e+00, v19  }
0xc2: {  	v5 =	vadd.s32 v3, v5;
	v19 =	vld [tilespmem:s15+$0xFFFFFFF0];
	[tilespmem:v22+s10+$0x0] =	vst.idx.msk $0xffff, v11;
	v11 =	vmul.f32 $8.000000000e+00, v17  }
0xc3: {  	v6 =	vadd.s32 v3, v6;
	v17 =	vld [tilespmem:s16+$0x30];
	[tilespmem:v13+s10+$0x0] =	vst.idx.msk $0xffff, v12;
	v13 =	vmul.f32 $8.000000000e+00, v60  }
0xc4: {  	v7 =	vadd.s32 v3, v7;
	v12 =	vmul.f32 $8.000000000e+00, v15;
	v15 =	vld [tilespmem:s16+$0xFFFFFFF0];
	[tilespmem:v14+s10+$0x0] =	vst.idx.msk $0xffff, v11  }
0xc5: {  	v8 =	vadd.s32 v3, v8;
	v11 =	vmul.f32 $8.000000000e+00, v18;
	[tilespmem:v4+s10+$0x0] =	vst.idx.msk $0xffff, v13;
	v14 =	vld [tilespmem:s17+$0x30]  }
0xc6: {  	v9 =	vadd.s32 v3, v9;
	v4 =	vmul.f32 $8.000000000e+00, v20;
	[tilespmem:v16+s10+$0x0] =	vst.idx.msk $0xffff, v12  }
0xc7: {  	v10 =	vadd.s32 v3, v10;
	[tilespmem:v5+s10+$0x0] =	vst.idx.msk $0xffff, v11;
	v5 =	vmul.f32 $8.000000000e+00, v19  }
0xc8: {  	v12 =	vld [tilespmem:s17+$0xFFFFFFF0];
	[tilespmem:v6+s10+$0x0] =	vst.idx.msk $0xffff, v4;
	v4 =	vmul.f32 $8.000000000e+00, v17  }
0xc9: {  	[tilespmem:v7+s10+$0x0] =	vst.idx.msk $0xffff, v5;
	v5 =	vmul.f32 $8.000000000e+00, v15  }
0xca: {  	v6 =	vadd.s32 v3, v23;
	[tilespmem:v8+s10+$0x0] =	vst.idx.msk $0xffff, v4;
	v4 =	vmul.f32 $8.000000000e+00, v14  }
0xcb: {  	[tilespmem:v9+s10+$0x0] =	vst.idx.msk $0xffff, v5  }
0xcc: {  	[tilespmem:v10+s10+$0x0] =	vst.idx.msk $0xffff, v4  }
0xcd: {  	s16 =	sshll.u32 s12, $0x11;
	v5 =	vmul.f32 $8.000000000e+00, v12;
	s17 =	rddreg [dreg:$0x4]  }
0xce: {  	s18 =	rddreg [dreg:$0x1];
	s14 =	sor.u32 s17, s16  }
0xcf: {  	[tilespmem:v6+s10+$0x0] =	vst.idx.msk $0xffff, v5;
	s15 =	sadd.s32 s18, s14  }
0xd0: {  	[hbm4b:s15+s3] =	stream.linear.scatter [tilespmem:s10], [sflag:$0x5], $0x80, $0x38;
	[tilespmem:$0x12800] =	vst v63  }
0xd1: {  	s19 =	sadd.s32 $0x10, s15  }
0xd2: {  	[hbm4b:s19+s3] =	stream.linear.scatter [tilespmem:s26], [sflag:$0x5], $0x80, $0x38;
	[tilespmem:$0x12800] =	vst v63  }
0xd3: {  	s23 =	simm.s32 $0xE510;
	s22 =	sadd.s32 $0x20, s15  }
0xd4: {  	[hbm4b:s22+s3] =	stream.linear.scatter [tilespmem:s23], [sflag:$0x5], $0x80, $0x38;
	[tilespmem:$0x12800] =	vst v63  }
0xd5: {  	s24 =	sadd.s32 $0x30, s15;
	s26 =	simm.s32 $0xE598  }
0xd6: {  	[hbm4b:s24+s3] =	stream.linear.scatter [tilespmem:s26], [sflag:$0x5], $0x80, $0x38;
	[tilespmem:$0x12800] =	vst v63  }
0xd7: {  	s18 =	simm.s32 $0xE620;
	s17 =	sadd.s32 $0x40, s15  }
0xd8: {  	[hbm4b:s17+s3] =	stream.linear.scatter [tilespmem:s18], [sflag:$0x5], $0x80, $0x38;
	[tilespmem:$0x12800] =	vst v63  }
0xd9: {  	s19 =	sadd.s32 $0x50, s15;
	s22 =	simm.s32 $0xE6A8  }
0xda: {  	[hbm4b:s19+s3] =	stream.linear.scatter [tilespmem:s22], [sflag:$0x5], $0x80, $0x38;
	[tilespmem:$0x12800] =	vst v63  }
0xdb: {  	s23 =	sadd.s32 $0x60, s15;
	s24 =	simm.s32 $0xE730  }
0xdc: {  	[hbm4b:s23+s3] =	stream.linear.scatter [tilespmem:s24], [sflag:$0x5], $0x80, $0x38;
	[tilespmem:$0x12800] =	vst v63  }
0xdd: {  	s16 =	rddreg [dreg:$0x5];
	s15 =	sadd.s32 $0x70, s15;
	s26 =	simm.s32 $0xE7B8  }
0xde: {  	[hbm4b:s15+s3] =	stream.linear.scatter [tilespmem:s26], [sflag:$0x5], $0x80, $0x38;
	[tilespmem:$0x12800] =	vst v63  }
0xdf: {  	s17 =	simm.s32 $0xE840;
	s15 =	sadd.s32 s14, s16  }
0xe0: {  	[hbm4b:s15+s3] =	stream.linear.scatter [tilespmem:s17], [sflag:$0x5], $0x80, $0x38;
	[tilespmem:$0x12800] =	vst v63  }
0xe1: {  	s19 =	simm.s32 $0xE8C8;
	s18 =	sadd.s32 $0x10, s15  }
0xe2: {  	[hbm4b:s18+s3] =	stream.linear.scatter [tilespmem:s19], [sflag:$0x5], $0x80, $0x38;
	[tilespmem:$0x12800] =	vst v63  }
0xe3: {  	s23 =	simm.s32 $0xE950;
	s22 =	sadd.s32 $0x20, s15  }
0xe4: {  	[hbm4b:s22+s3] =	stream.linear.scatter [tilespmem:s23], [sflag:$0x5], $0x80, $0x38;
	[tilespmem:$0x12800] =	vst v63  }
0xe5: {  	s26 =	simm.s32 $0xE9D8;
	s24 =	sadd.s32 $0x30, s15  }
0xe6: {  	[hbm4b:s24+s3] =	stream.linear.scatter [tilespmem:s26], [sflag:$0x5], $0x80, $0x38;
	[tilespmem:$0x12800] =	vst v63  }
0xe7: {  	s17 =	sadd.s32 $0x40, s15;
	s18 =	simm.s32 $0xEA60  }
0xe8: {  	[hbm4b:s17+s3] =	stream.linear.scatter [tilespmem:s18], [sflag:$0x5], $0x80, $0x38;
	[tilespmem:$0x12800] =	vst v63  }
0xe9: {  	s19 =	sadd.s32 $0x50, s15;
	s22 =	simm.s32 $0xEAE8  }
0xea: {  	[hbm4b:s19+s3] =	stream.linear.scatter [tilespmem:s22], [sflag:$0x5], $0x80, $0x38;
	[tilespmem:$0x12800] =	vst v63  }
0xeb: {  	s23 =	sadd.s32 $0x60, s15;
	s24 =	simm.s32 $0xEB70  }
0xec: {  	[hbm4b:s23+s3] =	stream.linear.scatter [tilespmem:s24], [sflag:$0x5], $0x80, $0x38;
	[tilespmem:$0x12800] =	vst v63  }
0xed: {  	s16 =	rddreg [dreg:$0x6];
	s15 =	sadd.s32 $0x70, s15;
	s26 =	simm.s32 $0xEBF8  }
0xee: {  	[hbm4b:s15+s3] =	stream.linear.scatter [tilespmem:s26], [sflag:$0x5], $0x80, $0x38;
	[tilespmem:$0x12800] =	vst v63  }
0xef: {  	s17 =	simm.s32 $0xEC80;
	s15 =	sadd.s32 s14, s16  }
0xf0: {  	[hbm4b:s15+s3] =	stream.linear.scatter [tilespmem:s17], [sflag:$0x5], $0x80, $0x38;
	[tilespmem:$0x12800] =	vst v63  }
0xf1: {  	s19 =	simm.s32 $0xED08;
	s18 =	sadd.s32 $0x10, s15  }
0xf2: {  	[hbm4b:s18+s3] =	stream.linear.scatter [tilespmem:s19], [sflag:$0x5], $0x80, $0x38;
	[tilespmem:$0x12800] =	vst v63  }
0xf3: {  	s23 =	simm.s32 $0xED90;
	s22 =	sadd.s32 $0x20, s15  }
0xf4: {  	[hbm4b:s22+s3] =	stream.linear.scatter [tilespmem:s23], [sflag:$0x5], $0x80, $0x38;
	[tilespmem:$0x12800] =	vst v63  }
0xf5: {  	s26 =	simm.s32 $0xEE18;
	s24 =	sadd.s32 $0x30, s15  }
0xf6: {  	[hbm4b:s24+s3] =	stream.linear.scatter [tilespmem:s26], [sflag:$0x5], $0x80, $0x38;
	[tilespmem:$0x12800] =	vst v63  }
0xf7: {  	s17 =	sadd.s32 $0x40, s15;
	s18 =	simm.s32 $0xEEA0  }
0xf8: {  	[hbm4b:s17+s3] =	stream.linear.scatter [tilespmem:s18], [sflag:$0x5], $0x80, $0x38;
	[tilespmem:$0x12800] =	vst v63  }
0xf9: {  	s19 =	sadd.s32 $0x50, s15;
	s22 =	simm.s32 $0xEF28  }
0xfa: {  	[hbm4b:s19+s3] =	stream.linear.scatter [tilespmem:s22], [sflag:$0x5], $0x80, $0x38;
	[tilespmem:$0x12800] =	vst v63  }
0xfb: {  	s23 =	sadd.s32 $0x60, s15;
	s24 =	simm.s32 $0xEFB0  }
0xfc: {  	[hbm4b:s23+s3] =	stream.linear.scatter [tilespmem:s24], [sflag:$0x5], $0x80, $0x38;
	[tilespmem:$0x12800] =	vst v63  }
0xfd: {  	s16 =	rddreg [dreg:$0x7];
	s15 =	sadd.s32 $0x70, s15;
	s26 =	simm.s32 $0xF038  }
0xfe: {  	[hbm4b:s15+s3] =	stream.linear.scatter [tilespmem:s26], [sflag:$0x5], $0x80, $0x38;
	[tilespmem:$0x12800] =	vst v63  }
0xff: {  	s17 =	simm.s32 $0xF0C0;
	s15 =	sadd.s32 s14, s16  }
0x100: {  	[hbm4b:s15+s3] =	stream.linear.scatter [tilespmem:s17], [sflag:$0x5], $0x80, $0x38;
	[tilespmem:$0x12800] =	vst v63  }
0x101: {  	s19 =	simm.s32 $0xF148;
	s18 =	sadd.s32 $0x10, s15  }
0x102: {  	[hbm4b:s18+s3] =	stream.linear.scatter [tilespmem:s19], [sflag:$0x5], $0x80, $0x38;
	[tilespmem:$0x12800] =	vst v63  }
0x103: {  	s23 =	simm.s32 $0xF1D0;
	s22 =	sadd.s32 $0x20, s15  }
0x104: {  	[hbm4b:s22+s3] =	stream.linear.scatter [tilespmem:s23], [sflag:$0x5], $0x80, $0x38;
	[tilespmem:$0x12800] =	vst v63  }
0x105: {  	s26 =	simm.s32 $0xF258;
	s24 =	sadd.s32 $0x30, s15  }
0x106: {  	[hbm4b:s24+s3] =	stream.linear.scatter [tilespmem:s26], [sflag:$0x5], $0x80, $0x38;
	[tilespmem:$0x12800] =	vst v63  }
0x107: {  	s17 =	sadd.s32 $0x40, s15;
	s18 =	simm.s32 $0xF2E0  }
0x108: {  	[hbm4b:s17+s3] =	stream.linear.scatter [tilespmem:s18], [sflag:$0x5], $0x80, $0x38;
	[tilespmem:$0x12800] =	vst v63  }
0x109: {  	s19 =	sadd.s32 $0x50, s15;
	s22 =	simm.s32 $0xF368  }
0x10a: {  	[hbm4b:s19+s3] =	stream.linear.scatter [tilespmem:s22], [sflag:$0x5], $0x80, $0x38;
	[tilespmem:$0x12800] =	vst v63  }
0x10b: {  	s23 =	sadd.s32 $0x60, s15;
	s24 =	simm.s32 $0xF3F0  }
0x10c: {  	[hbm4b:s23+s3] =	stream.linear.scatter [tilespmem:s24], [sflag:$0x5], $0x80, $0x38;
	[tilespmem:$0x12800] =	vst v63  }
0x10d: {  	s16 =	rddreg [dreg:$0x8];
	s15 =	sadd.s32 $0x70, s15;
	s26 =	simm.s32 $0xF478  }
0x10e: {  	[hbm4b:s15+s3] =	stream.linear.scatter [tilespmem:s26], [sflag:$0x5], $0x80, $0x38;
	[tilespmem:$0x12800] =	vst v63  }
0x10f: {  	s17 =	simm.s32 $0xF500;
	s15 =	sadd.s32 s14, s16  }
0x110: {  	[hbm4b:s15+s3] =	stream.linear.scatter [tilespmem:s17], [sflag:$0x5], $0x80, $0x38;
	[tilespmem:$0x12800] =	vst v63  }
0x111: {  	s19 =	simm.s32 $0xF588;
	s18 =	sadd.s32 $0x10, s15  }
0x112: {  	[hbm4b:s18+s3] =	stream.linear.scatter [tilespmem:s19], [sflag:$0x5], $0x80, $0x38;
	[tilespmem:$0x12800] =	vst v63  }
0x113: {  	s23 =	simm.s32 $0xF610;
	s22 =	sadd.s32 $0x20, s15  }
0x114: {  	[hbm4b:s22+s3] =	stream.linear.scatter [tilespmem:s23], [sflag:$0x5], $0x80, $0x38;
	[tilespmem:$0x12800] =	vst v63  }
0x115: {  	s26 =	simm.s32 $0xF698;
	s24 =	sadd.s32 $0x30, s15  }
0x116: {  	[hbm4b:s24+s3] =	stream.linear.scatter [tilespmem:s26], [sflag:$0x5], $0x80, $0x38;
	[tilespmem:$0x12800] =	vst v63  }
0x117: {  	s17 =	sadd.s32 $0x40, s15;
	s18 =	simm.s32 $0xF720  }
0x118: {  	[hbm4b:s17+s3] =	stream.linear.scatter [tilespmem:s18], [sflag:$0x5], $0x80, $0x38;
	[tilespmem:$0x12800] =	vst v63  }
0x119: {  	s19 =	sadd.s32 $0x50, s15;
	s22 =	simm.s32 $0xF7A8  }
0x11a: {  	[hbm4b:s19+s3] =	stream.linear.scatter [tilespmem:s22], [sflag:$0x5], $0x80, $0x38;
	[tilespmem:$0x12800] =	vst v63  }
0x11b: {  	s23 =	sadd.s32 $0x60, s15;
	s24 =	simm.s32 $0xF830  }
0x11c: {  	[hbm4b:s23+s3] =	stream.linear.scatter [tilespmem:s24], [sflag:$0x5], $0x80, $0x38;
	[tilespmem:$0x12800] =	vst v63  }
0x11d: {  	s16 =	rddreg [dreg:$0x9];
	s15 =	sadd.s32 $0x70, s15;
	s26 =	simm.s32 $0xF8B8  }
0x11e: {  	[hbm4b:s15+s3] =	stream.linear.scatter [tilespmem:s26], [sflag:$0x5], $0x80, $0x38;
	[tilespmem:$0x12800] =	vst v63  }
0x11f: {  	s17 =	simm.s32 $0xF940;
	s15 =	sadd.s32 s14, s16  }
0x120: {  	[hbm4b:s15+s3] =	stream.linear.scatter [tilespmem:s17], [sflag:$0x5], $0x80, $0x38;
	[tilespmem:$0x12800] =	vst v63  }
0x121: {  	s19 =	simm.s32 $0xF9C8;
	s18 =	sadd.s32 $0x10, s15  }
0x122: {  	[hbm4b:s18+s3] =	stream.linear.scatter [tilespmem:s19], [sflag:$0x5], $0x80, $0x38;
	[tilespmem:$0x12800] =	vst v63  }
0x123: {  	s23 =	simm.s32 $0xFA50;
	s22 =	sadd.s32 $0x20, s15  }
0x124: {  	[hbm4b:s22+s3] =	stream.linear.scatter [tilespmem:s23], [sflag:$0x5], $0x80, $0x38;
	[tilespmem:$0x12800] =	vst v63  }
0x125: {  	s26 =	simm.s32 $0xFAD8;
	s24 =	sadd.s32 $0x30, s15  }
0x126: {  	[hbm4b:s24+s3] =	stream.linear.scatter [tilespmem:s26], [sflag:$0x5], $0x80, $0x38;
	[tilespmem:$0x12800] =	vst v63  }
0x127: {  	s17 =	sadd.s32 $0x40, s15;
	s18 =	simm.s32 $0xFB60  }
0x128: {  	[hbm4b:s17+s3] =	stream.linear.scatter [tilespmem:s18], [sflag:$0x5], $0x80, $0x38;
	[tilespmem:$0x12800] =	vst v63  }
0x129: {  	s19 =	sadd.s32 $0x50, s15;
	s22 =	simm.s32 $0xFBE8  }
0x12a: {  	[hbm4b:s19+s3] =	stream.linear.scatter [tilespmem:s22], [sflag:$0x5], $0x80, $0x38;
	[tilespmem:$0x12800] =	vst v63  }
0x12b: {  	s23 =	sadd.s32 $0x60, s15;
	s24 =	simm.s32 $0xFC70  }
0x12c: {  	[hbm4b:s23+s3] =	stream.linear.scatter [tilespmem:s24], [sflag:$0x5], $0x80, $0x38;
	[tilespmem:$0x12800] =	vst v63  }
0x12d: {  	s16 =	rddreg [dreg:$0xa];
	s15 =	sadd.s32 $0x70, s15;
	s26 =	simm.s32 $0xFCF8  }
0x12e: {  	[hbm4b:s15+s3] =	stream.linear.scatter [tilespmem:s26], [sflag:$0x5], $0x80, $0x38;
	[tilespmem:$0x12800] =	vst v63  }
0x12f: {  	s17 =	simm.s32 $0xFD80;
	s15 =	sadd.s32 s14, s16  }
0x130: {  	[hbm4b:s15+s3] =	stream.linear.scatter [tilespmem:s17], [sflag:$0x5], $0x80, $0x38;
	[tilespmem:$0x12800] =	vst v63  }
0x131: {  	s19 =	simm.s32 $0xFE08;
	s18 =	sadd.s32 $0x10, s15  }
0x132: {  	[hbm4b:s18+s3] =	stream.linear.scatter [tilespmem:s19], [sflag:$0x5], $0x80, $0x38;
	[tilespmem:$0x12800] =	vst v63  }
0x133: {  	s23 =	simm.s32 $0xFE90;
	s22 =	sadd.s32 $0x20, s15  }
0x134: {  	[hbm4b:s22+s3] =	stream.linear.scatter [tilespmem:s23], [sflag:$0x5], $0x80, $0x38;
	[tilespmem:$0x12800] =	vst v63  }
0x135: {  	s26 =	simm.s32 $0xFF18;
	s24 =	sadd.s32 $0x30, s15  }
0x136: {  	[hbm4b:s24+s3] =	stream.linear.scatter [tilespmem:s26], [sflag:$0x5], $0x80, $0x38;
	[tilespmem:$0x12800] =	vst v63  }
0x137: {  	s18 =	sadd.s32 $0x40, s15;
	s19 =	simm.s32 $0xFFA0  }
0x138: {  	[hbm4b:s18+s3] =	stream.linear.scatter [tilespmem:s19], [sflag:$0x5], $0x80, $0x38;
	[tilespmem:$0x12800] =	vst v63  }
0x139: {  	s22 =	sadd.s32 $0x50, s15;
	s23 =	simm.s32 $0x10028  }
0x13a: {  	[hbm4b:s22+s3] =	stream.linear.scatter [tilespmem:s23], [sflag:$0x5], $0x80, $0x38;
	[tilespmem:$0x12800] =	vst v63  }
0x13b: {  	s24 =	sadd.s32 $0x60, s15;
	s26 =	simm.s32 $0x100B0  }
0x13c: {  	[hbm4b:s24+s3] =	stream.linear.scatter [tilespmem:s26], [sflag:$0x5], $0x80, $0x38;
	[tilespmem:$0x12800] =	vst v63  }
0x13d: {  	s17 =	simm.s32 $0x10138;
	s15 =	sadd.s32 $0x70, s15;
	s18 =	rddreg [dreg:$0xb]  }
0x13e: {  	[hbm4b:s15+s3] =	stream.linear.scatter [tilespmem:s17], [sflag:$0x5], $0x80, $0x38;
	[tilespmem:$0x12800] =	vst v63  }
0x13f: {  	s19 =	simm.s32 $0x101C0;
	s15 =	sadd.s32 s14, s18  }
0x140: {  	[hbm4b:s15+s3] =	stream.linear.scatter [tilespmem:s19], [sflag:$0x5], $0x80, $0x38;
	[tilespmem:$0x12800] =	vst v63  }
0x141: {  	s23 =	simm.s32 $0x10248;
	s22 =	sadd.s32 $0x10, s15  }
0x142: {  	[hbm4b:s22+s3] =	stream.linear.scatter [tilespmem:s23], [sflag:$0x5], $0x80, $0x38;
	[tilespmem:$0x12800] =	vst v63  }
0x143: {  	s26 =	simm.s32 $0x102D0;
	s24 =	sadd.s32 $0x20, s15  }
0x144: {  	[hbm4b:s24+s3] =	stream.linear.scatter [tilespmem:s26], [sflag:$0x5], $0x80, $0x38;
	[tilespmem:$0x12800] =	vst v63  }
0x145: {  	s18 =	sadd.s32 $0x30, s15;
	s19 =	simm.s32 $0x10358  }
0x146: {  	[hbm4b:s18+s3] =	stream.linear.scatter [tilespmem:s19], [sflag:$0x5], $0x80, $0x38;
	[tilespmem:$0x12800] =	vst v63  }
0x147: {  	s22 =	sadd.s32 $0x40, s15;
	s23 =	simm.s32 $0x103E0  }
0x148: {  	[hbm4b:s22+s3] =	stream.linear.scatter [tilespmem:s23], [sflag:$0x5], $0x80, $0x38;
	[tilespmem:$0x12800] =	vst v63  }
0x149: {  	s24 =	sadd.s32 $0x50, s15;
	s26 =	simm.s32 $0x10468  }
0x14a: {  	[hbm4b:s24+s3] =	stream.linear.scatter [tilespmem:s26], [sflag:$0x5], $0x80, $0x38;
	[tilespmem:$0x12800] =	vst v63  }
0x14b: {  	p0 =	seq.s32 s12, $0x31;
	s18 =	sadd.s32 $0x60, s15;
	s19 =	simm.s32 $0x104F0  }
0x14c: {  	[hbm4b:s18+s3] =	stream.linear.scatter [tilespmem:s19], [sflag:$0x5], $0x80, $0x38;
	[tilespmem:$0x12800] =	vst v63  }
0x14d: {  	p1 =	seq.s32 @!p0 s12, $0x0;
	s15 =	sadd.s32 $0x70, s15;
	s22 =	simm.s32 $0x10578  }
0x14e: {  	[hbm4b:s15+s3] =	stream.linear.scatter [tilespmem:s22], [sflag:$0x5], $0x80, $0x38;
	[tilespmem:$0x12800] =	vst v63  }
0x14f: {  	p1 =	por p0, !p1;
	s15 =	sshrl.u32 @!p0 s13, $0x2  }
0x150: {  	s17 =	simm.s32 @!p0 $0x80;
	s18 =	simm.s32 @!p0 $0x6400;
	s16 =	sadd.s32 @!p0 $0x200, s15  }
0x151: {  	[tilespmem:s18], [sflag:$0x1] =	stream.indirect.gather @!p0 [hbm4b:s4+s17], $0x40, s16, s17, $0xb8;
	[tilespmem:$0x12800] =	vst v63  }
0x152: {  	_ =	swait.ge @p1 [sflag:s8], $0x400  }
0x153: {  	[sflag:s8] =	ssyncset.done @p1 $0x0  }
0x154: {  	[sflag:s8] =	ssyncadd.s32 @p1 $0xFFFFFC00  }
0x155: {  	_ =	swait.ge @p1 [sflag:s8], $0x400  }
0x156: {  	[sflag:s8] =	ssyncset.done @p1 $0x0  }
0x157: {  	[sflag:s8] =	ssyncadd.s32 @p1 $0xFFFFFC00  }
0x158: {  	_ =	swait.ge @p1 [sflag:s8], $0x400  }
0x159: {  	[sflag:s8] =	ssyncset.done @p1 $0x0  }
0x15a: {  	[sflag:s8] =	ssyncadd.s32 @p1 $0xFFFFFC00  }
0x15b: {  	_ =	swait.ge @p1 [sflag:s8], $0x400  }
0x15c: {  	[sflag:s8] =	ssyncset.done @p1 $0x0  }
0x15d: {  	[sflag:s8] =	ssyncadd.s32 @p1 $0xFFFFFC00  }
0x15e: {  	_ =	swait.ge @p1 [sflag:s8], $0x400  }
0x15f: {  	[sflag:s8] =	ssyncset.done @p1 $0x0  }
0x160: {  	[sflag:s8] =	ssyncadd.s32 @p1 $0xFFFFFC00  }
0x161: {  	_ =	swait.ge @p1 [sflag:s8], $0x400  }
0x162: {  	[sflag:s8] =	ssyncset.done @p1 $0x0  }
0x163: {  	[sflag:s8] =	ssyncadd.s32 @p1 $0xFFFFFC00  }
0x164: {  	_ =	swait.ge @p1 [sflag:s8], $0x400  }
0x165: {  	[sflag:s8] =	ssyncset.done @p1 $0x0  }
0x166: {  	[sflag:s8] =	ssyncadd.s32 @p1 $0xFFFFFC00  }
0x167: {  	_ =	swait.ge @p1 [sflag:s8], $0x400  }
0x168: {  	[sflag:s8] =	ssyncset.done @p1 $0x0  }
0x169: {  	[sflag:s8] =	ssyncadd.s32 @p1 $0xFFFFFC00  }
0x16a: {  	_ =	swait.ge [sflag:s20], $0x2000  }
0x16b: {  	[sflag:s20] =	ssyncset.done $0x0  }
0x16c: {  	s23 =	simm.s32 $0x1;
	s19 =	simm.s32 $0x8440;
	[sflag:s20] =	ssyncadd.s32 $0xFFFFE000  }
0x16d: {  	v4 =	vmov s23;
	v5 =	vld [tilespmem:s19+$0x0]  }
0x16e: {  	v9 =	vand.u32 $0x7F, v4  }
0x16f: {  	v4 =	vadd.s32 v0, v9  }
0x170: {  	s24 =	simm.s32 $0x0  }
0x171: {  	v6 =	vmov s24;
	v7 =	vld [tilespmem:s19+$0xFFFFFFC0]  }
0x172: {  	v14 =	vand.u32 $0x7E, v6;
	v5 =	vmul.f32 $8.000000000e+00, v5  }
0x173: {  	s26 =	simm.s32 $0x3;
	v6 =	vadd.s32 v0, v14;
	s16 =	simm.s32 $0x84C0  }
0x174: {  	v8 =	vld [tilespmem:s16+$0x0];
	[tilespmem:v4+s21+$0x0] =	vst.idx.msk $0xffff, v5;
	v4 =	vmov s26  }
0x175: {  	v4 =	vand.u32 $0x7F, v4;
	v10 =	vld [tilespmem:s19+$0x10]  }
0x176: {  	v5 =	vmul.f32 $8.000000000e+00, v7;
	v7 =	vadd.s32 v0, v4  }
0x177: {  	v11 =	vadd.s32 v1, v9;
	s18 =	simm.s32 $0x2  }
0x178: {  	v12 =	vld [tilespmem:s16+$0xFFFFFFC0];
	[tilespmem:v6+s21+$0x0] =	vst.idx.msk $0xffff, v5;
	v5 =	vmov s18  }
0x179: {  	v6 =	vmul.f32 $8.000000000e+00, v8;
	v5 =	vand.u32 $0x7E, v5;
	v8 =	vld [tilespmem:s19+$0xFFFFFFD0]  }
0x17a: {  	s22 =	simm.s32 $0x5;
	s17 =	simm.s32 $0x8540;
	v13 =	vadd.s32 v0, v5;
	v10 =	vmul.f32 $8.000000000e+00, v10  }
0x17b: {  	v15 =	vld [tilespmem:s17+$0x0];
	[tilespmem:v7+s21+$0x0] =	vst.idx.msk $0xffff, v6;
	v7 =	vadd.s32 v1, v14;
	v6 =	vmov s22  }
0x17c: {  	[tilespmem:v11+s21+$0x0] =	vst.idx.msk $0xffff, v10;
	v6 =	vand.u32 $0x7F, v6;
	v10 =	vld [tilespmem:s16+$0x10]  }
0x17d: {  	v11 =	vmul.f32 $8.000000000e+00, v12;
	v12 =	vadd.s32 v0, v6;
	v16 =	vld [tilespmem:s19+$0x20]  }
0x17e: {  	s23 =	simm.s32 $0x4;
	v17 =	vadd.s32 v1, v4;
	v8 =	vmul.f32 $8.000000000e+00, v8  }
0x17f: {  	v18 =	vadd.s32 v2, v9;
	[tilespmem:v13+s21+$0x0] =	vst.idx.msk $0xffff, v11;
	v11 =	vmov s23;
	v13 =	vld [tilespmem:s17+$0xFFFFFFC0]  }
0x180: {  	[tilespmem:v7+s21+$0x0] =	vst.idx.msk $0xffff, v8;
	v7 =	vand.u32 $0x7E, v11;
	v8 =	vmul.f32 $8.000000000e+00, v15;
	v11 =	vld [tilespmem:s16+$0xFFFFFFD0]  }
0x181: {  	s24 =	simm.s32 $0x7;
	s18 =	simm.s32 $0x85C0;
	v15 =	vadd.s32 v0, v7;
	v10 =	vmul.f32 $8.000000000e+00, v10;
	v19 =	vld [tilespmem:s19+$0xFFFFFFE0]  }
0x182: {  	v20 =	vld [tilespmem:s18+$0x0];
	[tilespmem:v12+s21+$0x0] =	vst.idx.msk $0xffff, v8;
	v12 =	vadd.s32 v1, v5;
	v16 =	vmul.f32 $8.000000000e+00, v16;
	v8 =	vmov s24  }
0x183: {  	[tilespmem:v17+s21+$0x0] =	vst.idx.msk $0xffff, v10;
	v10 =	vadd.s32 v2, v14;
	v8 =	vand.u32 $0x7F, v8;
	v17 =	vld [tilespmem:s17+$0x10]  }
0x184: {  	v13 =	vmul.f32 $8.000000000e+00, v13;
	[tilespmem:v18+s21+$0x0] =	vst.idx.msk $0xffff, v16;
	v16 =	vadd.s32 v0, v8;
	v18 =	vld [tilespmem:s16+$0x20]  }
0x185: {  	s26 =	simm.s32 $0x6;
	v21 =	vadd.s32 v1, v6;
	v11 =	vmul.f32 $8.000000000e+00, v11;
	v22 =	vld [tilespmem:s19+$0x30]  }
0x186: {  	v23 =	vadd.s32 v2, v4;
	[tilespmem:v15+s21+$0x0] =	vst.idx.msk $0xffff, v13;
	v13 =	vmul.f32 $8.000000000e+00, v19;
	v15 =	vld [tilespmem:s18+$0xFFFFFFC0];
	v19 =	vmov s26  }
0x187: {  	v62 =	vadd.s32 v3, v9;
	[tilespmem:v12+s21+$0x0] =	vst.idx.msk $0xffff, v11;
	v12 =	vmul.f32 $8.000000000e+00, v20;
	v61 =	vld [tilespmem:s17+$0xFFFFFFD0];
	v9 =	vand.u32 $0x7E, v19  }
0x188: {  	[tilespmem:v10+s21+$0x0] =	vst.idx.msk $0xffff, v13;
	v10 =	vmul.f32 $8.000000000e+00, v17;
	v11 =	vld [tilespmem:s16+$0xFFFFFFE0];
	v17 =	vadd.s32 v0, v9  }
0x189: {  	s22 =	simm.s32 $0x8640;
	s23 =	simm.s32 $0x9;
	[tilespmem:v16+s21+$0x0] =	vst.idx.msk $0xffff, v12;
	v20 =	vmul.f32 $8.000000000e+00, v18;
	v12 =	vld [tilespmem:s19+$0xFFFFFFF0];
	v16 =	vadd.s32 v1, v7  }
0x18a: {  	v19 =	vld [tilespmem:s22+$0x0];
	v13 =	vadd.s32 v2, v5;
	v18 =	vmov s23;
	[tilespmem:v21+s21+$0x0] =	vst.idx.msk $0xffff, v10;
	v63 =	vmul.f32 $8.000000000e+00, v22  }
0x18b: {  	v14 =	vadd.s32 v3, v14;
	v10 =	vand.u32 $0x7F, v18;
	v18 =	vld [tilespmem:s18+$0x10];
	v22 =	vmul.f32 $8.000000000e+00, v15;
	[tilespmem:v23+s21+$0x0] =	vst.idx.msk $0xffff, v20  }
0x18c: {  	s24 =	simm.s32 $0x8;
	s23 =	simm.s32 $0xA;
	s19 =	simm.s32 $0x8640;
	v20 =	vadd.s32 v0, v10;
	v15 =	vld [tilespmem:s17+$0x20];
	v21 =	vmul.f32 $8.000000000e+00, v61;
	[tilespmem:v62+s21+$0x0] =	vst.idx.msk $0xffff, v63  }
.LBB2_5:
0x18d: {  	p1 =	slt.u32 s23, $0x7E;
	[tilespmem:v17+s21+$0x0] =	vst.idx.msk $0xffff, v22;
	v22 =	vadd.s32 v1, v8;
	v11 =	vmul.f32 $8.000000000e+00, v11;
	v23 =	vld [tilespmem:s16+$0x30]  }
0x18e: {  	v17 =	vmov s24;
	s24 =	smov.u32 s23;
	v24 =	vld [tilespmem:s22+$0xFFFFFFC0];
	[tilespmem:v16+s21+$0x0] =	vst.idx.msk $0xffff, v21;
	v21 =	vadd.s32 v2, v6;
	v12 =	vmul.f32 $8.000000000e+00, v12  }
0x18f: {  	v27 =	vadd.s32 v3, v4;
	v4 =	vmovc v6;
	v25 =	vand.u32 $0x7E, v17;
	v16 =	vmul.f32 $8.000000000e+00, v19;
	v26 =	vld [tilespmem:s18+$0xFFFFFFD0];
	[tilespmem:v13+s21+$0x0] =	vst.idx.msk $0xffff, v11  }
.Ltmp3:
0x190: {  	v6 =	vmovc v8;
	v8 =	vmov v10;
	v17 =	vadd.s32 v0, v25;
	v13 =	vmul.f32 $8.000000000e+00, v18;
	v11 =	vld [tilespmem:s17+$0xFFFFFFE0];
	[tilespmem:v14+s21+$0x0] =	vst.idx.msk $0xffff, v12;
	(pc) =	sbr.rel @p1 .LBB2_5-.Ltmp3, $4  }
0x191: {  	s26 =	sadd.s32 $0x1, s23;
	s22 =	sadd.s32 $0x80, s22;
	[tilespmem:v20+s21+$0x0] =	vst.idx.msk $0xffff, v16;
	v16 =	vadd.s32 v1, v9;
	v14 =	vmul.f32 $8.000000000e+00, v15;
	v12 =	vld [tilespmem:s16+$0xFFFFFFF0];
	s16 =	smov.u32 s17  }
0x192: {  	v10 =	vmov s26;
	s17 =	smov.u32 s18;
	s18 =	smov.u32 s19;
	s19 =	smov.u32 s22;
	v19 =	vld [tilespmem:s22+$0x0];
	[tilespmem:v22+s21+$0x0] =	vst.idx.msk $0xffff, v13;
	v13 =	vadd.s32 v2, v7;
	v23 =	vmul.f32 $8.000000000e+00, v23  }
0x193: {  	v10 =	vand.u32 $0x7F, v10;
	v22 =	vmul.f32 $8.000000000e+00, v24;
	v18 =	vld [tilespmem:s18+$0x10];
	[tilespmem:v21+s21+$0x0] =	vst.idx.msk $0xffff, v14;
	v14 =	vadd.s32 v3, v5;
	v5 =	vmovc v7  }
0x194: {  	s23 =	sadd.s32 $0x2, s23;
	v20 =	vadd.s32 v0, v10;
	v7 =	vmovc v9;
	v9 =	vmov v25;
	v21 =	vmul.f32 $8.000000000e+00, v26;
	v15 =	vld [tilespmem:s17+$0x20];
	[tilespmem:v27+s21+$0x0] =	vst.idx.msk $0xffff, v23  }
0x195: {  	v23 =	vmov s24;
	v24 =	vld [tilespmem:s22+$0xFFFFFFC0]  }
0x196: {  	v23 =	vand.u32 $0x7E, v23  }
0x197: {  	v25 =	vadd.s32 v0, v23;
	_ =	sdelay $0x1  }
0x198: {  	v19 =	vmul.f32 $8.000000000e+00, v19  }
0x199: {  	[tilespmem:v17+s21+$0x0] =	vst.idx.msk $0xffff, v22;
	v17 =	vmul.f32 $8.000000000e+00, v24  }
0x19a: {  	v22 =	vld [tilespmem:s18+$0xFFFFFFD0];
	[tilespmem:v20+s21+$0x0] =	vst.idx.msk $0xffff, v19  }
0x19b: {  	v19 =	vadd.s32 v1, v8;
	v20 =	vld [tilespmem:s19+$0x10];
	[tilespmem:v25+s21+$0x0] =	vst.idx.msk $0xffff, v17  }
0x19c: {  	v17 =	vadd.s32 v1, v9;
	v58 =	vld [tilespmem:s19+$0xFFFFFFD0]  }
0x19d: {  	v59 =	vadd.s32 v1, v10  }
0x19e: {  	v26 =	vadd.s32 v1, v23;
	v18 =	vmul.f32 $8.000000000e+00, v18  }
0x19f: {  	[tilespmem:v16+s21+$0x0] =	vst.idx.msk $0xffff, v21;
	v16 =	vmul.f32 $8.000000000e+00, v22  }
0x1a0: {  	[tilespmem:v19+s21+$0x0] =	vst.idx.msk $0xffff, v18;
	v18 =	vld [tilespmem:s17+$0xFFFFFFE0];
	v19 =	vmul.f32 $8.000000000e+00, v20  }
0x1a1: {  	v20 =	vadd.s32 v2, v6;
	[tilespmem:v17+s21+$0x0] =	vst.idx.msk $0xffff, v16;
	v16 =	vld [tilespmem:s18+$0x20];
	v17 =	vmul.f32 $8.000000000e+00, v58  }
0x1a2: {  	v11 =	vmul.f32 $8.000000000e+00, v11;
	v21 =	vadd.s32 v2, v7;
	[tilespmem:v59+s21+$0x0] =	vst.idx.msk $0xffff, v19;
	v19 =	vld [tilespmem:s18+$0xFFFFFFE0]  }
0x1a3: {  	v12 =	vmul.f32 $8.000000000e+00, v12;
	v22 =	vadd.s32 v2, v8;
	[tilespmem:v26+s21+$0x0] =	vst.idx.msk $0xffff, v17;
	v17 =	vld [tilespmem:s19+$0x20]  }
0x1a4: {  	[tilespmem:v13+s21+$0x0] =	vst.idx.msk $0xffff, v11;
	v13 =	vadd.s32 v2, v9;
	v11 =	vmul.f32 $8.000000000e+00, v15;
	v15 =	vld [tilespmem:s19+$0xFFFFFFE0]  }
0x1a5: {  	v60 =	vld [tilespmem:s16+$0x30];
	[tilespmem:v14+s21+$0x0] =	vst.idx.msk $0xffff, v12;
	v14 =	vadd.s32 v2, v10;
	v12 =	vmul.f32 $8.000000000e+00, v18  }
0x1a6: {  	v18 =	vld [tilespmem:s16+$0xFFFFFFF0];
	[tilespmem:v20+s21+$0x0] =	vst.idx.msk $0xffff, v11;
	v11 =	vmul.f32 $8.000000000e+00, v16;
	v16 =	vadd.s32 v2, v23  }
0x1a7: {  	v4 =	vadd.s32 v3, v4;
	v20 =	vld [tilespmem:s17+$0x30];
	[tilespmem:v21+s21+$0x0] =	vst.idx.msk $0xffff, v12;
	v12 =	vmul.f32 $8.000000000e+00, v19  }
0x1a8: {  	v5 =	vadd.s32 v3, v5;
	v19 =	vld [tilespmem:s17+$0xFFFFFFF0];
	[tilespmem:v22+s21+$0x0] =	vst.idx.msk $0xffff, v11;
	v11 =	vmul.f32 $8.000000000e+00, v17  }
0x1a9: {  	v6 =	vadd.s32 v3, v6;
	v17 =	vld [tilespmem:s18+$0x30];
	[tilespmem:v13+s21+$0x0] =	vst.idx.msk $0xffff, v12;
	v12 =	vmul.f32 $8.000000000e+00, v15  }
0x1aa: {  	v7 =	vadd.s32 v3, v7;
	v13 =	vmul.f32 $8.000000000e+00, v60;
	v15 =	vld [tilespmem:s18+$0xFFFFFFF0];
	[tilespmem:v14+s21+$0x0] =	vst.idx.msk $0xffff, v11  }
0x1ab: {  	v8 =	vadd.s32 v3, v8;
	v11 =	vmul.f32 $8.000000000e+00, v18;
	v14 =	vld [tilespmem:s19+$0x30];
	[tilespmem:v16+s21+$0x0] =	vst.idx.msk $0xffff, v12  }
0x1ac: {  	v9 =	vadd.s32 v3, v9;
	[tilespmem:v4+s21+$0x0] =	vst.idx.msk $0xffff, v13;
	v4 =	vmul.f32 $8.000000000e+00, v20;
	v12 =	vld [tilespmem:s19+$0xFFFFFFF0]  }
0x1ad: {  	v10 =	vadd.s32 v3, v10;
	[tilespmem:v5+s21+$0x0] =	vst.idx.msk $0xffff, v11;
	v5 =	vmul.f32 $8.000000000e+00, v19  }
0x1ae: {  	[tilespmem:v6+s21+$0x0] =	vst.idx.msk $0xffff, v4;
	v6 =	vadd.s32 v3, v23;
	v4 =	vmul.f32 $8.000000000e+00, v17  }
0x1af: {  	[tilespmem:v7+s21+$0x0] =	vst.idx.msk $0xffff, v5;
	v5 =	vmul.f32 $8.000000000e+00, v15  }
0x1b0: {  	[tilespmem:v8+s21+$0x0] =	vst.idx.msk $0xffff, v4;
	v4 =	vmul.f32 $8.000000000e+00, v14  }
0x1b1: {  	[tilespmem:v9+s21+$0x0] =	vst.idx.msk $0xffff, v5;
	v5 =	vmul.f32 $8.000000000e+00, v12  }
0x1b2: {  	[tilespmem:v10+s21+$0x0] =	vst.idx.msk $0xffff, v4  }
0x1b3: {  	[tilespmem:v6+s21+$0x0] =	vst.idx.msk $0xffff, v5  }
0x1b4: {  	s19 =	rddreg [dreg:$0xc]  }
0x1b5: {  	s16 =	sadd.s32 s14, s19  }
0x1b6: {  	[hbm4b:s16+s3] =	stream.linear.scatter [tilespmem:s21], [sflag:$0x6], $0x80, $0x38;
	[tilespmem:$0x12800] =	vst v63  }
0x1b7: {  	s23 =	simm.s32 $0x10688;
	s22 =	sadd.s32 $0x10, s16  }
0x1b8: {  	[hbm4b:s22+s3] =	stream.linear.scatter [tilespmem:s23], [sflag:$0x6], $0x80, $0x38;
	[tilespmem:$0x12800] =	vst v63  }
0x1b9: {  	s26 =	simm.s32 $0x10710;
	s24 =	sadd.s32 $0x20, s16  }
0x1ba: {  	[hbm4b:s24+s3] =	stream.linear.scatter [tilespmem:s26], [sflag:$0x6], $0x80, $0x38;
	[tilespmem:$0x12800] =	vst v63  }
0x1bb: {  	s19 =	simm.s32 $0x10798;
	s18 =	sadd.s32 $0x30, s16  }
0x1bc: {  	[hbm4b:s18+s3] =	stream.linear.scatter [tilespmem:s19], [sflag:$0x6], $0x80, $0x38;
	[tilespmem:$0x12800] =	vst v63  }
0x1bd: {  	s22 =	sadd.s32 $0x40, s16;
	s23 =	simm.s32 $0x10820  }
0x1be: {  	[hbm4b:s22+s3] =	stream.linear.scatter [tilespmem:s23], [sflag:$0x6], $0x80, $0x38;
	[tilespmem:$0x12800] =	vst v63  }
0x1bf: {  	s24 =	sadd.s32 $0x50, s16;
	s26 =	simm.s32 $0x108A8  }
0x1c0: {  	[hbm4b:s24+s3] =	stream.linear.scatter [tilespmem:s26], [sflag:$0x6], $0x80, $0x38;
	[tilespmem:$0x12800] =	vst v63  }
0x1c1: {  	s19 =	sadd.s32 $0x60, s16;
	s22 =	simm.s32 $0x10930  }
0x1c2: {  	[hbm4b:s19+s3] =	stream.linear.scatter [tilespmem:s22], [sflag:$0x6], $0x80, $0x38;
	[tilespmem:$0x12800] =	vst v63  }
0x1c3: {  	s16 =	sadd.s32 $0x70, s16;
	s23 =	simm.s32 $0x109B8;
	s24 =	rddreg [dreg:$0xd]  }
0x1c4: {  	[hbm4b:s16+s3] =	stream.linear.scatter [tilespmem:s23], [sflag:$0x6], $0x80, $0x38;
	[tilespmem:$0x12800] =	vst v63  }
0x1c5: {  	s26 =	simm.s32 $0x10A40;
	s16 =	sadd.s32 s14, s24  }
0x1c6: {  	[hbm4b:s16+s3] =	stream.linear.scatter [tilespmem:s26], [sflag:$0x6], $0x80, $0x38;
	[tilespmem:$0x12800] =	vst v63  }
0x1c7: {  	s19 =	simm.s32 $0x10AC8;
	s18 =	sadd.s32 $0x10, s16  }
0x1c8: {  	[hbm4b:s18+s3] =	stream.linear.scatter [tilespmem:s19], [sflag:$0x6], $0x80, $0x38;
	[tilespmem:$0x12800] =	vst v63  }
0x1c9: {  	s23 =	simm.s32 $0x10B50;
	s22 =	sadd.s32 $0x20, s16  }
0x1ca: {  	[hbm4b:s22+s3] =	stream.linear.scatter [tilespmem:s23], [sflag:$0x6], $0x80, $0x38;
	[tilespmem:$0x12800] =	vst v63  }
0x1cb: {  	s24 =	sadd.s32 $0x30, s16;
	s26 =	simm.s32 $0x10BD8  }
0x1cc: {  	[hbm4b:s24+s3] =	stream.linear.scatter [tilespmem:s26], [sflag:$0x6], $0x80, $0x38;
	[tilespmem:$0x12800] =	vst v63  }
0x1cd: {  	s18 =	sadd.s32 $0x40, s16;
	s19 =	simm.s32 $0x10C60  }
0x1ce: {  	[hbm4b:s18+s3] =	stream.linear.scatter [tilespmem:s19], [sflag:$0x6], $0x80, $0x38;
	[tilespmem:$0x12800] =	vst v63  }
0x1cf: {  	s22 =	sadd.s32 $0x50, s16;
	s23 =	simm.s32 $0x10CE8  }
0x1d0: {  	[hbm4b:s22+s3] =	stream.linear.scatter [tilespmem:s23], [sflag:$0x6], $0x80, $0x38;
	[tilespmem:$0x12800] =	vst v63  }
0x1d1: {  	s24 =	sadd.s32 $0x60, s16;
	s26 =	simm.s32 $0x10D70  }
0x1d2: {  	[hbm4b:s24+s3] =	stream.linear.scatter [tilespmem:s26], [sflag:$0x6], $0x80, $0x38;
	[tilespmem:$0x12800] =	vst v63  }
0x1d3: {  	s16 =	sadd.s32 $0x70, s16;
	s19 =	simm.s32 $0x10DF8;
	s22 =	rddreg [dreg:$0xe]  }
0x1d4: {  	[hbm4b:s16+s3] =	stream.linear.scatter [tilespmem:s19], [sflag:$0x6], $0x80, $0x38;
	[tilespmem:$0x12800] =	vst v63  }
0x1d5: {  	s23 =	simm.s32 $0x10E80;
	s16 =	sadd.s32 s14, s22  }
0x1d6: {  	[hbm4b:s16+s3] =	stream.linear.scatter [tilespmem:s23], [sflag:$0x6], $0x80, $0x38;
	[tilespmem:$0x12800] =	vst v63  }
0x1d7: {  	s26 =	simm.s32 $0x10F08;
	s24 =	sadd.s32 $0x10, s16  }
0x1d8: {  	[hbm4b:s24+s3] =	stream.linear.scatter [tilespmem:s26], [sflag:$0x6], $0x80, $0x38;
	[tilespmem:$0x12800] =	vst v63  }
0x1d9: {  	s19 =	simm.s32 $0x10F90;
	s18 =	sadd.s32 $0x20, s16  }
0x1da: {  	[hbm4b:s18+s3] =	stream.linear.scatter [tilespmem:s19], [sflag:$0x6], $0x80, $0x38;
	[tilespmem:$0x12800] =	vst v63  }
0x1db: {  	s22 =	sadd.s32 $0x30, s16;
	s23 =	simm.s32 $0x11018  }
0x1dc: {  	[hbm4b:s22+s3] =	stream.linear.scatter [tilespmem:s23], [sflag:$0x6], $0x80, $0x38;
	[tilespmem:$0x12800] =	vst v63  }
0x1dd: {  	s24 =	sadd.s32 $0x40, s16;
	s26 =	simm.s32 $0x110A0  }
0x1de: {  	[hbm4b:s24+s3] =	stream.linear.scatter [tilespmem:s26], [sflag:$0x6], $0x80, $0x38;
	[tilespmem:$0x12800] =	vst v63  }
0x1df: {  	s19 =	sadd.s32 $0x50, s16;
	s22 =	simm.s32 $0x11128  }
0x1e0: {  	[hbm4b:s19+s3] =	stream.linear.scatter [tilespmem:s22], [sflag:$0x6], $0x80, $0x38;
	[tilespmem:$0x12800] =	vst v63  }
0x1e1: {  	s23 =	sadd.s32 $0x60, s16;
	s24 =	simm.s32 $0x111B0  }
0x1e2: {  	[hbm4b:s23+s3] =	stream.linear.scatter [tilespmem:s24], [sflag:$0x6], $0x80, $0x38;
	[tilespmem:$0x12800] =	vst v63  }
0x1e3: {  	s18 =	rddreg [dreg:$0xf];
	s16 =	sadd.s32 $0x70, s16;
	s26 =	simm.s32 $0x11238  }
0x1e4: {  	[hbm4b:s16+s3] =	stream.linear.scatter [tilespmem:s26], [sflag:$0x6], $0x80, $0x38;
	[tilespmem:$0x12800] =	vst v63  }
0x1e5: {  	s19 =	simm.s32 $0x112C0;
	s16 =	sadd.s32 s14, s18  }
0x1e6: {  	[hbm4b:s16+s3] =	stream.linear.scatter [tilespmem:s19], [sflag:$0x6], $0x80, $0x38;
	[tilespmem:$0x12800] =	vst v63  }
0x1e7: {  	s23 =	simm.s32 $0x11348;
	s22 =	sadd.s32 $0x10, s16  }
0x1e8: {  	[hbm4b:s22+s3] =	stream.linear.scatter [tilespmem:s23], [sflag:$0x6], $0x80, $0x38;
	[tilespmem:$0x12800] =	vst v63  }
0x1e9: {  	s26 =	simm.s32 $0x113D0;
	s24 =	sadd.s32 $0x20, s16  }
0x1ea: {  	[hbm4b:s24+s3] =	stream.linear.scatter [tilespmem:s26], [sflag:$0x6], $0x80, $0x38;
	[tilespmem:$0x12800] =	vst v63  }
0x1eb: {  	s18 =	sadd.s32 $0x30, s16;
	s19 =	simm.s32 $0x11458  }
0x1ec: {  	[hbm4b:s18+s3] =	stream.linear.scatter [tilespmem:s19], [sflag:$0x6], $0x80, $0x38;
	[tilespmem:$0x12800] =	vst v63  }
0x1ed: {  	s22 =	sadd.s32 $0x40, s16;
	s23 =	simm.s32 $0x114E0  }
0x1ee: {  	[hbm4b:s22+s3] =	stream.linear.scatter [tilespmem:s23], [sflag:$0x6], $0x80, $0x38;
	[tilespmem:$0x12800] =	vst v63  }
0x1ef: {  	s24 =	sadd.s32 $0x50, s16;
	s26 =	simm.s32 $0x11568  }
0x1f0: {  	[hbm4b:s24+s3] =	stream.linear.scatter [tilespmem:s26], [sflag:$0x6], $0x80, $0x38;
	[tilespmem:$0x12800] =	vst v63  }
0x1f1: {  	s19 =	sadd.s32 $0x60, s16;
	s22 =	simm.s32 $0x115F0  }
0x1f2: {  	[hbm4b:s19+s3] =	stream.linear.scatter [tilespmem:s22], [sflag:$0x6], $0x80, $0x38;
	[tilespmem:$0x12800] =	vst v63  }
0x1f3: {  	s16 =	sadd.s32 $0x70, s16;
	s23 =	simm.s32 $0x11678;
	s24 =	rddreg [dreg:$0x10]  }
0x1f4: {  	[hbm4b:s16+s3] =	stream.linear.scatter [tilespmem:s23], [sflag:$0x6], $0x80, $0x38;
	[tilespmem:$0x12800] =	vst v63  }
0x1f5: {  	s26 =	simm.s32 $0x11700;
	s16 =	sadd.s32 s14, s24  }
0x1f6: {  	[hbm4b:s16+s3] =	stream.linear.scatter [tilespmem:s26], [sflag:$0x6], $0x80, $0x38;
	[tilespmem:$0x12800] =	vst v63  }
0x1f7: {  	s19 =	simm.s32 $0x11788;
	s18 =	sadd.s32 $0x10, s16  }
0x1f8: {  	[hbm4b:s18+s3] =	stream.linear.scatter [tilespmem:s19], [sflag:$0x6], $0x80, $0x38;
	[tilespmem:$0x12800] =	vst v63  }
0x1f9: {  	s23 =	simm.s32 $0x11810;
	s22 =	sadd.s32 $0x20, s16  }
0x1fa: {  	[hbm4b:s22+s3] =	stream.linear.scatter [tilespmem:s23], [sflag:$0x6], $0x80, $0x38;
	[tilespmem:$0x12800] =	vst v63  }
0x1fb: {  	s24 =	sadd.s32 $0x30, s16;
	s26 =	simm.s32 $0x11898  }
0x1fc: {  	[hbm4b:s24+s3] =	stream.linear.scatter [tilespmem:s26], [sflag:$0x6], $0x80, $0x38;
	[tilespmem:$0x12800] =	vst v63  }
0x1fd: {  	s18 =	sadd.s32 $0x40, s16;
	s19 =	simm.s32 $0x11920  }
0x1fe: {  	[hbm4b:s18+s3] =	stream.linear.scatter [tilespmem:s19], [sflag:$0x6], $0x80, $0x38;
	[tilespmem:$0x12800] =	vst v63  }
0x1ff: {  	s22 =	sadd.s32 $0x50, s16;
	s23 =	simm.s32 $0x119A8  }
0x200: {  	[hbm4b:s22+s3] =	stream.linear.scatter [tilespmem:s23], [sflag:$0x6], $0x80, $0x38;
	[tilespmem:$0x12800] =	vst v63  }
0x201: {  	s24 =	sadd.s32 $0x60, s16;
	s26 =	simm.s32 $0x11A30  }
0x202: {  	[hbm4b:s24+s3] =	stream.linear.scatter [tilespmem:s26], [sflag:$0x6], $0x80, $0x38;
	[tilespmem:$0x12800] =	vst v63  }
0x203: {  	s16 =	sadd.s32 $0x70, s16;
	s19 =	simm.s32 $0x11AB8;
	s22 =	rddreg [dreg:$0x11]  }
0x204: {  	[hbm4b:s16+s3] =	stream.linear.scatter [tilespmem:s19], [sflag:$0x6], $0x80, $0x38;
	[tilespmem:$0x12800] =	vst v63  }
0x205: {  	s23 =	simm.s32 $0x11B40;
	s16 =	sadd.s32 s14, s22  }
0x206: {  	[hbm4b:s16+s3] =	stream.linear.scatter [tilespmem:s23], [sflag:$0x6], $0x80, $0x38;
	[tilespmem:$0x12800] =	vst v63  }
0x207: {  	s26 =	simm.s32 $0x11BC8;
	s24 =	sadd.s32 $0x10, s16  }
0x208: {  	[hbm4b:s24+s3] =	stream.linear.scatter [tilespmem:s26], [sflag:$0x6], $0x80, $0x38;
	[tilespmem:$0x12800] =	vst v63  }
0x209: {  	s19 =	simm.s32 $0x11C50;
	s18 =	sadd.s32 $0x20, s16  }
0x20a: {  	[hbm4b:s18+s3] =	stream.linear.scatter [tilespmem:s19], [sflag:$0x6], $0x80, $0x38;
	[tilespmem:$0x12800] =	vst v63  }
0x20b: {  	s22 =	sadd.s32 $0x30, s16;
	s23 =	simm.s32 $0x11CD8  }
0x20c: {  	[hbm4b:s22+s3] =	stream.linear.scatter [tilespmem:s23], [sflag:$0x6], $0x80, $0x38;
	[tilespmem:$0x12800] =	vst v63  }
0x20d: {  	s24 =	sadd.s32 $0x40, s16;
	s26 =	simm.s32 $0x11D60  }
0x20e: {  	[hbm4b:s24+s3] =	stream.linear.scatter [tilespmem:s26], [sflag:$0x6], $0x80, $0x38;
	[tilespmem:$0x12800] =	vst v63  }
0x20f: {  	s19 =	sadd.s32 $0x50, s16;
	s22 =	simm.s32 $0x11DE8  }
0x210: {  	[hbm4b:s19+s3] =	stream.linear.scatter [tilespmem:s22], [sflag:$0x6], $0x80, $0x38;
	[tilespmem:$0x12800] =	vst v63  }
0x211: {  	s23 =	sadd.s32 $0x60, s16;
	s24 =	simm.s32 $0x11E70  }
0x212: {  	[hbm4b:s23+s3] =	stream.linear.scatter [tilespmem:s24], [sflag:$0x6], $0x80, $0x38;
	[tilespmem:$0x12800] =	vst v63  }
0x213: {  	s18 =	rddreg [dreg:$0x12];
	s16 =	sadd.s32 $0x70, s16;
	s26 =	simm.s32 $0x11EF8  }
0x214: {  	[hbm4b:s16+s3] =	stream.linear.scatter [tilespmem:s26], [sflag:$0x6], $0x80, $0x38;
	[tilespmem:$0x12800] =	vst v63  }
0x215: {  	s19 =	simm.s32 $0x11F80;
	s16 =	sadd.s32 s14, s18  }
0x216: {  	[hbm4b:s16+s3] =	stream.linear.scatter [tilespmem:s19], [sflag:$0x6], $0x80, $0x38;
	[tilespmem:$0x12800] =	vst v63  }
0x217: {  	s23 =	simm.s32 $0x12008;
	s22 =	sadd.s32 $0x10, s16  }
0x218: {  	[hbm4b:s22+s3] =	stream.linear.scatter [tilespmem:s23], [sflag:$0x6], $0x80, $0x38;
	[tilespmem:$0x12800] =	vst v63  }
0x219: {  	s26 =	simm.s32 $0x12090;
	s24 =	sadd.s32 $0x20, s16  }
0x21a: {  	[hbm4b:s24+s3] =	stream.linear.scatter [tilespmem:s26], [sflag:$0x6], $0x80, $0x38;
	[tilespmem:$0x12800] =	vst v63  }
0x21b: {  	s18 =	sadd.s32 $0x30, s16;
	s19 =	simm.s32 $0x12118  }
0x21c: {  	[hbm4b:s18+s3] =	stream.linear.scatter [tilespmem:s19], [sflag:$0x6], $0x80, $0x38;
	[tilespmem:$0x12800] =	vst v63  }
0x21d: {  	s22 =	sadd.s32 $0x40, s16;
	s23 =	simm.s32 $0x121A0  }
0x21e: {  	[hbm4b:s22+s3] =	stream.linear.scatter [tilespmem:s23], [sflag:$0x6], $0x80, $0x38;
	[tilespmem:$0x12800] =	vst v63  }
0x21f: {  	s24 =	sadd.s32 $0x50, s16;
	s26 =	simm.s32 $0x12228  }
0x220: {  	[hbm4b:s24+s3] =	stream.linear.scatter [tilespmem:s26], [sflag:$0x6], $0x80, $0x38;
	[tilespmem:$0x12800] =	vst v63  }
0x221: {  	s18 =	sadd.s32 $0x60, s16;
	s19 =	simm.s32 $0x122B0  }
0x222: {  	[hbm4b:s18+s3] =	stream.linear.scatter [tilespmem:s19], [sflag:$0x6], $0x80, $0x38;
	[tilespmem:$0x12800] =	vst v63  }
0x223: {  	s16 =	sadd.s32 $0x70, s16;
	s22 =	rddreg [dreg:$0x13]  }
0x224: {  	[hbm4b:s16+s3] =	stream.linear.scatter [tilespmem:s28], [sflag:$0x6], $0x80, $0x38;
	[tilespmem:$0x12800] =	vst v63  }
0x225: {  	s16 =	sadd.s32 s14, s22  }
0x226: {  	[hbm4b:s16+s3] =	stream.linear.scatter [tilespmem:s29], [sflag:$0x6], $0x80, $0x38;
	[tilespmem:$0x12800] =	vst v63  }
0x227: {  	s23 =	sadd.s32 $0x10, s16  }
0x228: {  	[hbm4b:s23+s3] =	stream.linear.scatter [tilespmem:s30], [sflag:$0x6], $0x80, $0x38;
	[tilespmem:$0x12800] =	vst v63  }
0x229: {  	s24 =	sadd.s32 $0x20, s16  }
0x22a: {  	[hbm4b:s24+s3] =	stream.linear.scatter [tilespmem:s31], [sflag:$0x6], $0x80, $0x38;
	[tilespmem:$0x12800] =	vst v63  }
0x22b: {  	s26 =	sadd.s32 $0x30, s16  }
0x22c: {  	[hbm4b:s26+s3] =	stream.linear.scatter [tilespmem:s1], [sflag:$0x6], $0x80, $0x38;
	[tilespmem:$0x12800] =	vst v63  }
0x22d: {  	s18 =	sadd.s32 $0x40, s16  }
0x22e: {  	[hbm4b:s18+s3] =	stream.linear.scatter [tilespmem:s0], [sflag:$0x6], $0x80, $0x38;
	[tilespmem:$0x12800] =	vst v63  }
0x22f: {  	s19 =	sadd.s32 $0x50, s16  }
0x230: {  	[hbm4b:s19+s3] =	stream.linear.scatter [tilespmem:s5], [sflag:$0x6], $0x80, $0x38;
	[tilespmem:$0x12800] =	vst v63  }
0x231: {  	s22 =	sadd.s32 $0x60, s16  }
0x232: {  	[hbm4b:s22+s3] =	stream.linear.scatter [tilespmem:s25], [sflag:$0x6], $0x80, $0x38;
	[tilespmem:$0x12800] =	vst v63  }
0x233: {  	s16 =	sadd.s32 $0x70, s16  }
0x234: {  	[hbm4b:s16+s3] =	stream.linear.scatter [tilespmem:s2], [sflag:$0x6], $0x80, $0x38;
	[tilespmem:$0x12800] =	vst v63  }
0x235: {  	s17 =	simm.s32 @!p0 $0x80;
	s18 =	simm.s32 @!p0 $0x8400;
	s16 =	sadd.s32 @!p0 $0x280, s15  }
0x236: {  	[tilespmem:s18], [sflag:$0x2] =	stream.indirect.gather @!p0 [hbm4b:s4+s17], $0x40, s16, s17, $0xb8;
	[tilespmem:$0x12800] =	vst v63  }
0x237: {  	_ =	swait.ge [sflag:s6], $0x400  }
0x238: {  	[sflag:s6] =	ssyncset.done $0x0  }
0x239: {  	[sflag:s6] =	ssyncadd.s32 $0xFFFFFC00  }
0x23a: {  	_ =	swait.ge [sflag:s6], $0x400  }
0x23b: {  	[sflag:s6] =	ssyncset.done $0x0  }
0x23c: {  	[sflag:s6] =	ssyncadd.s32 $0xFFFFFC00  }
0x23d: {  	_ =	swait.ge [sflag:s6], $0x400  }
0x23e: {  	[sflag:s6] =	ssyncset.done $0x0  }
0x23f: {  	[sflag:s6] =	ssyncadd.s32 $0xFFFFFC00  }
0x240: {  	_ =	swait.ge [sflag:s6], $0x400  }
0x241: {  	[sflag:s6] =	ssyncset.done $0x0  }
0x242: {  	[sflag:s6] =	ssyncadd.s32 $0xFFFFFC00  }
0x243: {  	_ =	swait.ge [sflag:s6], $0x400  }
0x244: {  	[sflag:s6] =	ssyncset.done $0x0  }
0x245: {  	[sflag:s6] =	ssyncadd.s32 $0xFFFFFC00  }
0x246: {  	_ =	swait.ge [sflag:s6], $0x400  }
0x247: {  	[sflag:s6] =	ssyncset.done $0x0  }
0x248: {  	[sflag:s6] =	ssyncadd.s32 $0xFFFFFC00  }
0x249: {  	_ =	swait.ge [sflag:s6], $0x400  }
0x24a: {  	[sflag:s6] =	ssyncset.done $0x0  }
0x24b: {  	[sflag:s6] =	ssyncadd.s32 $0xFFFFFC00  }
0x24c: {  	_ =	swait.ge [sflag:s6], $0x400  }
0x24d: {  	[sflag:s6] =	ssyncset.done $0x0  }
0x24e: {  	[sflag:s6] =	ssyncadd.s32 $0xFFFFFC00  }
0x24f: {  	_ =	swait.ge [sflag:s7], $0x2000  }
0x250: {  	[sflag:s7] =	ssyncset.done $0x0  }
0x251: {  	s23 =	simm.s32 $0x1;
	s19 =	simm.s32 $0xA440;
	[sflag:s7] =	ssyncadd.s32 $0xFFFFE000  }
0x252: {  	v4 =	vmov s23;
	v5 =	vld [tilespmem:s19+$0x0]  }
0x253: {  	v9 =	vand.u32 $0x7F, v4  }
0x254: {  	v4 =	vadd.s32 v0, v9  }
0x255: {  	s24 =	simm.s32 $0x0  }
0x256: {  	v6 =	vmov s24;
	v7 =	vld [tilespmem:s19+$0xFFFFFFC0]  }
0x257: {  	v14 =	vand.u32 $0x7E, v6;
	v5 =	vmul.f32 $8.000000000e+00, v5  }
0x258: {  	s26 =	simm.s32 $0x3;
	v6 =	vadd.s32 v0, v14;
	s16 =	simm.s32 $0xA4C0  }
0x259: {  	v8 =	vld [tilespmem:s16+$0x0];
	[tilespmem:v4+s10+$0x0] =	vst.idx.msk $0xffff, v5;
	v4 =	vmov s26  }
0x25a: {  	v4 =	vand.u32 $0x7F, v4;
	v10 =	vld [tilespmem:s19+$0x10]  }
0x25b: {  	v5 =	vmul.f32 $8.000000000e+00, v7;
	v7 =	vadd.s32 v0, v4  }
0x25c: {  	v11 =	vadd.s32 v1, v9;
	s18 =	simm.s32 $0x2  }
0x25d: {  	v12 =	vld [tilespmem:s16+$0xFFFFFFC0];
	[tilespmem:v6+s10+$0x0] =	vst.idx.msk $0xffff, v5;
	v5 =	vmov s18  }
0x25e: {  	v6 =	vmul.f32 $8.000000000e+00, v8;
	v5 =	vand.u32 $0x7E, v5;
	v8 =	vld [tilespmem:s19+$0xFFFFFFD0]  }
0x25f: {  	s22 =	simm.s32 $0x5;
	s17 =	simm.s32 $0xA540;
	v13 =	vadd.s32 v0, v5;
	v10 =	vmul.f32 $8.000000000e+00, v10  }
0x260: {  	v15 =	vld [tilespmem:s17+$0x0];
	[tilespmem:v7+s10+$0x0] =	vst.idx.msk $0xffff, v6;
	v7 =	vadd.s32 v1, v14;
	v6 =	vmov s22  }
0x261: {  	[tilespmem:v11+s10+$0x0] =	vst.idx.msk $0xffff, v10;
	v6 =	vand.u32 $0x7F, v6;
	v10 =	vld [tilespmem:s16+$0x10]  }
0x262: {  	v11 =	vmul.f32 $8.000000000e+00, v12;
	v12 =	vadd.s32 v0, v6;
	v16 =	vld [tilespmem:s19+$0x20]  }
0x263: {  	s23 =	simm.s32 $0x4;
	v17 =	vadd.s32 v1, v4;
	v8 =	vmul.f32 $8.000000000e+00, v8  }
0x264: {  	v18 =	vadd.s32 v2, v9;
	[tilespmem:v13+s10+$0x0] =	vst.idx.msk $0xffff, v11;
	v11 =	vmov s23;
	v13 =	vld [tilespmem:s17+$0xFFFFFFC0]  }
0x265: {  	[tilespmem:v7+s10+$0x0] =	vst.idx.msk $0xffff, v8;
	v7 =	vand.u32 $0x7E, v11;
	v8 =	vmul.f32 $8.000000000e+00, v15;
	v11 =	vld [tilespmem:s16+$0xFFFFFFD0]  }
0x266: {  	s24 =	simm.s32 $0x7;
	s18 =	simm.s32 $0xA5C0;
	v15 =	vadd.s32 v0, v7;
	v10 =	vmul.f32 $8.000000000e+00, v10;
	v19 =	vld [tilespmem:s19+$0xFFFFFFE0]  }
0x267: {  	v20 =	vld [tilespmem:s18+$0x0];
	[tilespmem:v12+s10+$0x0] =	vst.idx.msk $0xffff, v8;
	v12 =	vadd.s32 v1, v5;
	v16 =	vmul.f32 $8.000000000e+00, v16;
	v8 =	vmov s24  }
0x268: {  	[tilespmem:v17+s10+$0x0] =	vst.idx.msk $0xffff, v10;
	v10 =	vadd.s32 v2, v14;
	v8 =	vand.u32 $0x7F, v8;
	v17 =	vld [tilespmem:s17+$0x10]  }
0x269: {  	v13 =	vmul.f32 $8.000000000e+00, v13;
	[tilespmem:v18+s10+$0x0] =	vst.idx.msk $0xffff, v16;
	v16 =	vadd.s32 v0, v8;
	v18 =	vld [tilespmem:s16+$0x20]  }
0x26a: {  	s26 =	simm.s32 $0x6;
	v21 =	vadd.s32 v1, v6;
	v11 =	vmul.f32 $8.000000000e+00, v11;
	v22 =	vld [tilespmem:s19+$0x30]  }
0x26b: {  	v23 =	vadd.s32 v2, v4;
	[tilespmem:v15+s10+$0x0] =	vst.idx.msk $0xffff, v13;
	v13 =	vmul.f32 $8.000000000e+00, v19;
	v15 =	vld [tilespmem:s18+$0xFFFFFFC0];
	v19 =	vmov s26  }
0x26c: {  	v62 =	vadd.s32 v3, v9;
	[tilespmem:v12+s10+$0x0] =	vst.idx.msk $0xffff, v11;
	v12 =	vmul.f32 $8.000000000e+00, v20;
	v61 =	vld [tilespmem:s17+$0xFFFFFFD0];
	v9 =	vand.u32 $0x7E, v19  }
0x26d: {  	[tilespmem:v10+s10+$0x0] =	vst.idx.msk $0xffff, v13;
	v10 =	vmul.f32 $8.000000000e+00, v17;
	v11 =	vld [tilespmem:s16+$0xFFFFFFE0];
	v17 =	vadd.s32 v0, v9  }
0x26e: {  	s22 =	simm.s32 $0xA640;
	s23 =	simm.s32 $0x9;
	[tilespmem:v16+s10+$0x0] =	vst.idx.msk $0xffff, v12;
	v20 =	vmul.f32 $8.000000000e+00, v18;
	v12 =	vld [tilespmem:s19+$0xFFFFFFF0];
	v16 =	vadd.s32 v1, v7  }
0x26f: {  	v19 =	vld [tilespmem:s22+$0x0];
	v13 =	vadd.s32 v2, v5;
	v18 =	vmov s23;
	[tilespmem:v21+s10+$0x0] =	vst.idx.msk $0xffff, v10;
	v63 =	vmul.f32 $8.000000000e+00, v22  }
0x270: {  	v14 =	vadd.s32 v3, v14;
	v10 =	vand.u32 $0x7F, v18;
	v18 =	vld [tilespmem:s18+$0x10];
	v22 =	vmul.f32 $8.000000000e+00, v15;
	[tilespmem:v23+s10+$0x0] =	vst.idx.msk $0xffff, v20  }
0x271: {  	s24 =	simm.s32 $0x8;
	s23 =	simm.s32 $0xA;
	s19 =	simm.s32 $0xA640;
	v20 =	vadd.s32 v0, v10;
	v15 =	vld [tilespmem:s17+$0x20];
	v21 =	vmul.f32 $8.000000000e+00, v61;
	[tilespmem:v62+s10+$0x0] =	vst.idx.msk $0xffff, v63  }
.LBB2_7:
0x272: {  	p1 =	slt.u32 s23, $0x7E;
	[tilespmem:v17+s10+$0x0] =	vst.idx.msk $0xffff, v22;
	v22 =	vadd.s32 v1, v8;
	v11 =	vmul.f32 $8.000000000e+00, v11;
	v23 =	vld [tilespmem:s16+$0x30]  }
0x273: {  	v17 =	vmov s24;
	s24 =	smov.u32 s23;
	v24 =	vld [tilespmem:s22+$0xFFFFFFC0];
	[tilespmem:v16+s10+$0x0] =	vst.idx.msk $0xffff, v21;
	v21 =	vadd.s32 v2, v6;
	v12 =	vmul.f32 $8.000000000e+00, v12  }
0x274: {  	v27 =	vadd.s32 v3, v4;
	v4 =	vmovc v6;
	v25 =	vand.u32 $0x7E, v17;
	v16 =	vmul.f32 $8.000000000e+00, v19;
	v26 =	vld [tilespmem:s18+$0xFFFFFFD0];
	[tilespmem:v13+s10+$0x0] =	vst.idx.msk $0xffff, v11  }
.Ltmp4:
0x275: {  	v6 =	vmovc v8;
	v8 =	vmov v10;
	v17 =	vadd.s32 v0, v25;
	v13 =	vmul.f32 $8.000000000e+00, v18;
	v11 =	vld [tilespmem:s17+$0xFFFFFFE0];
	[tilespmem:v14+s10+$0x0] =	vst.idx.msk $0xffff, v12;
	(pc) =	sbr.rel @p1 .LBB2_7-.Ltmp4, $4  }
0x276: {  	s26 =	sadd.s32 $0x1, s23;
	s22 =	sadd.s32 $0x80, s22;
	[tilespmem:v20+s10+$0x0] =	vst.idx.msk $0xffff, v16;
	v16 =	vadd.s32 v1, v9;
	v14 =	vmul.f32 $8.000000000e+00, v15;
	v12 =	vld [tilespmem:s16+$0xFFFFFFF0];
	s16 =	smov.u32 s17  }
0x277: {  	v10 =	vmov s26;
	s17 =	smov.u32 s18;
	s18 =	smov.u32 s19;
	s19 =	smov.u32 s22;
	v19 =	vld [tilespmem:s22+$0x0];
	[tilespmem:v22+s10+$0x0] =	vst.idx.msk $0xffff, v13;
	v13 =	vadd.s32 v2, v7;
	v23 =	vmul.f32 $8.000000000e+00, v23  }
0x278: {  	v10 =	vand.u32 $0x7F, v10;
	v22 =	vmul.f32 $8.000000000e+00, v24;
	v18 =	vld [tilespmem:s18+$0x10];
	[tilespmem:v21+s10+$0x0] =	vst.idx.msk $0xffff, v14;
	v14 =	vadd.s32 v3, v5;
	v5 =	vmovc v7  }
0x279: {  	s23 =	sadd.s32 $0x2, s23;
	v20 =	vadd.s32 v0, v10;
	v7 =	vmovc v9;
	v9 =	vmov v25;
	v21 =	vmul.f32 $8.000000000e+00, v26;
	v15 =	vld [tilespmem:s17+$0x20];
	[tilespmem:v27+s10+$0x0] =	vst.idx.msk $0xffff, v23  }
0x27a: {  	v23 =	vmov s24;
	v24 =	vld [tilespmem:s22+$0xFFFFFFC0]  }
0x27b: {  	v23 =	vand.u32 $0x7E, v23  }
0x27c: {  	v25 =	vadd.s32 v0, v23;
	_ =	sdelay $0x1  }
0x27d: {  	v19 =	vmul.f32 $8.000000000e+00, v19  }
0x27e: {  	[tilespmem:v17+s10+$0x0] =	vst.idx.msk $0xffff, v22;
	v17 =	vmul.f32 $8.000000000e+00, v24  }
0x27f: {  	v22 =	vld [tilespmem:s18+$0xFFFFFFD0];
	[tilespmem:v20+s10+$0x0] =	vst.idx.msk $0xffff, v19  }
0x280: {  	v19 =	vadd.s32 v1, v8;
	v20 =	vld [tilespmem:s19+$0x10];
	[tilespmem:v25+s10+$0x0] =	vst.idx.msk $0xffff, v17  }
0x281: {  	v17 =	vadd.s32 v1, v9;
	v58 =	vld [tilespmem:s19+$0xFFFFFFD0]  }
0x282: {  	v59 =	vadd.s32 v1, v10  }
0x283: {  	v26 =	vadd.s32 v1, v23;
	v18 =	vmul.f32 $8.000000000e+00, v18  }
0x284: {  	[tilespmem:v16+s10+$0x0] =	vst.idx.msk $0xffff, v21;
	v16 =	vmul.f32 $8.000000000e+00, v22  }
0x285: {  	[tilespmem:v19+s10+$0x0] =	vst.idx.msk $0xffff, v18;
	v18 =	vld [tilespmem:s17+$0xFFFFFFE0];
	v19 =	vmul.f32 $8.000000000e+00, v20  }
0x286: {  	v20 =	vadd.s32 v2, v6;
	[tilespmem:v17+s10+$0x0] =	vst.idx.msk $0xffff, v16;
	v16 =	vld [tilespmem:s18+$0x20];
	v17 =	vmul.f32 $8.000000000e+00, v58  }
0x287: {  	v11 =	vmul.f32 $8.000000000e+00, v11;
	v21 =	vadd.s32 v2, v7;
	[tilespmem:v59+s10+$0x0] =	vst.idx.msk $0xffff, v19;
	v19 =	vld [tilespmem:s18+$0xFFFFFFE0]  }
0x288: {  	v12 =	vmul.f32 $8.000000000e+00, v12;
	v22 =	vadd.s32 v2, v8;
	[tilespmem:v26+s10+$0x0] =	vst.idx.msk $0xffff, v17;
	v17 =	vld [tilespmem:s19+$0x20]  }
0x289: {  	[tilespmem:v13+s10+$0x0] =	vst.idx.msk $0xffff, v11;
	v13 =	vadd.s32 v2, v9;
	v11 =	vmul.f32 $8.000000000e+00, v15;
	v15 =	vld [tilespmem:s19+$0xFFFFFFE0]  }
0x28a: {  	v60 =	vld [tilespmem:s16+$0x30];
	[tilespmem:v14+s10+$0x0] =	vst.idx.msk $0xffff, v12;
	v14 =	vadd.s32 v2, v10;
	v12 =	vmul.f32 $8.000000000e+00, v18  }
0x28b: {  	v18 =	vld [tilespmem:s16+$0xFFFFFFF0];
	[tilespmem:v20+s10+$0x0] =	vst.idx.msk $0xffff, v11;
	v11 =	vmul.f32 $8.000000000e+00, v16;
	v16 =	vadd.s32 v2, v23  }
0x28c: {  	v4 =	vadd.s32 v3, v4;
	v20 =	vld [tilespmem:s17+$0x30];
	[tilespmem:v21+s10+$0x0] =	vst.idx.msk $0xffff, v12;
	v12 =	vmul.f32 $8.000000000e+00, v19  }
0x28d: {  	v5 =	vadd.s32 v3, v5;
	v19 =	vld [tilespmem:s17+$0xFFFFFFF0];
	[tilespmem:v22+s10+$0x0] =	vst.idx.msk $0xffff, v11;
	v11 =	vmul.f32 $8.000000000e+00, v17  }
0x28e: {  	v6 =	vadd.s32 v3, v6;
	v17 =	vld [tilespmem:s18+$0x30];
	[tilespmem:v13+s10+$0x0] =	vst.idx.msk $0xffff, v12;
	v12 =	vmul.f32 $8.000000000e+00, v15  }
0x28f: {  	v7 =	vadd.s32 v3, v7;
	v13 =	vmul.f32 $8.000000000e+00, v60;
	v15 =	vld [tilespmem:s18+$0xFFFFFFF0];
	[tilespmem:v14+s10+$0x0] =	vst.idx.msk $0xffff, v11  }
0x290: {  	v8 =	vadd.s32 v3, v8;
	v11 =	vmul.f32 $8.000000000e+00, v18;
	v14 =	vld [tilespmem:s19+$0x30];
	[tilespmem:v16+s10+$0x0] =	vst.idx.msk $0xffff, v12  }
0x291: {  	v9 =	vadd.s32 v3, v9;
	[tilespmem:v4+s10+$0x0] =	vst.idx.msk $0xffff, v13;
	v4 =	vmul.f32 $8.000000000e+00, v20;
	v12 =	vld [tilespmem:s19+$0xFFFFFFF0]  }
0x292: {  	v10 =	vadd.s32 v3, v10;
	[tilespmem:v5+s10+$0x0] =	vst.idx.msk $0xffff, v11;
	v5 =	vmul.f32 $8.000000000e+00, v19  }
0x293: {  	[tilespmem:v6+s10+$0x0] =	vst.idx.msk $0xffff, v4;
	v6 =	vadd.s32 v3, v23;
	v4 =	vmul.f32 $8.000000000e+00, v17  }
0x294: {  	[tilespmem:v7+s10+$0x0] =	vst.idx.msk $0xffff, v5;
	v5 =	vmul.f32 $8.000000000e+00, v15  }
0x295: {  	[tilespmem:v8+s10+$0x0] =	vst.idx.msk $0xffff, v4;
	v4 =	vmul.f32 $8.000000000e+00, v14  }
0x296: {  	[tilespmem:v9+s10+$0x0] =	vst.idx.msk $0xffff, v5;
	v5 =	vmul.f32 $8.000000000e+00, v12  }
0x297: {  	[tilespmem:v10+s10+$0x0] =	vst.idx.msk $0xffff, v4  }
0x298: {  	[tilespmem:v6+s10+$0x0] =	vst.idx.msk $0xffff, v5  }
0x299: {  	s19 =	rddreg [dreg:$0x14]  }
0x29a: {  	s16 =	sadd.s32 s14, s19  }
0x29b: {  	[hbm4b:s16+s3] =	stream.linear.scatter [tilespmem:s10], [sflag:$0x5], $0x80, $0x38;
	[tilespmem:$0x12800] =	vst v63  }
0x29c: {  	s26 =	simm.s32 $0xE488;
	s22 =	sadd.s32 $0x10, s16  }
0x29d: {  	[hbm4b:s22+s3] =	stream.linear.scatter [tilespmem:s26], [sflag:$0x5], $0x80, $0x38;
	[tilespmem:$0x12800] =	vst v63  }
0x29e: {  	s24 =	simm.s32 $0xE510;
	s23 =	sadd.s32 $0x20, s16  }
0x29f: {  	[hbm4b:s23+s3] =	stream.linear.scatter [tilespmem:s24], [sflag:$0x5], $0x80, $0x38;
	[tilespmem:$0x12800] =	vst v63  }
0x2a0: {  	s19 =	sadd.s32 $0x30, s16;
	s22 =	simm.s32 $0xE598  }
0x2a1: {  	[hbm4b:s19+s3] =	stream.linear.scatter [tilespmem:s22], [sflag:$0x5], $0x80, $0x38;
	[tilespmem:$0x12800] =	vst v63  }
0x2a2: {  	s23 =	sadd.s32 $0x40, s16;
	s24 =	simm.s32 $0xE620  }
0x2a3: {  	[hbm4b:s23+s3] =	stream.linear.scatter [tilespmem:s24], [sflag:$0x5], $0x80, $0x38;
	[tilespmem:$0x12800] =	vst v63  }
0x2a4: {  	s18 =	sadd.s32 $0x50, s16;
	s19 =	simm.s32 $0xE6A8  }
0x2a5: {  	[hbm4b:s18+s3] =	stream.linear.scatter [tilespmem:s19], [sflag:$0x5], $0x80, $0x38;
	[tilespmem:$0x12800] =	vst v63  }
0x2a6: {  	s22 =	sadd.s32 $0x60, s16;
	s23 =	simm.s32 $0xE730  }
0x2a7: {  	[hbm4b:s22+s3] =	stream.linear.scatter [tilespmem:s23], [sflag:$0x5], $0x80, $0x38;
	[tilespmem:$0x12800] =	vst v63  }
0x2a8: {  	s17 =	rddreg [dreg:$0x15];
	s16 =	sadd.s32 $0x70, s16;
	s24 =	simm.s32 $0xE7B8  }
0x2a9: {  	[hbm4b:s16+s3] =	stream.linear.scatter [tilespmem:s24], [sflag:$0x5], $0x80, $0x38;
	[tilespmem:$0x12800] =	vst v63  }
0x2aa: {  	s18 =	simm.s32 $0xE840;
	s16 =	sadd.s32 s14, s17  }
0x2ab: {  	[hbm4b:s16+s3] =	stream.linear.scatter [tilespmem:s18], [sflag:$0x5], $0x80, $0x38;
	[tilespmem:$0x12800] =	vst v63  }
0x2ac: {  	s22 =	simm.s32 $0xE8C8;
	s19 =	sadd.s32 $0x10, s16  }
0x2ad: {  	[hbm4b:s19+s3] =	stream.linear.scatter [tilespmem:s22], [sflag:$0x5], $0x80, $0x38;
	[tilespmem:$0x12800] =	vst v63  }
0x2ae: {  	s24 =	simm.s32 $0xE950;
	s23 =	sadd.s32 $0x20, s16  }
0x2af: {  	[hbm4b:s23+s3] =	stream.linear.scatter [tilespmem:s24], [sflag:$0x5], $0x80, $0x38;
	[tilespmem:$0x12800] =	vst v63  }
0x2b0: {  	s19 =	sadd.s32 $0x30, s16;
	s22 =	simm.s32 $0xE9D8  }
0x2b1: {  	[hbm4b:s19+s3] =	stream.linear.scatter [tilespmem:s22], [sflag:$0x5], $0x80, $0x38;
	[tilespmem:$0x12800] =	vst v63  }
0x2b2: {  	s23 =	sadd.s32 $0x40, s16;
	s24 =	simm.s32 $0xEA60  }
0x2b3: {  	[hbm4b:s23+s3] =	stream.linear.scatter [tilespmem:s24], [sflag:$0x5], $0x80, $0x38;
	[tilespmem:$0x12800] =	vst v63  }
0x2b4: {  	s18 =	sadd.s32 $0x50, s16;
	s19 =	simm.s32 $0xEAE8  }
0x2b5: {  	[hbm4b:s18+s3] =	stream.linear.scatter [tilespmem:s19], [sflag:$0x5], $0x80, $0x38;
	[tilespmem:$0x12800] =	vst v63  }
0x2b6: {  	s22 =	sadd.s32 $0x60, s16;
	s23 =	simm.s32 $0xEB70  }
0x2b7: {  	[hbm4b:s22+s3] =	stream.linear.scatter [tilespmem:s23], [sflag:$0x5], $0x80, $0x38;
	[tilespmem:$0x12800] =	vst v63  }
0x2b8: {  	s17 =	rddreg [dreg:$0x16];
	s16 =	sadd.s32 $0x70, s16;
	s24 =	simm.s32 $0xEBF8  }
0x2b9: {  	[hbm4b:s16+s3] =	stream.linear.scatter [tilespmem:s24], [sflag:$0x5], $0x80, $0x38;
	[tilespmem:$0x12800] =	vst v63  }
0x2ba: {  	s18 =	simm.s32 $0xEC80;
	s16 =	sadd.s32 s14, s17  }
0x2bb: {  	[hbm4b:s16+s3] =	stream.linear.scatter [tilespmem:s18], [sflag:$0x5], $0x80, $0x38;
	[tilespmem:$0x12800] =	vst v63  }
0x2bc: {  	s22 =	simm.s32 $0xED08;
	s19 =	sadd.s32 $0x10, s16  }
0x2bd: {  	[hbm4b:s19+s3] =	stream.linear.scatter [tilespmem:s22], [sflag:$0x5], $0x80, $0x38;
	[tilespmem:$0x12800] =	vst v63  }
0x2be: {  	s24 =	simm.s32 $0xED90;
	s23 =	sadd.s32 $0x20, s16  }
0x2bf: {  	[hbm4b:s23+s3] =	stream.linear.scatter [tilespmem:s24], [sflag:$0x5], $0x80, $0x38;
	[tilespmem:$0x12800] =	vst v63  }
0x2c0: {  	s19 =	sadd.s32 $0x30, s16;
	s22 =	simm.s32 $0xEE18  }
0x2c1: {  	[hbm4b:s19+s3] =	stream.linear.scatter [tilespmem:s22], [sflag:$0x5], $0x80, $0x38;
	[tilespmem:$0x12800] =	vst v63  }
0x2c2: {  	s23 =	sadd.s32 $0x40, s16;
	s24 =	simm.s32 $0xEEA0  }
0x2c3: {  	[hbm4b:s23+s3] =	stream.linear.scatter [tilespmem:s24], [sflag:$0x5], $0x80, $0x38;
	[tilespmem:$0x12800] =	vst v63  }
0x2c4: {  	s18 =	sadd.s32 $0x50, s16;
	s19 =	simm.s32 $0xEF28  }
0x2c5: {  	[hbm4b:s18+s3] =	stream.linear.scatter [tilespmem:s19], [sflag:$0x5], $0x80, $0x38;
	[tilespmem:$0x12800] =	vst v63  }
0x2c6: {  	s22 =	sadd.s32 $0x60, s16;
	s23 =	simm.s32 $0xEFB0  }
0x2c7: {  	[hbm4b:s22+s3] =	stream.linear.scatter [tilespmem:s23], [sflag:$0x5], $0x80, $0x38;
	[tilespmem:$0x12800] =	vst v63  }
0x2c8: {  	s17 =	rddreg [dreg:$0x18];
	s16 =	sadd.s32 $0x70, s16;
	s24 =	simm.s32 $0xF038  }
0x2c9: {  	[hbm4b:s16+s3] =	stream.linear.scatter [tilespmem:s24], [sflag:$0x5], $0x80, $0x38;
	[tilespmem:$0x12800] =	vst v63  }
0x2ca: {  	s18 =	simm.s32 $0xF0C0;
	s16 =	sadd.s32 s14, s17  }
0x2cb: {  	[hbm4b:s16+s3] =	stream.linear.scatter [tilespmem:s18], [sflag:$0x5], $0x80, $0x38;
	[tilespmem:$0x12800] =	vst v63  }
0x2cc: {  	s22 =	simm.s32 $0xF148;
	s19 =	sadd.s32 $0x10, s16  }
0x2cd: {  	[hbm4b:s19+s3] =	stream.linear.scatter [tilespmem:s22], [sflag:$0x5], $0x80, $0x38;
	[tilespmem:$0x12800] =	vst v63  }
0x2ce: {  	s24 =	simm.s32 $0xF1D0;
	s23 =	sadd.s32 $0x20, s16  }
0x2cf: {  	[hbm4b:s23+s3] =	stream.linear.scatter [tilespmem:s24], [sflag:$0x5], $0x80, $0x38;
	[tilespmem:$0x12800] =	vst v63  }
0x2d0: {  	s19 =	sadd.s32 $0x30, s16;
	s22 =	simm.s32 $0xF258  }
0x2d1: {  	[hbm4b:s19+s3] =	stream.linear.scatter [tilespmem:s22], [sflag:$0x5], $0x80, $0x38;
	[tilespmem:$0x12800] =	vst v63  }
0x2d2: {  	s23 =	sadd.s32 $0x40, s16;
	s24 =	simm.s32 $0xF2E0  }
0x2d3: {  	[hbm4b:s23+s3] =	stream.linear.scatter [tilespmem:s24], [sflag:$0x5], $0x80, $0x38;
	[tilespmem:$0x12800] =	vst v63  }
0x2d4: {  	s18 =	sadd.s32 $0x50, s16;
	s19 =	simm.s32 $0xF368  }
0x2d5: {  	[hbm4b:s18+s3] =	stream.linear.scatter [tilespmem:s19], [sflag:$0x5], $0x80, $0x38;
	[tilespmem:$0x12800] =	vst v63  }
0x2d6: {  	s22 =	sadd.s32 $0x60, s16;
	s23 =	simm.s32 $0xF3F0  }
0x2d7: {  	[hbm4b:s22+s3] =	stream.linear.scatter [tilespmem:s23], [sflag:$0x5], $0x80, $0x38;
	[tilespmem:$0x12800] =	vst v63  }
0x2d8: {  	s17 =	rddreg [dreg:$0x19];
	s16 =	sadd.s32 $0x70, s16;
	s24 =	simm.s32 $0xF478  }
0x2d9: {  	[hbm4b:s16+s3] =	stream.linear.scatter [tilespmem:s24], [sflag:$0x5], $0x80, $0x38;
	[tilespmem:$0x12800] =	vst v63  }
0x2da: {  	s18 =	simm.s32 $0xF500;
	s16 =	sadd.s32 s14, s17  }
0x2db: {  	[hbm4b:s16+s3] =	stream.linear.scatter [tilespmem:s18], [sflag:$0x5], $0x80, $0x38;
	[tilespmem:$0x12800] =	vst v63  }
0x2dc: {  	s22 =	simm.s32 $0xF588;
	s19 =	sadd.s32 $0x10, s16  }
0x2dd: {  	[hbm4b:s19+s3] =	stream.linear.scatter [tilespmem:s22], [sflag:$0x5], $0x80, $0x38;
	[tilespmem:$0x12800] =	vst v63  }
0x2de: {  	s24 =	simm.s32 $0xF610;
	s23 =	sadd.s32 $0x20, s16  }
0x2df: {  	[hbm4b:s23+s3] =	stream.linear.scatter [tilespmem:s24], [sflag:$0x5], $0x80, $0x38;
	[tilespmem:$0x12800] =	vst v63  }
0x2e0: {  	s19 =	sadd.s32 $0x30, s16;
	s22 =	simm.s32 $0xF698  }
0x2e1: {  	[hbm4b:s19+s3] =	stream.linear.scatter [tilespmem:s22], [sflag:$0x5], $0x80, $0x38;
	[tilespmem:$0x12800] =	vst v63  }
0x2e2: {  	s23 =	sadd.s32 $0x40, s16;
	s24 =	simm.s32 $0xF720  }
0x2e3: {  	[hbm4b:s23+s3] =	stream.linear.scatter [tilespmem:s24], [sflag:$0x5], $0x80, $0x38;
	[tilespmem:$0x12800] =	vst v63  }
0x2e4: {  	s18 =	sadd.s32 $0x50, s16;
	s19 =	simm.s32 $0xF7A8  }
0x2e5: {  	[hbm4b:s18+s3] =	stream.linear.scatter [tilespmem:s19], [sflag:$0x5], $0x80, $0x38;
	[tilespmem:$0x12800] =	vst v63  }
0x2e6: {  	s22 =	sadd.s32 $0x60, s16;
	s23 =	simm.s32 $0xF830  }
0x2e7: {  	[hbm4b:s22+s3] =	stream.linear.scatter [tilespmem:s23], [sflag:$0x5], $0x80, $0x38;
	[tilespmem:$0x12800] =	vst v63  }
0x2e8: {  	s17 =	rddreg [dreg:$0x1a];
	s16 =	sadd.s32 $0x70, s16;
	s24 =	simm.s32 $0xF8B8  }
0x2e9: {  	[hbm4b:s16+s3] =	stream.linear.scatter [tilespmem:s24], [sflag:$0x5], $0x80, $0x38;
	[tilespmem:$0x12800] =	vst v63  }
0x2ea: {  	s18 =	simm.s32 $0xF940;
	s16 =	sadd.s32 s14, s17  }
0x2eb: {  	[hbm4b:s16+s3] =	stream.linear.scatter [tilespmem:s18], [sflag:$0x5], $0x80, $0x38;
	[tilespmem:$0x12800] =	vst v63  }
0x2ec: {  	s22 =	simm.s32 $0xF9C8;
	s19 =	sadd.s32 $0x10, s16  }
0x2ed: {  	[hbm4b:s19+s3] =	stream.linear.scatter [tilespmem:s22], [sflag:$0x5], $0x80, $0x38;
	[tilespmem:$0x12800] =	vst v63  }
0x2ee: {  	s24 =	simm.s32 $0xFA50;
	s23 =	sadd.s32 $0x20, s16  }
0x2ef: {  	[hbm4b:s23+s3] =	stream.linear.scatter [tilespmem:s24], [sflag:$0x5], $0x80, $0x38;
	[tilespmem:$0x12800] =	vst v63  }
0x2f0: {  	s19 =	sadd.s32 $0x30, s16;
	s22 =	simm.s32 $0xFAD8  }
0x2f1: {  	[hbm4b:s19+s3] =	stream.linear.scatter [tilespmem:s22], [sflag:$0x5], $0x80, $0x38;
	[tilespmem:$0x12800] =	vst v63  }
0x2f2: {  	s23 =	sadd.s32 $0x40, s16;
	s24 =	simm.s32 $0xFB60  }
0x2f3: {  	[hbm4b:s23+s3] =	stream.linear.scatter [tilespmem:s24], [sflag:$0x5], $0x80, $0x38;
	[tilespmem:$0x12800] =	vst v63  }
0x2f4: {  	s18 =	sadd.s32 $0x50, s16;
	s19 =	simm.s32 $0xFBE8  }
0x2f5: {  	[hbm4b:s18+s3] =	stream.linear.scatter [tilespmem:s19], [sflag:$0x5], $0x80, $0x38;
	[tilespmem:$0x12800] =	vst v63  }
0x2f6: {  	s22 =	sadd.s32 $0x60, s16;
	s23 =	simm.s32 $0xFC70  }
0x2f7: {  	[hbm4b:s22+s3] =	stream.linear.scatter [tilespmem:s23], [sflag:$0x5], $0x80, $0x38;
	[tilespmem:$0x12800] =	vst v63  }
0x2f8: {  	s17 =	rddreg [dreg:$0x1b];
	s16 =	sadd.s32 $0x70, s16;
	s24 =	simm.s32 $0xFCF8  }
0x2f9: {  	[hbm4b:s16+s3] =	stream.linear.scatter [tilespmem:s24], [sflag:$0x5], $0x80, $0x38;
	[tilespmem:$0x12800] =	vst v63  }
0x2fa: {  	s18 =	simm.s32 $0xFD80;
	s16 =	sadd.s32 s14, s17  }
0x2fb: {  	[hbm4b:s16+s3] =	stream.linear.scatter [tilespmem:s18], [sflag:$0x5], $0x80, $0x38;
	[tilespmem:$0x12800] =	vst v63  }
0x2fc: {  	s22 =	simm.s32 $0xFE08;
	s19 =	sadd.s32 $0x10, s16  }
0x2fd: {  	[hbm4b:s19+s3] =	stream.linear.scatter [tilespmem:s22], [sflag:$0x5], $0x80, $0x38;
	[tilespmem:$0x12800] =	vst v63  }
0x2fe: {  	s24 =	simm.s32 $0xFE90;
	s23 =	sadd.s32 $0x20, s16  }
0x2ff: {  	[hbm4b:s23+s3] =	stream.linear.scatter [tilespmem:s24], [sflag:$0x5], $0x80, $0x38;
	[tilespmem:$0x12800] =	vst v63  }
0x300: {  	s19 =	sadd.s32 $0x30, s16;
	s22 =	simm.s32 $0xFF18  }
0x301: {  	[hbm4b:s19+s3] =	stream.linear.scatter [tilespmem:s22], [sflag:$0x5], $0x80, $0x38;
	[tilespmem:$0x12800] =	vst v63  }
0x302: {  	s23 =	sadd.s32 $0x40, s16;
	s24 =	simm.s32 $0xFFA0  }
0x303: {  	[hbm4b:s23+s3] =	stream.linear.scatter [tilespmem:s24], [sflag:$0x5], $0x80, $0x38;
	[tilespmem:$0x12800] =	vst v63  }
0x304: {  	s18 =	sadd.s32 $0x50, s16;
	s19 =	simm.s32 $0x10028  }
0x305: {  	[hbm4b:s18+s3] =	stream.linear.scatter [tilespmem:s19], [sflag:$0x5], $0x80, $0x38;
	[tilespmem:$0x12800] =	vst v63  }
0x306: {  	s22 =	sadd.s32 $0x60, s16;
	s23 =	simm.s32 $0x100B0  }
0x307: {  	[hbm4b:s22+s3] =	stream.linear.scatter [tilespmem:s23], [sflag:$0x5], $0x80, $0x38;
	[tilespmem:$0x12800] =	vst v63  }
0x308: {  	s17 =	rddreg [dreg:$0x1c];
	s16 =	sadd.s32 $0x70, s16;
	s24 =	simm.s32 $0x10138  }
0x309: {  	[hbm4b:s16+s3] =	stream.linear.scatter [tilespmem:s24], [sflag:$0x5], $0x80, $0x38;
	[tilespmem:$0x12800] =	vst v63  }
0x30a: {  	s18 =	simm.s32 $0x101C0;
	s16 =	sadd.s32 s14, s17  }
0x30b: {  	[hbm4b:s16+s3] =	stream.linear.scatter [tilespmem:s18], [sflag:$0x5], $0x80, $0x38;
	[tilespmem:$0x12800] =	vst v63  }
0x30c: {  	s22 =	simm.s32 $0x10248;
	s19 =	sadd.s32 $0x10, s16  }
0x30d: {  	[hbm4b:s19+s3] =	stream.linear.scatter [tilespmem:s22], [sflag:$0x5], $0x80, $0x38;
	[tilespmem:$0x12800] =	vst v63  }
0x30e: {  	s24 =	simm.s32 $0x102D0;
	s23 =	sadd.s32 $0x20, s16  }
0x30f: {  	[hbm4b:s23+s3] =	stream.linear.scatter [tilespmem:s24], [sflag:$0x5], $0x80, $0x38;
	[tilespmem:$0x12800] =	vst v63  }
0x310: {  	s19 =	sadd.s32 $0x30, s16;
	s22 =	simm.s32 $0x10358  }
0x311: {  	[hbm4b:s19+s3] =	stream.linear.scatter [tilespmem:s22], [sflag:$0x5], $0x80, $0x38;
	[tilespmem:$0x12800] =	vst v63  }
0x312: {  	s23 =	sadd.s32 $0x40, s16;
	s24 =	simm.s32 $0x103E0  }
0x313: {  	[hbm4b:s23+s3] =	stream.linear.scatter [tilespmem:s24], [sflag:$0x5], $0x80, $0x38;
	[tilespmem:$0x12800] =	vst v63  }
0x314: {  	s18 =	sadd.s32 $0x50, s16;
	s19 =	simm.s32 $0x10468  }
0x315: {  	[hbm4b:s18+s3] =	stream.linear.scatter [tilespmem:s19], [sflag:$0x5], $0x80, $0x38;
	[tilespmem:$0x12800] =	vst v63  }
0x316: {  	s22 =	sadd.s32 $0x60, s16;
	s23 =	simm.s32 $0x104F0  }
0x317: {  	[hbm4b:s22+s3] =	stream.linear.scatter [tilespmem:s23], [sflag:$0x5], $0x80, $0x38;
	[tilespmem:$0x12800] =	vst v63  }
0x318: {  	s16 =	sadd.s32 $0x70, s16;
	s24 =	simm.s32 $0x10578  }
0x319: {  	[hbm4b:s16+s3] =	stream.linear.scatter [tilespmem:s24], [sflag:$0x5], $0x80, $0x38;
	[tilespmem:$0x12800] =	vst v63  }
0x31a: {  	s15 =	sadd.s32 @!p0 $0x300, s15;
	s17 =	simm.s32 @!p0 $0xA400;
	s16 =	simm.s32 @!p0 $0x80  }
0x31b: {  	[tilespmem:s17], [sflag:$0x3] =	stream.indirect.gather @!p0 [hbm4b:s4+s16], $0x40, s15, s16, $0xb8;
	[tilespmem:$0x12800] =	vst v63  }
0x31c: {  	_ =	swait.ge [sflag:s8], $0x400  }
0x31d: {  	[sflag:s8] =	ssyncset.done $0x0  }
0x31e: {  	[sflag:s8] =	ssyncadd.s32 $0xFFFFFC00  }
0x31f: {  	_ =	swait.ge [sflag:s8], $0x400  }
0x320: {  	[sflag:s8] =	ssyncset.done $0x0  }
0x321: {  	[sflag:s8] =	ssyncadd.s32 $0xFFFFFC00  }
0x322: {  	_ =	swait.ge [sflag:s8], $0x400  }
0x323: {  	[sflag:s8] =	ssyncset.done $0x0  }
0x324: {  	[sflag:s8] =	ssyncadd.s32 $0xFFFFFC00  }
0x325: {  	_ =	swait.ge [sflag:s8], $0x400  }
0x326: {  	[sflag:s8] =	ssyncset.done $0x0  }
0x327: {  	[sflag:s8] =	ssyncadd.s32 $0xFFFFFC00  }
0x328: {  	_ =	swait.ge [sflag:s8], $0x400  }
0x329: {  	[sflag:s8] =	ssyncset.done $0x0  }
0x32a: {  	[sflag:s8] =	ssyncadd.s32 $0xFFFFFC00  }
0x32b: {  	_ =	swait.ge [sflag:s8], $0x400  }
0x32c: {  	[sflag:s8] =	ssyncset.done $0x0  }
0x32d: {  	[sflag:s8] =	ssyncadd.s32 $0xFFFFFC00  }
0x32e: {  	_ =	swait.ge [sflag:s8], $0x400  }
0x32f: {  	[sflag:s8] =	ssyncset.done $0x0  }
0x330: {  	[sflag:s8] =	ssyncadd.s32 $0xFFFFFC00  }
0x331: {  	_ =	swait.ge [sflag:s8], $0x400  }
0x332: {  	[sflag:s8] =	ssyncset.done $0x0  }
0x333: {  	[sflag:s8] =	ssyncadd.s32 $0xFFFFFC00  }
0x334: {  	_ =	swait.ge [sflag:s11], $0x2000  }
0x335: {  	[sflag:s11] =	ssyncset.done $0x0  }
0x336: {  	s18 =	simm.s32 $0xC440;
	s17 =	simm.s32 $0x1;
	[sflag:s11] =	ssyncadd.s32 $0xFFFFE000  }
0x337: {  	v4 =	vmov s17;
	v5 =	vld [tilespmem:s18+$0x0]  }
0x338: {  	v9 =	vand.u32 $0x7F, v4  }
0x339: {  	v4 =	vadd.s32 v0, v9  }
0x33a: {  	s19 =	simm.s32 $0x0  }
0x33b: {  	v6 =	vmov s19;
	v7 =	vld [tilespmem:s18+$0xFFFFFFC0]  }
0x33c: {  	v14 =	vand.u32 $0x7E, v6;
	v5 =	vmul.f32 $8.000000000e+00, v5  }
0x33d: {  	s22 =	simm.s32 $0x3;
	v6 =	vadd.s32 v0, v14;
	s15 =	simm.s32 $0xC4C0  }
0x33e: {  	v8 =	vld [tilespmem:s15+$0x0];
	[tilespmem:v4+s21+$0x0] =	vst.idx.msk $0xffff, v5;
	v4 =	vmov s22  }
0x33f: {  	v4 =	vand.u32 $0x7F, v4;
	v10 =	vld [tilespmem:s18+$0x10]  }
0x340: {  	v5 =	vmul.f32 $8.000000000e+00, v7;
	v7 =	vadd.s32 v0, v4  }
0x341: {  	s23 =	simm.s32 $0x2;
	v11 =	vadd.s32 v1, v9  }
0x342: {  	v12 =	vld [tilespmem:s15+$0xFFFFFFC0];
	[tilespmem:v6+s21+$0x0] =	vst.idx.msk $0xffff, v5;
	v5 =	vmov s23  }
0x343: {  	v6 =	vmul.f32 $8.000000000e+00, v8;
	v5 =	vand.u32 $0x7E, v5;
	v8 =	vld [tilespmem:s18+$0xFFFFFFD0]  }
0x344: {  	s24 =	simm.s32 $0x5;
	s16 =	simm.s32 $0xC540;
	v13 =	vadd.s32 v0, v5;
	v10 =	vmul.f32 $8.000000000e+00, v10  }
0x345: {  	v15 =	vld [tilespmem:s16+$0x0];
	[tilespmem:v7+s21+$0x0] =	vst.idx.msk $0xffff, v6;
	v7 =	vadd.s32 v1, v14;
	v6 =	vmov s24  }
0x346: {  	[tilespmem:v11+s21+$0x0] =	vst.idx.msk $0xffff, v10;
	v6 =	vand.u32 $0x7F, v6;
	v10 =	vld [tilespmem:s15+$0x10]  }
0x347: {  	v11 =	vmul.f32 $8.000000000e+00, v12;
	v12 =	vadd.s32 v0, v6;
	v16 =	vld [tilespmem:s18+$0x20]  }
0x348: {  	s19 =	simm.s32 $0x4;
	v17 =	vadd.s32 v1, v4;
	v8 =	vmul.f32 $8.000000000e+00, v8  }
0x349: {  	v18 =	vadd.s32 v2, v9;
	[tilespmem:v13+s21+$0x0] =	vst.idx.msk $0xffff, v11;
	v11 =	vmov s19;
	v13 =	vld [tilespmem:s16+$0xFFFFFFC0]  }
0x34a: {  	[tilespmem:v7+s21+$0x0] =	vst.idx.msk $0xffff, v8;
	v7 =	vand.u32 $0x7E, v11;
	v8 =	vmul.f32 $8.000000000e+00, v15;
	v11 =	vld [tilespmem:s15+$0xFFFFFFD0]  }
0x34b: {  	s17 =	simm.s32 $0xC5C0;
	s22 =	simm.s32 $0x7;
	v15 =	vadd.s32 v0, v7;
	v10 =	vmul.f32 $8.000000000e+00, v10;
	v19 =	vld [tilespmem:s18+$0xFFFFFFE0]  }
0x34c: {  	v20 =	vld [tilespmem:s17+$0x0];
	[tilespmem:v12+s21+$0x0] =	vst.idx.msk $0xffff, v8;
	v12 =	vadd.s32 v1, v5;
	v16 =	vmul.f32 $8.000000000e+00, v16;
	v8 =	vmov s22  }
0x34d: {  	[tilespmem:v17+s21+$0x0] =	vst.idx.msk $0xffff, v10;
	v10 =	vadd.s32 v2, v14;
	v8 =	vand.u32 $0x7F, v8;
	v17 =	vld [tilespmem:s16+$0x10]  }
0x34e: {  	v13 =	vmul.f32 $8.000000000e+00, v13;
	[tilespmem:v18+s21+$0x0] =	vst.idx.msk $0xffff, v16;
	v16 =	vadd.s32 v0, v8;
	v18 =	vld [tilespmem:s15+$0x20]  }
0x34f: {  	s23 =	simm.s32 $0x6;
	v21 =	vadd.s32 v1, v6;
	v11 =	vmul.f32 $8.000000000e+00, v11;
	v22 =	vld [tilespmem:s18+$0x30]  }
0x350: {  	v23 =	vadd.s32 v2, v4;
	[tilespmem:v15+s21+$0x0] =	vst.idx.msk $0xffff, v13;
	v13 =	vmul.f32 $8.000000000e+00, v19;
	v15 =	vld [tilespmem:s17+$0xFFFFFFC0];
	v19 =	vmov s23  }
0x351: {  	v62 =	vadd.s32 v3, v9;
	[tilespmem:v12+s21+$0x0] =	vst.idx.msk $0xffff, v11;
	v12 =	vmul.f32 $8.000000000e+00, v20;
	v61 =	vld [tilespmem:s16+$0xFFFFFFD0];
	v9 =	vand.u32 $0x7E, v19  }
0x352: {  	[tilespmem:v10+s21+$0x0] =	vst.idx.msk $0xffff, v13;
	v10 =	vmul.f32 $8.000000000e+00, v17;
	v11 =	vld [tilespmem:s15+$0xFFFFFFE0];
	v17 =	vadd.s32 v0, v9  }
0x353: {  	s24 =	simm.s32 $0x9;
	s19 =	simm.s32 $0xC640;
	[tilespmem:v16+s21+$0x0] =	vst.idx.msk $0xffff, v12;
	v20 =	vmul.f32 $8.000000000e+00, v18;
	v12 =	vld [tilespmem:s18+$0xFFFFFFF0];
	v16 =	vadd.s32 v1, v7  }
0x354: {  	v19 =	vld [tilespmem:s19+$0x0];
	v13 =	vadd.s32 v2, v5;
	v18 =	vmov s24;
	[tilespmem:v21+s21+$0x0] =	vst.idx.msk $0xffff, v10;
	v63 =	vmul.f32 $8.000000000e+00, v22  }
0x355: {  	v14 =	vadd.s32 v3, v14;
	v10 =	vand.u32 $0x7F, v18;
	v18 =	vld [tilespmem:s17+$0x10];
	v22 =	vmul.f32 $8.000000000e+00, v15;
	[tilespmem:v23+s21+$0x0] =	vst.idx.msk $0xffff, v20  }
0x356: {  	s22 =	simm.s32 $0xA;
	s23 =	simm.s32 $0x8;
	s18 =	simm.s32 $0xC640;
	v20 =	vadd.s32 v0, v10;
	v15 =	vld [tilespmem:s16+$0x20];
	v21 =	vmul.f32 $8.000000000e+00, v61;
	[tilespmem:v62+s21+$0x0] =	vst.idx.msk $0xffff, v63  }
.LBB2_9:
0x357: {  	p1 =	slt.u32 s22, $0x7E;
	[tilespmem:v17+s21+$0x0] =	vst.idx.msk $0xffff, v22;
	v22 =	vadd.s32 v1, v8;
	v11 =	vmul.f32 $8.000000000e+00, v11;
	v23 =	vld [tilespmem:s15+$0x30]  }
0x358: {  	v17 =	vmov s23;
	s23 =	smov.u32 s22;
	v24 =	vld [tilespmem:s19+$0xFFFFFFC0];
	[tilespmem:v16+s21+$0x0] =	vst.idx.msk $0xffff, v21;
	v21 =	vadd.s32 v2, v6;
	v12 =	vmul.f32 $8.000000000e+00, v12  }
0x359: {  	v27 =	vadd.s32 v3, v4;
	v4 =	vmovc v6;
	v25 =	vand.u32 $0x7E, v17;
	v16 =	vmul.f32 $8.000000000e+00, v19;
	v26 =	vld [tilespmem:s17+$0xFFFFFFD0];
	[tilespmem:v13+s21+$0x0] =	vst.idx.msk $0xffff, v11  }
.Ltmp5:
0x35a: {  	v6 =	vmovc v8;
	v8 =	vmov v10;
	v17 =	vadd.s32 v0, v25;
	v13 =	vmul.f32 $8.000000000e+00, v18;
	v11 =	vld [tilespmem:s16+$0xFFFFFFE0];
	[tilespmem:v14+s21+$0x0] =	vst.idx.msk $0xffff, v12;
	(pc) =	sbr.rel @p1 .LBB2_9-.Ltmp5, $4  }
0x35b: {  	s24 =	sadd.s32 $0x1, s22;
	s19 =	sadd.s32 $0x80, s19;
	[tilespmem:v20+s21+$0x0] =	vst.idx.msk $0xffff, v16;
	v16 =	vadd.s32 v1, v9;
	v14 =	vmul.f32 $8.000000000e+00, v15;
	v12 =	vld [tilespmem:s15+$0xFFFFFFF0];
	s15 =	smov.u32 s16  }
0x35c: {  	v10 =	vmov s24;
	s16 =	smov.u32 s17;
	s17 =	smov.u32 s18;
	s18 =	smov.u32 s19;
	v19 =	vld [tilespmem:s19+$0x0];
	[tilespmem:v22+s21+$0x0] =	vst.idx.msk $0xffff, v13;
	v13 =	vadd.s32 v2, v7;
	v23 =	vmul.f32 $8.000000000e+00, v23  }
0x35d: {  	v10 =	vand.u32 $0x7F, v10;
	v22 =	vmul.f32 $8.000000000e+00, v24;
	v18 =	vld [tilespmem:s17+$0x10];
	[tilespmem:v21+s21+$0x0] =	vst.idx.msk $0xffff, v14;
	v14 =	vadd.s32 v3, v5;
	v5 =	vmovc v7  }
0x35e: {  	s22 =	sadd.s32 $0x2, s22;
	v20 =	vadd.s32 v0, v10;
	v7 =	vmovc v9;
	v9 =	vmov v25;
	v21 =	vmul.f32 $8.000000000e+00, v26;
	v15 =	vld [tilespmem:s16+$0x20];
	[tilespmem:v27+s21+$0x0] =	vst.idx.msk $0xffff, v23  }
0x35f: {  	v23 =	vmov s23;
	v24 =	vld [tilespmem:s19+$0xFFFFFFC0]  }
0x360: {  	v23 =	vand.u32 $0x7E, v23  }
0x361: {  	v25 =	vadd.s32 v0, v23;
	_ =	sdelay $0x1  }
0x362: {  	v19 =	vmul.f32 $8.000000000e+00, v19  }
0x363: {  	[tilespmem:v17+s21+$0x0] =	vst.idx.msk $0xffff, v22;
	v62 =	vmul.f32 $8.000000000e+00, v24  }
0x364: {  	v22 =	vld [tilespmem:s17+$0xFFFFFFD0];
	[tilespmem:v20+s21+$0x0] =	vst.idx.msk $0xffff, v19  }
0x365: {  	v63 =	vadd.s32 v1, v8;
	v20 =	vld [tilespmem:s18+$0x10];
	[tilespmem:v25+s21+$0x0] =	vst.idx.msk $0xffff, v62  }
0x366: {  	v28 =	vadd.s32 v1, v9;
	v29 =	vld [tilespmem:s18+$0xFFFFFFD0]  }
0x367: {  	v30 =	vadd.s32 v1, v10  }
0x368: {  	v26 =	vadd.s32 v1, v23;
	v18 =	vmul.f32 $8.000000000e+00, v18  }
0x369: {  	[tilespmem:v16+s21+$0x0] =	vst.idx.msk $0xffff, v21;
	v31 =	vmul.f32 $8.000000000e+00, v22  }
0x36a: {  	v32 =	vld [tilespmem:s16+$0xFFFFFFE0];
	[tilespmem:v63+s21+$0x0] =	vst.idx.msk $0xffff, v18;
	v33 =	vmul.f32 $8.000000000e+00, v20  }
0x36b: {  	v34 =	vadd.s32 v2, v6;
	v35 =	vld [tilespmem:s17+$0x20];
	[tilespmem:v28+s21+$0x0] =	vst.idx.msk $0xffff, v31;
	v36 =	vmul.f32 $8.000000000e+00, v29  }
0x36c: {  	v11 =	vmul.f32 $8.000000000e+00, v11;
	v37 =	vadd.s32 v2, v7;
	v38 =	vld [tilespmem:s17+$0xFFFFFFE0];
	[tilespmem:v30+s21+$0x0] =	vst.idx.msk $0xffff, v33  }
0x36d: {  	v39 =	vadd.s32 v2, v8;
	v12 =	vmul.f32 $8.000000000e+00, v12;
	v40 =	vld [tilespmem:s18+$0x20];
	[tilespmem:v26+s21+$0x0] =	vst.idx.msk $0xffff, v36  }
0x36e: {  	v42 =	vadd.s32 v2, v9;
	[tilespmem:v13+s21+$0x0] =	vst.idx.msk $0xffff, v11;
	v41 =	vmul.f32 $8.000000000e+00, v15;
	v43 =	vld [tilespmem:s18+$0xFFFFFFE0]  }
0x36f: {  	v44 =	vld [tilespmem:s15+$0x30];
	v46 =	vadd.s32 v2, v10;
	[tilespmem:v14+s21+$0x0] =	vst.idx.msk $0xffff, v12;
	v45 =	vmul.f32 $8.000000000e+00, v32  }
0x370: {  	v49 =	vadd.s32 v2, v23;
	v47 =	vld [tilespmem:s15+$0xFFFFFFF0];
	[tilespmem:v34+s21+$0x0] =	vst.idx.msk $0xffff, v41;
	v48 =	vmul.f32 $8.000000000e+00, v35  }
0x371: {  	v4 =	vadd.s32 v3, v4;
	[tilespmem:v37+s21+$0x0] =	vst.idx.msk $0xffff, v45;
	v20 =	vld [tilespmem:s16+$0x30];
	v50 =	vmul.f32 $8.000000000e+00, v38  }
0x372: {  	v5 =	vadd.s32 v3, v5;
	v51 =	vld [tilespmem:s16+$0xFFFFFFF0];
	[tilespmem:v39+s21+$0x0] =	vst.idx.msk $0xffff, v48;
	v52 =	vmul.f32 $8.000000000e+00, v40  }
0x373: {  	v53 =	vadd.s32 v3, v6;
	v54 =	vld [tilespmem:s17+$0x30];
	[tilespmem:v42+s21+$0x0] =	vst.idx.msk $0xffff, v50;
	v55 =	vmul.f32 $8.000000000e+00, v43  }
0x374: {  	v57 =	vadd.s32 v3, v7;
	v56 =	vmul.f32 $8.000000000e+00, v44;
	v58 =	vld [tilespmem:s17+$0xFFFFFFF0];
	[tilespmem:v46+s21+$0x0] =	vst.idx.msk $0xffff, v52  }
0x375: {  	v60 =	vadd.s32 v3, v8;
	v59 =	vmul.f32 $8.000000000e+00, v47;
	v14 =	vld [tilespmem:s18+$0x30];
	[tilespmem:v49+s21+$0x0] =	vst.idx.msk $0xffff, v55  }
0x376: {  	v61 =	vadd.s32 v3, v9;
	[tilespmem:v4+s21+$0x0] =	vst.idx.msk $0xffff, v56;
	v4 =	vmul.f32 $8.000000000e+00, v20;
	v12 =	vld [tilespmem:s18+$0xFFFFFFF0]  }
0x377: {  	v62 =	vadd.s32 v3, v10;
	[tilespmem:v5+s21+$0x0] =	vst.idx.msk $0xffff, v59;
	v5 =	vmul.f32 $8.000000000e+00, v51  }
0x378: {  	v63 =	vadd.s32 v3, v23;
	[tilespmem:v53+s21+$0x0] =	vst.idx.msk $0xffff, v4;
	v4 =	vmul.f32 $8.000000000e+00, v54  }
0x379: {  	[tilespmem:v57+s21+$0x0] =	vst.idx.msk $0xffff, v5;
	v5 =	vmul.f32 $8.000000000e+00, v58  }
0x37a: {  	[tilespmem:v60+s21+$0x0] =	vst.idx.msk $0xffff, v4;
	v4 =	vmul.f32 $8.000000000e+00, v14  }
0x37b: {  	[tilespmem:v61+s21+$0x0] =	vst.idx.msk $0xffff, v5;
	v5 =	vmul.f32 $8.000000000e+00, v12  }
0x37c: {  	[tilespmem:v62+s21+$0x0] =	vst.idx.msk $0xffff, v4  }
0x37d: {  	[tilespmem:v63+s21+$0x0] =	vst.idx.msk $0xffff, v5  }
0x37e: {  	s16 =	rddreg [dreg:$0x1d]  }
0x37f: {  	s15 =	sadd.s32 s14, s16  }
0x380: {  	[hbm4b:s15+s3] =	stream.linear.scatter [tilespmem:s21], [sflag:$0x6], $0x80, $0x38;
	[tilespmem:$0x12800] =	vst v63  }
0x381: {  	s18 =	simm.s32 $0x10688;
	s17 =	sadd.s32 $0x10, s15  }
0x382: {  	[hbm4b:s17+s3] =	stream.linear.scatter [tilespmem:s18], [sflag:$0x6], $0x80, $0x38;
	[tilespmem:$0x12800] =	vst v63  }
0x383: {  	s22 =	simm.s32 $0x10710;
	s19 =	sadd.s32 $0x20, s15  }
0x384: {  	[hbm4b:s19+s3] =	stream.linear.scatter [tilespmem:s22], [sflag:$0x6], $0x80, $0x38;
	[tilespmem:$0x12800] =	vst v63  }
0x385: {  	s24 =	simm.s32 $0x10798;
	s23 =	sadd.s32 $0x30, s15  }
0x386: {  	[hbm4b:s23+s3] =	stream.linear.scatter [tilespmem:s24], [sflag:$0x6], $0x80, $0x38;
	[tilespmem:$0x12800] =	vst v63  }
0x387: {  	s17 =	sadd.s32 $0x40, s15;
	s18 =	simm.s32 $0x10820  }
0x388: {  	[hbm4b:s17+s3] =	stream.linear.scatter [tilespmem:s18], [sflag:$0x6], $0x80, $0x38;
	[tilespmem:$0x12800] =	vst v63  }
0x389: {  	s19 =	sadd.s32 $0x50, s15;
	s22 =	simm.s32 $0x108A8  }
0x38a: {  	[hbm4b:s19+s3] =	stream.linear.scatter [tilespmem:s22], [sflag:$0x6], $0x80, $0x38;
	[tilespmem:$0x12800] =	vst v63  }
0x38b: {  	s23 =	sadd.s32 $0x60, s15;
	s24 =	simm.s32 $0x10930  }
0x38c: {  	[hbm4b:s23+s3] =	stream.linear.scatter [tilespmem:s24], [sflag:$0x6], $0x80, $0x38;
	[tilespmem:$0x12800] =	vst v63  }
0x38d: {  	s15 =	sadd.s32 $0x70, s15;
	s18 =	simm.s32 $0x109B8;
	s19 =	rddreg [dreg:$0x1e]  }
0x38e: {  	[hbm4b:s15+s3] =	stream.linear.scatter [tilespmem:s18], [sflag:$0x6], $0x80, $0x38;
	[tilespmem:$0x12800] =	vst v63  }
0x38f: {  	s22 =	simm.s32 $0x10A40;
	s15 =	sadd.s32 s14, s19  }
0x390: {  	[hbm4b:s15+s3] =	stream.linear.scatter [tilespmem:s22], [sflag:$0x6], $0x80, $0x38;
	[tilespmem:$0x12800] =	vst v63  }
0x391: {  	s24 =	simm.s32 $0x10AC8;
	s23 =	sadd.s32 $0x10, s15  }
0x392: {  	[hbm4b:s23+s3] =	stream.linear.scatter [tilespmem:s24], [sflag:$0x6], $0x80, $0x38;
	[tilespmem:$0x12800] =	vst v63  }
0x393: {  	s18 =	simm.s32 $0x10B50;
	s17 =	sadd.s32 $0x20, s15  }
0x394: {  	[hbm4b:s17+s3] =	stream.linear.scatter [tilespmem:s18], [sflag:$0x6], $0x80, $0x38;
	[tilespmem:$0x12800] =	vst v63  }
0x395: {  	s19 =	sadd.s32 $0x30, s15;
	s22 =	simm.s32 $0x10BD8  }
0x396: {  	[hbm4b:s19+s3] =	stream.linear.scatter [tilespmem:s22], [sflag:$0x6], $0x80, $0x38;
	[tilespmem:$0x12800] =	vst v63  }
0x397: {  	s23 =	sadd.s32 $0x40, s15;
	s24 =	simm.s32 $0x10C60  }
0x398: {  	[hbm4b:s23+s3] =	stream.linear.scatter [tilespmem:s24], [sflag:$0x6], $0x80, $0x38;
	[tilespmem:$0x12800] =	vst v63  }
0x399: {  	s18 =	sadd.s32 $0x50, s15;
	s19 =	simm.s32 $0x10CE8  }
0x39a: {  	[hbm4b:s18+s3] =	stream.linear.scatter [tilespmem:s19], [sflag:$0x6], $0x80, $0x38;
	[tilespmem:$0x12800] =	vst v63  }
0x39b: {  	s22 =	sadd.s32 $0x60, s15;
	s23 =	simm.s32 $0x10D70  }
0x39c: {  	[hbm4b:s22+s3] =	stream.linear.scatter [tilespmem:s23], [sflag:$0x6], $0x80, $0x38;
	[tilespmem:$0x12800] =	vst v63  }
0x39d: {  	s17 =	rddreg [dreg:$0x1f];
	s15 =	sadd.s32 $0x70, s15;
	s24 =	simm.s32 $0x10DF8  }
0x39e: {  	[hbm4b:s15+s3] =	stream.linear.scatter [tilespmem:s24], [sflag:$0x6], $0x80, $0x38;
	[tilespmem:$0x12800] =	vst v63  }
0x39f: {  	s18 =	simm.s32 $0x10E80;
	s15 =	sadd.s32 s14, s17  }
0x3a0: {  	[hbm4b:s15+s3] =	stream.linear.scatter [tilespmem:s18], [sflag:$0x6], $0x80, $0x38;
	[tilespmem:$0x12800] =	vst v63  }
0x3a1: {  	s22 =	simm.s32 $0x10F08;
	s19 =	sadd.s32 $0x10, s15  }
0x3a2: {  	[hbm4b:s19+s3] =	stream.linear.scatter [tilespmem:s22], [sflag:$0x6], $0x80, $0x38;
	[tilespmem:$0x12800] =	vst v63  }
0x3a3: {  	s24 =	simm.s32 $0x10F90;
	s23 =	sadd.s32 $0x20, s15  }
0x3a4: {  	[hbm4b:s23+s3] =	stream.linear.scatter [tilespmem:s24], [sflag:$0x6], $0x80, $0x38;
	[tilespmem:$0x12800] =	vst v63  }
0x3a5: {  	s17 =	sadd.s32 $0x30, s15;
	s18 =	simm.s32 $0x11018  }
0x3a6: {  	[hbm4b:s17+s3] =	stream.linear.scatter [tilespmem:s18], [sflag:$0x6], $0x80, $0x38;
	[tilespmem:$0x12800] =	vst v63  }
0x3a7: {  	s19 =	sadd.s32 $0x40, s15;
	s22 =	simm.s32 $0x110A0  }
0x3a8: {  	[hbm4b:s19+s3] =	stream.linear.scatter [tilespmem:s22], [sflag:$0x6], $0x80, $0x38;
	[tilespmem:$0x12800] =	vst v63  }
0x3a9: {  	s23 =	sadd.s32 $0x50, s15;
	s24 =	simm.s32 $0x11128  }
0x3aa: {  	[hbm4b:s23+s3] =	stream.linear.scatter [tilespmem:s24], [sflag:$0x6], $0x80, $0x38;
	[tilespmem:$0x12800] =	vst v63  }
0x3ab: {  	s18 =	sadd.s32 $0x60, s15;
	s19 =	simm.s32 $0x111B0;
	s23 =	sld [smem:$0x7F9]  }
0x3ac: {  	[hbm4b:s18+s3] =	stream.linear.scatter [tilespmem:s19], [sflag:$0x6], $0x80, $0x38;
	[tilespmem:$0x12800] =	vst v63  }
0x3ad: {  	s15 =	sadd.s32 $0x70, s15;
	s22 =	simm.s32 $0x11238  }
0x3ae: {  	[hbm4b:s15+s3] =	stream.linear.scatter [tilespmem:s22], [sflag:$0x6], $0x80, $0x38;
	[tilespmem:$0x12800] =	vst v63  }
0x3af: {  	s24 =	simm.s32 $0x112C0;
	s15 =	sadd.s32 s14, s23  }
0x3b0: {  	[hbm4b:s15+s3] =	stream.linear.scatter [tilespmem:s24], [sflag:$0x6], $0x80, $0x38;
	[tilespmem:$0x12800] =	vst v63  }
0x3b1: {  	s18 =	simm.s32 $0x11348;
	s17 =	sadd.s32 $0x10, s15  }
0x3b2: {  	[hbm4b:s17+s3] =	stream.linear.scatter [tilespmem:s18], [sflag:$0x6], $0x80, $0x38;
	[tilespmem:$0x12800] =	vst v63  }
0x3b3: {  	s22 =	simm.s32 $0x113D0;
	s19 =	sadd.s32 $0x20, s15  }
0x3b4: {  	[hbm4b:s19+s3] =	stream.linear.scatter [tilespmem:s22], [sflag:$0x6], $0x80, $0x38;
	[tilespmem:$0x12800] =	vst v63  }
0x3b5: {  	s23 =	sadd.s32 $0x30, s15;
	s24 =	simm.s32 $0x11458  }
0x3b6: {  	[hbm4b:s23+s3] =	stream.linear.scatter [tilespmem:s24], [sflag:$0x6], $0x80, $0x38;
	[tilespmem:$0x12800] =	vst v63  }
0x3b7: {  	s17 =	sadd.s32 $0x40, s15;
	s18 =	simm.s32 $0x114E0  }
0x3b8: {  	[hbm4b:s17+s3] =	stream.linear.scatter [tilespmem:s18], [sflag:$0x6], $0x80, $0x38;
	[tilespmem:$0x12800] =	vst v63  }
0x3b9: {  	s19 =	sadd.s32 $0x50, s15;
	s22 =	simm.s32 $0x11568  }
0x3ba: {  	[hbm4b:s19+s3] =	stream.linear.scatter [tilespmem:s22], [sflag:$0x6], $0x80, $0x38;
	[tilespmem:$0x12800] =	vst v63  }
0x3bb: {  	s23 =	sadd.s32 $0x60, s15;
	s24 =	simm.s32 $0x115F0;
	s19 =	sld [smem:$0x7FA]  }
0x3bc: {  	[hbm4b:s23+s3] =	stream.linear.scatter [tilespmem:s24], [sflag:$0x6], $0x80, $0x38;
	[tilespmem:$0x12800] =	vst v63  }
0x3bd: {  	s15 =	sadd.s32 $0x70, s15;
	s18 =	simm.s32 $0x11678  }
0x3be: {  	[hbm4b:s15+s3] =	stream.linear.scatter [tilespmem:s18], [sflag:$0x6], $0x80, $0x38;
	[tilespmem:$0x12800] =	vst v63  }
0x3bf: {  	s22 =	simm.s32 $0x11700;
	s15 =	sadd.s32 s14, s19  }
0x3c0: {  	[hbm4b:s15+s3] =	stream.linear.scatter [tilespmem:s22], [sflag:$0x6], $0x80, $0x38;
	[tilespmem:$0x12800] =	vst v63  }
0x3c1: {  	s24 =	simm.s32 $0x11788;
	s23 =	sadd.s32 $0x10, s15  }
0x3c2: {  	[hbm4b:s23+s3] =	stream.linear.scatter [tilespmem:s24], [sflag:$0x6], $0x80, $0x38;
	[tilespmem:$0x12800] =	vst v63  }
0x3c3: {  	s18 =	simm.s32 $0x11810;
	s17 =	sadd.s32 $0x20, s15  }
0x3c4: {  	[hbm4b:s17+s3] =	stream.linear.scatter [tilespmem:s18], [sflag:$0x6], $0x80, $0x38;
	[tilespmem:$0x12800] =	vst v63  }
0x3c5: {  	s19 =	sadd.s32 $0x30, s15;
	s22 =	simm.s32 $0x11898  }
0x3c6: {  	[hbm4b:s19+s3] =	stream.linear.scatter [tilespmem:s22], [sflag:$0x6], $0x80, $0x38;
	[tilespmem:$0x12800] =	vst v63  }
0x3c7: {  	s23 =	sadd.s32 $0x40, s15;
	s24 =	simm.s32 $0x11920  }
0x3c8: {  	[hbm4b:s23+s3] =	stream.linear.scatter [tilespmem:s24], [sflag:$0x6], $0x80, $0x38;
	[tilespmem:$0x12800] =	vst v63  }
0x3c9: {  	s18 =	sadd.s32 $0x50, s15;
	s19 =	simm.s32 $0x119A8  }
0x3ca: {  	[hbm4b:s18+s3] =	stream.linear.scatter [tilespmem:s19], [sflag:$0x6], $0x80, $0x38;
	[tilespmem:$0x12800] =	vst v63  }
0x3cb: {  	s17 =	sld [smem:$0x7FB];
	s22 =	sadd.s32 $0x60, s15;
	s23 =	simm.s32 $0x11A30  }
0x3cc: {  	[hbm4b:s22+s3] =	stream.linear.scatter [tilespmem:s23], [sflag:$0x6], $0x80, $0x38;
	[tilespmem:$0x12800] =	vst v63  }
0x3cd: {  	s15 =	sadd.s32 $0x70, s15;
	s24 =	simm.s32 $0x11AB8  }
0x3ce: {  	[hbm4b:s15+s3] =	stream.linear.scatter [tilespmem:s24], [sflag:$0x6], $0x80, $0x38;
	[tilespmem:$0x12800] =	vst v63  }
0x3cf: {  	s18 =	simm.s32 $0x11B40;
	s15 =	sadd.s32 s14, s17  }
0x3d0: {  	[hbm4b:s15+s3] =	stream.linear.scatter [tilespmem:s18], [sflag:$0x6], $0x80, $0x38;
	[tilespmem:$0x12800] =	vst v63  }
0x3d1: {  	s22 =	simm.s32 $0x11BC8;
	s19 =	sadd.s32 $0x10, s15  }
0x3d2: {  	[hbm4b:s19+s3] =	stream.linear.scatter [tilespmem:s22], [sflag:$0x6], $0x80, $0x38;
	[tilespmem:$0x12800] =	vst v63  }
0x3d3: {  	s24 =	simm.s32 $0x11C50;
	s23 =	sadd.s32 $0x20, s15  }
0x3d4: {  	[hbm4b:s23+s3] =	stream.linear.scatter [tilespmem:s24], [sflag:$0x6], $0x80, $0x38;
	[tilespmem:$0x12800] =	vst v63  }
0x3d5: {  	s17 =	sadd.s32 $0x30, s15;
	s18 =	simm.s32 $0x11CD8  }
0x3d6: {  	[hbm4b:s17+s3] =	stream.linear.scatter [tilespmem:s18], [sflag:$0x6], $0x80, $0x38;
	[tilespmem:$0x12800] =	vst v63  }
0x3d7: {  	s19 =	sadd.s32 $0x40, s15;
	s22 =	simm.s32 $0x11D60  }
0x3d8: {  	[hbm4b:s19+s3] =	stream.linear.scatter [tilespmem:s22], [sflag:$0x6], $0x80, $0x38;
	[tilespmem:$0x12800] =	vst v63  }
0x3d9: {  	s23 =	sadd.s32 $0x50, s15;
	s24 =	simm.s32 $0x11DE8  }
0x3da: {  	[hbm4b:s23+s3] =	stream.linear.scatter [tilespmem:s24], [sflag:$0x6], $0x80, $0x38;
	[tilespmem:$0x12800] =	vst v63  }
0x3db: {  	s18 =	sadd.s32 $0x60, s15;
	s19 =	simm.s32 $0x11E70;
	s23 =	sld [smem:$0x7FC]  }
0x3dc: {  	[hbm4b:s18+s3] =	stream.linear.scatter [tilespmem:s19], [sflag:$0x6], $0x80, $0x38;
	[tilespmem:$0x12800] =	vst v63  }
0x3dd: {  	s15 =	sadd.s32 $0x70, s15;
	s22 =	simm.s32 $0x11EF8  }
0x3de: {  	[hbm4b:s15+s3] =	stream.linear.scatter [tilespmem:s22], [sflag:$0x6], $0x80, $0x38;
	[tilespmem:$0x12800] =	vst v63  }
0x3df: {  	s24 =	simm.s32 $0x11F80;
	s15 =	sadd.s32 s14, s23  }
0x3e0: {  	[hbm4b:s15+s3] =	stream.linear.scatter [tilespmem:s24], [sflag:$0x6], $0x80, $0x38;
	[tilespmem:$0x12800] =	vst v63  }
0x3e1: {  	s18 =	simm.s32 $0x12008;
	s17 =	sadd.s32 $0x10, s15  }
0x3e2: {  	[hbm4b:s17+s3] =	stream.linear.scatter [tilespmem:s18], [sflag:$0x6], $0x80, $0x38;
	[tilespmem:$0x12800] =	vst v63  }
0x3e3: {  	s22 =	simm.s32 $0x12090;
	s19 =	sadd.s32 $0x20, s15  }
0x3e4: {  	[hbm4b:s19+s3] =	stream.linear.scatter [tilespmem:s22], [sflag:$0x6], $0x80, $0x38;
	[tilespmem:$0x12800] =	vst v63  }
0x3e5: {  	s23 =	sadd.s32 $0x30, s15;
	s24 =	simm.s32 $0x12118  }
0x3e6: {  	[hbm4b:s23+s3] =	stream.linear.scatter [tilespmem:s24], [sflag:$0x6], $0x80, $0x38;
	[tilespmem:$0x12800] =	vst v63  }
0x3e7: {  	s17 =	sadd.s32 $0x40, s15;
	s18 =	simm.s32 $0x121A0  }
0x3e8: {  	[hbm4b:s17+s3] =	stream.linear.scatter [tilespmem:s18], [sflag:$0x6], $0x80, $0x38;
	[tilespmem:$0x12800] =	vst v63  }
0x3e9: {  	s19 =	sadd.s32 $0x50, s15;
	s22 =	simm.s32 $0x12228  }
0x3ea: {  	[hbm4b:s19+s3] =	stream.linear.scatter [tilespmem:s22], [sflag:$0x6], $0x80, $0x38;
	[tilespmem:$0x12800] =	vst v63  }
0x3eb: {  	s16 =	sld [smem:$0x7FD];
	s23 =	sadd.s32 $0x60, s15;
	s24 =	simm.s32 $0x122B0  }
0x3ec: {  	[hbm4b:s23+s3] =	stream.linear.scatter [tilespmem:s24], [sflag:$0x6], $0x80, $0x38;
	[tilespmem:$0x12800] =	vst v63  }
0x3ed: {  	s15 =	sadd.s32 $0x70, s15  }
0x3ee: {  	[hbm4b:s15+s3] =	stream.linear.scatter [tilespmem:s28], [sflag:$0x6], $0x80, $0x38;
	[tilespmem:$0x12800] =	vst v63  }
0x3ef: {  	s17 =	sadd.s32 s14, s16  }
0x3f0: {  	[hbm4b:s17+s3] =	stream.linear.scatter [tilespmem:s29], [sflag:$0x6], $0x80, $0x38;
	[tilespmem:$0x12800] =	vst v63  }
0x3f1: {  	s15 =	sadd.s32 $0x10, s17  }
0x3f2: {  	[hbm4b:s15+s3] =	stream.linear.scatter [tilespmem:s30], [sflag:$0x6], $0x80, $0x38;
	[tilespmem:$0x12800] =	vst v63  }
0x3f3: {  	s18 =	sadd.s32 $0x20, s17  }
0x3f4: {  	[hbm4b:s18+s3] =	stream.linear.scatter [tilespmem:s31], [sflag:$0x6], $0x80, $0x38;
	[tilespmem:$0x12800] =	vst v63  }
0x3f5: {  	s19 =	sadd.s32 $0x30, s17  }
0x3f6: {  	[hbm4b:s19+s3] =	stream.linear.scatter [tilespmem:s1], [sflag:$0x6], $0x80, $0x38;
	[tilespmem:$0x12800] =	vst v63  }
0x3f7: {  	s22 =	sadd.s32 $0x40, s17  }
0x3f8: {  	[hbm4b:s22+s3] =	stream.linear.scatter [tilespmem:s0], [sflag:$0x6], $0x80, $0x38;
	[tilespmem:$0x12800] =	vst v63  }
0x3f9: {  	s23 =	sadd.s32 $0x50, s17  }
0x3fa: {  	[hbm4b:s23+s3] =	stream.linear.scatter [tilespmem:s5], [sflag:$0x6], $0x80, $0x38;
	[tilespmem:$0x12800] =	vst v63  }
.Ltmp6:
0x3fb: {  	_ = 	snop;
	(pc) =	sbr.rel @p0 .LBB2_12-.Ltmp6, $4  }
0x3fc: {  	s24 =	sadd.s32 $0x60, s17  }
0x3fd: {  	[hbm4b:s24+s3] =	stream.linear.scatter [tilespmem:s25], [sflag:$0x6], $0x80, $0x38;
	[tilespmem:$0x12800] =	vst v63  }
0x3fe: {  	s14 =	sadd.s32 $0x70, s17  }
0x3ff: {  	[hbm4b:s14+s3] =	stream.linear.scatter [tilespmem:s2], [sflag:$0x6], $0x80, $0x38;
	[tilespmem:$0x12800] =	vst v63  }
.Ltmp7:
0x400: {  	(pc) =	sbr.rel .LBB2_2-.Ltmp7, $4  }
0x401: {  	_ = 	snop  }
0x402: {  	s13 =	sshrl.u32 s13, $0x2;
	s14 =	simm.s32 $0x80  }
0x403: {  	s15 =	simm.s32 $0xC400;
	s12 =	sadd.s32 $0x1, s12;
	s13 =	sadd.s32 $0x380, s13  }
0x404: {  	[tilespmem:s15], [sflag:$0x4] =	stream.indirect.gather [hbm4b:s4+s14], $0x40, s13, s14, $0xb8;
	[tilespmem:$0x12800] =	vst v63  }
.LBB2_13:
0x405: {  	_ =	sfence.sel $0x180000  }
0x406: {  	[bflag:$0x0] =	sbarrier.arrive $0xFFFF  }
0x407: {  	_ =	strace $0x90000047  }
0x408: {  	s0 =	stileid.u32;
	[bflag:$0x2] =	sbarrier.arrive $0xFFFF  }
0x409: {  	p0 =	sne.s32 s0, $0x0;
	s0 =	rddreg [dreg:$0x2]  }
0x40a: {  	s0 =	sadd.s32 @!p0 $0x100000, s0  }
0x40b: {  	[sflag:s0] =	ssyncadd.tile.s32 @!p0 $0x1;
	_ =	shalt  }
.Lfunc_end2:
_tile_overlayer_lowered:
.L_overlay_start_2:
0x40c: {  	(tag) =	ssettag $0x2  }
0x40d: {  	s0 =	rddreg [dreg:$0x0];
	s2 =	stileid.u32  }
0x40e: {  	s1 =	rddreg [dreg:$0x1];
	p0 =	sne.s32 s2, $0x0  }
0x40f: {  	s3 =	rddreg [dreg:$0x2];
	[bflag:$0x3] =	sbarrier.arrive $0xFFFF;
	s2 =	simm.s32 @!p0 $0x1C07  }
0x410: {  	[timem:s3], [sflag:s2] =	dma.local @!p0 [hbm:s0], s1  }
0x411: {  	s0 =	simm.s32 @!p0 $0x7  }
0x412: {  	_ =	swait.ge @!p0 [sflag:s0], s1  }
0x413: {  	s1 =	ssub.s32 @!p0 $0x0, s1;
	[sflag:s0] =	ssyncset.done @!p0 $0x0  }
0x414: {  	[sflag:s0] =	ssyncadd.s32 @!p0 s1  }
0x415: {  	[bflag:$0x3] =	sbarrier.arrive $0xFFFF  }
0x416: {  	_ =	shalt  }

</sc_bundles>
